<compile_context>
chip_gen: v7x
topology: tpu7x:2x2x1
jax: 0.10.2.dev20260603
libtpu: 0.0.44.dev20260713+nightly
codegen_flags: <defaults>
</compile_context>

<pallas_src>
import functools

import jax
import jax.numpy as jnp
from jax import lax
from jax.experimental import pallas as pl
from jax.experimental.pallas import tpu as pltpu
from jax.experimental.pallas import tpu_sc as plsc

CHUNK = 128
NBUF = 2
NC, NS, L = 2, 16, 16
NW = NC * NS

_mesh = plsc.VectorSubcoreMesh(core_axis_name="c", subcore_axis_name="s")


def _make_pairify(v: int, d: int):
    w = 2 * d
    units = v // w
    tail = v - units * w
    per_w = units // NW
    extra = units - per_w * NW
    n_steps = (per_w + NBUF) // NBUF

    @functools.partial(
        pl.kernel,
        mesh=_mesh,
        compiler_params=pltpu.CompilerParams(needs_layout_passes=False),
        out_type=jax.ShapeDtypeStruct((v // 2, w), jnp.float32),
        scratch_types=[
            pltpu.VMEM((NBUF, d, w), jnp.float32),
            pltpu.VMEM((NBUF, d, w), jnp.float32),
            pltpu.SemaphoreType.DMA,
            pltpu.SemaphoreType.DMA,
        ],
    )
    def _pairify(tt_hbm, tail_hbm, tp_hbm, s_v, d_v, sem0, sem1):
        wid = lax.axis_index("s") * NC + lax.axis_index("c")
        nu = per_w + jnp.where(wid < extra, 1, 0)
        u0 = wid * per_w + jnp.minimum(wid, extra)
        sems = [sem0, sem1]
        iota = lax.iota(jnp.int32, L)

        def istart(t):
            return pl.multiple_of((u0 + t) * w, w)

        def fire(t, buf):
            for di in range(d // 8):
                pltpu.async_copy(
                    tt_hbm.at[pl.ds(di * 8, 8), pl.ds(istart(t), w)],
                    s_v.at[buf].at[pl.ds(di * 8, 8)], sems[buf],
                )

        def drain(buf):
            pltpu.make_async_copy(
                tt_hbm.at[:, pl.ds(0, w)], s_v.at[buf], sems[buf]
            ).wait()

        fire(0, 0)

        def step(p, carry):
            for b in range(NBUF):
                u = p * NBUF + b

                @pl.when(u + 1 < nu)
                def _():
                    fire(u + 1, (b + 1) % NBUF)

                @pl.when(u < nu)
                def _():
                    drain(b)

                    rvs = []
                    cvbs = []
                    for g in range(w // L):
                        lv = g * L + iota
                        rvs.append(lax.shift_right_logical(lv, 1))
                        cvbs.append(lax.bitwise_and(lv, 1) * d)

                    @plsc.parallel_loop(0, d, unroll=8)
                    def _row(j):
                        for g in range(w // L):
                            plsc.store_scatter(
                                d_v.at[b], [rvs[g], cvbs[g] + j],
                                s_v[b, j, pl.ds(g * L, L)],
                            )

                    pltpu.sync_copy(
                        d_v.at[b],
                        tp_hbm.at[pl.ds(pl.multiple_of(
                            lax.shift_right_logical(istart(u), 1), d), d)],
                    )
            return carry

        lax.fori_loop(0, n_steps, step, 0)

        if tail:
            @pl.when(wid == NW - 1)
            def _():
                pltpu.sync_copy(
                    tail_hbm, d_v.at[0].at[pl.ds(0, tail // 2)]
                )
                pltpu.sync_copy(
                    d_v.at[0].at[pl.ds(0, tail // 2)],
                    tp_hbm.at[pl.ds(units * w // 2, tail // 2)],
                )

    return _pairify


def _make_gather(n: int, d: int):
    rows_per_w = n // NW
    assert rows_per_w % (CHUNK * NBUF) == 0
    n_chunks = rows_per_w // CHUNK

    @functools.partial(
        pl.kernel,
        mesh=_mesh,
        compiler_params=pltpu.CompilerParams(needs_layout_passes=False),
        out_type=jax.ShapeDtypeStruct((n, d), jnp.float32),
        scratch_types=[
            pltpu.VMEM((rows_per_w,), jnp.int32),
            pltpu.VMEM((NBUF, CHUNK), jnp.int32),
            pltpu.VMEM((NBUF, CHUNK, 2 * d), jnp.float32),
            pltpu.VMEM((NBUF, CHUNK, d), jnp.float32),
            pltpu.SemaphoreType.DMA,
            pltpu.SemaphoreType.DMA,
        ],
    )
    def _gather(idx_hbm, tp_hbm, out_hbm, idx_v, pair_v, pairs_v, out_v,
                sem0, sem1):
        wid = lax.axis_index("s") * NC + lax.axis_index("c")
        base = wid * rows_per_w
        sems = [sem0, sem1]

        pltpu.sync_copy(idx_hbm.at[pl.ds(base, rows_per_w)], idx_v)

        def fire(c, buf):
            for g in range(CHUNK // L):
                iv = idx_v[pl.ds(c * CHUNK + g * L, L)]
                pair_v[buf, pl.ds(g * L, L)] = lax.shift_right_logical(iv, 1)
            pltpu.async_copy(
                tp_hbm.at[pair_v.at[buf]], pairs_v.at[buf], sems[buf]
            )

        def drain(buf):
            pltpu.make_async_copy(
                tp_hbm.at[pl.ds(0, CHUNK)], pairs_v.at[buf], sems[buf]
            ).wait()

        def compact(c, buf):
            def group(g, carry):
                for u in range(L):
                    r = g * L + u
                    hv = plsc.load_gather(
                        idx_v, [jnp.full((L,), c * CHUNK + r, jnp.int32)]
                    )
                    m = lax.bitwise_and(hv, 1) != 0
                    for j4 in range(d // L):
                        lo = pairs_v[buf, r, pl.ds(j4 * L, L)]
                        hi = pairs_v[buf, r, pl.ds(d + j4 * L, L)]
                        out_v[buf, r, pl.ds(j4 * L, L)] = jnp.where(m, hi, lo)
                return carry

            lax.fori_loop(0, CHUNK // L, group, 0)

        fire(0, 0)

        def pair_step(p, carry):
            c0 = p * NBUF
            for b in range(NBUF):
                c = c0 + b

                @pl.when(c + 1 < n_chunks)
                def _():
                    fire(c + 1, (b + 1) % NBUF)

                drain(b)
                compact(c, b)
                pltpu.sync_copy(
                    out_v.at[b], out_hbm.at[pl.ds(base + c * CHUNK, CHUNK)]
                )
            return carry

        lax.fori_loop(0, n_chunks // NBUF, pair_step, 0)

    return _gather


def kernel(x, table):
    b, h = x.shape
    v, d = table.shape
    flat = x.reshape(-1).astype(jnp.int32)
    units = v // (2 * d)
    tail_p = table[units * 2 * d:, :].reshape(-1, 2 * d)
    tp = _make_pairify(v, d)(table.T, tail_p)
    out = _make_gather(flat.shape[0], d)(flat, tp)
    return out.reshape(b, h, d)

# --- scband reference (transcript-rebuilt; emitter-appended) ---
"""Pipeline reference for scband-embedder-41472204210381 (READ-ONLY COPY).

The authoritative reference and input builder live on the scoring server;
editing this copy changes nothing except your own understanding.
"""

import jax, jax.numpy as jnp
import numpy as np

VOCAB = 1000000
D_MODEL = 64
BATCH = 4096
HIST = 200

def setup_inputs(seed: int = 0) -> dict:
    key = jax.random.key(seed)
    k1, k2 = jax.random.split(key)
    x = jax.random.randint(k1, (BATCH, HIST), 0, VOCAB, dtype=jnp.int64 if jax.config.jax_enable_x64 else jnp.int32)
    table = jax.random.normal(k2, (VOCAB, D_MODEL), dtype=jnp.float32)
    return {"x": x, "table": table}

def reference(x, table):
    # nn.Embedding forward: gather rows of the embedding table by index
    return jnp.take(table, x, axis=0)

if __name__ == "__main__":
    import jax
    _d = setup_inputs()
    print(jax.jit(kernel)(*tuple(_d.values())))

</pallas_src>

<mosaic_0001>
#map = affine_map<(d0, d1) -> (0)>
#map1 = affine_map<(d0, d1) -> (0, 0)>
module attributes {stable_mosaic.version = 14 : i64} {
  func.func @_gather(%arg0: i32, %arg1: i32, %arg2: memref<819200xi32, #tpu.memory_space<hbm>>, %arg3: memref<500000x128xf32, #tpu.memory_space<hbm>>, %arg4: memref<819200x64xf32, #tpu.memory_space<hbm>>, %arg5: memref<25600xi32, #tpu.memory_space<vmem>>, %arg6: memref<2x128xi32, #tpu.memory_space<vmem>>, %arg7: memref<2x128x128xf32, #tpu.memory_space<vmem>>, %arg8: memref<2x128x64xf32, #tpu.memory_space<vmem>>, %arg9: memref<!tpu.dma_semaphore, #tpu.memory_space<semaphore_mem>>, %arg10: memref<!tpu.dma_semaphore, #tpu.memory_space<semaphore_mem>>) attributes {dimension_semantics = [#tpu.dimension_semantics<core_parallel>, #tpu.dimension_semantics<subcore_parallel>], iteration_bounds = array<i64: 2, 16>, scalar_prefetch = 0 : i64, scratch_operands = 6 : i64, tpu.core_type = #tpu.core_type<sc_vector_subcore>, window_params = [{transform_indices = #map}, {transform_indices = #map1}, {transform_indices = #map1}]} {
    %mul3A = arith.constant 2 : i32
    %mul3A_0 = arith.muli %arg1, %mul3A : i32
    %add3A = arith.addi %mul3A_0, %arg0 : i32
    %mul3A_1 = arith.constant 25600 : i32
    %mul3A_2 = arith.muli %add3A, %mul3A_1 : i32
    "tpu.region"() ({
      %run_scoped3A = tpu.sem_alloc : memref<!tpu.dma_semaphore, #tpu.memory_space<semaphore_mem>>
      %dma_start3A_88 = tpu.memref_slice %arg2[%mul3A_2] : memref<819200xi32, #tpu.memory_space<hbm>> -> memref<25600xi32, #tpu.memory_space<hbm>>
      %dma_start3A_89 = tpu.memref_slice %arg2[%mul3A_2] : memref<819200xi32, #tpu.memory_space<hbm>> -> memref<25600xi32, #tpu.memory_space<hbm>>
      tpu.enqueue_dma source(%dma_start3A_89 : memref<25600xi32, #tpu.memory_space<hbm>>) target(%arg5 : memref<25600xi32, #tpu.memory_space<vmem>>) target_semaphore(%run_scoped3A : memref<!tpu.dma_semaphore, #tpu.memory_space<semaphore_mem>>)
      %dma_wait3A = tpu.memref_slice %arg2[%mul3A_2] : memref<819200xi32, #tpu.memory_space<hbm>> -> memref<25600xi32, #tpu.memory_space<hbm>>
      %dma_wait3A_90 = tpu.memref_slice %arg2[%mul3A_2] : memref<819200xi32, #tpu.memory_space<hbm>> -> memref<25600xi32, #tpu.memory_space<hbm>>
      tpu.wait_dma2 semaphore(%run_scoped3A : memref<!tpu.dma_semaphore, #tpu.memory_space<semaphore_mem>>) src(%dma_wait3A_90 : memref<25600xi32, #tpu.memory_space<hbm>>) dst(%arg5 : memref<25600xi32, #tpu.memory_space<vmem>>)
      tpu.yield
    }) : () -> ()
    %get3A = arith.constant 0 : index
    %get3A_3 = tpu.vector_load %arg5[%get3A] {strides = array<i32>} : memref<25600xi32, #tpu.memory_space<vmem>>, vector<16xi32>,
    %shift_right_logical3A = arith.constant 1 : i32
    %shift_right_logical3A_4 = vector.broadcast %shift_right_logical3A : i32 to vector<16xi32>
    %shift_right_logical3A_5 = arith.shrui %get3A_3, %shift_right_logical3A_4 : vector<16xi32>
    %swap3A = arith.constant 0 : i32
    %swap3A_6 = arith.index_cast %swap3A : i32 to index
    %swap3A_7 = arith.constant 0 : index
    %swap3A_8 = tpu.vector_load %arg6[%swap3A_6, %swap3A_7] {strides = array<i32>} : memref<2x128xi32, #tpu.memory_space<vmem>>, vector<16xi32>,
    tpu.vector_store %arg6[%swap3A_6, %swap3A_7], %shift_right_logical3A_5 {strides = array<i32>} : memref<2x128xi32, #tpu.memory_space<vmem>>, vector<16xi32>,
    %get3A_9 = arith.constant 16 : index
    %get3A_10 = tpu.vector_load %arg5[%get3A_9] {strides = array<i32>} : memref<25600xi32, #tpu.memory_space<vmem>>, vector<16xi32>,
    %shift_right_logical3A_11 = arith.constant 1 : i32
    %shift_right_logical3A_12 = vector.broadcast %shift_right_logical3A_11 : i32 to vector<16xi32>
    %shift_right_logical3A_13 = arith.shrui %get3A_10, %shift_right_logical3A_12 : vector<16xi32>
    %swap3A_14 = arith.constant 0 : i32
    %swap3A_15 = arith.index_cast %swap3A_14 : i32 to index
    %swap3A_16 = arith.constant 16 : index
    %swap3A_17 = tpu.vector_load %arg6[%swap3A_15, %swap3A_16] {strides = array<i32>} : memref<2x128xi32, #tpu.memory_space<vmem>>, vector<16xi32>,
    tpu.vector_store %arg6[%swap3A_15, %swap3A_16], %shift_right_logical3A_13 {strides = array<i32>} : memref<2x128xi32, #tpu.memory_space<vmem>>, vector<16xi32>,
    %get3A_18 = arith.constant 32 : index
    %get3A_19 = tpu.vector_load %arg5[%get3A_18] {strides = array<i32>} : memref<25600xi32, #tpu.memory_space<vmem>>, vector<16xi32>,
    %shift_right_logical3A_20 = arith.constant 1 : i32
    %shift_right_logical3A_21 = vector.broadcast %shift_right_logical3A_20 : i32 to vector<16xi32>
    %shift_right_logical3A_22 = arith.shrui %get3A_19, %shift_right_logical3A_21 : vector<16xi32>
    %swap3A_23 = arith.constant 0 : i32
    %swap3A_24 = arith.index_cast %swap3A_23 : i32 to index
    %swap3A_25 = arith.constant 32 : index
    %swap3A_26 = tpu.vector_load %arg6[%swap3A_24, %swap3A_25] {strides = array<i32>} : memref<2x128xi32, #tpu.memory_space<vmem>>, vector<16xi32>,
    tpu.vector_store %arg6[%swap3A_24, %swap3A_25], %shift_right_logical3A_22 {strides = array<i32>} : memref<2x128xi32, #tpu.memory_space<vmem>>, vector<16xi32>,
    %get3A_27 = arith.constant 48 : index
    %get3A_28 = tpu.vector_load %arg5[%get3A_27] {strides = array<i32>} : memref<25600xi32, #tpu.memory_space<vmem>>, vector<16xi32>,
    %shift_right_logical3A_29 = arith.constant 1 : i32
    %shift_right_logical3A_30 = vector.broadcast %shift_right_logical3A_29 : i32 to vector<16xi32>
    %shift_right_logical3A_31 = arith.shrui %get3A_28, %shift_right_logical3A_30 : vector<16xi32>
    %swap3A_32 = arith.constant 0 : i32
    %swap3A_33 = arith.index_cast %swap3A_32 : i32 to index
    %swap3A_34 = arith.constant 48 : index
    %swap3A_35 = tpu.vector_load %arg6[%swap3A_33, %swap3A_34] {strides = array<i32>} : memref<2x128xi32, #tpu.memory_space<vmem>>, vector<16xi32>,
    tpu.vector_store %arg6[%swap3A_33, %swap3A_34], %shift_right_logical3A_31 {strides = array<i32>} : memref<2x128xi32, #tpu.memory_space<vmem>>, vector<16xi32>,
    %get3A_36 = arith.constant 64 : index
    %get3A_37 = tpu.vector_load %arg5[%get3A_36] {strides = array<i32>} : memref<25600xi32, #tpu.memory_space<vmem>>, vector<16xi32>,
    %shift_right_logical3A_38 = arith.constant 1 : i32
    %shift_right_logical3A_39 = vector.broadcast %shift_right_logical3A_38 : i32 to vector<16xi32>
    %shift_right_logical3A_40 = arith.shrui %get3A_37, %shift_right_logical3A_39 : vector<16xi32>
    %swap3A_41 = arith.constant 0 : i32
    %swap3A_42 = arith.index_cast %swap3A_41 : i32 to index
    %swap3A_43 = arith.constant 64 : index
    %swap3A_44 = tpu.vector_load %arg6[%swap3A_42, %swap3A_43] {strides = array<i32>} : memref<2x128xi32, #tpu.memory_space<vmem>>, vector<16xi32>,
    tpu.vector_store %arg6[%swap3A_42, %swap3A_43], %shift_right_logical3A_40 {strides = array<i32>} : memref<2x128xi32, #tpu.memory_space<vmem>>, vector<16xi32>,
    %get3A_45 = arith.constant 80 : index
    %get3A_46 = tpu.vector_load %arg5[%get3A_45] {strides = array<i32>} : memref<25600xi32, #tpu.memory_space<vmem>>, vector<16xi32>,
    %shift_right_logical3A_47 = arith.constant 1 : i32
    %shift_right_logical3A_48 = vector.broadcast %shift_right_logical3A_47 : i32 to vector<16xi32>
    %shift_right_logical3A_49 = arith.shrui %get3A_46, %shift_right_logical3A_48 : vector<16xi32>
    %swap3A_50 = arith.constant 0 : i32
    %swap3A_51 = arith.index_cast %swap3A_50 : i32 to index
    %swap3A_52 = arith.constant 80 : index
    %swap3A_53 = tpu.vector_load %arg6[%swap3A_51, %swap3A_52] {strides = array<i32>} : memref<2x128xi32, #tpu.memory_space<vmem>>, vector<16xi32>,
    tpu.vector_store %arg6[%swap3A_51, %swap3A_52], %shift_right_logical3A_49 {strides = array<i32>} : memref<2x128xi32, #tpu.memory_space<vmem>>, vector<16xi32>,
    %get3A_54 = arith.constant 96 : index
    %get3A_55 = tpu.vector_load %arg5[%get3A_54] {strides = array<i32>} : memref<25600xi32, #tpu.memory_space<vmem>>, vector<16xi32>,
    %shift_right_logical3A_56 = arith.constant 1 : i32
    %shift_right_logical3A_57 = vector.broadcast %shift_right_logical3A_56 : i32 to vector<16xi32>
    %shift_right_logical3A_58 = arith.shrui %get3A_55, %shift_right_logical3A_57 : vector<16xi32>
    %swap3A_59 = arith.constant 0 : i32
    %swap3A_60 = arith.index_cast %swap3A_59 : i32 to index
    %swap3A_61 = arith.constant 96 : index
    %swap3A_62 = tpu.vector_load %arg6[%swap3A_60, %swap3A_61] {strides = array<i32>} : memref<2x128xi32, #tpu.memory_space<vmem>>, vector<16xi32>,
    tpu.vector_store %arg6[%swap3A_60, %swap3A_61], %shift_right_logical3A_58 {strides = array<i32>} : memref<2x128xi32, #tpu.memory_space<vmem>>, vector<16xi32>,
    %get3A_63 = arith.constant 112 : index
    %get3A_64 = tpu.vector_load %arg5[%get3A_63] {strides = array<i32>} : memref<25600xi32, #tpu.memory_space<vmem>>, vector<16xi32>,
    %shift_right_logical3A_65 = arith.constant 1 : i32
    %shift_right_logical3A_66 = vector.broadcast %shift_right_logical3A_65 : i32 to vector<16xi32>
    %shift_right_logical3A_67 = arith.shrui %get3A_64, %shift_right_logical3A_66 : vector<16xi32>
    %swap3A_68 = arith.constant 0 : i32
    %swap3A_69 = arith.index_cast %swap3A_68 : i32 to index
    %swap3A_70 = arith.constant 112 : index
    %swap3A_71 = tpu.vector_load %arg6[%swap3A_69, %swap3A_70] {strides = array<i32>} : memref<2x128xi32, #tpu.memory_space<vmem>>, vector<16xi32>,
    tpu.vector_store %arg6[%swap3A_69, %swap3A_70], %shift_right_logical3A_67 {strides = array<i32>} : memref<2x128xi32, #tpu.memory_space<vmem>>, vector<16xi32>,
    %dma_start3A = arith.constant 0 : i32
    %dma_start3A_72 = arith.constant 0 : i32
    %dma_start3A_73 = arith.constant 0 : i32
    %dma_start3A_74 = arith.constant 0 : i32
    %dma_start3A_75 = tpu.memref_slice %arg7[%dma_start3A_72, %dma_start3A_73, %dma_start3A_74] : memref<2x128x128xf32, #tpu.memory_space<vmem>> -> memref<1x128x128xf32, #tpu.memory_space<vmem>>
    %dma_start3A_76 = tpu.memref_squeeze %dma_start3A_75 : memref<1x128x128xf32, #tpu.memory_space<vmem>> -> memref<128x128xf32, #tpu.memory_space<vmem>>
    %dma_start3A_77 = arith.constant 0 : i32
    %dma_start3A_78 = tpu.memref_slice %arg6[%dma_start3A, %dma_start3A_77] : memref<2x128xi32, #tpu.memory_space<vmem>> -> memref<1x128xi32, #tpu.memory_space<vmem>>
    %dma_start3A_79 = tpu.memref_squeeze %dma_start3A_78 : memref<1x128xi32, #tpu.memory_space<vmem>> -> memref<128xi32, #tpu.memory_space<vmem>>
    %dma_start3A_80 = arith.constant 0 : i32
    %dma_start3A_81 = arith.constant 0 : i32
    %dma_start3A_82 = tpu.memref_slice %arg3[%dma_start3A_80, %dma_start3A_81] : memref<500000x128xf32, #tpu.memory_space<hbm>> -> memref<500000x128xf32, #tpu.memory_space<hbm>>
    tpu.enqueue_indirect_dma source(%dma_start3A_82 : memref<500000x128xf32, #tpu.memory_space<hbm>>) target(%dma_start3A_76 : memref<128x128xf32, #tpu.memory_space<vmem>>) offsets(%dma_start3A_79 : memref<128xi32, #tpu.memory_space<vmem>>) semaphore(%arg9 : memref<!tpu.dma_semaphore, #tpu.memory_space<semaphore_mem>>)
    %scan3A = arith.constant 0 : i32
    %scan3A_83 = arith.constant 0 : i32
    %scan3A_84 = arith.constant 100 : i32
    %scan3A_85 = arith.addi %scan3A_83, %scan3A_84 : i32
    %scan3A_86 = arith.constant 1 : i32
    scf.for %scan3A_88 = %scan3A_83 to %scan3A_85 step %scan3A_86  : i32 {
      %mul3A_89 = arith.constant 2 : i32
      %mul3A_90 = arith.muli %scan3A_88, %mul3A_89 : i32
      %add3A_91 = arith.constant 0 : i32
      %add3A_92 = arith.addi %mul3A_90, %add3A_91 : i32
      %add3A_93 = arith.constant 1 : i32
      %add3A_94 = arith.addi %add3A_92, %add3A_93 : i32
      %lt3A = arith.constant 200 : i32
      %lt3A_95 = arith.cmpi slt, %add3A_94, %lt3A : i32
      %convert_element_type3A = arith.extui %lt3A_95 : i1 to i32
      %cond3A = arith.constant 0 : i32
      %cond3A_96 = arith.cmpi ne, %convert_element_type3A, %cond3A : i32
      scf.if %cond3A_96 {
        %add3A_154 = arith.constant 1 : i32
        %add3A_155 = arith.addi %add3A_92, %add3A_154 : i32
        %mul3A_156 = arith.constant 128 : i32
        %mul3A_157 = arith.muli %add3A_155, %mul3A_156 : i32
        %add3A_158 = arith.constant 0 : i32
        %add3A_159 = arith.addi %mul3A_157, %add3A_158 : i32
        %get3A_160 = arith.index_cast %add3A_159 : i32 to index
        %get3A_161 = tpu.vector_load %arg5[%get3A_160] {strides = array<i32>} : memref<25600xi32, #tpu.memory_space<vmem>>, vector<16xi32>,
        %shift_right_logical3A_162 = arith.constant 1 : i32
        %shift_right_logical3A_163 = vector.broadcast %shift_right_logical3A_162 : i32 to vector<16xi32>
        %shift_right_logical3A_164 = arith.shrui %get3A_161, %shift_right_logical3A_163 : vector<16xi32>
        %swap3A_165 = arith.constant 1 : i32
        %swap3A_166 = arith.index_cast %swap3A_165 : i32 to index
        %swap3A_167 = arith.constant 0 : index
        %swap3A_168 = tpu.vector_load %arg6[%swap3A_166, %swap3A_167] {strides = array<i32>} : memref<2x128xi32, #tpu.memory_space<vmem>>, vector<16xi32>,
        tpu.vector_store %arg6[%swap3A_166, %swap3A_167], %shift_right_logical3A_164 {strides = array<i32>} : memref<2x128xi32, #tpu.memory_space<vmem>>, vector<16xi32>,
        %mul3A_169 = arith.constant 128 : i32
        %mul3A_170 = arith.muli %add3A_155, %mul3A_169 : i32
        %add3A_171 = arith.constant 16 : i32
        %add3A_172 = arith.addi %mul3A_170, %add3A_171 : i32
        %get3A_173 = arith.index_cast %add3A_172 : i32 to index
        %get3A_174 = tpu.vector_load %arg5[%get3A_173] {strides = array<i32>} : memref<25600xi32, #tpu.memory_space<vmem>>, vector<16xi32>,
        %shift_right_logical3A_175 = arith.constant 1 : i32
        %shift_right_logical3A_176 = vector.broadcast %shift_right_logical3A_175 : i32 to vector<16xi32>
        %shift_right_logical3A_177 = arith.shrui %get3A_174, %shift_right_logical3A_176 : vector<16xi32>
        %swap3A_178 = arith.constant 1 : i32
        %swap3A_179 = arith.index_cast %swap3A_178 : i32 to index
        %swap3A_180 = arith.constant 16 : index
        %swap3A_181 = tpu.vector_load %arg6[%swap3A_179, %swap3A_180] {strides = array<i32>} : memref<2x128xi32, #tpu.memory_space<vmem>>, vector<16xi32>,
        tpu.vector_store %arg6[%swap3A_179, %swap3A_180], %shift_right_logical3A_177 {strides = array<i32>} : memref<2x128xi32, #tpu.memory_space<vmem>>, vector<16xi32>,
        %mul3A_182 = arith.constant 128 : i32
        %mul3A_183 = arith.muli %add3A_155, %mul3A_182 : i32
        %add3A_184 = arith.constant 32 : i32
        %add3A_185 = arith.addi %mul3A_183, %add3A_184 : i32
        %get3A_186 = arith.index_cast %add3A_185 : i32 to index
        %get3A_187 = tpu.vector_load %arg5[%get3A_186] {strides = array<i32>} : memref<25600xi32, #tpu.memory_space<vmem>>, vector<16xi32>,
        %shift_right_logical3A_188 = arith.constant 1 : i32
        %shift_right_logical3A_189 = vector.broadcast %shift_right_logical3A_188 : i32 to vector<16xi32>
        %shift_right_logical3A_190 = arith.shrui %get3A_187, %shift_right_logical3A_189 : vector<16xi32>
        %swap3A_191 = arith.constant 1 : i32
        %swap3A_192 = arith.index_cast %swap3A_191 : i32 to index
        %swap3A_193 = arith.constant 32 : index
        %swap3A_194 = tpu.vector_load %arg6[%swap3A_192, %swap3A_193] {strides = array<i32>} : memref<2x128xi32, #tpu.memory_space<vmem>>, vector<16xi32>,
        tpu.vector_store %arg6[%swap3A_192, %swap3A_193], %shift_right_logical3A_190 {strides = array<i32>} : memref<2x128xi32, #tpu.memory_space<vmem>>, vector<16xi32>,
        %mul3A_195 = arith.constant 128 : i32
        %mul3A_196 = arith.muli %add3A_155, %mul3A_195 : i32
        %add3A_197 = arith.constant 48 : i32
        %add3A_198 = arith.addi %mul3A_196, %add3A_197 : i32
        %get3A_199 = arith.index_cast %add3A_198 : i32 to index
        %get3A_200 = tpu.vector_load %arg5[%get3A_199] {strides = array<i32>} : memref<25600xi32, #tpu.memory_space<vmem>>, vector<16xi32>,
        %shift_right_logical3A_201 = arith.constant 1 : i32
        %shift_right_logical3A_202 = vector.broadcast %shift_right_logical3A_201 : i32 to vector<16xi32>
        %shift_right_logical3A_203 = arith.shrui %get3A_200, %shift_right_logical3A_202 : vector<16xi32>
        %swap3A_204 = arith.constant 1 : i32
        %swap3A_205 = arith.index_cast %swap3A_204 : i32 to index
        %swap3A_206 = arith.constant 48 : index
        %swap3A_207 = tpu.vector_load %arg6[%swap3A_205, %swap3A_206] {strides = array<i32>} : memref<2x128xi32, #tpu.memory_space<vmem>>, vector<16xi32>,
        tpu.vector_store %arg6[%swap3A_205, %swap3A_206], %shift_right_logical3A_203 {strides = array<i32>} : memref<2x128xi32, #tpu.memory_space<vmem>>, vector<16xi32>,
        %mul3A_208 = arith.constant 128 : i32
        %mul3A_209 = arith.muli %add3A_155, %mul3A_208 : i32
        %add3A_210 = arith.constant 64 : i32
        %add3A_211 = arith.addi %mul3A_209, %add3A_210 : i32
        %get3A_212 = arith.index_cast %add3A_211 : i32 to index
        %get3A_213 = tpu.vector_load %arg5[%get3A_212] {strides = array<i32>} : memref<25600xi32, #tpu.memory_space<vmem>>, vector<16xi32>,
        %shift_right_logical3A_214 = arith.constant 1 : i32
        %shift_right_logical3A_215 = vector.broadcast %shift_right_logical3A_214 : i32 to vector<16xi32>
        %shift_right_logical3A_216 = arith.shrui %get3A_213, %shift_right_logical3A_215 : vector<16xi32>
        %swap3A_217 = arith.constant 1 : i32
        %swap3A_218 = arith.index_cast %swap3A_217 : i32 to index
        %swap3A_219 = arith.constant 64 : index
        %swap3A_220 = tpu.vector_load %arg6[%swap3A_218, %swap3A_219] {strides = array<i32>} : memref<2x128xi32, #tpu.memory_space<vmem>>, vector<16xi32>,
        tpu.vector_store %arg6[%swap3A_218, %swap3A_219], %shift_right_logical3A_216 {strides = array<i32>} : memref<2x128xi32, #tpu.memory_space<vmem>>, vector<16xi32>,
        %mul3A_221 = arith.constant 128 : i32
        %mul3A_222 = arith.muli %add3A_155, %mul3A_221 : i32
        %add3A_223 = arith.constant 80 : i32
        %add3A_224 = arith.addi %mul3A_222, %add3A_223 : i32
        %get3A_225 = arith.index_cast %add3A_224 : i32 to index
        %get3A_226 = tpu.vector_load %arg5[%get3A_225] {strides = array<i32>} : memref<25600xi32, #tpu.memory_space<vmem>>, vector<16xi32>,
        %shift_right_logical3A_227 = arith.constant 1 : i32
        %shift_right_logical3A_228 = vector.broadcast %shift_right_logical3A_227 : i32 to vector<16xi32>
        %shift_right_logical3A_229 = arith.shrui %get3A_226, %shift_right_logical3A_228 : vector<16xi32>
        %swap3A_230 = arith.constant 1 : i32
        %swap3A_231 = arith.index_cast %swap3A_230 : i32 to index
        %swap3A_232 = arith.constant 80 : index
        %swap3A_233 = tpu.vector_load %arg6[%swap3A_231, %swap3A_232] {strides = array<i32>} : memref<2x128xi32, #tpu.memory_space<vmem>>, vector<16xi32>,
        tpu.vector_store %arg6[%swap3A_231, %swap3A_232], %shift_right_logical3A_229 {strides = array<i32>} : memref<2x128xi32, #tpu.memory_space<vmem>>, vector<16xi32>,
        %mul3A_234 = arith.constant 128 : i32
        %mul3A_235 = arith.muli %add3A_155, %mul3A_234 : i32
        %add3A_236 = arith.constant 96 : i32
        %add3A_237 = arith.addi %mul3A_235, %add3A_236 : i32
        %get3A_238 = arith.index_cast %add3A_237 : i32 to index
        %get3A_239 = tpu.vector_load %arg5[%get3A_238] {strides = array<i32>} : memref<25600xi32, #tpu.memory_space<vmem>>, vector<16xi32>,
        %shift_right_logical3A_240 = arith.constant 1 : i32
        %shift_right_logical3A_241 = vector.broadcast %shift_right_logical3A_240 : i32 to vector<16xi32>
        %shift_right_logical3A_242 = arith.shrui %get3A_239, %shift_right_logical3A_241 : vector<16xi32>
        %swap3A_243 = arith.constant 1 : i32
        %swap3A_244 = arith.index_cast %swap3A_243 : i32 to index
        %swap3A_245 = arith.constant 96 : index
        %swap3A_246 = tpu.vector_load %arg6[%swap3A_244, %swap3A_245] {strides = array<i32>} : memref<2x128xi32, #tpu.memory_space<vmem>>, vector<16xi32>,
        tpu.vector_store %arg6[%swap3A_244, %swap3A_245], %shift_right_logical3A_242 {strides = array<i32>} : memref<2x128xi32, #tpu.memory_space<vmem>>, vector<16xi32>,
        %mul3A_247 = arith.constant 128 : i32
        %mul3A_248 = arith.muli %add3A_155, %mul3A_247 : i32
        %add3A_249 = arith.constant 112 : i32
        %add3A_250 = arith.addi %mul3A_248, %add3A_249 : i32
        %get3A_251 = arith.index_cast %add3A_250 : i32 to index
        %get3A_252 = tpu.vector_load %arg5[%get3A_251] {strides = array<i32>} : memref<25600xi32, #tpu.memory_space<vmem>>, vector<16xi32>,
        %shift_right_logical3A_253 = arith.constant 1 : i32
        %shift_right_logical3A_254 = vector.broadcast %shift_right_logical3A_253 : i32 to vector<16xi32>
        %shift_right_logical3A_255 = arith.shrui %get3A_252, %shift_right_logical3A_254 : vector<16xi32>
        %swap3A_256 = arith.constant 1 : i32
        %swap3A_257 = arith.index_cast %swap3A_256 : i32 to index
        %swap3A_258 = arith.constant 112 : index
        %swap3A_259 = tpu.vector_load %arg6[%swap3A_257, %swap3A_258] {strides = array<i32>} : memref<2x128xi32, #tpu.memory_space<vmem>>, vector<16xi32>,
        tpu.vector_store %arg6[%swap3A_257, %swap3A_258], %shift_right_logical3A_255 {strides = array<i32>} : memref<2x128xi32, #tpu.memory_space<vmem>>, vector<16xi32>,
        %dma_start3A_260 = arith.constant 1 : i32
        %dma_start3A_261 = arith.constant 1 : i32
        %dma_start3A_262 = arith.constant 0 : i32
        %dma_start3A_263 = arith.constant 0 : i32
        %dma_start3A_264 = tpu.memref_slice %arg7[%dma_start3A_261, %dma_start3A_262, %dma_start3A_263] : memref<2x128x128xf32, #tpu.memory_space<vmem>> -> memref<1x128x128xf32, #tpu.memory_space<vmem>>
        %dma_start3A_265 = tpu.memref_squeeze %dma_start3A_264 : memref<1x128x128xf32, #tpu.memory_space<vmem>> -> memref<128x128xf32, #tpu.memory_space<vmem>>
        %dma_start3A_266 = arith.constant 0 : i32
        %dma_start3A_267 = tpu.memref_slice %arg6[%dma_start3A_260, %dma_start3A_266] : memref<2x128xi32, #tpu.memory_space<vmem>> -> memref<1x128xi32, #tpu.memory_space<vmem>>
        %dma_start3A_268 = tpu.memref_squeeze %dma_start3A_267 : memref<1x128xi32, #tpu.memory_space<vmem>> -> memref<128xi32, #tpu.memory_space<vmem>>
        %dma_start3A_269 = arith.constant 0 : i32
        %dma_start3A_270 = arith.constant 0 : i32
        %dma_start3A_271 = tpu.memref_slice %arg3[%dma_start3A_269, %dma_start3A_270] : memref<500000x128xf32, #tpu.memory_space<hbm>> -> memref<500000x128xf32, #tpu.memory_space<hbm>>
        tpu.enqueue_indirect_dma source(%dma_start3A_271 : memref<500000x128xf32, #tpu.memory_space<hbm>>) target(%dma_start3A_265 : memref<128x128xf32, #tpu.memory_space<vmem>>) offsets(%dma_start3A_268 : memref<128xi32, #tpu.memory_space<vmem>>) semaphore(%arg10 : memref<!tpu.dma_semaphore, #tpu.memory_space<semaphore_mem>>)
      } else {
      }
      %dma_wait3A = arith.constant 0 : i32
      %dma_wait3A_97 = arith.constant 0 : i32
      %dma_wait3A_98 = arith.constant 0 : i32
      %dma_wait3A_99 = tpu.memref_slice %arg7[%dma_wait3A, %dma_wait3A_97, %dma_wait3A_98] : memref<2x128x128xf32, #tpu.memory_space<vmem>> -> memref<1x128x128xf32, #tpu.memory_space<vmem>>
      %dma_wait3A_100 = tpu.memref_squeeze %dma_wait3A_99 : memref<1x128x128xf32, #tpu.memory_space<vmem>> -> memref<128x128xf32, #tpu.memory_space<vmem>>
      %dma_wait3A_101 = arith.constant 0 : i32
      %dma_wait3A_102 = arith.constant 0 : i32
      %dma_wait3A_103 = tpu.memref_slice %arg3[%dma_wait3A_101, %dma_wait3A_102] : memref<500000x128xf32, #tpu.memory_space<hbm>> -> memref<128x128xf32, #tpu.memory_space<hbm>>
      %dma_wait3A_104 = arith.constant 0 : i32
      %dma_wait3A_105 = arith.constant 0 : i32
      %dma_wait3A_106 = tpu.memref_slice %arg7[%dma_wait3A, %dma_wait3A_104, %dma_wait3A_105] : memref<2x128x128xf32, #tpu.memory_space<vmem>> -> memref<1x128x128xf32, #tpu.memory_space<vmem>>
      %dma_wait3A_107 = tpu.memref_squeeze %dma_wait3A_106 : memref<1x128x128xf32, #tpu.memory_space<vmem>> -> memref<128x128xf32, #tpu.memory_space<vmem>>
      %dma_wait3A_108 = arith.constant 0 : i32
      %dma_wait3A_109 = arith.constant 0 : i32
      %dma_wait3A_110 = tpu.memref_slice %arg3[%dma_wait3A_108, %dma_wait3A_109] : memref<500000x128xf32, #tpu.memory_space<hbm>> -> memref<128x128xf32, #tpu.memory_space<hbm>>
      tpu.wait_dma2 semaphore(%arg9 : memref<!tpu.dma_semaphore, #tpu.memory_space<semaphore_mem>>) src(%dma_wait3A_110 : memref<128x128xf32, #tpu.memory_space<hbm>>) dst(%dma_wait3A_107 : memref<128x128xf32, #tpu.memory_space<vmem>>)
      %scan3A_111 = arith.constant 0 : i32
      %scan3A_112 = arith.constant 0 : i32
      %scan3A_113 = arith.constant 8 : i32
      %scan3A_114 = arith.addi %scan3A_112, %scan3A_113 : i32
      %scan3A_115 = arith.constant 1 : i32
      scf.for %scan3A_154 = %scan3A_112 to %scan3A_114 step %scan3A_115  : i32 {
        %mul3A_155 = arith.constant 16 : i32
        %mul3A_156 = arith.muli %scan3A_154, %mul3A_155 : i32
        %add3A_157 = arith.constant 0 : i32
        %add3A_158 = arith.addi %mul3A_156, %add3A_157 : i32
        %mul3A_159 = arith.constant 128 : i32
        %mul3A_160 = arith.muli %add3A_92, %mul3A_159 : i32
        %add3A_161 = arith.addi %mul3A_160, %add3A_158 : i32
        %broadcast_in_dim3A = vector.broadcast %add3A_161 : i32 to vector<16xi32>
        %gather3A = tpu.vector_load_idx %arg5[%broadcast_in_dim3A] : memref<25600xi32, #tpu.memory_space<vmem>>[vector<16xi32>], vector<16xi32>,
        %and3A = arith.constant 1 : i32
        %and3A_162 = vector.broadcast %and3A : i32 to vector<16xi32>
        %and3A_163 = arith.andi %gather3A, %and3A_162 : vector<16xi32>
        %ne3A = arith.constant 0 : i32
        %ne3A_164 = vector.broadcast %ne3A : i32 to vector<16xi32>
        %ne3A_165 = arith.cmpi ne, %and3A_163, %ne3A_164 : vector<16xi32>
        %get3A_166 = arith.constant 0 : i32
        %get3A_167 = arith.index_cast %get3A_166 : i32 to index
        %get3A_168 = arith.index_cast %add3A_158 : i32 to index
        %get3A_169 = arith.constant 0 : index
        %get3A_170 = tpu.vector_load %arg7[%get3A_167, %get3A_168, %get3A_169] {strides = array<i32>} : memref<2x128x128xf32, #tpu.memory_space<vmem>>, vector<16xf32>,
        %get3A_171 = arith.constant 0 : i32
        %get3A_172 = arith.index_cast %get3A_171 : i32 to index
        %get3A_173 = arith.index_cast %add3A_158 : i32 to index
        %get3A_174 = arith.constant 64 : index
        %get3A_175 = tpu.vector_load %arg7[%get3A_172, %get3A_173, %get3A_174] {strides = array<i32>} : memref<2x128x128xf32, #tpu.memory_space<vmem>>, vector<16xf32>,
        %select_n3A = arith.select %ne3A_165, %get3A_175, %get3A_170 : vector<16xi1>, vector<16xf32>
        %swap3A_176 = arith.constant 0 : i32
        %swap3A_177 = arith.index_cast %swap3A_176 : i32 to index
        %swap3A_178 = arith.index_cast %add3A_158 : i32 to index
        %swap3A_179 = arith.constant 0 : index
        %swap3A_180 = tpu.vector_load %arg8[%swap3A_177, %swap3A_178, %swap3A_179] {strides = array<i32>} : memref<2x128x64xf32, #tpu.memory_space<vmem>>, vector<16xf32>,
        tpu.vector_store %arg8[%swap3A_177, %swap3A_178, %swap3A_179], %select_n3A {strides = array<i32>} : memref<2x128x64xf32, #tpu.memory_space<vmem>>, vector<16xf32>,
        %get3A_181 = arith.constant 0 : i32
        %get3A_182 = arith.index_cast %get3A_181 : i32 to index
        %get3A_183 = arith.index_cast %add3A_158 : i32 to index
        %get3A_184 = arith.constant 16 : index
        %get3A_185 = tpu.vector_load %arg7[%get3A_182, %get3A_183, %get3A_184] {strides = array<i32>} : memref<2x128x128xf32, #tpu.memory_space<vmem>>, vector<16xf32>,
        %get3A_186 = arith.constant 0 : i32
        %get3A_187 = arith.index_cast %get3A_186 : i32 to index
        %get3A_188 = arith.index_cast %add3A_158 : i32 to index
        %get3A_189 = arith.constant 80 : index
        %get3A_190 = tpu.vector_load %arg7[%get3A_187, %get3A_188, %get3A_189] {strides = array<i32>} : memref<2x128x128xf32, #tpu.memory_space<vmem>>, vector<16xf32>,
        %select_n3A_191 = arith.select %ne3A_165, %get3A_190, %get3A_185 : vector<16xi1>, vector<16xf32>
        %swap3A_192 = arith.constant 0 : i32
        %swap3A_193 = arith.index_cast %swap3A_192 : i32 to index
        %swap3A_194 = arith.index_cast %add3A_158 : i32 to index
        %swap3A_195 = arith.constant 16 : index
        %swap3A_196 = tpu.vector_load %arg8[%swap3A_193, %swap3A_194, %swap3A_195] {strides = array<i32>} : memref<2x128x64xf32, #tpu.memory_space<vmem>>, vector<16xf32>,
        tpu.vector_store %arg8[%swap3A_193, %swap3A_194, %swap3A_195], %select_n3A_191 {strides = array<i32>} : memref<2x128x64xf32, #tpu.memory_space<vmem>>, vector<16xf32>,
        %get3A_197 = arith.constant 0 : i32
        %get3A_198 = arith.index_cast %get3A_197 : i32 to index
        %get3A_199 = arith.index_cast %add3A_158 : i32 to index
        %get3A_200 = arith.constant 32 : index
        %get3A_201 = tpu.vector_load %arg7[%get3A_198, %get3A_199, %get3A_200] {strides = array<i32>} : memref<2x128x128xf32, #tpu.memory_space<vmem>>, vector<16xf32>,
        %get3A_202 = arith.constant 0 : i32
        %get3A_203 = arith.index_cast %get3A_202 : i32 to index
        %get3A_204 = arith.index_cast %add3A_158 : i32 to index
        %get3A_205 = arith.constant 96 : index
        %get3A_206 = tpu.vector_load %arg7[%get3A_203, %get3A_204, %get3A_205] {strides = array<i32>} : memref<2x128x128xf32, #tpu.memory_space<vmem>>, vector<16xf32>,
        %select_n3A_207 = arith.select %ne3A_165, %get3A_206, %get3A_201 : vector<16xi1>, vector<16xf32>
        %swap3A_208 = arith.constant 0 : i32
        %swap3A_209 = arith.index_cast %swap3A_208 : i32 to index
        %swap3A_210 = arith.index_cast %add3A_158 : i32 to index
        %swap3A_211 = arith.constant 32 : index
        %swap3A_212 = tpu.vector_load %arg8[%swap3A_209, %swap3A_210, %swap3A_211] {strides = array<i32>} : memref<2x128x64xf32, #tpu.memory_space<vmem>>, vector<16xf32>,
        tpu.vector_store %arg8[%swap3A_209, %swap3A_210, %swap3A_211], %select_n3A_207 {strides = array<i32>} : memref<2x128x64xf32, #tpu.memory_space<vmem>>, vector<16xf32>,
        %get3A_213 = arith.constant 0 : i32
        %get3A_214 = arith.index_cast %get3A_213 : i32 to index
        %get3A_215 = arith.index_cast %add3A_158 : i32 to index
        %get3A_216 = arith.constant 48 : index
        %get3A_217 = tpu.vector_load %arg7[%get3A_214, %get3A_215, %get3A_216] {strides = array<i32>} : memref<2x128x128xf32, #tpu.memory_space<vmem>>, vector<16xf32>,
        %get3A_218 = arith.constant 0 : i32
        %get3A_219 = arith.index_cast %get3A_218 : i32 to index
        %get3A_220 = arith.index_cast %add3A_158 : i32 to index
        %get3A_221 = arith.constant 112 : index
        %get3A_222 = tpu.vector_load %arg7[%get3A_219, %get3A_220, %get3A_221] {strides = array<i32>} : memref<2x128x128xf32, #tpu.memory_space<vmem>>, vector<16xf32>,
        %select_n3A_223 = arith.select %ne3A_165, %get3A_222, %get3A_217 : vector<16xi1>, vector<16xf32>
        %swap3A_224 = arith.constant 0 : i32
        %swap3A_225 = arith.index_cast %swap3A_224 : i32 to index
        %swap3A_226 = arith.index_cast %add3A_158 : i32 to index
        %swap3A_227 = arith.constant 48 : index
        %swap3A_228 = tpu.vector_load %arg8[%swap3A_225, %swap3A_226, %swap3A_227] {strides = array<i32>} : memref<2x128x64xf32, #tpu.memory_space<vmem>>, vector<16xf32>,
        tpu.vector_store %arg8[%swap3A_225, %swap3A_226, %swap3A_227], %select_n3A_223 {strides = array<i32>} : memref<2x128x64xf32, #tpu.memory_space<vmem>>, vector<16xf32>,
        %mul3A_229 = arith.constant 16 : i32
        %mul3A_230 = arith.muli %scan3A_154, %mul3A_229 : i32
        %add3A_231 = arith.constant 1 : i32
        %add3A_232 = arith.addi %mul3A_230, %add3A_231 : i32
        %mul3A_233 = arith.constant 128 : i32
        %mul3A_234 = arith.muli %add3A_92, %mul3A_233 : i32
        %add3A_235 = arith.addi %mul3A_234, %add3A_232 : i32
        %broadcast_in_dim3A_236 = vector.broadcast %add3A_235 : i32 to vector<16xi32>
        %gather3A_237 = tpu.vector_load_idx %arg5[%broadcast_in_dim3A_236] : memref<25600xi32, #tpu.memory_space<vmem>>[vector<16xi32>], vector<16xi32>,
        %and3A_238 = arith.constant 1 : i32
        %and3A_239 = vector.broadcast %and3A_238 : i32 to vector<16xi32>
        %and3A_240 = arith.andi %gather3A_237, %and3A_239 : vector<16xi32>
        %ne3A_241 = arith.constant 0 : i32
        %ne3A_242 = vector.broadcast %ne3A_241 : i32 to vector<16xi32>
        %ne3A_243 = arith.cmpi ne, %and3A_240, %ne3A_242 : vector<16xi32>
        %get3A_244 = arith.constant 0 : i32
        %get3A_245 = arith.index_cast %get3A_244 : i32 to index
        %get3A_246 = arith.index_cast %add3A_232 : i32 to index
        %get3A_247 = arith.constant 0 : index
        %get3A_248 = tpu.vector_load %arg7[%get3A_245, %get3A_246, %get3A_247] {strides = array<i32>} : memref<2x128x128xf32, #tpu.memory_space<vmem>>, vector<16xf32>,
        %get3A_249 = arith.constant 0 : i32
        %get3A_250 = arith.index_cast %get3A_249 : i32 to index
        %get3A_251 = arith.index_cast %add3A_232 : i32 to index
        %get3A_252 = arith.constant 64 : index
        %get3A_253 = tpu.vector_load %arg7[%get3A_250, %get3A_251, %get3A_252] {strides = array<i32>} : memref<2x128x128xf32, #tpu.memory_space<vmem>>, vector<16xf32>,
        %select_n3A_254 = arith.select %ne3A_243, %get3A_253, %get3A_248 : vector<16xi1>, vector<16xf32>
        %swap3A_255 = arith.constant 0 : i32
        %swap3A_256 = arith.index_cast %swap3A_255 : i32 to index
        %swap3A_257 = arith.index_cast %add3A_232 : i32 to index
        %swap3A_258 = arith.constant 0 : index
        %swap3A_259 = tpu.vector_load %arg8[%swap3A_256, %swap3A_257, %swap3A_258] {strides = array<i32>} : memref<2x128x64xf32, #tpu.memory_space<vmem>>, vector<16xf32>,
        tpu.vector_store %arg8[%swap3A_256, %swap3A_257, %swap3A_258], %select_n3A_254 {strides = array<i32>} : memref<2x128x64xf32, #tpu.memory_space<vmem>>, vector<16xf32>,
        %get3A_260 = arith.constant 0 : i32
        %get3A_261 = arith.index_cast %get3A_260 : i32 to index
        %get3A_262 = arith.index_cast %add3A_232 : i32 to index
        %get3A_263 = arith.constant 16 : index
        %get3A_264 = tpu.vector_load %arg7[%get3A_261, %get3A_262, %get3A_263] {strides = array<i32>} : memref<2x128x128xf32, #tpu.memory_space<vmem>>, vector<16xf32>,
        %get3A_265 = arith.constant 0 : i32
        %get3A_266 = arith.index_cast %get3A_265 : i32 to index
        %get3A_267 = arith.index_cast %add3A_232 : i32 to index
        %get3A_268 = arith.constant 80 : index
        %get3A_269 = tpu.vector_load %arg7[%get3A_266, %get3A_267, %get3A_268] {strides = array<i32>} : memref<2x128x128xf32, #tpu.memory_space<vmem>>, vector<16xf32>,
        %select_n3A_270 = arith.select %ne3A_243, %get3A_269, %get3A_264 : vector<16xi1>, vector<16xf32>
        %swap3A_271 = arith.constant 0 : i32
        %swap3A_272 = arith.index_cast %swap3A_271 : i32 to index
        %swap3A_273 = arith.index_cast %add3A_232 : i32 to index
        %swap3A_274 = arith.constant 16 : index
        %swap3A_275 = tpu.vector_load %arg8[%swap3A_272, %swap3A_273, %swap3A_274] {strides = array<i32>} : memref<2x128x64xf32, #tpu.memory_space<vmem>>, vector<16xf32>,
        tpu.vector_store %arg8[%swap3A_272, %swap3A_273, %swap3A_274], %select_n3A_270 {strides = array<i32>} : memref<2x128x64xf32, #tpu.memory_space<vmem>>, vector<16xf32>,
        %get3A_276 = arith.constant 0 : i32
        %get3A_277 = arith.index_cast %get3A_276 : i32 to index
        %get3A_278 = arith.index_cast %add3A_232 : i32 to index
        %get3A_279 = arith.constant 32 : index
        %get3A_280 = tpu.vector_load %arg7[%get3A_277, %get3A_278, %get3A_279] {strides = array<i32>} : memref<2x128x128xf32, #tpu.memory_space<vmem>>, vector<16xf32>,
        %get3A_281 = arith.constant 0 : i32
        %get3A_282 = arith.index_cast %get3A_281 : i32 to index
        %get3A_283 = arith.index_cast %add3A_232 : i32 to index
        %get3A_284 = arith.constant 96 : index
        %get3A_285 = tpu.vector_load %arg7[%get3A_282, %get3A_283, %get3A_284] {strides = array<i32>} : memref<2x128x128xf32, #tpu.memory_space<vmem>>, vector<16xf32>,
        %select_n3A_286 = arith.select %ne3A_243, %get3A_285, %get3A_280 : vector<16xi1>, vector<16xf32>
        %swap3A_287 = arith.constant 0 : i32
        %swap3A_288 = arith.index_cast %swap3A_287 : i32 to index
        %swap3A_289 = arith.index_cast %add3A_232 : i32 to index
        %swap3A_290 = arith.constant 32 : index
        %swap3A_291 = tpu.vector_load %arg8[%swap3A_288, %swap3A_289, %swap3A_290] {strides = array<i32>} : memref<2x128x64xf32, #tpu.memory_space<vmem>>, vector<16xf32>,
        tpu.vector_store %arg8[%swap3A_288, %swap3A_289, %swap3A_290], %select_n3A_286 {strides = array<i32>} : memref<2x128x64xf32, #tpu.memory_space<vmem>>, vector<16xf32>,
        %get3A_292 = arith.constant 0 : i32
        %get3A_293 = arith.index_cast %get3A_292 : i32 to index
        %get3A_294 = arith.index_cast %add3A_232 : i32 to index
        %get3A_295 = arith.constant 48 : index
        %get3A_296 = tpu.vector_load %arg7[%get3A_293, %get3A_294, %get3A_295] {strides = array<i32>} : memref<2x128x128xf32, #tpu.memory_space<vmem>>, vector<16xf32>,
        %get3A_297 = arith.constant 0 : i32
        %get3A_298 = arith.index_cast %get3A_297 : i32 to index
        %get3A_299 = arith.index_cast %add3A_232 : i32 to index
        %get3A_300 = arith.constant 112 : index
        %get3A_301 = tpu.vector_load %arg7[%get3A_298, %get3A_299, %get3A_300] {strides = array<i32>} : memref<2x128x128xf32, #tpu.memory_space<vmem>>, vector<16xf32>,
        %select_n3A_302 = arith.select %ne3A_243, %get3A_301, %get3A_296 : vector<16xi1>, vector<16xf32>
        %swap3A_303 = arith.constant 0 : i32
        %swap3A_304 = arith.index_cast %swap3A_303 : i32 to index
        %swap3A_305 = arith.index_cast %add3A_232 : i32 to index
        %swap3A_306 = arith.constant 48 : index
        %swap3A_307 = tpu.vector_load %arg8[%swap3A_304, %swap3A_305, %swap3A_306] {strides = array<i32>} : memref<2x128x64xf32, #tpu.memory_space<vmem>>, vector<16xf32>,
        tpu.vector_store %arg8[%swap3A_304, %swap3A_305, %swap3A_306], %select_n3A_302 {strides = array<i32>} : memref<2x128x64xf32, #tpu.memory_space<vmem>>, vector<16xf32>,
        %mul3A_308 = arith.constant 16 : i32
        %mul3A_309 = arith.muli %scan3A_154, %mul3A_308 : i32
        %add3A_310 = arith.constant 2 : i32
        %add3A_311 = arith.addi %mul3A_309, %add3A_310 : i32
        %mul3A_312 = arith.constant 128 : i32
        %mul3A_313 = arith.muli %add3A_92, %mul3A_312 : i32
        %add3A_314 = arith.addi %mul3A_313, %add3A_311 : i32
        %broadcast_in_dim3A_315 = vector.broadcast %add3A_314 : i32 to vector<16xi32>
        %gather3A_316 = tpu.vector_load_idx %arg5[%broadcast_in_dim3A_315] : memref<25600xi32, #tpu.memory_space<vmem>>[vector<16xi32>], vector<16xi32>,
        %and3A_317 = arith.constant 1 : i32
        %and3A_318 = vector.broadcast %and3A_317 : i32 to vector<16xi32>
        %and3A_319 = arith.andi %gather3A_316, %and3A_318 : vector<16xi32>
        %ne3A_320 = arith.constant 0 : i32
        %ne3A_321 = vector.broadcast %ne3A_320 : i32 to vector<16xi32>
        %ne3A_322 = arith.cmpi ne, %and3A_319, %ne3A_321 : vector<16xi32>
        %get3A_323 = arith.constant 0 : i32
        %get3A_324 = arith.index_cast %get3A_323 : i32 to index
        %get3A_325 = arith.index_cast %add3A_311 : i32 to index
        %get3A_326 = arith.constant 0 : index
        %get3A_327 = tpu.vector_load %arg7[%get3A_324, %get3A_325, %get3A_326] {strides = array<i32>} : memref<2x128x128xf32, #tpu.memory_space<vmem>>, vector<16xf32>,
        %get3A_328 = arith.constant 0 : i32
        %get3A_329 = arith.index_cast %get3A_328 : i32 to index
        %get3A_330 = arith.index_cast %add3A_311 : i32 to index
        %get3A_331 = arith.constant 64 : index
        %get3A_332 = tpu.vector_load %arg7[%get3A_329, %get3A_330, %get3A_331] {strides = array<i32>} : memref<2x128x128xf32, #tpu.memory_space<vmem>>, vector<16xf32>,
        %select_n3A_333 = arith.select %ne3A_322, %get3A_332, %get3A_327 : vector<16xi1>, vector<16xf32>
        %swap3A_334 = arith.constant 0 : i32
        %swap3A_335 = arith.index_cast %swap3A_334 : i32 to index
        %swap3A_336 = arith.index_cast %add3A_311 : i32 to index
        %swap3A_337 = arith.constant 0 : index
        %swap3A_338 = tpu.vector_load %arg8[%swap3A_335, %swap3A_336, %swap3A_337] {strides = array<i32>} : memref<2x128x64xf32, #tpu.memory_space<vmem>>, vector<16xf32>,
        tpu.vector_store %arg8[%swap3A_335, %swap3A_336, %swap3A_337], %select_n3A_333 {strides = array<i32>} : memref<2x128x64xf32, #tpu.memory_space<vmem>>, vector<16xf32>,
        %get3A_339 = arith.constant 0 : i32
        %get3A_340 = arith.index_cast %get3A_339 : i32 to index
        %get3A_341 = arith.index_cast %add3A_311 : i32 to index
        %get3A_342 = arith.constant 16 : index
        %get3A_343 = tpu.vector_load %arg7[%get3A_340, %get3A_341, %get3A_342] {strides = array<i32>} : memref<2x128x128xf32, #tpu.memory_space<vmem>>, vector<16xf32>,
        %get3A_344 = arith.constant 0 : i32
        %get3A_345 = arith.index_cast %get3A_344 : i32 to index
        %get3A_346 = arith.index_cast %add3A_311 : i32 to index
        %get3A_347 = arith.constant 80 : index
        %get3A_348 = tpu.vector_load %arg7[%get3A_345, %get3A_346, %get3A_347] {strides = array<i32>} : memref<2x128x128xf32, #tpu.memory_space<vmem>>, vector<16xf32>,
        %select_n3A_349 = arith.select %ne3A_322, %get3A_348, %get3A_343 : vector<16xi1>, vector<16xf32>
        %swap3A_350 = arith.constant 0 : i32
        %swap3A_351 = arith.index_cast %swap3A_350 : i32 to index
        %swap3A_352 = arith.index_cast %add3A_311 : i32 to index
        %swap3A_353 = arith.constant 16 : index
        %swap3A_354 = tpu.vector_load %arg8[%swap3A_351, %swap3A_352, %swap3A_353] {strides = array<i32>} : memref<2x128x64xf32, #tpu.memory_space<vmem>>, vector<16xf32>,
        tpu.vector_store %arg8[%swap3A_351, %swap3A_352, %swap3A_353], %select_n3A_349 {strides = array<i32>} : memref<2x128x64xf32, #tpu.memory_space<vmem>>, vector<16xf32>,
        %get3A_355 = arith.constant 0 : i32
        %get3A_356 = arith.index_cast %get3A_355 : i32 to index
        %get3A_357 = arith.index_cast %add3A_311 : i32 to index
        %get3A_358 = arith.constant 32 : index
        %get3A_359 = tpu.vector_load %arg7[%get3A_356, %get3A_357, %get3A_358] {strides = array<i32>} : memref<2x128x128xf32, #tpu.memory_space<vmem>>, vector<16xf32>,
        %get3A_360 = arith.constant 0 : i32
        %get3A_361 = arith.index_cast %get3A_360 : i32 to index
        %get3A_362 = arith.index_cast %add3A_311 : i32 to index
        %get3A_363 = arith.constant 96 : index
        %get3A_364 = tpu.vector_load %arg7[%get3A_361, %get3A_362, %get3A_363] {strides = array<i32>} : memref<2x128x128xf32, #tpu.memory_space<vmem>>, vector<16xf32>,
        %select_n3A_365 = arith.select %ne3A_322, %get3A_364, %get3A_359 : vector<16xi1>, vector<16xf32>
        %swap3A_366 = arith.constant 0 : i32
        %swap3A_367 = arith.index_cast %swap3A_366 : i32 to index
        %swap3A_368 = arith.index_cast %add3A_311 : i32 to index
        %swap3A_369 = arith.constant 32 : index
        %swap3A_370 = tpu.vector_load %arg8[%swap3A_367, %swap3A_368, %swap3A_369] {strides = array<i32>} : memref<2x128x64xf32, #tpu.memory_space<vmem>>, vector<16xf32>,
        tpu.vector_store %arg8[%swap3A_367, %swap3A_368, %swap3A_369], %select_n3A_365 {strides = array<i32>} : memref<2x128x64xf32, #tpu.memory_space<vmem>>, vector<16xf32>,
        %get3A_371 = arith.constant 0 : i32
        %get3A_372 = arith.index_cast %get3A_371 : i32 to index
        %get3A_373 = arith.index_cast %add3A_311 : i32 to index
        %get3A_374 = arith.constant 48 : index
        %get3A_375 = tpu.vector_load %arg7[%get3A_372, %get3A_373, %get3A_374] {strides = array<i32>} : memref<2x128x128xf32, #tpu.memory_space<vmem>>, vector<16xf32>,
        %get3A_376 = arith.constant 0 : i32
        %get3A_377 = arith.index_cast %get3A_376 : i32 to index
        %get3A_378 = arith.index_cast %add3A_311 : i32 to index
        %get3A_379 = arith.constant 112 : index
        %get3A_380 = tpu.vector_load %arg7[%get3A_377, %get3A_378, %get3A_379] {strides = array<i32>} : memref<2x128x128xf32, #tpu.memory_space<vmem>>, vector<16xf32>,
        %select_n3A_381 = arith.select %ne3A_322, %get3A_380, %get3A_375 : vector<16xi1>, vector<16xf32>
        %swap3A_382 = arith.constant 0 : i32
        %swap3A_383 = arith.index_cast %swap3A_382 : i32 to index
        %swap3A_384 = arith.index_cast %add3A_311 : i32 to index
        %swap3A_385 = arith.constant 48 : index
        %swap3A_386 = tpu.vector_load %arg8[%swap3A_383, %swap3A_384, %swap3A_385] {strides = array<i32>} : memref<2x128x64xf32, #tpu.memory_space<vmem>>, vector<16xf32>,
        tpu.vector_store %arg8[%swap3A_383, %swap3A_384, %swap3A_385], %select_n3A_381 {strides = array<i32>} : memref<2x128x64xf32, #tpu.memory_space<vmem>>, vector<16xf32>,
        %mul3A_387 = arith.constant 16 : i32
        %mul3A_388 = arith.muli %scan3A_154, %mul3A_387 : i32
        %add3A_389 = arith.constant 3 : i32
        %add3A_390 = arith.addi %mul3A_388, %add3A_389 : i32
        %mul3A_391 = arith.constant 128 : i32
        %mul3A_392 = arith.muli %add3A_92, %mul3A_391 : i32
        %add3A_393 = arith.addi %mul3A_392, %add3A_390 : i32
        %broadcast_in_dim3A_394 = vector.broadcast %add3A_393 : i32 to vector<16xi32>
        %gather3A_395 = tpu.vector_load_idx %arg5[%broadcast_in_dim3A_394] : memref<25600xi32, #tpu.memory_space<vmem>>[vector<16xi32>], vector<16xi32>,
        %and3A_396 = arith.constant 1 : i32
        %and3A_397 = vector.broadcast %and3A_396 : i32 to vector<16xi32>
        %and3A_398 = arith.andi %gather3A_395, %and3A_397 : vector<16xi32>
        %ne3A_399 = arith.constant 0 : i32
        %ne3A_400 = vector.broadcast %ne3A_399 : i32 to vector<16xi32>
        %ne3A_401 = arith.cmpi ne, %and3A_398, %ne3A_400 : vector<16xi32>
        %get3A_402 = arith.constant 0 : i32
        %get3A_403 = arith.index_cast %get3A_402 : i32 to index
        %get3A_404 = arith.index_cast %add3A_390 : i32 to index
        %get3A_405 = arith.constant 0 : index
        %get3A_406 = tpu.vector_load %arg7[%get3A_403, %get3A_404, %get3A_405] {strides = array<i32>} : memref<2x128x128xf32, #tpu.memory_space<vmem>>, vector<16xf32>,
        %get3A_407 = arith.constant 0 : i32
        %get3A_408 = arith.index_cast %get3A_407 : i32 to index
        %get3A_409 = arith.index_cast %add3A_390 : i32 to index
        %get3A_410 = arith.constant 64 : index
        %get3A_411 = tpu.vector_load %arg7[%get3A_408, %get3A_409, %get3A_410] {strides = array<i32>} : memref<2x128x128xf32, #tpu.memory_space<vmem>>, vector<16xf32>,
        %select_n3A_412 = arith.select %ne3A_401, %get3A_411, %get3A_406 : vector<16xi1>, vector<16xf32>
        %swap3A_413 = arith.constant 0 : i32
        %swap3A_414 = arith.index_cast %swap3A_413 : i32 to index
        %swap3A_415 = arith.index_cast %add3A_390 : i32 to index
        %swap3A_416 = arith.constant 0 : index
        %swap3A_417 = tpu.vector_load %arg8[%swap3A_414, %swap3A_415, %swap3A_416] {strides = array<i32>} : memref<2x128x64xf32, #tpu.memory_space<vmem>>, vector<16xf32>,
        tpu.vector_store %arg8[%swap3A_414, %swap3A_415, %swap3A_416], %select_n3A_412 {strides = array<i32>} : memref<2x128x64xf32, #tpu.memory_space<vmem>>, vector<16xf32>,
        %get3A_418 = arith.constant 0 : i32
        %get3A_419 = arith.index_cast %get3A_418 : i32 to index
        %get3A_420 = arith.index_cast %add3A_390 : i32 to index
        %get3A_421 = arith.constant 16 : index
        %get3A_422 = tpu.vector_load %arg7[%get3A_419, %get3A_420, %get3A_421] {strides = array<i32>} : memref<2x128x128xf32, #tpu.memory_space<vmem>>, vector<16xf32>,
        %get3A_423 = arith.constant 0 : i32
        %get3A_424 = arith.index_cast %get3A_423 : i32 to index
        %get3A_425 = arith.index_cast %add3A_390 : i32 to index
        %get3A_426 = arith.constant 80 : index
        %get3A_427 = tpu.vector_load %arg7[%get3A_424, %get3A_425, %get3A_426] {strides = array<i32>} : memref<2x128x128xf32, #tpu.memory_space<vmem>>, vector<16xf32>,
        %select_n3A_428 = arith.select %ne3A_401, %get3A_427, %get3A_422 : vector<16xi1>, vector<16xf32>
        %swap3A_429 = arith.constant 0 : i32
        %swap3A_430 = arith.index_cast %swap3A_429 : i32 to index
        %swap3A_431 = arith.index_cast %add3A_390 : i32 to index
        %swap3A_432 = arith.constant 16 : index
        %swap3A_433 = tpu.vector_load %arg8[%swap3A_430, %swap3A_431, %swap3A_432] {strides = array<i32>} : memref<2x128x64xf32, #tpu.memory_space<vmem>>, vector<16xf32>,
        tpu.vector_store %arg8[%swap3A_430, %swap3A_431, %swap3A_432], %select_n3A_428 {strides = array<i32>} : memref<2x128x64xf32, #tpu.memory_space<vmem>>, vector<16xf32>,
        %get3A_434 = arith.constant 0 : i32
        %get3A_435 = arith.index_cast %get3A_434 : i32 to index
        %get3A_436 = arith.index_cast %add3A_390 : i32 to index
        %get3A_437 = arith.constant 32 : index
        %get3A_438 = tpu.vector_load %arg7[%get3A_435, %get3A_436, %get3A_437] {strides = array<i32>} : memref<2x128x128xf32, #tpu.memory_space<vmem>>, vector<16xf32>,
        %get3A_439 = arith.constant 0 : i32
        %get3A_440 = arith.index_cast %get3A_439 : i32 to index
        %get3A_441 = arith.index_cast %add3A_390 : i32 to index
        %get3A_442 = arith.constant 96 : index
        %get3A_443 = tpu.vector_load %arg7[%get3A_440, %get3A_441, %get3A_442] {strides = array<i32>} : memref<2x128x128xf32, #tpu.memory_space<vmem>>, vector<16xf32>,
        %select_n3A_444 = arith.select %ne3A_401, %get3A_443, %get3A_438 : vector<16xi1>, vector<16xf32>
        %swap3A_445 = arith.constant 0 : i32
        %swap3A_446 = arith.index_cast %swap3A_445 : i32 to index
        %swap3A_447 = arith.index_cast %add3A_390 : i32 to index
        %swap3A_448 = arith.constant 32 : index
        %swap3A_449 = tpu.vector_load %arg8[%swap3A_446, %swap3A_447, %swap3A_448] {strides = array<i32>} : memref<2x128x64xf32, #tpu.memory_space<vmem>>, vector<16xf32>,
        tpu.vector_store %arg8[%swap3A_446, %swap3A_447, %swap3A_448], %select_n3A_444 {strides = array<i32>} : memref<2x128x64xf32, #tpu.memory_space<vmem>>, vector<16xf32>,
        %get3A_450 = arith.constant 0 : i32
        %get3A_451 = arith.index_cast %get3A_450 : i32 to index
        %get3A_452 = arith.index_cast %add3A_390 : i32 to index
        %get3A_453 = arith.constant 48 : index
        %get3A_454 = tpu.vector_load %arg7[%get3A_451, %get3A_452, %get3A_453] {strides = array<i32>} : memref<2x128x128xf32, #tpu.memory_space<vmem>>, vector<16xf32>,
        %get3A_455 = arith.constant 0 : i32
        %get3A_456 = arith.index_cast %get3A_455 : i32 to index
        %get3A_457 = arith.index_cast %add3A_390 : i32 to index
        %get3A_458 = arith.constant 112 : index
        %get3A_459 = tpu.vector_load %arg7[%get3A_456, %get3A_457, %get3A_458] {strides = array<i32>} : memref<2x128x128xf32, #tpu.memory_space<vmem>>, vector<16xf32>,
        %select_n3A_460 = arith.select %ne3A_401, %get3A_459, %get3A_454 : vector<16xi1>, vector<16xf32>
        %swap3A_461 = arith.constant 0 : i32
        %swap3A_462 = arith.index_cast %swap3A_461 : i32 to index
        %swap3A_463 = arith.index_cast %add3A_390 : i32 to index
        %swap3A_464 = arith.constant 48 : index
        %swap3A_465 = tpu.vector_load %arg8[%swap3A_462, %swap3A_463, %swap3A_464] {strides = array<i32>} : memref<2x128x64xf32, #tpu.memory_space<vmem>>, vector<16xf32>,
        tpu.vector_store %arg8[%swap3A_462, %swap3A_463, %swap3A_464], %select_n3A_460 {strides = array<i32>} : memref<2x128x64xf32, #tpu.memory_space<vmem>>, vector<16xf32>,
        %mul3A_466 = arith.constant 16 : i32
        %mul3A_467 = arith.muli %scan3A_154, %mul3A_466 : i32
        %add3A_468 = arith.constant 4 : i32
        %add3A_469 = arith.addi %mul3A_467, %add3A_468 : i32
        %mul3A_470 = arith.constant 128 : i32
        %mul3A_471 = arith.muli %add3A_92, %mul3A_470 : i32
        %add3A_472 = arith.addi %mul3A_471, %add3A_469 : i32
        %broadcast_in_dim3A_473 = vector.broadcast %add3A_472 : i32 to vector<16xi32>
        %gather3A_474 = tpu.vector_load_idx %arg5[%broadcast_in_dim3A_473] : memref<25600xi32, #tpu.memory_space<vmem>>[vector<16xi32>], vector<16xi32>,
        %and3A_475 = arith.constant 1 : i32
        %and3A_476 = vector.broadcast %and3A_475 : i32 to vector<16xi32>
        %and3A_477 = arith.andi %gather3A_474, %and3A_476 : vector<16xi32>
        %ne3A_478 = arith.constant 0 : i32
        %ne3A_479 = vector.broadcast %ne3A_478 : i32 to vector<16xi32>
        %ne3A_480 = arith.cmpi ne, %and3A_477, %ne3A_479 : vector<16xi32>
        %get3A_481 = arith.constant 0 : i32
        %get3A_482 = arith.index_cast %get3A_481 : i32 to index
        %get3A_483 = arith.index_cast %add3A_469 : i32 to index
        %get3A_484 = arith.constant 0 : index
        %get3A_485 = tpu.vector_load %arg7[%get3A_482, %get3A_483, %get3A_484] {strides = array<i32>} : memref<2x128x128xf32, #tpu.memory_space<vmem>>, vector<16xf32>,
        %get3A_486 = arith.constant 0 : i32
        %get3A_487 = arith.index_cast %get3A_486 : i32 to index
        %get3A_488 = arith.index_cast %add3A_469 : i32 to index
        %get3A_489 = arith.constant 64 : index
        %get3A_490 = tpu.vector_load %arg7[%get3A_487, %get3A_488, %get3A_489] {strides = array<i32>} : memref<2x128x128xf32, #tpu.memory_space<vmem>>, vector<16xf32>,
        %select_n3A_491 = arith.select %ne3A_480, %get3A_490, %get3A_485 : vector<16xi1>, vector<16xf32>
        %swap3A_492 = arith.constant 0 : i32
        %swap3A_493 = arith.index_cast %swap3A_492 : i32 to index
        %swap3A_494 = arith.index_cast %add3A_469 : i32 to index
        %swap3A_495 = arith.constant 0 : index
        %swap3A_496 = tpu.vector_load %arg8[%swap3A_493, %swap3A_494, %swap3A_495] {strides = array<i32>} : memref<2x128x64xf32, #tpu.memory_space<vmem>>, vector<16xf32>,
        tpu.vector_store %arg8[%swap3A_493, %swap3A_494, %swap3A_495], %select_n3A_491 {strides = array<i32>} : memref<2x128x64xf32, #tpu.memory_space<vmem>>, vector<16xf32>,
        %get3A_497 = arith.constant 0 : i32
        %get3A_498 = arith.index_cast %get3A_497 : i32 to index
        %get3A_499 = arith.index_cast %add3A_469 : i32 to index
        %get3A_500 = arith.constant 16 : index
        %get3A_501 = tpu.vector_load %arg7[%get3A_498, %get3A_499, %get3A_500] {strides = array<i32>} : memref<2x128x128xf32, #tpu.memory_space<vmem>>, vector<16xf32>,
        %get3A_502 = arith.constant 0 : i32
        %get3A_503 = arith.index_cast %get3A_502 : i32 to index
        %get3A_504 = arith.index_cast %add3A_469 : i32 to index
        %get3A_505 = arith.constant 80 : index
        %get3A_506 = tpu.vector_load %arg7[%get3A_503, %get3A_504, %get3A_505] {strides = array<i32>} : memref<2x128x128xf32, #tpu.memory_space<vmem>>, vector<16xf32>,
        %select_n3A_507 = arith.select %ne3A_480, %get3A_506, %get3A_501 : vector<16xi1>, vector<16xf32>
        %swap3A_508 = arith.constant 0 : i32
        %swap3A_509 = arith.index_cast %swap3A_508 : i32 to index
        %swap3A_510 = arith.index_cast %add3A_469 : i32 to index
        %swap3A_511 = arith.constant 16 : index
        %swap3A_512 = tpu.vector_load %arg8[%swap3A_509, %swap3A_510, %swap3A_511] {strides = array<i32>} : memref<2x128x64xf32, #tpu.memory_space<vmem>>, vector<16xf32>,
        tpu.vector_store %arg8[%swap3A_509, %swap3A_510, %swap3A_511], %select_n3A_507 {strides = array<i32>} : memref<2x128x64xf32, #tpu.memory_space<vmem>>, vector<16xf32>,
        %get3A_513 = arith.constant 0 : i32
        %get3A_514 = arith.index_cast %get3A_513 : i32 to index
        %get3A_515 = arith.index_cast %add3A_469 : i32 to index
        %get3A_516 = arith.constant 32 : index
        %get3A_517 = tpu.vector_load %arg7[%get3A_514, %get3A_515, %get3A_516] {strides = array<i32>} : memref<2x128x128xf32, #tpu.memory_space<vmem>>, vector<16xf32>,
        %get3A_518 = arith.constant 0 : i32
        %get3A_519 = arith.index_cast %get3A_518 : i32 to index
        %get3A_520 = arith.index_cast %add3A_469 : i32 to index
        %get3A_521 = arith.constant 96 : index
        %get3A_522 = tpu.vector_load %arg7[%get3A_519, %get3A_520, %get3A_521] {strides = array<i32>} : memref<2x128x128xf32, #tpu.memory_space<vmem>>, vector<16xf32>,
        %select_n3A_523 = arith.select %ne3A_480, %get3A_522, %get3A_517 : vector<16xi1>, vector<16xf32>
        %swap3A_524 = arith.constant 0 : i32
        %swap3A_525 = arith.index_cast %swap3A_524 : i32 to index
        %swap3A_526 = arith.index_cast %add3A_469 : i32 to index
        %swap3A_527 = arith.constant 32 : index
        %swap3A_528 = tpu.vector_load %arg8[%swap3A_525, %swap3A_526, %swap3A_527] {strides = array<i32>} : memref<2x128x64xf32, #tpu.memory_space<vmem>>, vector<16xf32>,
        tpu.vector_store %arg8[%swap3A_525, %swap3A_526, %swap3A_527], %select_n3A_523 {strides = array<i32>} : memref<2x128x64xf32, #tpu.memory_space<vmem>>, vector<16xf32>,
        %get3A_529 = arith.constant 0 : i32
        %get3A_530 = arith.index_cast %get3A_529 : i32 to index
        %get3A_531 = arith.index_cast %add3A_469 : i32 to index
        %get3A_532 = arith.constant 48 : index
        %get3A_533 = tpu.vector_load %arg7[%get3A_530, %get3A_531, %get3A_532] {strides = array<i32>} : memref<2x128x128xf32, #tpu.memory_space<vmem>>, vector<16xf32>,
        %get3A_534 = arith.constant 0 : i32
        %get3A_535 = arith.index_cast %get3A_534 : i32 to index
        %get3A_536 = arith.index_cast %add3A_469 : i32 to index
        %get3A_537 = arith.constant 112 : index
        %get3A_538 = tpu.vector_load %arg7[%get3A_535, %get3A_536, %get3A_537] {strides = array<i32>} : memref<2x128x128xf32, #tpu.memory_space<vmem>>, vector<16xf32>,
        %select_n3A_539 = arith.select %ne3A_480, %get3A_538, %get3A_533 : vector<16xi1>, vector<16xf32>
        %swap3A_540 = arith.constant 0 : i32
        %swap3A_541 = arith.index_cast %swap3A_540 : i32 to index
        %swap3A_542 = arith.index_cast %add3A_469 : i32 to index
        %swap3A_543 = arith.constant 48 : index
        %swap3A_544 = tpu.vector_load %arg8[%swap3A_541, %swap3A_542, %swap3A_543] {strides = array<i32>} : memref<2x128x64xf32, #tpu.memory_space<vmem>>, vector<16xf32>,
        tpu.vector_store %arg8[%swap3A_541, %swap3A_542, %swap3A_543], %select_n3A_539 {strides = array<i32>} : memref<2x128x64xf32, #tpu.memory_space<vmem>>, vector<16xf32>,
        %mul3A_545 = arith.constant 16 : i32
        %mul3A_546 = arith.muli %scan3A_154, %mul3A_545 : i32
        %add3A_547 = arith.constant 5 : i32
        %add3A_548 = arith.addi %mul3A_546, %add3A_547 : i32
        %mul3A_549 = arith.constant 128 : i32
        %mul3A_550 = arith.muli %add3A_92, %mul3A_549 : i32
        %add3A_551 = arith.addi %mul3A_550, %add3A_548 : i32
        %broadcast_in_dim3A_552 = vector.broadcast %add3A_551 : i32 to vector<16xi32>
        %gather3A_553 = tpu.vector_load_idx %arg5[%broadcast_in_dim3A_552] : memref<25600xi32, #tpu.memory_space<vmem>>[vector<16xi32>], vector<16xi32>,
        %and3A_554 = arith.constant 1 : i32
        %and3A_555 = vector.broadcast %and3A_554 : i32 to vector<16xi32>
        %and3A_556 = arith.andi %gather3A_553, %and3A_555 : vector<16xi32>
        %ne3A_557 = arith.constant 0 : i32
        %ne3A_558 = vector.broadcast %ne3A_557 : i32 to vector<16xi32>
        %ne3A_559 = arith.cmpi ne, %and3A_556, %ne3A_558 : vector<16xi32>
        %get3A_560 = arith.constant 0 : i32
        %get3A_561 = arith.index_cast %get3A_560 : i32 to index
        %get3A_562 = arith.index_cast %add3A_548 : i32 to index
        %get3A_563 = arith.constant 0 : index
        %get3A_564 = tpu.vector_load %arg7[%get3A_561, %get3A_562, %get3A_563] {strides = array<i32>} : memref<2x128x128xf32, #tpu.memory_space<vmem>>, vector<16xf32>,
        %get3A_565 = arith.constant 0 : i32
        %get3A_566 = arith.index_cast %get3A_565 : i32 to index
        %get3A_567 = arith.index_cast %add3A_548 : i32 to index
        %get3A_568 = arith.constant 64 : index
        %get3A_569 = tpu.vector_load %arg7[%get3A_566, %get3A_567, %get3A_568] {strides = array<i32>} : memref<2x128x128xf32, #tpu.memory_space<vmem>>, vector<16xf32>,
        %select_n3A_570 = arith.select %ne3A_559, %get3A_569, %get3A_564 : vector<16xi1>, vector<16xf32>
        %swap3A_571 = arith.constant 0 : i32
        %swap3A_572 = arith.index_cast %swap3A_571 : i32 to index
        %swap3A_573 = arith.index_cast %add3A_548 : i32 to index
        %swap3A_574 = arith.constant 0 : index
        %swap3A_575 = tpu.vector_load %arg8[%swap3A_572, %swap3A_573, %swap3A_574] {strides = array<i32>} : memref<2x128x64xf32, #tpu.memory_space<vmem>>, vector<16xf32>,
        tpu.vector_store %arg8[%swap3A_572, %swap3A_573, %swap3A_574], %select_n3A_570 {strides = array<i32>} : memref<2x128x64xf32, #tpu.memory_space<vmem>>, vector<16xf32>,
        %get3A_576 = arith.constant 0 : i32
        %get3A_577 = arith.index_cast %get3A_576 : i32 to index
        %get3A_578 = arith.index_cast %add3A_548 : i32 to index
        %get3A_579 = arith.constant 16 : index
        %get3A_580 = tpu.vector_load %arg7[%get3A_577, %get3A_578, %get3A_579] {strides = array<i32>} : memref<2x128x128xf32, #tpu.memory_space<vmem>>, vector<16xf32>,
        %get3A_581 = arith.constant 0 : i32
        %get3A_582 = arith.index_cast %get3A_581 : i32 to index
        %get3A_583 = arith.index_cast %add3A_548 : i32 to index
        %get3A_584 = arith.constant 80 : index
        %get3A_585 = tpu.vector_load %arg7[%get3A_582, %get3A_583, %get3A_584] {strides = array<i32>} : memref<2x128x128xf32, #tpu.memory_space<vmem>>, vector<16xf32>,
        %select_n3A_586 = arith.select %ne3A_559, %get3A_585, %get3A_580 : vector<16xi1>, vector<16xf32>
        %swap3A_587 = arith.constant 0 : i32
        %swap3A_588 = arith.index_cast %swap3A_587 : i32 to index
        %swap3A_589 = arith.index_cast %add3A_548 : i32 to index
        %swap3A_590 = arith.constant 16 : index
        %swap3A_591 = tpu.vector_load %arg8[%swap3A_588, %swap3A_589, %swap3A_590] {strides = array<i32>} : memref<2x128x64xf32, #tpu.memory_space<vmem>>, vector<16xf32>,
        tpu.vector_store %arg8[%swap3A_588, %swap3A_589, %swap3A_590], %select_n3A_586 {strides = array<i32>} : memref<2x128x64xf32, #tpu.memory_space<vmem>>, vector<16xf32>,
        %get3A_592 = arith.constant 0 : i32
        %get3A_593 = arith.index_cast %get3A_592 : i32 to index
        %get3A_594 = arith.index_cast %add3A_548 : i32 to index
        %get3A_595 = arith.constant 32 : index
        %get3A_596 = tpu.vector_load %arg7[%get3A_593, %get3A_594, %get3A_595] {strides = array<i32>} : memref<2x128x128xf32, #tpu.memory_space<vmem>>, vector<16xf32>,
        %get3A_597 = arith.constant 0 : i32
        %get3A_598 = arith.index_cast %get3A_597 : i32 to index
        %get3A_599 = arith.index_cast %add3A_548 : i32 to index
        %get3A_600 = arith.constant 96 : index
        %get3A_601 = tpu.vector_load %arg7[%get3A_598, %get3A_599, %get3A_600] {strides = array<i32>} : memref<2x128x128xf32, #tpu.memory_space<vmem>>, vector<16xf32>,
        %select_n3A_602 = arith.select %ne3A_559, %get3A_601, %get3A_596 : vector<16xi1>, vector<16xf32>
        %swap3A_603 = arith.constant 0 : i32
        %swap3A_604 = arith.index_cast %swap3A_603 : i32 to index
        %swap3A_605 = arith.index_cast %add3A_548 : i32 to index
        %swap3A_606 = arith.constant 32 : index
        %swap3A_607 = tpu.vector_load %arg8[%swap3A_604, %swap3A_605, %swap3A_606] {strides = array<i32>} : memref<2x128x64xf32, #tpu.memory_space<vmem>>, vector<16xf32>,
        tpu.vector_store %arg8[%swap3A_604, %swap3A_605, %swap3A_606], %select_n3A_602 {strides = array<i32>} : memref<2x128x64xf32, #tpu.memory_space<vmem>>, vector<16xf32>,
        %get3A_608 = arith.constant 0 : i32
        %get3A_609 = arith.index_cast %get3A_608 : i32 to index
        %get3A_610 = arith.index_cast %add3A_548 : i32 to index
        %get3A_611 = arith.constant 48 : index
        %get3A_612 = tpu.vector_load %arg7[%get3A_609, %get3A_610, %get3A_611] {strides = array<i32>} : memref<2x128x128xf32, #tpu.memory_space<vmem>>, vector<16xf32>,
        %get3A_613 = arith.constant 0 : i32
        %get3A_614 = arith.index_cast %get3A_613 : i32 to index
        %get3A_615 = arith.index_cast %add3A_548 : i32 to index
        %get3A_616 = arith.constant 112 : index
        %get3A_617 = tpu.vector_load %arg7[%get3A_614, %get3A_615, %get3A_616] {strides = array<i32>} : memref<2x128x128xf32, #tpu.memory_space<vmem>>, vector<16xf32>,
        %select_n3A_618 = arith.select %ne3A_559, %get3A_617, %get3A_612 : vector<16xi1>, vector<16xf32>
        %swap3A_619 = arith.constant 0 : i32
        %swap3A_620 = arith.index_cast %swap3A_619 : i32 to index
        %swap3A_621 = arith.index_cast %add3A_548 : i32 to index
        %swap3A_622 = arith.constant 48 : index
        %swap3A_623 = tpu.vector_load %arg8[%swap3A_620, %swap3A_621, %swap3A_622] {strides = array<i32>} : memref<2x128x64xf32, #tpu.memory_space<vmem>>, vector<16xf32>,
        tpu.vector_store %arg8[%swap3A_620, %swap3A_621, %swap3A_622], %select_n3A_618 {strides = array<i32>} : memref<2x128x64xf32, #tpu.memory_space<vmem>>, vector<16xf32>,
        %mul3A_624 = arith.constant 16 : i32
        %mul3A_625 = arith.muli %scan3A_154, %mul3A_624 : i32
        %add3A_626 = arith.constant 6 : i32
        %add3A_627 = arith.addi %mul3A_625, %add3A_626 : i32
        %mul3A_628 = arith.constant 128 : i32
        %mul3A_629 = arith.muli %add3A_92, %mul3A_628 : i32
        %add3A_630 = arith.addi %mul3A_629, %add3A_627 : i32
        %broadcast_in_dim3A_631 = vector.broadcast %add3A_630 : i32 to vector<16xi32>
        %gather3A_632 = tpu.vector_load_idx %arg5[%broadcast_in_dim3A_631] : memref<25600xi32, #tpu.memory_space<vmem>>[vector<16xi32>], vector<16xi32>,
        %and3A_633 = arith.constant 1 : i32
        %and3A_634 = vector.broadcast %and3A_633 : i32 to vector<16xi32>
        %and3A_635 = arith.andi %gather3A_632, %and3A_634 : vector<16xi32>
        %ne3A_636 = arith.constant 0 : i32
        %ne3A_637 = vector.broadcast %ne3A_636 : i32 to vector<16xi32>
        %ne3A_638 = arith.cmpi ne, %and3A_635, %ne3A_637 : vector<16xi32>
        %get3A_639 = arith.constant 0 : i32
        %get3A_640 = arith.index_cast %get3A_639 : i32 to index
        %get3A_641 = arith.index_cast %add3A_627 : i32 to index
        %get3A_642 = arith.constant 0 : index
        %get3A_643 = tpu.vector_load %arg7[%get3A_640, %get3A_641, %get3A_642] {strides = array<i32>} : memref<2x128x128xf32, #tpu.memory_space<vmem>>, vector<16xf32>,
        %get3A_644 = arith.constant 0 : i32
        %get3A_645 = arith.index_cast %get3A_644 : i32 to index
        %get3A_646 = arith.index_cast %add3A_627 : i32 to index
        %get3A_647 = arith.constant 64 : index
        %get3A_648 = tpu.vector_load %arg7[%get3A_645, %get3A_646, %get3A_647] {strides = array<i32>} : memref<2x128x128xf32, #tpu.memory_space<vmem>>, vector<16xf32>,
        %select_n3A_649 = arith.select %ne3A_638, %get3A_648, %get3A_643 : vector<16xi1>, vector<16xf32>
        %swap3A_650 = arith.constant 0 : i32
        %swap3A_651 = arith.index_cast %swap3A_650 : i32 to index
        %swap3A_652 = arith.index_cast %add3A_627 : i32 to index
        %swap3A_653 = arith.constant 0 : index
        %swap3A_654 = tpu.vector_load %arg8[%swap3A_651, %swap3A_652, %swap3A_653] {strides = array<i32>} : memref<2x128x64xf32, #tpu.memory_space<vmem>>, vector<16xf32>,
        tpu.vector_store %arg8[%swap3A_651, %swap3A_652, %swap3A_653], %select_n3A_649 {strides = array<i32>} : memref<2x128x64xf32, #tpu.memory_space<vmem>>, vector<16xf32>,
        %get3A_655 = arith.constant 0 : i32
        %get3A_656 = arith.index_cast %get3A_655 : i32 to index
        %get3A_657 = arith.index_cast %add3A_627 : i32 to index
        %get3A_658 = arith.constant 16 : index
        %get3A_659 = tpu.vector_load %arg7[%get3A_656, %get3A_657, %get3A_658] {strides = array<i32>} : memref<2x128x128xf32, #tpu.memory_space<vmem>>, vector<16xf32>,
        %get3A_660 = arith.constant 0 : i32
        %get3A_661 = arith.index_cast %get3A_660 : i32 to index
        %get3A_662 = arith.index_cast %add3A_627 : i32 to index
        %get3A_663 = arith.constant 80 : index
        %get3A_664 = tpu.vector_load %arg7[%get3A_661, %get3A_662, %get3A_663] {strides = array<i32>} : memref<2x128x128xf32, #tpu.memory_space<vmem>>, vector<16xf32>,
        %select_n3A_665 = arith.select %ne3A_638, %get3A_664, %get3A_659 : vector<16xi1>, vector<16xf32>
        %swap3A_666 = arith.constant 0 : i32
        %swap3A_667 = arith.index_cast %swap3A_666 : i32 to index
        %swap3A_668 = arith.index_cast %add3A_627 : i32 to index
        %swap3A_669 = arith.constant 16 : index
        %swap3A_670 = tpu.vector_load %arg8[%swap3A_667, %swap3A_668, %swap3A_669] {strides = array<i32>} : memref<2x128x64xf32, #tpu.memory_space<vmem>>, vector<16xf32>,
        tpu.vector_store %arg8[%swap3A_667, %swap3A_668, %swap3A_669], %select_n3A_665 {strides = array<i32>} : memref<2x128x64xf32, #tpu.memory_space<vmem>>, vector<16xf32>,
        %get3A_671 = arith.constant 0 : i32
        %get3A_672 = arith.index_cast %get3A_671 : i32 to index
        %get3A_673 = arith.index_cast %add3A_627 : i32 to index
        %get3A_674 = arith.constant 32 : index
        %get3A_675 = tpu.vector_load %arg7[%get3A_672, %get3A_673, %get3A_674] {strides = array<i32>} : memref<2x128x128xf32, #tpu.memory_space<vmem>>, vector<16xf32>,
        %get3A_676 = arith.constant 0 : i32
        %get3A_677 = arith.index_cast %get3A_676 : i32 to index
        %get3A_678 = arith.index_cast %add3A_627 : i32 to index
        %get3A_679 = arith.constant 96 : index
        %get3A_680 = tpu.vector_load %arg7[%get3A_677, %get3A_678, %get3A_679] {strides = array<i32>} : memref<2x128x128xf32, #tpu.memory_space<vmem>>, vector<16xf32>,
        %select_n3A_681 = arith.select %ne3A_638, %get3A_680, %get3A_675 : vector<16xi1>, vector<16xf32>
        %swap3A_682 = arith.constant 0 : i32
        %swap3A_683 = arith.index_cast %swap3A_682 : i32 to index
        %swap3A_684 = arith.index_cast %add3A_627 : i32 to index
        %swap3A_685 = arith.constant 32 : index
        %swap3A_686 = tpu.vector_load %arg8[%swap3A_683, %swap3A_684, %swap3A_685] {strides = array<i32>} : memref<2x128x64xf32, #tpu.memory_space<vmem>>, vector<16xf32>,
        tpu.vector_store %arg8[%swap3A_683, %swap3A_684, %swap3A_685], %select_n3A_681 {strides = array<i32>} : memref<2x128x64xf32, #tpu.memory_space<vmem>>, vector<16xf32>,
        %get3A_687 = arith.constant 0 : i32
        %get3A_688 = arith.index_cast %get3A_687 : i32 to index
        %get3A_689 = arith.index_cast %add3A_627 : i32 to index
        %get3A_690 = arith.constant 48 : index
        %get3A_691 = tpu.vector_load %arg7[%get3A_688, %get3A_689, %get3A_690] {strides = array<i32>} : memref<2x128x128xf32, #tpu.memory_space<vmem>>, vector<16xf32>,
        %get3A_692 = arith.constant 0 : i32
        %get3A_693 = arith.index_cast %get3A_692 : i32 to index
        %get3A_694 = arith.index_cast %add3A_627 : i32 to index
        %get3A_695 = arith.constant 112 : index
        %get3A_696 = tpu.vector_load %arg7[%get3A_693, %get3A_694, %get3A_695] {strides = array<i32>} : memref<2x128x128xf32, #tpu.memory_space<vmem>>, vector<16xf32>,
        %select_n3A_697 = arith.select %ne3A_638, %get3A_696, %get3A_691 : vector<16xi1>, vector<16xf32>
        %swap3A_698 = arith.constant 0 : i32
        %swap3A_699 = arith.index_cast %swap3A_698 : i32 to index
        %swap3A_700 = arith.index_cast %add3A_627 : i32 to index
        %swap3A_701 = arith.constant 48 : index
        %swap3A_702 = tpu.vector_load %arg8[%swap3A_699, %swap3A_700, %swap3A_701] {strides = array<i32>} : memref<2x128x64xf32, #tpu.memory_space<vmem>>, vector<16xf32>,
        tpu.vector_store %arg8[%swap3A_699, %swap3A_700, %swap3A_701], %select_n3A_697 {strides = array<i32>} : memref<2x128x64xf32, #tpu.memory_space<vmem>>, vector<16xf32>,
        %mul3A_703 = arith.constant 16 : i32
        %mul3A_704 = arith.muli %scan3A_154, %mul3A_703 : i32
        %add3A_705 = arith.constant 7 : i32
        %add3A_706 = arith.addi %mul3A_704, %add3A_705 : i32
        %mul3A_707 = arith.constant 128 : i32
        %mul3A_708 = arith.muli %add3A_92, %mul3A_707 : i32
        %add3A_709 = arith.addi %mul3A_708, %add3A_706 : i32
        %broadcast_in_dim3A_710 = vector.broadcast %add3A_709 : i32 to vector<16xi32>
        %gather3A_711 = tpu.vector_load_idx %arg5[%broadcast_in_dim3A_710] : memref<25600xi32, #tpu.memory_space<vmem>>[vector<16xi32>], vector<16xi32>,
        %and3A_712 = arith.constant 1 : i32
        %and3A_713 = vector.broadcast %and3A_712 : i32 to vector<16xi32>
        %and3A_714 = arith.andi %gather3A_711, %and3A_713 : vector<16xi32>
        %ne3A_715 = arith.constant 0 : i32
        %ne3A_716 = vector.broadcast %ne3A_715 : i32 to vector<16xi32>
        %ne3A_717 = arith.cmpi ne, %and3A_714, %ne3A_716 : vector<16xi32>
        %get3A_718 = arith.constant 0 : i32
        %get3A_719 = arith.index_cast %get3A_718 : i32 to index
        %get3A_720 = arith.index_cast %add3A_706 : i32 to index
        %get3A_721 = arith.constant 0 : index
        %get3A_722 = tpu.vector_load %arg7[%get3A_719, %get3A_720, %get3A_721] {strides = array<i32>} : memref<2x128x128xf32, #tpu.memory_space<vmem>>, vector<16xf32>,
        %get3A_723 = arith.constant 0 : i32
        %get3A_724 = arith.index_cast %get3A_723 : i32 to index
        %get3A_725 = arith.index_cast %add3A_706 : i32 to index
        %get3A_726 = arith.constant 64 : index
        %get3A_727 = tpu.vector_load %arg7[%get3A_724, %get3A_725, %get3A_726] {strides = array<i32>} : memref<2x128x128xf32, #tpu.memory_space<vmem>>, vector<16xf32>,
        %select_n3A_728 = arith.select %ne3A_717, %get3A_727, %get3A_722 : vector<16xi1>, vector<16xf32>
        %swap3A_729 = arith.constant 0 : i32
        %swap3A_730 = arith.index_cast %swap3A_729 : i32 to index
        %swap3A_731 = arith.index_cast %add3A_706 : i32 to index
        %swap3A_732 = arith.constant 0 : index
        %swap3A_733 = tpu.vector_load %arg8[%swap3A_730, %swap3A_731, %swap3A_732] {strides = array<i32>} : memref<2x128x64xf32, #tpu.memory_space<vmem>>, vector<16xf32>,
        tpu.vector_store %arg8[%swap3A_730, %swap3A_731, %swap3A_732], %select_n3A_728 {strides = array<i32>} : memref<2x128x64xf32, #tpu.memory_space<vmem>>, vector<16xf32>,
        %get3A_734 = arith.constant 0 : i32
        %get3A_735 = arith.index_cast %get3A_734 : i32 to index
        %get3A_736 = arith.index_cast %add3A_706 : i32 to index
        %get3A_737 = arith.constant 16 : index
        %get3A_738 = tpu.vector_load %arg7[%get3A_735, %get3A_736, %get3A_737] {strides = array<i32>} : memref<2x128x128xf32, #tpu.memory_space<vmem>>, vector<16xf32>,
        %get3A_739 = arith.constant 0 : i32
        %get3A_740 = arith.index_cast %get3A_739 : i32 to index
        %get3A_741 = arith.index_cast %add3A_706 : i32 to index
        %get3A_742 = arith.constant 80 : index
        %get3A_743 = tpu.vector_load %arg7[%get3A_740, %get3A_741, %get3A_742] {strides = array<i32>} : memref<2x128x128xf32, #tpu.memory_space<vmem>>, vector<16xf32>,
        %select_n3A_744 = arith.select %ne3A_717, %get3A_743, %get3A_738 : vector<16xi1>, vector<16xf32>
        %swap3A_745 = arith.constant 0 : i32
        %swap3A_746 = arith.index_cast %swap3A_745 : i32 to index
        %swap3A_747 = arith.index_cast %add3A_706 : i32 to index
        %swap3A_748 = arith.constant 16 : index
        %swap3A_749 = tpu.vector_load %arg8[%swap3A_746, %swap3A_747, %swap3A_748] {strides = array<i32>} : memref<2x128x64xf32, #tpu.memory_space<vmem>>, vector<16xf32>,
        tpu.vector_store %arg8[%swap3A_746, %swap3A_747, %swap3A_748], %select_n3A_744 {strides = array<i32>} : memref<2x128x64xf32, #tpu.memory_space<vmem>>, vector<16xf32>,
        %get3A_750 = arith.constant 0 : i32
        %get3A_751 = arith.index_cast %get3A_750 : i32 to index
        %get3A_752 = arith.index_cast %add3A_706 : i32 to index
        %get3A_753 = arith.constant 32 : index
        %get3A_754 = tpu.vector_load %arg7[%get3A_751, %get3A_752, %get3A_753] {strides = array<i32>} : memref<2x128x128xf32, #tpu.memory_space<vmem>>, vector<16xf32>,
        %get3A_755 = arith.constant 0 : i32
        %get3A_756 = arith.index_cast %get3A_755 : i32 to index
        %get3A_757 = arith.index_cast %add3A_706 : i32 to index
        %get3A_758 = arith.constant 96 : index
        %get3A_759 = tpu.vector_load %arg7[%get3A_756, %get3A_757, %get3A_758] {strides = array<i32>} : memref<2x128x128xf32, #tpu.memory_space<vmem>>, vector<16xf32>,
        %select_n3A_760 = arith.select %ne3A_717, %get3A_759, %get3A_754 : vector<16xi1>, vector<16xf32>
        %swap3A_761 = arith.constant 0 : i32
        %swap3A_762 = arith.index_cast %swap3A_761 : i32 to index
        %swap3A_763 = arith.index_cast %add3A_706 : i32 to index
        %swap3A_764 = arith.constant 32 : index
        %swap3A_765 = tpu.vector_load %arg8[%swap3A_762, %swap3A_763, %swap3A_764] {strides = array<i32>} : memref<2x128x64xf32, #tpu.memory_space<vmem>>, vector<16xf32>,
        tpu.vector_store %arg8[%swap3A_762, %swap3A_763, %swap3A_764], %select_n3A_760 {strides = array<i32>} : memref<2x128x64xf32, #tpu.memory_space<vmem>>, vector<16xf32>,
        %get3A_766 = arith.constant 0 : i32
        %get3A_767 = arith.index_cast %get3A_766 : i32 to index
        %get3A_768 = arith.index_cast %add3A_706 : i32 to index
        %get3A_769 = arith.constant 48 : index
        %get3A_770 = tpu.vector_load %arg7[%get3A_767, %get3A_768, %get3A_769] {strides = array<i32>} : memref<2x128x128xf32, #tpu.memory_space<vmem>>, vector<16xf32>,
        %get3A_771 = arith.constant 0 : i32
        %get3A_772 = arith.index_cast %get3A_771 : i32 to index
        %get3A_773 = arith.index_cast %add3A_706 : i32 to index
        %get3A_774 = arith.constant 112 : index
        %get3A_775 = tpu.vector_load %arg7[%get3A_772, %get3A_773, %get3A_774] {strides = array<i32>} : memref<2x128x128xf32, #tpu.memory_space<vmem>>, vector<16xf32>,
        %select_n3A_776 = arith.select %ne3A_717, %get3A_775, %get3A_770 : vector<16xi1>, vector<16xf32>
        %swap3A_777 = arith.constant 0 : i32
        %swap3A_778 = arith.index_cast %swap3A_777 : i32 to index
        %swap3A_779 = arith.index_cast %add3A_706 : i32 to index
        %swap3A_780 = arith.constant 48 : index
        %swap3A_781 = tpu.vector_load %arg8[%swap3A_778, %swap3A_779, %swap3A_780] {strides = array<i32>} : memref<2x128x64xf32, #tpu.memory_space<vmem>>, vector<16xf32>,
        tpu.vector_store %arg8[%swap3A_778, %swap3A_779, %swap3A_780], %select_n3A_776 {strides = array<i32>} : memref<2x128x64xf32, #tpu.memory_space<vmem>>, vector<16xf32>,
        %mul3A_782 = arith.constant 16 : i32
        %mul3A_783 = arith.muli %scan3A_154, %mul3A_782 : i32
        %add3A_784 = arith.constant 8 : i32
        %add3A_785 = arith.addi %mul3A_783, %add3A_784 : i32
        %mul3A_786 = arith.constant 128 : i32
        %mul3A_787 = arith.muli %add3A_92, %mul3A_786 : i32
        %add3A_788 = arith.addi %mul3A_787, %add3A_785 : i32
        %broadcast_in_dim3A_789 = vector.broadcast %add3A_788 : i32 to vector<16xi32>
        %gather3A_790 = tpu.vector_load_idx %arg5[%broadcast_in_dim3A_789] : memref<25600xi32, #tpu.memory_space<vmem>>[vector<16xi32>], vector<16xi32>,
        %and3A_791 = arith.constant 1 : i32
        %and3A_792 = vector.broadcast %and3A_791 : i32 to vector<16xi32>
        %and3A_793 = arith.andi %gather3A_790, %and3A_792 : vector<16xi32>
        %ne3A_794 = arith.constant 0 : i32
        %ne3A_795 = vector.broadcast %ne3A_794 : i32 to vector<16xi32>
        %ne3A_796 = arith.cmpi ne, %and3A_793, %ne3A_795 : vector<16xi32>
        %get3A_797 = arith.constant 0 : i32
        %get3A_798 = arith.index_cast %get3A_797 : i32 to index
        %get3A_799 = arith.index_cast %add3A_785 : i32 to index
        %get3A_800 = arith.constant 0 : index
        %get3A_801 = tpu.vector_load %arg7[%get3A_798, %get3A_799, %get3A_800] {strides = array<i32>} : memref<2x128x128xf32, #tpu.memory_space<vmem>>, vector<16xf32>,
        %get3A_802 = arith.constant 0 : i32
        %get3A_803 = arith.index_cast %get3A_802 : i32 to index
        %get3A_804 = arith.index_cast %add3A_785 : i32 to index
        %get3A_805 = arith.constant 64 : index
        %get3A_806 = tpu.vector_load %arg7[%get3A_803, %get3A_804, %get3A_805] {strides = array<i32>} : memref<2x128x128xf32, #tpu.memory_space<vmem>>, vector<16xf32>,
        %select_n3A_807 = arith.select %ne3A_796, %get3A_806, %get3A_801 : vector<16xi1>, vector<16xf32>
        %swap3A_808 = arith.constant 0 : i32
        %swap3A_809 = arith.index_cast %swap3A_808 : i32 to index
        %swap3A_810 = arith.index_cast %add3A_785 : i32 to index
        %swap3A_811 = arith.constant 0 : index
        %swap3A_812 = tpu.vector_load %arg8[%swap3A_809, %swap3A_810, %swap3A_811] {strides = array<i32>} : memref<2x128x64xf32, #tpu.memory_space<vmem>>, vector<16xf32>,
        tpu.vector_store %arg8[%swap3A_809, %swap3A_810, %swap3A_811], %select_n3A_807 {strides = array<i32>} : memref<2x128x64xf32, #tpu.memory_space<vmem>>, vector<16xf32>,
        %get3A_813 = arith.constant 0 : i32
        %get3A_814 = arith.index_cast %get3A_813 : i32 to index
        %get3A_815 = arith.index_cast %add3A_785 : i32 to index
        %get3A_816 = arith.constant 16 : index
        %get3A_817 = tpu.vector_load %arg7[%get3A_814, %get3A_815, %get3A_816] {strides = array<i32>} : memref<2x128x128xf32, #tpu.memory_space<vmem>>, vector<16xf32>,
        %get3A_818 = arith.constant 0 : i32
        %get3A_819 = arith.index_cast %get3A_818 : i32 to index
        %get3A_820 = arith.index_cast %add3A_785 : i32 to index
        %get3A_821 = arith.constant 80 : index
        %get3A_822 = tpu.vector_load %arg7[%get3A_819, %get3A_820, %get3A_821] {strides = array<i32>} : memref<2x128x128xf32, #tpu.memory_space<vmem>>, vector<16xf32>,
        %select_n3A_823 = arith.select %ne3A_796, %get3A_822, %get3A_817 : vector<16xi1>, vector<16xf32>
        %swap3A_824 = arith.constant 0 : i32
        %swap3A_825 = arith.index_cast %swap3A_824 : i32 to index
        %swap3A_826 = arith.index_cast %add3A_785 : i32 to index
        %swap3A_827 = arith.constant 16 : index
        %swap3A_828 = tpu.vector_load %arg8[%swap3A_825, %swap3A_826, %swap3A_827] {strides = array<i32>} : memref<2x128x64xf32, #tpu.memory_space<vmem>>, vector<16xf32>,
        tpu.vector_store %arg8[%swap3A_825, %swap3A_826, %swap3A_827], %select_n3A_823 {strides = array<i32>} : memref<2x128x64xf32, #tpu.memory_space<vmem>>, vector<16xf32>,
        %get3A_829 = arith.constant 0 : i32
        %get3A_830 = arith.index_cast %get3A_829 : i32 to index
        %get3A_831 = arith.index_cast %add3A_785 : i32 to index
        %get3A_832 = arith.constant 32 : index
        %get3A_833 = tpu.vector_load %arg7[%get3A_830, %get3A_831, %get3A_832] {strides = array<i32>} : memref<2x128x128xf32, #tpu.memory_space<vmem>>, vector<16xf32>,
        %get3A_834 = arith.constant 0 : i32
        %get3A_835 = arith.index_cast %get3A_834 : i32 to index
        %get3A_836 = arith.index_cast %add3A_785 : i32 to index
        %get3A_837 = arith.constant 96 : index
        %get3A_838 = tpu.vector_load %arg7[%get3A_835, %get3A_836, %get3A_837] {strides = array<i32>} : memref<2x128x128xf32, #tpu.memory_space<vmem>>, vector<16xf32>,
        %select_n3A_839 = arith.select %ne3A_796, %get3A_838, %get3A_833 : vector<16xi1>, vector<16xf32>
        %swap3A_840 = arith.constant 0 : i32
        %swap3A_841 = arith.index_cast %swap3A_840 : i32 to index
        %swap3A_842 = arith.index_cast %add3A_785 : i32 to index
        %swap3A_843 = arith.constant 32 : index
        %swap3A_844 = tpu.vector_load %arg8[%swap3A_841, %swap3A_842, %swap3A_843] {strides = array<i32>} : memref<2x128x64xf32, #tpu.memory_space<vmem>>, vector<16xf32>,
        tpu.vector_store %arg8[%swap3A_841, %swap3A_842, %swap3A_843], %select_n3A_839 {strides = array<i32>} : memref<2x128x64xf32, #tpu.memory_space<vmem>>, vector<16xf32>,
        %get3A_845 = arith.constant 0 : i32
        %get3A_846 = arith.index_cast %get3A_845 : i32 to index
        %get3A_847 = arith.index_cast %add3A_785 : i32 to index
        %get3A_848 = arith.constant 48 : index
        %get3A_849 = tpu.vector_load %arg7[%get3A_846, %get3A_847, %get3A_848] {strides = array<i32>} : memref<2x128x128xf32, #tpu.memory_space<vmem>>, vector<16xf32>,
        %get3A_850 = arith.constant 0 : i32
        %get3A_851 = arith.index_cast %get3A_850 : i32 to index
        %get3A_852 = arith.index_cast %add3A_785 : i32 to index
        %get3A_853 = arith.constant 112 : index
        %get3A_854 = tpu.vector_load %arg7[%get3A_851, %get3A_852, %get3A_853] {strides = array<i32>} : memref<2x128x128xf32, #tpu.memory_space<vmem>>, vector<16xf32>,
        %select_n3A_855 = arith.select %ne3A_796, %get3A_854, %get3A_849 : vector<16xi1>, vector<16xf32>
        %swap3A_856 = arith.constant 0 : i32
        %swap3A_857 = arith.index_cast %swap3A_856 : i32 to index
        %swap3A_858 = arith.index_cast %add3A_785 : i32 to index
        %swap3A_859 = arith.constant 48 : index
        %swap3A_860 = tpu.vector_load %arg8[%swap3A_857, %swap3A_858, %swap3A_859] {strides = array<i32>} : memref<2x128x64xf32, #tpu.memory_space<vmem>>, vector<16xf32>,
        tpu.vector_store %arg8[%swap3A_857, %swap3A_858, %swap3A_859], %select_n3A_855 {strides = array<i32>} : memref<2x128x64xf32, #tpu.memory_space<vmem>>, vector<16xf32>,
        %mul3A_861 = arith.constant 16 : i32
        %mul3A_862 = arith.muli %scan3A_154, %mul3A_861 : i32
        %add3A_863 = arith.constant 9 : i32
        %add3A_864 = arith.addi %mul3A_862, %add3A_863 : i32
        %mul3A_865 = arith.constant 128 : i32
        %mul3A_866 = arith.muli %add3A_92, %mul3A_865 : i32
        %add3A_867 = arith.addi %mul3A_866, %add3A_864 : i32
        %broadcast_in_dim3A_868 = vector.broadcast %add3A_867 : i32 to vector<16xi32>
        %gather3A_869 = tpu.vector_load_idx %arg5[%broadcast_in_dim3A_868] : memref<25600xi32, #tpu.memory_space<vmem>>[vector<16xi32>], vector<16xi32>,
        %and3A_870 = arith.constant 1 : i32
        %and3A_871 = vector.broadcast %and3A_870 : i32 to vector<16xi32>
        %and3A_872 = arith.andi %gather3A_869, %and3A_871 : vector<16xi32>
        %ne3A_873 = arith.constant 0 : i32
        %ne3A_874 = vector.broadcast %ne3A_873 : i32 to vector<16xi32>
        %ne3A_875 = arith.cmpi ne, %and3A_872, %ne3A_874 : vector<16xi32>
        %get3A_876 = arith.constant 0 : i32
        %get3A_877 = arith.index_cast %get3A_876 : i32 to index
        %get3A_878 = arith.index_cast %add3A_864 : i32 to index
        %get3A_879 = arith.constant 0 : index
        %get3A_880 = tpu.vector_load %arg7[%get3A_877, %get3A_878, %get3A_879] {strides = array<i32>} : memref<2x128x128xf32, #tpu.memory_space<vmem>>, vector<16xf32>,
        %get3A_881 = arith.constant 0 : i32
        %get3A_882 = arith.index_cast %get3A_881 : i32 to index
        %get3A_883 = arith.index_cast %add3A_864 : i32 to index
        %get3A_884 = arith.constant 64 : index
        %get3A_885 = tpu.vector_load %arg7[%get3A_882, %get3A_883, %get3A_884] {strides = array<i32>} : memref<2x128x128xf32, #tpu.memory_space<vmem>>, vector<16xf32>,
        %select_n3A_886 = arith.select %ne3A_875, %get3A_885, %get3A_880 : vector<16xi1>, vector<16xf32>
        %swap3A_887 = arith.constant 0 : i32
        %swap3A_888 = arith.index_cast %swap3A_887 : i32 to index
        %swap3A_889 = arith.index_cast %add3A_864 : i32 to index
        %swap3A_890 = arith.constant 0 : index
        %swap3A_891 = tpu.vector_load %arg8[%swap3A_888, %swap3A_889, %swap3A_890] {strides = array<i32>} : memref<2x128x64xf32, #tpu.memory_space<vmem>>, vector<16xf32>,
        tpu.vector_store %arg8[%swap3A_888, %swap3A_889, %swap3A_890], %select_n3A_886 {strides = array<i32>} : memref<2x128x64xf32, #tpu.memory_space<vmem>>, vector<16xf32>,
        %get3A_892 = arith.constant 0 : i32
        %get3A_893 = arith.index_cast %get3A_892 : i32 to index
        %get3A_894 = arith.index_cast %add3A_864 : i32 to index
        %get3A_895 = arith.constant 16 : index
        %get3A_896 = tpu.vector_load %arg7[%get3A_893, %get3A_894, %get3A_895] {strides = array<i32>} : memref<2x128x128xf32, #tpu.memory_space<vmem>>, vector<16xf32>,
        %get3A_897 = arith.constant 0 : i32
        %get3A_898 = arith.index_cast %get3A_897 : i32 to index
        %get3A_899 = arith.index_cast %add3A_864 : i32 to index
        %get3A_900 = arith.constant 80 : index
        %get3A_901 = tpu.vector_load %arg7[%get3A_898, %get3A_899, %get3A_900] {strides = array<i32>} : memref<2x128x128xf32, #tpu.memory_space<vmem>>, vector<16xf32>,
        %select_n3A_902 = arith.select %ne3A_875, %get3A_901, %get3A_896 : vector<16xi1>, vector<16xf32>
        %swap3A_903 = arith.constant 0 : i32
        %swap3A_904 = arith.index_cast %swap3A_903 : i32 to index
        %swap3A_905 = arith.index_cast %add3A_864 : i32 to index
        %swap3A_906 = arith.constant 16 : index
        %swap3A_907 = tpu.vector_load %arg8[%swap3A_904, %swap3A_905, %swap3A_906] {strides = array<i32>} : memref<2x128x64xf32, #tpu.memory_space<vmem>>, vector<16xf32>,
        tpu.vector_store %arg8[%swap3A_904, %swap3A_905, %swap3A_906], %select_n3A_902 {strides = array<i32>} : memref<2x128x64xf32, #tpu.memory_space<vmem>>, vector<16xf32>,
        %get3A_908 = arith.constant 0 : i32
        %get3A_909 = arith.index_cast %get3A_908 : i32 to index
        %get3A_910 = arith.index_cast %add3A_864 : i32 to index
        %get3A_911 = arith.constant 32 : index
        %get3A_912 = tpu.vector_load %arg7[%get3A_909, %get3A_910, %get3A_911] {strides = array<i32>} : memref<2x128x128xf32, #tpu.memory_space<vmem>>, vector<16xf32>,
        %get3A_913 = arith.constant 0 : i32
        %get3A_914 = arith.index_cast %get3A_913 : i32 to index
        %get3A_915 = arith.index_cast %add3A_864 : i32 to index
        %get3A_916 = arith.constant 96 : index
        %get3A_917 = tpu.vector_load %arg7[%get3A_914, %get3A_915, %get3A_916] {strides = array<i32>} : memref<2x128x128xf32, #tpu.memory_space<vmem>>, vector<16xf32>,
        %select_n3A_918 = arith.select %ne3A_875, %get3A_917, %get3A_912 : vector<16xi1>, vector<16xf32>
        %swap3A_919 = arith.constant 0 : i32
        %swap3A_920 = arith.index_cast %swap3A_919 : i32 to index
        %swap3A_921 = arith.index_cast %add3A_864 : i32 to index
        %swap3A_922 = arith.constant 32 : index
        %swap3A_923 = tpu.vector_load %arg8[%swap3A_920, %swap3A_921, %swap3A_922] {strides = array<i32>} : memref<2x128x64xf32, #tpu.memory_space<vmem>>, vector<16xf32>,
        tpu.vector_store %arg8[%swap3A_920, %swap3A_921, %swap3A_922], %select_n3A_918 {strides = array<i32>} : memref<2x128x64xf32, #tpu.memory_space<vmem>>, vector<16xf32>,
        %get3A_924 = arith.constant 0 : i32
        %get3A_925 = arith.index_cast %get3A_924 : i32 to index
        %get3A_926 = arith.index_cast %add3A_864 : i32 to index
        %get3A_927 = arith.constant 48 : index
        %get3A_928 = tpu.vector_load %arg7[%get3A_925, %get3A_926, %get3A_927] {strides = array<i32>} : memref<2x128x128xf32, #tpu.memory_space<vmem>>, vector<16xf32>,
        %get3A_929 = arith.constant 0 : i32
        %get3A_930 = arith.index_cast %get3A_929 : i32 to index
        %get3A_931 = arith.index_cast %add3A_864 : i32 to index
        %get3A_932 = arith.constant 112 : index
        %get3A_933 = tpu.vector_load %arg7[%get3A_930, %get3A_931, %get3A_932] {strides = array<i32>} : memref<2x128x128xf32, #tpu.memory_space<vmem>>, vector<16xf32>,
        %select_n3A_934 = arith.select %ne3A_875, %get3A_933, %get3A_928 : vector<16xi1>, vector<16xf32>
        %swap3A_935 = arith.constant 0 : i32
        %swap3A_936 = arith.index_cast %swap3A_935 : i32 to index
        %swap3A_937 = arith.index_cast %add3A_864 : i32 to index
        %swap3A_938 = arith.constant 48 : index
        %swap3A_939 = tpu.vector_load %arg8[%swap3A_936, %swap3A_937, %swap3A_938] {strides = array<i32>} : memref<2x128x64xf32, #tpu.memory_space<vmem>>, vector<16xf32>,
        tpu.vector_store %arg8[%swap3A_936, %swap3A_937, %swap3A_938], %select_n3A_934 {strides = array<i32>} : memref<2x128x64xf32, #tpu.memory_space<vmem>>, vector<16xf32>,
        %mul3A_940 = arith.constant 16 : i32
        %mul3A_941 = arith.muli %scan3A_154, %mul3A_940 : i32
        %add3A_942 = arith.constant 10 : i32
        %add3A_943 = arith.addi %mul3A_941, %add3A_942 : i32
        %mul3A_944 = arith.constant 128 : i32
        %mul3A_945 = arith.muli %add3A_92, %mul3A_944 : i32
        %add3A_946 = arith.addi %mul3A_945, %add3A_943 : i32
        %broadcast_in_dim3A_947 = vector.broadcast %add3A_946 : i32 to vector<16xi32>
        %gather3A_948 = tpu.vector_load_idx %arg5[%broadcast_in_dim3A_947] : memref<25600xi32, #tpu.memory_space<vmem>>[vector<16xi32>], vector<16xi32>,
        %and3A_949 = arith.constant 1 : i32
        %and3A_950 = vector.broadcast %and3A_949 : i32 to vector<16xi32>
        %and3A_951 = arith.andi %gather3A_948, %and3A_950 : vector<16xi32>
        %ne3A_952 = arith.constant 0 : i32
        %ne3A_953 = vector.broadcast %ne3A_952 : i32 to vector<16xi32>
        %ne3A_954 = arith.cmpi ne, %and3A_951, %ne3A_953 : vector<16xi32>
        %get3A_955 = arith.constant 0 : i32
        %get3A_956 = arith.index_cast %get3A_955 : i32 to index
        %get3A_957 = arith.index_cast %add3A_943 : i32 to index
        %get3A_958 = arith.constant 0 : index
        %get3A_959 = tpu.vector_load %arg7[%get3A_956, %get3A_957, %get3A_958] {strides = array<i32>} : memref<2x128x128xf32, #tpu.memory_space<vmem>>, vector<16xf32>,
        %get3A_960 = arith.constant 0 : i32
        %get3A_961 = arith.index_cast %get3A_960 : i32 to index
        %get3A_962 = arith.index_cast %add3A_943 : i32 to index
        %get3A_963 = arith.constant 64 : index
        %get3A_964 = tpu.vector_load %arg7[%get3A_961, %get3A_962, %get3A_963] {strides = array<i32>} : memref<2x128x128xf32, #tpu.memory_space<vmem>>, vector<16xf32>,
        %select_n3A_965 = arith.select %ne3A_954, %get3A_964, %get3A_959 : vector<16xi1>, vector<16xf32>
        %swap3A_966 = arith.constant 0 : i32
        %swap3A_967 = arith.index_cast %swap3A_966 : i32 to index
        %swap3A_968 = arith.index_cast %add3A_943 : i32 to index
        %swap3A_969 = arith.constant 0 : index
        %swap3A_970 = tpu.vector_load %arg8[%swap3A_967, %swap3A_968, %swap3A_969] {strides = array<i32>} : memref<2x128x64xf32, #tpu.memory_space<vmem>>, vector<16xf32>,
        tpu.vector_store %arg8[%swap3A_967, %swap3A_968, %swap3A_969], %select_n3A_965 {strides = array<i32>} : memref<2x128x64xf32, #tpu.memory_space<vmem>>, vector<16xf32>,
        %get3A_971 = arith.constant 0 : i32
        %get3A_972 = arith.index_cast %get3A_971 : i32 to index
        %get3A_973 = arith.index_cast %add3A_943 : i32 to index
        %get3A_974 = arith.constant 16 : index
        %get3A_975 = tpu.vector_load %arg7[%get3A_972, %get3A_973, %get3A_974] {strides = array<i32>} : memref<2x128x128xf32, #tpu.memory_space<vmem>>, vector<16xf32>,
        %get3A_976 = arith.constant 0 : i32
        %get3A_977 = arith.index_cast %get3A_976 : i32 to index
        %get3A_978 = arith.index_cast %add3A_943 : i32 to index
        %get3A_979 = arith.constant 80 : index
        %get3A_980 = tpu.vector_load %arg7[%get3A_977, %get3A_978, %get3A_979] {strides = array<i32>} : memref<2x128x128xf32, #tpu.memory_space<vmem>>, vector<16xf32>,
        %select_n3A_981 = arith.select %ne3A_954, %get3A_980, %get3A_975 : vector<16xi1>, vector<16xf32>
        %swap3A_982 = arith.constant 0 : i32
        %swap3A_983 = arith.index_cast %swap3A_982 : i32 to index
        %swap3A_984 = arith.index_cast %add3A_943 : i32 to index
        %swap3A_985 = arith.constant 16 : index
        %swap3A_986 = tpu.vector_load %arg8[%swap3A_983, %swap3A_984, %swap3A_985] {strides = array<i32>} : memref<2x128x64xf32, #tpu.memory_space<vmem>>, vector<16xf32>,
        tpu.vector_store %arg8[%swap3A_983, %swap3A_984, %swap3A_985], %select_n3A_981 {strides = array<i32>} : memref<2x128x64xf32, #tpu.memory_space<vmem>>, vector<16xf32>,
        %get3A_987 = arith.constant 0 : i32
        %get3A_988 = arith.index_cast %get3A_987 : i32 to index
        %get3A_989 = arith.index_cast %add3A_943 : i32 to index
        %get3A_990 = arith.constant 32 : index
        %get3A_991 = tpu.vector_load %arg7[%get3A_988, %get3A_989, %get3A_990] {strides = array<i32>} : memref<2x128x128xf32, #tpu.memory_space<vmem>>, vector<16xf32>,
        %get3A_992 = arith.constant 0 : i32
        %get3A_993 = arith.index_cast %get3A_992 : i32 to index
        %get3A_994 = arith.index_cast %add3A_943 : i32 to index
        %get3A_995 = arith.constant 96 : index
        %get3A_996 = tpu.vector_load %arg7[%get3A_993, %get3A_994, %get3A_995] {strides = array<i32>} : memref<2x128x128xf32, #tpu.memory_space<vmem>>, vector<16xf32>,
        %select_n3A_997 = arith.select %ne3A_954, %get3A_996, %get3A_991 : vector<16xi1>, vector<16xf32>
        %swap3A_998 = arith.constant 0 : i32
        %swap3A_999 = arith.index_cast %swap3A_998 : i32 to index
        %swap3A_1000 = arith.index_cast %add3A_943 : i32 to index
        %swap3A_1001 = arith.constant 32 : index
        %swap3A_1002 = tpu.vector_load %arg8[%swap3A_999, %swap3A_1000, %swap3A_1001] {strides = array<i32>} : memref<2x128x64xf32, #tpu.memory_space<vmem>>, vector<16xf32>,
        tpu.vector_store %arg8[%swap3A_999, %swap3A_1000, %swap3A_1001], %select_n3A_997 {strides = array<i32>} : memref<2x128x64xf32, #tpu.memory_space<vmem>>, vector<16xf32>,
        %get3A_1003 = arith.constant 0 : i32
        %get3A_1004 = arith.index_cast %get3A_1003 : i32 to index
        %get3A_1005 = arith.index_cast %add3A_943 : i32 to index
        %get3A_1006 = arith.constant 48 : index
        %get3A_1007 = tpu.vector_load %arg7[%get3A_1004, %get3A_1005, %get3A_1006] {strides = array<i32>} : memref<2x128x128xf32, #tpu.memory_space<vmem>>, vector<16xf32>,
        %get3A_1008 = arith.constant 0 : i32
        %get3A_1009 = arith.index_cast %get3A_1008 : i32 to index
        %get3A_1010 = arith.index_cast %add3A_943 : i32 to index
        %get3A_1011 = arith.constant 112 : index
        %get3A_1012 = tpu.vector_load %arg7[%get3A_1009, %get3A_1010, %get3A_1011] {strides = array<i32>} : memref<2x128x128xf32, #tpu.memory_space<vmem>>, vector<16xf32>,
        %select_n3A_1013 = arith.select %ne3A_954, %get3A_1012, %get3A_1007 : vector<16xi1>, vector<16xf32>
        %swap3A_1014 = arith.constant 0 : i32
        %swap3A_1015 = arith.index_cast %swap3A_1014 : i32 to index
        %swap3A_1016 = arith.index_cast %add3A_943 : i32 to index
        %swap3A_1017 = arith.constant 48 : index
        %swap3A_1018 = tpu.vector_load %arg8[%swap3A_1015, %swap3A_1016, %swap3A_1017] {strides = array<i32>} : memref<2x128x64xf32, #tpu.memory_space<vmem>>, vector<16xf32>,
        tpu.vector_store %arg8[%swap3A_1015, %swap3A_1016, %swap3A_1017], %select_n3A_1013 {strides = array<i32>} : memref<2x128x64xf32, #tpu.memory_space<vmem>>, vector<16xf32>,
        %mul3A_1019 = arith.constant 16 : i32
        %mul3A_1020 = arith.muli %scan3A_154, %mul3A_1019 : i32
        %add3A_1021 = arith.constant 11 : i32
        %add3A_1022 = arith.addi %mul3A_1020, %add3A_1021 : i32
        %mul3A_1023 = arith.constant 128 : i32
        %mul3A_1024 = arith.muli %add3A_92, %mul3A_1023 : i32
        %add3A_1025 = arith.addi %mul3A_1024, %add3A_1022 : i32
        %broadcast_in_dim3A_1026 = vector.broadcast %add3A_1025 : i32 to vector<16xi32>
        %gather3A_1027 = tpu.vector_load_idx %arg5[%broadcast_in_dim3A_1026] : memref<25600xi32, #tpu.memory_space<vmem>>[vector<16xi32>], vector<16xi32>,
        %and3A_1028 = arith.constant 1 : i32
        %and3A_1029 = vector.broadcast %and3A_1028 : i32 to vector<16xi32>
        %and3A_1030 = arith.andi %gather3A_1027, %and3A_1029 : vector<16xi32>
        %ne3A_1031 = arith.constant 0 : i32
        %ne3A_1032 = vector.broadcast %ne3A_1031 : i32 to vector<16xi32>
        %ne3A_1033 = arith.cmpi ne, %and3A_1030, %ne3A_1032 : vector<16xi32>
        %get3A_1034 = arith.constant 0 : i32
        %get3A_1035 = arith.index_cast %get3A_1034 : i32 to index
        %get3A_1036 = arith.index_cast %add3A_1022 : i32 to index
        %get3A_1037 = arith.constant 0 : index
        %get3A_1038 = tpu.vector_load %arg7[%get3A_1035, %get3A_1036, %get3A_1037] {strides = array<i32>} : memref<2x128x128xf32, #tpu.memory_space<vmem>>, vector<16xf32>,
        %get3A_1039 = arith.constant 0 : i32
        %get3A_1040 = arith.index_cast %get3A_1039 : i32 to index
        %get3A_1041 = arith.index_cast %add3A_1022 : i32 to index
        %get3A_1042 = arith.constant 64 : index
        %get3A_1043 = tpu.vector_load %arg7[%get3A_1040, %get3A_1041, %get3A_1042] {strides = array<i32>} : memref<2x128x128xf32, #tpu.memory_space<vmem>>, vector<16xf32>,
        %select_n3A_1044 = arith.select %ne3A_1033, %get3A_1043, %get3A_1038 : vector<16xi1>, vector<16xf32>
        %swap3A_1045 = arith.constant 0 : i32
        %swap3A_1046 = arith.index_cast %swap3A_1045 : i32 to index
        %swap3A_1047 = arith.index_cast %add3A_1022 : i32 to index
        %swap3A_1048 = arith.constant 0 : index
        %swap3A_1049 = tpu.vector_load %arg8[%swap3A_1046, %swap3A_1047, %swap3A_1048] {strides = array<i32>} : memref<2x128x64xf32, #tpu.memory_space<vmem>>, vector<16xf32>,
        tpu.vector_store %arg8[%swap3A_1046, %swap3A_1047, %swap3A_1048], %select_n3A_1044 {strides = array<i32>} : memref<2x128x64xf32, #tpu.memory_space<vmem>>, vector<16xf32>,
        %get3A_1050 = arith.constant 0 : i32
        %get3A_1051 = arith.index_cast %get3A_1050 : i32 to index
        %get3A_1052 = arith.index_cast %add3A_1022 : i32 to index
        %get3A_1053 = arith.constant 16 : index
        %get3A_1054 = tpu.vector_load %arg7[%get3A_1051, %get3A_1052, %get3A_1053] {strides = array<i32>} : memref<2x128x128xf32, #tpu.memory_space<vmem>>, vector<16xf32>,
        %get3A_1055 = arith.constant 0 : i32
        %get3A_1056 = arith.index_cast %get3A_1055 : i32 to index
        %get3A_1057 = arith.index_cast %add3A_1022 : i32 to index
        %get3A_1058 = arith.constant 80 : index
        %get3A_1059 = tpu.vector_load %arg7[%get3A_1056, %get3A_1057, %get3A_1058] {strides = array<i32>} : memref<2x128x128xf32, #tpu.memory_space<vmem>>, vector<16xf32>,
        %select_n3A_1060 = arith.select %ne3A_1033, %get3A_1059, %get3A_1054 : vector<16xi1>, vector<16xf32>
        %swap3A_1061 = arith.constant 0 : i32
        %swap3A_1062 = arith.index_cast %swap3A_1061 : i32 to index
        %swap3A_1063 = arith.index_cast %add3A_1022 : i32 to index
        %swap3A_1064 = arith.constant 16 : index
        %swap3A_1065 = tpu.vector_load %arg8[%swap3A_1062, %swap3A_1063, %swap3A_1064] {strides = array<i32>} : memref<2x128x64xf32, #tpu.memory_space<vmem>>, vector<16xf32>,
        tpu.vector_store %arg8[%swap3A_1062, %swap3A_1063, %swap3A_1064], %select_n3A_1060 {strides = array<i32>} : memref<2x128x64xf32, #tpu.memory_space<vmem>>, vector<16xf32>,
        %get3A_1066 = arith.constant 0 : i32
        %get3A_1067 = arith.index_cast %get3A_1066 : i32 to index
        %get3A_1068 = arith.index_cast %add3A_1022 : i32 to index
        %get3A_1069 = arith.constant 32 : index
        %get3A_1070 = tpu.vector_load %arg7[%get3A_1067, %get3A_1068, %get3A_1069] {strides = array<i32>} : memref<2x128x128xf32, #tpu.memory_space<vmem>>, vector<16xf32>,
        %get3A_1071 = arith.constant 0 : i32
        %get3A_1072 = arith.index_cast %get3A_1071 : i32 to index
        %get3A_1073 = arith.index_cast %add3A_1022 : i32 to index
        %get3A_1074 = arith.constant 96 : index
        %get3A_1075 = tpu.vector_load %arg7[%get3A_1072, %get3A_1073, %get3A_1074] {strides = array<i32>} : memref<2x128x128xf32, #tpu.memory_space<vmem>>, vector<16xf32>,
        %select_n3A_1076 = arith.select %ne3A_1033, %get3A_1075, %get3A_1070 : vector<16xi1>, vector<16xf32>
        %swap3A_1077 = arith.constant 0 : i32
        %swap3A_1078 = arith.index_cast %swap3A_1077 : i32 to index
        %swap3A_1079 = arith.index_cast %add3A_1022 : i32 to index
        %swap3A_1080 = arith.constant 32 : index
        %swap3A_1081 = tpu.vector_load %arg8[%swap3A_1078, %swap3A_1079, %swap3A_1080] {strides = array<i32>} : memref<2x128x64xf32, #tpu.memory_space<vmem>>, vector<16xf32>,
        tpu.vector_store %arg8[%swap3A_1078, %swap3A_1079, %swap3A_1080], %select_n3A_1076 {strides = array<i32>} : memref<2x128x64xf32, #tpu.memory_space<vmem>>, vector<16xf32>,
        %get3A_1082 = arith.constant 0 : i32
        %get3A_1083 = arith.index_cast %get3A_1082 : i32 to index
        %get3A_1084 = arith.index_cast %add3A_1022 : i32 to index
        %get3A_1085 = arith.constant 48 : index
        %get3A_1086 = tpu.vector_load %arg7[%get3A_1083, %get3A_1084, %get3A_1085] {strides = array<i32>} : memref<2x128x128xf32, #tpu.memory_space<vmem>>, vector<16xf32>,
        %get3A_1087 = arith.constant 0 : i32
        %get3A_1088 = arith.index_cast %get3A_1087 : i32 to index
        %get3A_1089 = arith.index_cast %add3A_1022 : i32 to index
        %get3A_1090 = arith.constant 112 : index
        %get3A_1091 = tpu.vector_load %arg7[%get3A_1088, %get3A_1089, %get3A_1090] {strides = array<i32>} : memref<2x128x128xf32, #tpu.memory_space<vmem>>, vector<16xf32>,
        %select_n3A_1092 = arith.select %ne3A_1033, %get3A_1091, %get3A_1086 : vector<16xi1>, vector<16xf32>
        %swap3A_1093 = arith.constant 0 : i32
        %swap3A_1094 = arith.index_cast %swap3A_1093 : i32 to index
        %swap3A_1095 = arith.index_cast %add3A_1022 : i32 to index
        %swap3A_1096 = arith.constant 48 : index
        %swap3A_1097 = tpu.vector_load %arg8[%swap3A_1094, %swap3A_1095, %swap3A_1096] {strides = array<i32>} : memref<2x128x64xf32, #tpu.memory_space<vmem>>, vector<16xf32>,
        tpu.vector_store %arg8[%swap3A_1094, %swap3A_1095, %swap3A_1096], %select_n3A_1092 {strides = array<i32>} : memref<2x128x64xf32, #tpu.memory_space<vmem>>, vector<16xf32>,
        %mul3A_1098 = arith.constant 16 : i32
        %mul3A_1099 = arith.muli %scan3A_154, %mul3A_1098 : i32
        %add3A_1100 = arith.constant 12 : i32
        %add3A_1101 = arith.addi %mul3A_1099, %add3A_1100 : i32
        %mul3A_1102 = arith.constant 128 : i32
        %mul3A_1103 = arith.muli %add3A_92, %mul3A_1102 : i32
        %add3A_1104 = arith.addi %mul3A_1103, %add3A_1101 : i32
        %broadcast_in_dim3A_1105 = vector.broadcast %add3A_1104 : i32 to vector<16xi32>
        %gather3A_1106 = tpu.vector_load_idx %arg5[%broadcast_in_dim3A_1105] : memref<25600xi32, #tpu.memory_space<vmem>>[vector<16xi32>], vector<16xi32>,
        %and3A_1107 = arith.constant 1 : i32
        %and3A_1108 = vector.broadcast %and3A_1107 : i32 to vector<16xi32>
        %and3A_1109 = arith.andi %gather3A_1106, %and3A_1108 : vector<16xi32>
        %ne3A_1110 = arith.constant 0 : i32
        %ne3A_1111 = vector.broadcast %ne3A_1110 : i32 to vector<16xi32>
        %ne3A_1112 = arith.cmpi ne, %and3A_1109, %ne3A_1111 : vector<16xi32>
        %get3A_1113 = arith.constant 0 : i32
        %get3A_1114 = arith.index_cast %get3A_1113 : i32 to index
        %get3A_1115 = arith.index_cast %add3A_1101 : i32 to index
        %get3A_1116 = arith.constant 0 : index
        %get3A_1117 = tpu.vector_load %arg7[%get3A_1114, %get3A_1115, %get3A_1116] {strides = array<i32>} : memref<2x128x128xf32, #tpu.memory_space<vmem>>, vector<16xf32>,
        %get3A_1118 = arith.constant 0 : i32
        %get3A_1119 = arith.index_cast %get3A_1118 : i32 to index
        %get3A_1120 = arith.index_cast %add3A_1101 : i32 to index
        %get3A_1121 = arith.constant 64 : index
        %get3A_1122 = tpu.vector_load %arg7[%get3A_1119, %get3A_1120, %get3A_1121] {strides = array<i32>} : memref<2x128x128xf32, #tpu.memory_space<vmem>>, vector<16xf32>,
        %select_n3A_1123 = arith.select %ne3A_1112, %get3A_1122, %get3A_1117 : vector<16xi1>, vector<16xf32>
        %swap3A_1124 = arith.constant 0 : i32
        %swap3A_1125 = arith.index_cast %swap3A_1124 : i32 to index
        %swap3A_1126 = arith.index_cast %add3A_1101 : i32 to index
        %swap3A_1127 = arith.constant 0 : index
        %swap3A_1128 = tpu.vector_load %arg8[%swap3A_1125, %swap3A_1126, %swap3A_1127] {strides = array<i32>} : memref<2x128x64xf32, #tpu.memory_space<vmem>>, vector<16xf32>,
        tpu.vector_store %arg8[%swap3A_1125, %swap3A_1126, %swap3A_1127], %select_n3A_1123 {strides = array<i32>} : memref<2x128x64xf32, #tpu.memory_space<vmem>>, vector<16xf32>,
        %get3A_1129 = arith.constant 0 : i32
        %get3A_1130 = arith.index_cast %get3A_1129 : i32 to index
        %get3A_1131 = arith.index_cast %add3A_1101 : i32 to index
        %get3A_1132 = arith.constant 16 : index
        %get3A_1133 = tpu.vector_load %arg7[%get3A_1130, %get3A_1131, %get3A_1132] {strides = array<i32>} : memref<2x128x128xf32, #tpu.memory_space<vmem>>, vector<16xf32>,
        %get3A_1134 = arith.constant 0 : i32
        %get3A_1135 = arith.index_cast %get3A_1134 : i32 to index
        %get3A_1136 = arith.index_cast %add3A_1101 : i32 to index
        %get3A_1137 = arith.constant 80 : index
        %get3A_1138 = tpu.vector_load %arg7[%get3A_1135, %get3A_1136, %get3A_1137] {strides = array<i32>} : memref<2x128x128xf32, #tpu.memory_space<vmem>>, vector<16xf32>,
        %select_n3A_1139 = arith.select %ne3A_1112, %get3A_1138, %get3A_1133 : vector<16xi1>, vector<16xf32>
        %swap3A_1140 = arith.constant 0 : i32
        %swap3A_1141 = arith.index_cast %swap3A_1140 : i32 to index
        %swap3A_1142 = arith.index_cast %add3A_1101 : i32 to index
        %swap3A_1143 = arith.constant 16 : index
        %swap3A_1144 = tpu.vector_load %arg8[%swap3A_1141, %swap3A_1142, %swap3A_1143] {strides = array<i32>} : memref<2x128x64xf32, #tpu.memory_space<vmem>>, vector<16xf32>,
        tpu.vector_store %arg8[%swap3A_1141, %swap3A_1142, %swap3A_1143], %select_n3A_1139 {strides = array<i32>} : memref<2x128x64xf32, #tpu.memory_space<vmem>>, vector<16xf32>,
        %get3A_1145 = arith.constant 0 : i32
        %get3A_1146 = arith.index_cast %get3A_1145 : i32 to index
        %get3A_1147 = arith.index_cast %add3A_1101 : i32 to index
        %get3A_1148 = arith.constant 32 : index
        %get3A_1149 = tpu.vector_load %arg7[%get3A_1146, %get3A_1147, %get3A_1148] {strides = array<i32>} : memref<2x128x128xf32, #tpu.memory_space<vmem>>, vector<16xf32>,
        %get3A_1150 = arith.constant 0 : i32
        %get3A_1151 = arith.index_cast %get3A_1150 : i32 to index
        %get3A_1152 = arith.index_cast %add3A_1101 : i32 to index
        %get3A_1153 = arith.constant 96 : index
        %get3A_1154 = tpu.vector_load %arg7[%get3A_1151, %get3A_1152, %get3A_1153] {strides = array<i32>} : memref<2x128x128xf32, #tpu.memory_space<vmem>>, vector<16xf32>,
        %select_n3A_1155 = arith.select %ne3A_1112, %get3A_1154, %get3A_1149 : vector<16xi1>, vector<16xf32>
        %swap3A_1156 = arith.constant 0 : i32
        %swap3A_1157 = arith.index_cast %swap3A_1156 : i32 to index
        %swap3A_1158 = arith.index_cast %add3A_1101 : i32 to index
        %swap3A_1159 = arith.constant 32 : index
        %swap3A_1160 = tpu.vector_load %arg8[%swap3A_1157, %swap3A_1158, %swap3A_1159] {strides = array<i32>} : memref<2x128x64xf32, #tpu.memory_space<vmem>>, vector<16xf32>,
        tpu.vector_store %arg8[%swap3A_1157, %swap3A_1158, %swap3A_1159], %select_n3A_1155 {strides = array<i32>} : memref<2x128x64xf32, #tpu.memory_space<vmem>>, vector<16xf32>,
        %get3A_1161 = arith.constant 0 : i32
        %get3A_1162 = arith.index_cast %get3A_1161 : i32 to index
        %get3A_1163 = arith.index_cast %add3A_1101 : i32 to index
        %get3A_1164 = arith.constant 48 : index
        %get3A_1165 = tpu.vector_load %arg7[%get3A_1162, %get3A_1163, %get3A_1164] {strides = array<i32>} : memref<2x128x128xf32, #tpu.memory_space<vmem>>, vector<16xf32>,
        %get3A_1166 = arith.constant 0 : i32
        %get3A_1167 = arith.index_cast %get3A_1166 : i32 to index
        %get3A_1168 = arith.index_cast %add3A_1101 : i32 to index
        %get3A_1169 = arith.constant 112 : index
        %get3A_1170 = tpu.vector_load %arg7[%get3A_1167, %get3A_1168, %get3A_1169] {strides = array<i32>} : memref<2x128x128xf32, #tpu.memory_space<vmem>>, vector<16xf32>,
        %select_n3A_1171 = arith.select %ne3A_1112, %get3A_1170, %get3A_1165 : vector<16xi1>, vector<16xf32>
        %swap3A_1172 = arith.constant 0 : i32
        %swap3A_1173 = arith.index_cast %swap3A_1172 : i32 to index
        %swap3A_1174 = arith.index_cast %add3A_1101 : i32 to index
        %swap3A_1175 = arith.constant 48 : index
        %swap3A_1176 = tpu.vector_load %arg8[%swap3A_1173, %swap3A_1174, %swap3A_1175] {strides = array<i32>} : memref<2x128x64xf32, #tpu.memory_space<vmem>>, vector<16xf32>,
        tpu.vector_store %arg8[%swap3A_1173, %swap3A_1174, %swap3A_1175], %select_n3A_1171 {strides = array<i32>} : memref<2x128x64xf32, #tpu.memory_space<vmem>>, vector<16xf32>,
        %mul3A_1177 = arith.constant 16 : i32
        %mul3A_1178 = arith.muli %scan3A_154, %mul3A_1177 : i32
        %add3A_1179 = arith.constant 13 : i32
        %add3A_1180 = arith.addi %mul3A_1178, %add3A_1179 : i32
        %mul3A_1181 = arith.constant 128 : i32
        %mul3A_1182 = arith.muli %add3A_92, %mul3A_1181 : i32
        %add3A_1183 = arith.addi %mul3A_1182, %add3A_1180 : i32
        %broadcast_in_dim3A_1184 = vector.broadcast %add3A_1183 : i32 to vector<16xi32>
        %gather3A_1185 = tpu.vector_load_idx %arg5[%broadcast_in_dim3A_1184] : memref<25600xi32, #tpu.memory_space<vmem>>[vector<16xi32>], vector<16xi32>,
        %and3A_1186 = arith.constant 1 : i32
        %and3A_1187 = vector.broadcast %and3A_1186 : i32 to vector<16xi32>
        %and3A_1188 = arith.andi %gather3A_1185, %and3A_1187 : vector<16xi32>
        %ne3A_1189 = arith.constant 0 : i32
        %ne3A_1190 = vector.broadcast %ne3A_1189 : i32 to vector<16xi32>
        %ne3A_1191 = arith.cmpi ne, %and3A_1188, %ne3A_1190 : vector<16xi32>
        %get3A_1192 = arith.constant 0 : i32
        %get3A_1193 = arith.index_cast %get3A_1192 : i32 to index
        %get3A_1194 = arith.index_cast %add3A_1180 : i32 to index
        %get3A_1195 = arith.constant 0 : index
        %get3A_1196 = tpu.vector_load %arg7[%get3A_1193, %get3A_1194, %get3A_1195] {strides = array<i32>} : memref<2x128x128xf32, #tpu.memory_space<vmem>>, vector<16xf32>,
        %get3A_1197 = arith.constant 0 : i32
        %get3A_1198 = arith.index_cast %get3A_1197 : i32 to index
        %get3A_1199 = arith.index_cast %add3A_1180 : i32 to index
        %get3A_1200 = arith.constant 64 : index
        %get3A_1201 = tpu.vector_load %arg7[%get3A_1198, %get3A_1199, %get3A_1200] {strides = array<i32>} : memref<2x128x128xf32, #tpu.memory_space<vmem>>, vector<16xf32>,
        %select_n3A_1202 = arith.select %ne3A_1191, %get3A_1201, %get3A_1196 : vector<16xi1>, vector<16xf32>
        %swap3A_1203 = arith.constant 0 : i32
        %swap3A_1204 = arith.index_cast %swap3A_1203 : i32 to index
        %swap3A_1205 = arith.index_cast %add3A_1180 : i32 to index
        %swap3A_1206 = arith.constant 0 : index
        %swap3A_1207 = tpu.vector_load %arg8[%swap3A_1204, %swap3A_1205, %swap3A_1206] {strides = array<i32>} : memref<2x128x64xf32, #tpu.memory_space<vmem>>, vector<16xf32>,
        tpu.vector_store %arg8[%swap3A_1204, %swap3A_1205, %swap3A_1206], %select_n3A_1202 {strides = array<i32>} : memref<2x128x64xf32, #tpu.memory_space<vmem>>, vector<16xf32>,
        %get3A_1208 = arith.constant 0 : i32
        %get3A_1209 = arith.index_cast %get3A_1208 : i32 to index
        %get3A_1210 = arith.index_cast %add3A_1180 : i32 to index
        %get3A_1211 = arith.constant 16 : index
        %get3A_1212 = tpu.vector_load %arg7[%get3A_1209, %get3A_1210, %get3A_1211] {strides = array<i32>} : memref<2x128x128xf32, #tpu.memory_space<vmem>>, vector<16xf32>,
        %get3A_1213 = arith.constant 0 : i32
        %get3A_1214 = arith.index_cast %get3A_1213 : i32 to index
        %get3A_1215 = arith.index_cast %add3A_1180 : i32 to index
        %get3A_1216 = arith.constant 80 : index
        %get3A_1217 = tpu.vector_load %arg7[%get3A_1214, %get3A_1215, %get3A_1216] {strides = array<i32>} : memref<2x128x128xf32, #tpu.memory_space<vmem>>, vector<16xf32>,
        %select_n3A_1218 = arith.select %ne3A_1191, %get3A_1217, %get3A_1212 : vector<16xi1>, vector<16xf32>
        %swap3A_1219 = arith.constant 0 : i32
        %swap3A_1220 = arith.index_cast %swap3A_1219 : i32 to index
        %swap3A_1221 = arith.index_cast %add3A_1180 : i32 to index
        %swap3A_1222 = arith.constant 16 : index
        %swap3A_1223 = tpu.vector_load %arg8[%swap3A_1220, %swap3A_1221, %swap3A_1222] {strides = array<i32>} : memref<2x128x64xf32, #tpu.memory_space<vmem>>, vector<16xf32>,
        tpu.vector_store %arg8[%swap3A_1220, %swap3A_1221, %swap3A_1222], %select_n3A_1218 {strides = array<i32>} : memref<2x128x64xf32, #tpu.memory_space<vmem>>, vector<16xf32>,
        %get3A_1224 = arith.constant 0 : i32
        %get3A_1225 = arith.index_cast %get3A_1224 : i32 to index
        %get3A_1226 = arith.index_cast %add3A_1180 : i32 to index
        %get3A_1227 = arith.constant 32 : index
        %get3A_1228 = tpu.vector_load %arg7[%get3A_1225, %get3A_1226, %get3A_1227] {strides = array<i32>} : memref<2x128x128xf32, #tpu.memory_space<vmem>>, vector<16xf32>,
        %get3A_1229 = arith.constant 0 : i32
        %get3A_1230 = arith.index_cast %get3A_1229 : i32 to index
        %get3A_1231 = arith.index_cast %add3A_1180 : i32 to index
        %get3A_1232 = arith.constant 96 : index
        %get3A_1233 = tpu.vector_load %arg7[%get3A_1230, %get3A_1231, %get3A_1232] {strides = array<i32>} : memref<2x128x128xf32, #tpu.memory_space<vmem>>, vector<16xf32>,
        %select_n3A_1234 = arith.select %ne3A_1191, %get3A_1233, %get3A_1228 : vector<16xi1>, vector<16xf32>
        %swap3A_1235 = arith.constant 0 : i32
        %swap3A_1236 = arith.index_cast %swap3A_1235 : i32 to index
        %swap3A_1237 = arith.index_cast %add3A_1180 : i32 to index
        %swap3A_1238 = arith.constant 32 : index
        %swap3A_1239 = tpu.vector_load %arg8[%swap3A_1236, %swap3A_1237, %swap3A_1238] {strides = array<i32>} : memref<2x128x64xf32, #tpu.memory_space<vmem>>, vector<16xf32>,
        tpu.vector_store %arg8[%swap3A_1236, %swap3A_1237, %swap3A_1238], %select_n3A_1234 {strides = array<i32>} : memref<2x128x64xf32, #tpu.memory_space<vmem>>, vector<16xf32>,
        %get3A_1240 = arith.constant 0 : i32
        %get3A_1241 = arith.index_cast %get3A_1240 : i32 to index
        %get3A_1242 = arith.index_cast %add3A_1180 : i32 to index
        %get3A_1243 = arith.constant 48 : index
        %get3A_1244 = tpu.vector_load %arg7[%get3A_1241, %get3A_1242, %get3A_1243] {strides = array<i32>} : memref<2x128x128xf32, #tpu.memory_space<vmem>>, vector<16xf32>,
        %get3A_1245 = arith.constant 0 : i32
        %get3A_1246 = arith.index_cast %get3A_1245 : i32 to index
        %get3A_1247 = arith.index_cast %add3A_1180 : i32 to index
        %get3A_1248 = arith.constant 112 : index
        %get3A_1249 = tpu.vector_load %arg7[%get3A_1246, %get3A_1247, %get3A_1248] {strides = array<i32>} : memref<2x128x128xf32, #tpu.memory_space<vmem>>, vector<16xf32>,
        %select_n3A_1250 = arith.select %ne3A_1191, %get3A_1249, %get3A_1244 : vector<16xi1>, vector<16xf32>
        %swap3A_1251 = arith.constant 0 : i32
        %swap3A_1252 = arith.index_cast %swap3A_1251 : i32 to index
        %swap3A_1253 = arith.index_cast %add3A_1180 : i32 to index
        %swap3A_1254 = arith.constant 48 : index
        %swap3A_1255 = tpu.vector_load %arg8[%swap3A_1252, %swap3A_1253, %swap3A_1254] {strides = array<i32>} : memref<2x128x64xf32, #tpu.memory_space<vmem>>, vector<16xf32>,
        tpu.vector_store %arg8[%swap3A_1252, %swap3A_1253, %swap3A_1254], %select_n3A_1250 {strides = array<i32>} : memref<2x128x64xf32, #tpu.memory_space<vmem>>, vector<16xf32>,
        %mul3A_1256 = arith.constant 16 : i32
        %mul3A_1257 = arith.muli %scan3A_154, %mul3A_1256 : i32
        %add3A_1258 = arith.constant 14 : i32
        %add3A_1259 = arith.addi %mul3A_1257, %add3A_1258 : i32
        %mul3A_1260 = arith.constant 128 : i32
        %mul3A_1261 = arith.muli %add3A_92, %mul3A_1260 : i32
        %add3A_1262 = arith.addi %mul3A_1261, %add3A_1259 : i32
        %broadcast_in_dim3A_1263 = vector.broadcast %add3A_1262 : i32 to vector<16xi32>
        %gather3A_1264 = tpu.vector_load_idx %arg5[%broadcast_in_dim3A_1263] : memref<25600xi32, #tpu.memory_space<vmem>>[vector<16xi32>], vector<16xi32>,
        %and3A_1265 = arith.constant 1 : i32
        %and3A_1266 = vector.broadcast %and3A_1265 : i32 to vector<16xi32>
        %and3A_1267 = arith.andi %gather3A_1264, %and3A_1266 : vector<16xi32>
        %ne3A_1268 = arith.constant 0 : i32
        %ne3A_1269 = vector.broadcast %ne3A_1268 : i32 to vector<16xi32>
        %ne3A_1270 = arith.cmpi ne, %and3A_1267, %ne3A_1269 : vector<16xi32>
        %get3A_1271 = arith.constant 0 : i32
        %get3A_1272 = arith.index_cast %get3A_1271 : i32 to index
        %get3A_1273 = arith.index_cast %add3A_1259 : i32 to index
        %get3A_1274 = arith.constant 0 : index
        %get3A_1275 = tpu.vector_load %arg7[%get3A_1272, %get3A_1273, %get3A_1274] {strides = array<i32>} : memref<2x128x128xf32, #tpu.memory_space<vmem>>, vector<16xf32>,
        %get3A_1276 = arith.constant 0 : i32
        %get3A_1277 = arith.index_cast %get3A_1276 : i32 to index
        %get3A_1278 = arith.index_cast %add3A_1259 : i32 to index
        %get3A_1279 = arith.constant 64 : index
        %get3A_1280 = tpu.vector_load %arg7[%get3A_1277, %get3A_1278, %get3A_1279] {strides = array<i32>} : memref<2x128x128xf32, #tpu.memory_space<vmem>>, vector<16xf32>,
        %select_n3A_1281 = arith.select %ne3A_1270, %get3A_1280, %get3A_1275 : vector<16xi1>, vector<16xf32>
        %swap3A_1282 = arith.constant 0 : i32
        %swap3A_1283 = arith.index_cast %swap3A_1282 : i32 to index
        %swap3A_1284 = arith.index_cast %add3A_1259 : i32 to index
        %swap3A_1285 = arith.constant 0 : index
        %swap3A_1286 = tpu.vector_load %arg8[%swap3A_1283, %swap3A_1284, %swap3A_1285] {strides = array<i32>} : memref<2x128x64xf32, #tpu.memory_space<vmem>>, vector<16xf32>,
        tpu.vector_store %arg8[%swap3A_1283, %swap3A_1284, %swap3A_1285], %select_n3A_1281 {strides = array<i32>} : memref<2x128x64xf32, #tpu.memory_space<vmem>>, vector<16xf32>,
        %get3A_1287 = arith.constant 0 : i32
        %get3A_1288 = arith.index_cast %get3A_1287 : i32 to index
        %get3A_1289 = arith.index_cast %add3A_1259 : i32 to index
        %get3A_1290 = arith.constant 16 : index
        %get3A_1291 = tpu.vector_load %arg7[%get3A_1288, %get3A_1289, %get3A_1290] {strides = array<i32>} : memref<2x128x128xf32, #tpu.memory_space<vmem>>, vector<16xf32>,
        %get3A_1292 = arith.constant 0 : i32
        %get3A_1293 = arith.index_cast %get3A_1292 : i32 to index
        %get3A_1294 = arith.index_cast %add3A_1259 : i32 to index
        %get3A_1295 = arith.constant 80 : index
        %get3A_1296 = tpu.vector_load %arg7[%get3A_1293, %get3A_1294, %get3A_1295] {strides = array<i32>} : memref<2x128x128xf32, #tpu.memory_space<vmem>>, vector<16xf32>,
        %select_n3A_1297 = arith.select %ne3A_1270, %get3A_1296, %get3A_1291 : vector<16xi1>, vector<16xf32>
        %swap3A_1298 = arith.constant 0 : i32
        %swap3A_1299 = arith.index_cast %swap3A_1298 : i32 to index
        %swap3A_1300 = arith.index_cast %add3A_1259 : i32 to index
        %swap3A_1301 = arith.constant 16 : index
        %swap3A_1302 = tpu.vector_load %arg8[%swap3A_1299, %swap3A_1300, %swap3A_1301] {strides = array<i32>} : memref<2x128x64xf32, #tpu.memory_space<vmem>>, vector<16xf32>,
        tpu.vector_store %arg8[%swap3A_1299, %swap3A_1300, %swap3A_1301], %select_n3A_1297 {strides = array<i32>} : memref<2x128x64xf32, #tpu.memory_space<vmem>>, vector<16xf32>,
        %get3A_1303 = arith.constant 0 : i32
        %get3A_1304 = arith.index_cast %get3A_1303 : i32 to index
        %get3A_1305 = arith.index_cast %add3A_1259 : i32 to index
        %get3A_1306 = arith.constant 32 : index
        %get3A_1307 = tpu.vector_load %arg7[%get3A_1304, %get3A_1305, %get3A_1306] {strides = array<i32>} : memref<2x128x128xf32, #tpu.memory_space<vmem>>, vector<16xf32>,
        %get3A_1308 = arith.constant 0 : i32
        %get3A_1309 = arith.index_cast %get3A_1308 : i32 to index
        %get3A_1310 = arith.index_cast %add3A_1259 : i32 to index
        %get3A_1311 = arith.constant 96 : index
        %get3A_1312 = tpu.vector_load %arg7[%get3A_1309, %get3A_1310, %get3A_1311] {strides = array<i32>} : memref<2x128x128xf32, #tpu.memory_space<vmem>>, vector<16xf32>,
        %select_n3A_1313 = arith.select %ne3A_1270, %get3A_1312, %get3A_1307 : vector<16xi1>, vector<16xf32>
        %swap3A_1314 = arith.constant 0 : i32
        %swap3A_1315 = arith.index_cast %swap3A_1314 : i32 to index
        %swap3A_1316 = arith.index_cast %add3A_1259 : i32 to index
        %swap3A_1317 = arith.constant 32 : index
        %swap3A_1318 = tpu.vector_load %arg8[%swap3A_1315, %swap3A_1316, %swap3A_1317] {strides = array<i32>} : memref<2x128x64xf32, #tpu.memory_space<vmem>>, vector<16xf32>,
        tpu.vector_store %arg8[%swap3A_1315, %swap3A_1316, %swap3A_1317], %select_n3A_1313 {strides = array<i32>} : memref<2x128x64xf32, #tpu.memory_space<vmem>>, vector<16xf32>,
        %get3A_1319 = arith.constant 0 : i32
        %get3A_1320 = arith.index_cast %get3A_1319 : i32 to index
        %get3A_1321 = arith.index_cast %add3A_1259 : i32 to index
        %get3A_1322 = arith.constant 48 : index
        %get3A_1323 = tpu.vector_load %arg7[%get3A_1320, %get3A_1321, %get3A_1322] {strides = array<i32>} : memref<2x128x128xf32, #tpu.memory_space<vmem>>, vector<16xf32>,
        %get3A_1324 = arith.constant 0 : i32
        %get3A_1325 = arith.index_cast %get3A_1324 : i32 to index
        %get3A_1326 = arith.index_cast %add3A_1259 : i32 to index
        %get3A_1327 = arith.constant 112 : index
        %get3A_1328 = tpu.vector_load %arg7[%get3A_1325, %get3A_1326, %get3A_1327] {strides = array<i32>} : memref<2x128x128xf32, #tpu.memory_space<vmem>>, vector<16xf32>,
        %select_n3A_1329 = arith.select %ne3A_1270, %get3A_1328, %get3A_1323 : vector<16xi1>, vector<16xf32>
        %swap3A_1330 = arith.constant 0 : i32
        %swap3A_1331 = arith.index_cast %swap3A_1330 : i32 to index
        %swap3A_1332 = arith.index_cast %add3A_1259 : i32 to index
        %swap3A_1333 = arith.constant 48 : index
        %swap3A_1334 = tpu.vector_load %arg8[%swap3A_1331, %swap3A_1332, %swap3A_1333] {strides = array<i32>} : memref<2x128x64xf32, #tpu.memory_space<vmem>>, vector<16xf32>,
        tpu.vector_store %arg8[%swap3A_1331, %swap3A_1332, %swap3A_1333], %select_n3A_1329 {strides = array<i32>} : memref<2x128x64xf32, #tpu.memory_space<vmem>>, vector<16xf32>,
        %mul3A_1335 = arith.constant 16 : i32
        %mul3A_1336 = arith.muli %scan3A_154, %mul3A_1335 : i32
        %add3A_1337 = arith.constant 15 : i32
        %add3A_1338 = arith.addi %mul3A_1336, %add3A_1337 : i32
        %mul3A_1339 = arith.constant 128 : i32
        %mul3A_1340 = arith.muli %add3A_92, %mul3A_1339 : i32
        %add3A_1341 = arith.addi %mul3A_1340, %add3A_1338 : i32
        %broadcast_in_dim3A_1342 = vector.broadcast %add3A_1341 : i32 to vector<16xi32>
        %gather3A_1343 = tpu.vector_load_idx %arg5[%broadcast_in_dim3A_1342] : memref<25600xi32, #tpu.memory_space<vmem>>[vector<16xi32>], vector<16xi32>,
        %and3A_1344 = arith.constant 1 : i32
        %and3A_1345 = vector.broadcast %and3A_1344 : i32 to vector<16xi32>
        %and3A_1346 = arith.andi %gather3A_1343, %and3A_1345 : vector<16xi32>
        %ne3A_1347 = arith.constant 0 : i32
        %ne3A_1348 = vector.broadcast %ne3A_1347 : i32 to vector<16xi32>
        %ne3A_1349 = arith.cmpi ne, %and3A_1346, %ne3A_1348 : vector<16xi32>
        %get3A_1350 = arith.constant 0 : i32
        %get3A_1351 = arith.index_cast %get3A_1350 : i32 to index
        %get3A_1352 = arith.index_cast %add3A_1338 : i32 to index
        %get3A_1353 = arith.constant 0 : index
        %get3A_1354 = tpu.vector_load %arg7[%get3A_1351, %get3A_1352, %get3A_1353] {strides = array<i32>} : memref<2x128x128xf32, #tpu.memory_space<vmem>>, vector<16xf32>,
        %get3A_1355 = arith.constant 0 : i32
        %get3A_1356 = arith.index_cast %get3A_1355 : i32 to index
        %get3A_1357 = arith.index_cast %add3A_1338 : i32 to index
        %get3A_1358 = arith.constant 64 : index
        %get3A_1359 = tpu.vector_load %arg7[%get3A_1356, %get3A_1357, %get3A_1358] {strides = array<i32>} : memref<2x128x128xf32, #tpu.memory_space<vmem>>, vector<16xf32>,
        %select_n3A_1360 = arith.select %ne3A_1349, %get3A_1359, %get3A_1354 : vector<16xi1>, vector<16xf32>
        %swap3A_1361 = arith.constant 0 : i32
        %swap3A_1362 = arith.index_cast %swap3A_1361 : i32 to index
        %swap3A_1363 = arith.index_cast %add3A_1338 : i32 to index
        %swap3A_1364 = arith.constant 0 : index
        %swap3A_1365 = tpu.vector_load %arg8[%swap3A_1362, %swap3A_1363, %swap3A_1364] {strides = array<i32>} : memref<2x128x64xf32, #tpu.memory_space<vmem>>, vector<16xf32>,
        tpu.vector_store %arg8[%swap3A_1362, %swap3A_1363, %swap3A_1364], %select_n3A_1360 {strides = array<i32>} : memref<2x128x64xf32, #tpu.memory_space<vmem>>, vector<16xf32>,
        %get3A_1366 = arith.constant 0 : i32
        %get3A_1367 = arith.index_cast %get3A_1366 : i32 to index
        %get3A_1368 = arith.index_cast %add3A_1338 : i32 to index
        %get3A_1369 = arith.constant 16 : index
        %get3A_1370 = tpu.vector_load %arg7[%get3A_1367, %get3A_1368, %get3A_1369] {strides = array<i32>} : memref<2x128x128xf32, #tpu.memory_space<vmem>>, vector<16xf32>,
        %get3A_1371 = arith.constant 0 : i32
        %get3A_1372 = arith.index_cast %get3A_1371 : i32 to index
        %get3A_1373 = arith.index_cast %add3A_1338 : i32 to index
        %get3A_1374 = arith.constant 80 : index
        %get3A_1375 = tpu.vector_load %arg7[%get3A_1372, %get3A_1373, %get3A_1374] {strides = array<i32>} : memref<2x128x128xf32, #tpu.memory_space<vmem>>, vector<16xf32>,
        %select_n3A_1376 = arith.select %ne3A_1349, %get3A_1375, %get3A_1370 : vector<16xi1>, vector<16xf32>
        %swap3A_1377 = arith.constant 0 : i32
        %swap3A_1378 = arith.index_cast %swap3A_1377 : i32 to index
        %swap3A_1379 = arith.index_cast %add3A_1338 : i32 to index
        %swap3A_1380 = arith.constant 16 : index
        %swap3A_1381 = tpu.vector_load %arg8[%swap3A_1378, %swap3A_1379, %swap3A_1380] {strides = array<i32>} : memref<2x128x64xf32, #tpu.memory_space<vmem>>, vector<16xf32>,
        tpu.vector_store %arg8[%swap3A_1378, %swap3A_1379, %swap3A_1380], %select_n3A_1376 {strides = array<i32>} : memref<2x128x64xf32, #tpu.memory_space<vmem>>, vector<16xf32>,
        %get3A_1382 = arith.constant 0 : i32
        %get3A_1383 = arith.index_cast %get3A_1382 : i32 to index
        %get3A_1384 = arith.index_cast %add3A_1338 : i32 to index
        %get3A_1385 = arith.constant 32 : index
        %get3A_1386 = tpu.vector_load %arg7[%get3A_1383, %get3A_1384, %get3A_1385] {strides = array<i32>} : memref<2x128x128xf32, #tpu.memory_space<vmem>>, vector<16xf32>,
        %get3A_1387 = arith.constant 0 : i32
        %get3A_1388 = arith.index_cast %get3A_1387 : i32 to index
        %get3A_1389 = arith.index_cast %add3A_1338 : i32 to index
        %get3A_1390 = arith.constant 96 : index
        %get3A_1391 = tpu.vector_load %arg7[%get3A_1388, %get3A_1389, %get3A_1390] {strides = array<i32>} : memref<2x128x128xf32, #tpu.memory_space<vmem>>, vector<16xf32>,
        %select_n3A_1392 = arith.select %ne3A_1349, %get3A_1391, %get3A_1386 : vector<16xi1>, vector<16xf32>
        %swap3A_1393 = arith.constant 0 : i32
        %swap3A_1394 = arith.index_cast %swap3A_1393 : i32 to index
        %swap3A_1395 = arith.index_cast %add3A_1338 : i32 to index
        %swap3A_1396 = arith.constant 32 : index
        %swap3A_1397 = tpu.vector_load %arg8[%swap3A_1394, %swap3A_1395, %swap3A_1396] {strides = array<i32>} : memref<2x128x64xf32, #tpu.memory_space<vmem>>, vector<16xf32>,
        tpu.vector_store %arg8[%swap3A_1394, %swap3A_1395, %swap3A_1396], %select_n3A_1392 {strides = array<i32>} : memref<2x128x64xf32, #tpu.memory_space<vmem>>, vector<16xf32>,
        %get3A_1398 = arith.constant 0 : i32
        %get3A_1399 = arith.index_cast %get3A_1398 : i32 to index
        %get3A_1400 = arith.index_cast %add3A_1338 : i32 to index
        %get3A_1401 = arith.constant 48 : index
        %get3A_1402 = tpu.vector_load %arg7[%get3A_1399, %get3A_1400, %get3A_1401] {strides = array<i32>} : memref<2x128x128xf32, #tpu.memory_space<vmem>>, vector<16xf32>,
        %get3A_1403 = arith.constant 0 : i32
        %get3A_1404 = arith.index_cast %get3A_1403 : i32 to index
        %get3A_1405 = arith.index_cast %add3A_1338 : i32 to index
        %get3A_1406 = arith.constant 112 : index
        %get3A_1407 = tpu.vector_load %arg7[%get3A_1404, %get3A_1405, %get3A_1406] {strides = array<i32>} : memref<2x128x128xf32, #tpu.memory_space<vmem>>, vector<16xf32>,
        %select_n3A_1408 = arith.select %ne3A_1349, %get3A_1407, %get3A_1402 : vector<16xi1>, vector<16xf32>
        %swap3A_1409 = arith.constant 0 : i32
        %swap3A_1410 = arith.index_cast %swap3A_1409 : i32 to index
        %swap3A_1411 = arith.index_cast %add3A_1338 : i32 to index
        %swap3A_1412 = arith.constant 48 : index
        %swap3A_1413 = tpu.vector_load %arg8[%swap3A_1410, %swap3A_1411, %swap3A_1412] {strides = array<i32>} : memref<2x128x64xf32, #tpu.memory_space<vmem>>, vector<16xf32>,
        tpu.vector_store %arg8[%swap3A_1410, %swap3A_1411, %swap3A_1412], %select_n3A_1408 {strides = array<i32>} : memref<2x128x64xf32, #tpu.memory_space<vmem>>, vector<16xf32>,
      }
      %scan3A_116 = arith.constant 8 : i32
      %mul3A_117 = arith.constant 128 : i32
      %mul3A_118 = arith.muli %add3A_92, %mul3A_117 : i32
      %add3A_119 = arith.addi %mul3A_2, %mul3A_118 : i32
      %run_scoped3A = arith.constant 0 : i32
      "tpu.region"() ({
        %run_scoped3A_154 = tpu.sem_alloc : memref<!tpu.dma_semaphore, #tpu.memory_space<semaphore_mem>>
        %dma_start3A_155 = arith.constant 0 : i32
        %dma_start3A_156 = arith.constant 0 : i32
        %dma_start3A_157 = tpu.memref_slice %arg8[%run_scoped3A, %dma_start3A_155, %dma_start3A_156] : memref<2x128x64xf32, #tpu.memory_space<vmem>> -> memref<1x128x64xf32, #tpu.memory_space<vmem>>
        %dma_start3A_158 = tpu.memref_squeeze %dma_start3A_157 : memref<1x128x64xf32, #tpu.memory_space<vmem>> -> memref<128x64xf32, #tpu.memory_space<vmem>>
        %dma_start3A_159 = arith.constant 0 : i32
        %dma_start3A_160 = tpu.memref_slice %arg4[%add3A_119, %dma_start3A_159] : memref<819200x64xf32, #tpu.memory_space<hbm>> -> memref<128x64xf32, #tpu.memory_space<hbm>>
        %dma_start3A_161 = arith.constant 0 : i32
        %dma_start3A_162 = tpu.memref_slice %arg4[%add3A_119, %dma_start3A_161] : memref<819200x64xf32, #tpu.memory_space<hbm>> -> memref<128x64xf32, #tpu.memory_space<hbm>>
        %dma_start3A_163 = arith.constant 0 : i32
        %dma_start3A_164 = arith.constant 0 : i32
        %dma_start3A_165 = tpu.memref_slice %arg8[%run_scoped3A, %dma_start3A_163, %dma_start3A_164] : memref<2x128x64xf32, #tpu.memory_space<vmem>> -> memref<1x128x64xf32, #tpu.memory_space<vmem>>
        %dma_start3A_166 = tpu.memref_squeeze %dma_start3A_165 : memref<1x128x64xf32, #tpu.memory_space<vmem>> -> memref<128x64xf32, #tpu.memory_space<vmem>>
        tpu.enqueue_dma source(%dma_start3A_166 : memref<128x64xf32, #tpu.memory_space<vmem>>) target(%dma_start3A_162 : memref<128x64xf32, #tpu.memory_space<hbm>>) target_semaphore(%run_scoped3A_154 : memref<!tpu.dma_semaphore, #tpu.memory_space<semaphore_mem>>)
        %dma_wait3A_167 = arith.constant 0 : i32
        %dma_wait3A_168 = arith.constant 0 : i32
        %dma_wait3A_169 = tpu.memref_slice %arg8[%run_scoped3A, %dma_wait3A_167, %dma_wait3A_168] : memref<2x128x64xf32, #tpu.memory_space<vmem>> -> memref<1x128x64xf32, #tpu.memory_space<vmem>>
        %dma_wait3A_170 = tpu.memref_squeeze %dma_wait3A_169 : memref<1x128x64xf32, #tpu.memory_space<vmem>> -> memref<128x64xf32, #tpu.memory_space<vmem>>
        %dma_wait3A_171 = arith.constant 0 : i32
        %dma_wait3A_172 = tpu.memref_slice %arg4[%add3A_119, %dma_wait3A_171] : memref<819200x64xf32, #tpu.memory_space<hbm>> -> memref<128x64xf32, #tpu.memory_space<hbm>>
        %dma_wait3A_173 = arith.constant 0 : i32
        %dma_wait3A_174 = tpu.memref_slice %arg4[%add3A_119, %dma_wait3A_173] : memref<819200x64xf32, #tpu.memory_space<hbm>> -> memref<128x64xf32, #tpu.memory_space<hbm>>
        %dma_wait3A_175 = arith.constant 0 : i32
        %dma_wait3A_176 = arith.constant 0 : i32
        %dma_wait3A_177 = tpu.memref_slice %arg8[%run_scoped3A, %dma_wait3A_175, %dma_wait3A_176] : memref<2x128x64xf32, #tpu.memory_space<vmem>> -> memref<1x128x64xf32, #tpu.memory_space<vmem>>
        %dma_wait3A_178 = tpu.memref_squeeze %dma_wait3A_177 : memref<1x128x64xf32, #tpu.memory_space<vmem>> -> memref<128x64xf32, #tpu.memory_space<vmem>>
        tpu.wait_dma2 semaphore(%run_scoped3A_154 : memref<!tpu.dma_semaphore, #tpu.memory_space<semaphore_mem>>) src(%dma_wait3A_178 : memref<128x64xf32, #tpu.memory_space<vmem>>) dst(%dma_wait3A_174 : memref<128x64xf32, #tpu.memory_space<hbm>>)
        tpu.yield
      }) : () -> ()
      %add3A_120 = arith.constant 1 : i32
      %add3A_121 = arith.addi %mul3A_90, %add3A_120 : i32
      %add3A_122 = arith.constant 1 : i32
      %add3A_123 = arith.addi %add3A_121, %add3A_122 : i32
      %lt3A_124 = arith.constant 200 : i32
      %lt3A_125 = arith.cmpi slt, %add3A_123, %lt3A_124 : i32
      %convert_element_type3A_126 = arith.extui %lt3A_125 : i1 to i32
      %cond3A_127 = arith.constant 0 : i32
      %cond3A_128 = arith.cmpi ne, %convert_element_type3A_126, %cond3A_127 : i32
      scf.if %cond3A_128 {
        %add3A_154 = arith.constant 1 : i32
        %add3A_155 = arith.addi %add3A_121, %add3A_154 : i32
        %mul3A_156 = arith.constant 128 : i32
        %mul3A_157 = arith.muli %add3A_155, %mul3A_156 : i32
        %add3A_158 = arith.constant 0 : i32
        %add3A_159 = arith.addi %mul3A_157, %add3A_158 : i32
        %get3A_160 = arith.index_cast %add3A_159 : i32 to index
        %get3A_161 = tpu.vector_load %arg5[%get3A_160] {strides = array<i32>} : memref<25600xi32, #tpu.memory_space<vmem>>, vector<16xi32>,
        %shift_right_logical3A_162 = arith.constant 1 : i32
        %shift_right_logical3A_163 = vector.broadcast %shift_right_logical3A_162 : i32 to vector<16xi32>
        %shift_right_logical3A_164 = arith.shrui %get3A_161, %shift_right_logical3A_163 : vector<16xi32>
        %swap3A_165 = arith.constant 0 : i32
        %swap3A_166 = arith.index_cast %swap3A_165 : i32 to index
        %swap3A_167 = arith.constant 0 : index
        %swap3A_168 = tpu.vector_load %arg6[%swap3A_166, %swap3A_167] {strides = array<i32>} : memref<2x128xi32, #tpu.memory_space<vmem>>, vector<16xi32>,
        tpu.vector_store %arg6[%swap3A_166, %swap3A_167], %shift_right_logical3A_164 {strides = array<i32>} : memref<2x128xi32, #tpu.memory_space<vmem>>, vector<16xi32>,
        %mul3A_169 = arith.constant 128 : i32
        %mul3A_170 = arith.muli %add3A_155, %mul3A_169 : i32
        %add3A_171 = arith.constant 16 : i32
        %add3A_172 = arith.addi %mul3A_170, %add3A_171 : i32
        %get3A_173 = arith.index_cast %add3A_172 : i32 to index
        %get3A_174 = tpu.vector_load %arg5[%get3A_173] {strides = array<i32>} : memref<25600xi32, #tpu.memory_space<vmem>>, vector<16xi32>,
        %shift_right_logical3A_175 = arith.constant 1 : i32
        %shift_right_logical3A_176 = vector.broadcast %shift_right_logical3A_175 : i32 to vector<16xi32>
        %shift_right_logical3A_177 = arith.shrui %get3A_174, %shift_right_logical3A_176 : vector<16xi32>
        %swap3A_178 = arith.constant 0 : i32
        %swap3A_179 = arith.index_cast %swap3A_178 : i32 to index
        %swap3A_180 = arith.constant 16 : index
        %swap3A_181 = tpu.vector_load %arg6[%swap3A_179, %swap3A_180] {strides = array<i32>} : memref<2x128xi32, #tpu.memory_space<vmem>>, vector<16xi32>,
        tpu.vector_store %arg6[%swap3A_179, %swap3A_180], %shift_right_logical3A_177 {strides = array<i32>} : memref<2x128xi32, #tpu.memory_space<vmem>>, vector<16xi32>,
        %mul3A_182 = arith.constant 128 : i32
        %mul3A_183 = arith.muli %add3A_155, %mul3A_182 : i32
        %add3A_184 = arith.constant 32 : i32
        %add3A_185 = arith.addi %mul3A_183, %add3A_184 : i32
        %get3A_186 = arith.index_cast %add3A_185 : i32 to index
        %get3A_187 = tpu.vector_load %arg5[%get3A_186] {strides = array<i32>} : memref<25600xi32, #tpu.memory_space<vmem>>, vector<16xi32>,
        %shift_right_logical3A_188 = arith.constant 1 : i32
        %shift_right_logical3A_189 = vector.broadcast %shift_right_logical3A_188 : i32 to vector<16xi32>
        %shift_right_logical3A_190 = arith.shrui %get3A_187, %shift_right_logical3A_189 : vector<16xi32>
        %swap3A_191 = arith.constant 0 : i32
        %swap3A_192 = arith.index_cast %swap3A_191 : i32 to index
        %swap3A_193 = arith.constant 32 : index
        %swap3A_194 = tpu.vector_load %arg6[%swap3A_192, %swap3A_193] {strides = array<i32>} : memref<2x128xi32, #tpu.memory_space<vmem>>, vector<16xi32>,
        tpu.vector_store %arg6[%swap3A_192, %swap3A_193], %shift_right_logical3A_190 {strides = array<i32>} : memref<2x128xi32, #tpu.memory_space<vmem>>, vector<16xi32>,
        %mul3A_195 = arith.constant 128 : i32
        %mul3A_196 = arith.muli %add3A_155, %mul3A_195 : i32
        %add3A_197 = arith.constant 48 : i32
        %add3A_198 = arith.addi %mul3A_196, %add3A_197 : i32
        %get3A_199 = arith.index_cast %add3A_198 : i32 to index
        %get3A_200 = tpu.vector_load %arg5[%get3A_199] {strides = array<i32>} : memref<25600xi32, #tpu.memory_space<vmem>>, vector<16xi32>,
        %shift_right_logical3A_201 = arith.constant 1 : i32
        %shift_right_logical3A_202 = vector.broadcast %shift_right_logical3A_201 : i32 to vector<16xi32>
        %shift_right_logical3A_203 = arith.shrui %get3A_200, %shift_right_logical3A_202 : vector<16xi32>
        %swap3A_204 = arith.constant 0 : i32
        %swap3A_205 = arith.index_cast %swap3A_204 : i32 to index
        %swap3A_206 = arith.constant 48 : index
        %swap3A_207 = tpu.vector_load %arg6[%swap3A_205, %swap3A_206] {strides = array<i32>} : memref<2x128xi32, #tpu.memory_space<vmem>>, vector<16xi32>,
        tpu.vector_store %arg6[%swap3A_205, %swap3A_206], %shift_right_logical3A_203 {strides = array<i32>} : memref<2x128xi32, #tpu.memory_space<vmem>>, vector<16xi32>,
        %mul3A_208 = arith.constant 128 : i32
        %mul3A_209 = arith.muli %add3A_155, %mul3A_208 : i32
        %add3A_210 = arith.constant 64 : i32
        %add3A_211 = arith.addi %mul3A_209, %add3A_210 : i32
        %get3A_212 = arith.index_cast %add3A_211 : i32 to index
        %get3A_213 = tpu.vector_load %arg5[%get3A_212] {strides = array<i32>} : memref<25600xi32, #tpu.memory_space<vmem>>, vector<16xi32>,
        %shift_right_logical3A_214 = arith.constant 1 : i32
        %shift_right_logical3A_215 = vector.broadcast %shift_right_logical3A_214 : i32 to vector<16xi32>
        %shift_right_logical3A_216 = arith.shrui %get3A_213, %shift_right_logical3A_215 : vector<16xi32>
        %swap3A_217 = arith.constant 0 : i32
        %swap3A_218 = arith.index_cast %swap3A_217 : i32 to index
        %swap3A_219 = arith.constant 64 : index
        %swap3A_220 = tpu.vector_load %arg6[%swap3A_218, %swap3A_219] {strides = array<i32>} : memref<2x128xi32, #tpu.memory_space<vmem>>, vector<16xi32>,
        tpu.vector_store %arg6[%swap3A_218, %swap3A_219], %shift_right_logical3A_216 {strides = array<i32>} : memref<2x128xi32, #tpu.memory_space<vmem>>, vector<16xi32>,
        %mul3A_221 = arith.constant 128 : i32
        %mul3A_222 = arith.muli %add3A_155, %mul3A_221 : i32
        %add3A_223 = arith.constant 80 : i32
        %add3A_224 = arith.addi %mul3A_222, %add3A_223 : i32
        %get3A_225 = arith.index_cast %add3A_224 : i32 to index
        %get3A_226 = tpu.vector_load %arg5[%get3A_225] {strides = array<i32>} : memref<25600xi32, #tpu.memory_space<vmem>>, vector<16xi32>,
        %shift_right_logical3A_227 = arith.constant 1 : i32
        %shift_right_logical3A_228 = vector.broadcast %shift_right_logical3A_227 : i32 to vector<16xi32>
        %shift_right_logical3A_229 = arith.shrui %get3A_226, %shift_right_logical3A_228 : vector<16xi32>
        %swap3A_230 = arith.constant 0 : i32
        %swap3A_231 = arith.index_cast %swap3A_230 : i32 to index
        %swap3A_232 = arith.constant 80 : index
        %swap3A_233 = tpu.vector_load %arg6[%swap3A_231, %swap3A_232] {strides = array<i32>} : memref<2x128xi32, #tpu.memory_space<vmem>>, vector<16xi32>,
        tpu.vector_store %arg6[%swap3A_231, %swap3A_232], %shift_right_logical3A_229 {strides = array<i32>} : memref<2x128xi32, #tpu.memory_space<vmem>>, vector<16xi32>,
        %mul3A_234 = arith.constant 128 : i32
        %mul3A_235 = arith.muli %add3A_155, %mul3A_234 : i32
        %add3A_236 = arith.constant 96 : i32
        %add3A_237 = arith.addi %mul3A_235, %add3A_236 : i32
        %get3A_238 = arith.index_cast %add3A_237 : i32 to index
        %get3A_239 = tpu.vector_load %arg5[%get3A_238] {strides = array<i32>} : memref<25600xi32, #tpu.memory_space<vmem>>, vector<16xi32>,
        %shift_right_logical3A_240 = arith.constant 1 : i32
        %shift_right_logical3A_241 = vector.broadcast %shift_right_logical3A_240 : i32 to vector<16xi32>
        %shift_right_logical3A_242 = arith.shrui %get3A_239, %shift_right_logical3A_241 : vector<16xi32>
        %swap3A_243 = arith.constant 0 : i32
        %swap3A_244 = arith.index_cast %swap3A_243 : i32 to index
        %swap3A_245 = arith.constant 96 : index
        %swap3A_246 = tpu.vector_load %arg6[%swap3A_244, %swap3A_245] {strides = array<i32>} : memref<2x128xi32, #tpu.memory_space<vmem>>, vector<16xi32>,
        tpu.vector_store %arg6[%swap3A_244, %swap3A_245], %shift_right_logical3A_242 {strides = array<i32>} : memref<2x128xi32, #tpu.memory_space<vmem>>, vector<16xi32>,
        %mul3A_247 = arith.constant 128 : i32
        %mul3A_248 = arith.muli %add3A_155, %mul3A_247 : i32
        %add3A_249 = arith.constant 112 : i32
        %add3A_250 = arith.addi %mul3A_248, %add3A_249 : i32
        %get3A_251 = arith.index_cast %add3A_250 : i32 to index
        %get3A_252 = tpu.vector_load %arg5[%get3A_251] {strides = array<i32>} : memref<25600xi32, #tpu.memory_space<vmem>>, vector<16xi32>,
        %shift_right_logical3A_253 = arith.constant 1 : i32
        %shift_right_logical3A_254 = vector.broadcast %shift_right_logical3A_253 : i32 to vector<16xi32>
        %shift_right_logical3A_255 = arith.shrui %get3A_252, %shift_right_logical3A_254 : vector<16xi32>
        %swap3A_256 = arith.constant 0 : i32
        %swap3A_257 = arith.index_cast %swap3A_256 : i32 to index
        %swap3A_258 = arith.constant 112 : index
        %swap3A_259 = tpu.vector_load %arg6[%swap3A_257, %swap3A_258] {strides = array<i32>} : memref<2x128xi32, #tpu.memory_space<vmem>>, vector<16xi32>,
        tpu.vector_store %arg6[%swap3A_257, %swap3A_258], %shift_right_logical3A_255 {strides = array<i32>} : memref<2x128xi32, #tpu.memory_space<vmem>>, vector<16xi32>,
        %dma_start3A_260 = arith.constant 0 : i32
        %dma_start3A_261 = arith.constant 0 : i32
        %dma_start3A_262 = arith.constant 0 : i32
        %dma_start3A_263 = arith.constant 0 : i32
        %dma_start3A_264 = tpu.memref_slice %arg7[%dma_start3A_261, %dma_start3A_262, %dma_start3A_263] : memref<2x128x128xf32, #tpu.memory_space<vmem>> -> memref<1x128x128xf32, #tpu.memory_space<vmem>>
        %dma_start3A_265 = tpu.memref_squeeze %dma_start3A_264 : memref<1x128x128xf32, #tpu.memory_space<vmem>> -> memref<128x128xf32, #tpu.memory_space<vmem>>
        %dma_start3A_266 = arith.constant 0 : i32
        %dma_start3A_267 = tpu.memref_slice %arg6[%dma_start3A_260, %dma_start3A_266] : memref<2x128xi32, #tpu.memory_space<vmem>> -> memref<1x128xi32, #tpu.memory_space<vmem>>
        %dma_start3A_268 = tpu.memref_squeeze %dma_start3A_267 : memref<1x128xi32, #tpu.memory_space<vmem>> -> memref<128xi32, #tpu.memory_space<vmem>>
        %dma_start3A_269 = arith.constant 0 : i32
        %dma_start3A_270 = arith.constant 0 : i32
        %dma_start3A_271 = tpu.memref_slice %arg3[%dma_start3A_269, %dma_start3A_270] : memref<500000x128xf32, #tpu.memory_space<hbm>> -> memref<500000x128xf32, #tpu.memory_space<hbm>>
        tpu.enqueue_indirect_dma source(%dma_start3A_271 : memref<500000x128xf32, #tpu.memory_space<hbm>>) target(%dma_start3A_265 : memref<128x128xf32, #tpu.memory_space<vmem>>) offsets(%dma_start3A_268 : memref<128xi32, #tpu.memory_space<vmem>>) semaphore(%arg9 : memref<!tpu.dma_semaphore, #tpu.memory_space<semaphore_mem>>)
      } else {
      }
      %dma_wait3A_129 = arith.constant 1 : i32
      %dma_wait3A_130 = arith.constant 0 : i32
      %dma_wait3A_131 = arith.constant 0 : i32
      %dma_wait3A_132 = tpu.memref_slice %arg7[%dma_wait3A_129, %dma_wait3A_130, %dma_wait3A_131] : memref<2x128x128xf32, #tpu.memory_space<vmem>> -> memref<1x128x128xf32, #tpu.memory_space<vmem>>
      %dma_wait3A_133 = tpu.memref_squeeze %dma_wait3A_132 : memref<1x128x128xf32, #tpu.memory_space<vmem>> -> memref<128x128xf32, #tpu.memory_space<vmem>>
      %dma_wait3A_134 = arith.constant 0 : i32
      %dma_wait3A_135 = arith.constant 0 : i32
      %dma_wait3A_136 = tpu.memref_slice %arg3[%dma_wait3A_134, %dma_wait3A_135] : memref<500000x128xf32, #tpu.memory_space<hbm>> -> memref<128x128xf32, #tpu.memory_space<hbm>>
      %dma_wait3A_137 = arith.constant 0 : i32
      %dma_wait3A_138 = arith.constant 0 : i32
      %dma_wait3A_139 = tpu.memref_slice %arg7[%dma_wait3A_129, %dma_wait3A_137, %dma_wait3A_138] : memref<2x128x128xf32, #tpu.memory_space<vmem>> -> memref<1x128x128xf32, #tpu.memory_space<vmem>>
      %dma_wait3A_140 = tpu.memref_squeeze %dma_wait3A_139 : memref<1x128x128xf32, #tpu.memory_space<vmem>> -> memref<128x128xf32, #tpu.memory_space<vmem>>
      %dma_wait3A_141 = arith.constant 0 : i32
      %dma_wait3A_142 = arith.constant 0 : i32
      %dma_wait3A_143 = tpu.memref_slice %arg3[%dma_wait3A_141, %dma_wait3A_142] : memref<500000x128xf32, #tpu.memory_space<hbm>> -> memref<128x128xf32, #tpu.memory_space<hbm>>
      tpu.wait_dma2 semaphore(%arg10 : memref<!tpu.dma_semaphore, #tpu.memory_space<semaphore_mem>>) src(%dma_wait3A_143 : memref<128x128xf32, #tpu.memory_space<hbm>>) dst(%dma_wait3A_140 : memref<128x128xf32, #tpu.memory_space<vmem>>)
      %scan3A_144 = arith.constant 0 : i32
      %scan3A_145 = arith.constant 0 : i32
      %scan3A_146 = arith.constant 8 : i32
      %scan3A_147 = arith.addi %scan3A_145, %scan3A_146 : i32
      %scan3A_148 = arith.constant 1 : i32
      scf.for %scan3A_154 = %scan3A_145 to %scan3A_147 step %scan3A_148  : i32 {
        %mul3A_155 = arith.constant 16 : i32
        %mul3A_156 = arith.muli %scan3A_154, %mul3A_155 : i32
        %add3A_157 = arith.constant 0 : i32
        %add3A_158 = arith.addi %mul3A_156, %add3A_157 : i32
        %mul3A_159 = arith.constant 128 : i32
        %mul3A_160 = arith.muli %add3A_121, %mul3A_159 : i32
        %add3A_161 = arith.addi %mul3A_160, %add3A_158 : i32
        %broadcast_in_dim3A = vector.broadcast %add3A_161 : i32 to vector<16xi32>
        %gather3A = tpu.vector_load_idx %arg5[%broadcast_in_dim3A] : memref<25600xi32, #tpu.memory_space<vmem>>[vector<16xi32>], vector<16xi32>,
        %and3A = arith.constant 1 : i32
        %and3A_162 = vector.broadcast %and3A : i32 to vector<16xi32>
        %and3A_163 = arith.andi %gather3A, %and3A_162 : vector<16xi32>
        %ne3A = arith.constant 0 : i32
        %ne3A_164 = vector.broadcast %ne3A : i32 to vector<16xi32>
        %ne3A_165 = arith.cmpi ne, %and3A_163, %ne3A_164 : vector<16xi32>
        %get3A_166 = arith.constant 1 : i32
        %get3A_167 = arith.index_cast %get3A_166 : i32 to index
        %get3A_168 = arith.index_cast %add3A_158 : i32 to index
        %get3A_169 = arith.constant 0 : index
        %get3A_170 = tpu.vector_load %arg7[%get3A_167, %get3A_168, %get3A_169] {strides = array<i32>} : memref<2x128x128xf32, #tpu.memory_space<vmem>>, vector<16xf32>,
        %get3A_171 = arith.constant 1 : i32
        %get3A_172 = arith.index_cast %get3A_171 : i32 to index
        %get3A_173 = arith.index_cast %add3A_158 : i32 to index
        %get3A_174 = arith.constant 64 : index
        %get3A_175 = tpu.vector_load %arg7[%get3A_172, %get3A_173, %get3A_174] {strides = array<i32>} : memref<2x128x128xf32, #tpu.memory_space<vmem>>, vector<16xf32>,
        %select_n3A = arith.select %ne3A_165, %get3A_175, %get3A_170 : vector<16xi1>, vector<16xf32>
        %swap3A_176 = arith.constant 1 : i32
        %swap3A_177 = arith.index_cast %swap3A_176 : i32 to index
        %swap3A_178 = arith.index_cast %add3A_158 : i32 to index
        %swap3A_179 = arith.constant 0 : index
        %swap3A_180 = tpu.vector_load %arg8[%swap3A_177, %swap3A_178, %swap3A_179] {strides = array<i32>} : memref<2x128x64xf32, #tpu.memory_space<vmem>>, vector<16xf32>,
        tpu.vector_store %arg8[%swap3A_177, %swap3A_178, %swap3A_179], %select_n3A {strides = array<i32>} : memref<2x128x64xf32, #tpu.memory_space<vmem>>, vector<16xf32>,
        %get3A_181 = arith.constant 1 : i32
        %get3A_182 = arith.index_cast %get3A_181 : i32 to index
        %get3A_183 = arith.index_cast %add3A_158 : i32 to index
        %get3A_184 = arith.constant 16 : index
        %get3A_185 = tpu.vector_load %arg7[%get3A_182, %get3A_183, %get3A_184] {strides = array<i32>} : memref<2x128x128xf32, #tpu.memory_space<vmem>>, vector<16xf32>,
        %get3A_186 = arith.constant 1 : i32
        %get3A_187 = arith.index_cast %get3A_186 : i32 to index
        %get3A_188 = arith.index_cast %add3A_158 : i32 to index
        %get3A_189 = arith.constant 80 : index
        %get3A_190 = tpu.vector_load %arg7[%get3A_187, %get3A_188, %get3A_189] {strides = array<i32>} : memref<2x128x128xf32, #tpu.memory_space<vmem>>, vector<16xf32>,
        %select_n3A_191 = arith.select %ne3A_165, %get3A_190, %get3A_185 : vector<16xi1>, vector<16xf32>
        %swap3A_192 = arith.constant 1 : i32
        %swap3A_193 = arith.index_cast %swap3A_192 : i32 to index
        %swap3A_194 = arith.index_cast %add3A_158 : i32 to index
        %swap3A_195 = arith.constant 16 : index
        %swap3A_196 = tpu.vector_load %arg8[%swap3A_193, %swap3A_194, %swap3A_195] {strides = array<i32>} : memref<2x128x64xf32, #tpu.memory_space<vmem>>, vector<16xf32>,
        tpu.vector_store %arg8[%swap3A_193, %swap3A_194, %swap3A_195], %select_n3A_191 {strides = array<i32>} : memref<2x128x64xf32, #tpu.memory_space<vmem>>, vector<16xf32>,
        %get3A_197 = arith.constant 1 : i32
        %get3A_198 = arith.index_cast %get3A_197 : i32 to index
        %get3A_199 = arith.index_cast %add3A_158 : i32 to index
        %get3A_200 = arith.constant 32 : index
        %get3A_201 = tpu.vector_load %arg7[%get3A_198, %get3A_199, %get3A_200] {strides = array<i32>} : memref<2x128x128xf32, #tpu.memory_space<vmem>>, vector<16xf32>,
        %get3A_202 = arith.constant 1 : i32
        %get3A_203 = arith.index_cast %get3A_202 : i32 to index
        %get3A_204 = arith.index_cast %add3A_158 : i32 to index
        %get3A_205 = arith.constant 96 : index
        %get3A_206 = tpu.vector_load %arg7[%get3A_203, %get3A_204, %get3A_205] {strides = array<i32>} : memref<2x128x128xf32, #tpu.memory_space<vmem>>, vector<16xf32>,
        %select_n3A_207 = arith.select %ne3A_165, %get3A_206, %get3A_201 : vector<16xi1>, vector<16xf32>
        %swap3A_208 = arith.constant 1 : i32
        %swap3A_209 = arith.index_cast %swap3A_208 : i32 to index
        %swap3A_210 = arith.index_cast %add3A_158 : i32 to index
        %swap3A_211 = arith.constant 32 : index
        %swap3A_212 = tpu.vector_load %arg8[%swap3A_209, %swap3A_210, %swap3A_211] {strides = array<i32>} : memref<2x128x64xf32, #tpu.memory_space<vmem>>, vector<16xf32>,
        tpu.vector_store %arg8[%swap3A_209, %swap3A_210, %swap3A_211], %select_n3A_207 {strides = array<i32>} : memref<2x128x64xf32, #tpu.memory_space<vmem>>, vector<16xf32>,
        %get3A_213 = arith.constant 1 : i32
        %get3A_214 = arith.index_cast %get3A_213 : i32 to index
        %get3A_215 = arith.index_cast %add3A_158 : i32 to index
        %get3A_216 = arith.constant 48 : index
        %get3A_217 = tpu.vector_load %arg7[%get3A_214, %get3A_215, %get3A_216] {strides = array<i32>} : memref<2x128x128xf32, #tpu.memory_space<vmem>>, vector<16xf32>,
        %get3A_218 = arith.constant 1 : i32
        %get3A_219 = arith.index_cast %get3A_218 : i32 to index
        %get3A_220 = arith.index_cast %add3A_158 : i32 to index
        %get3A_221 = arith.constant 112 : index
        %get3A_222 = tpu.vector_load %arg7[%get3A_219, %get3A_220, %get3A_221] {strides = array<i32>} : memref<2x128x128xf32, #tpu.memory_space<vmem>>, vector<16xf32>,
        %select_n3A_223 = arith.select %ne3A_165, %get3A_222, %get3A_217 : vector<16xi1>, vector<16xf32>
        %swap3A_224 = arith.constant 1 : i32
        %swap3A_225 = arith.index_cast %swap3A_224 : i32 to index
        %swap3A_226 = arith.index_cast %add3A_158 : i32 to index
        %swap3A_227 = arith.constant 48 : index
        %swap3A_228 = tpu.vector_load %arg8[%swap3A_225, %swap3A_226, %swap3A_227] {strides = array<i32>} : memref<2x128x64xf32, #tpu.memory_space<vmem>>, vector<16xf32>,
        tpu.vector_store %arg8[%swap3A_225, %swap3A_226, %swap3A_227], %select_n3A_223 {strides = array<i32>} : memref<2x128x64xf32, #tpu.memory_space<vmem>>, vector<16xf32>,
        %mul3A_229 = arith.constant 16 : i32
        %mul3A_230 = arith.muli %scan3A_154, %mul3A_229 : i32
        %add3A_231 = arith.constant 1 : i32
        %add3A_232 = arith.addi %mul3A_230, %add3A_231 : i32
        %mul3A_233 = arith.constant 128 : i32
        %mul3A_234 = arith.muli %add3A_121, %mul3A_233 : i32
        %add3A_235 = arith.addi %mul3A_234, %add3A_232 : i32
        %broadcast_in_dim3A_236 = vector.broadcast %add3A_235 : i32 to vector<16xi32>
        %gather3A_237 = tpu.vector_load_idx %arg5[%broadcast_in_dim3A_236] : memref<25600xi32, #tpu.memory_space<vmem>>[vector<16xi32>], vector<16xi32>,
        %and3A_238 = arith.constant 1 : i32
        %and3A_239 = vector.broadcast %and3A_238 : i32 to vector<16xi32>
        %and3A_240 = arith.andi %gather3A_237, %and3A_239 : vector<16xi32>
        %ne3A_241 = arith.constant 0 : i32
        %ne3A_242 = vector.broadcast %ne3A_241 : i32 to vector<16xi32>
        %ne3A_243 = arith.cmpi ne, %and3A_240, %ne3A_242 : vector<16xi32>
        %get3A_244 = arith.constant 1 : i32
        %get3A_245 = arith.index_cast %get3A_244 : i32 to index
        %get3A_246 = arith.index_cast %add3A_232 : i32 to index
        %get3A_247 = arith.constant 0 : index
        %get3A_248 = tpu.vector_load %arg7[%get3A_245, %get3A_246, %get3A_247] {strides = array<i32>} : memref<2x128x128xf32, #tpu.memory_space<vmem>>, vector<16xf32>,
        %get3A_249 = arith.constant 1 : i32
        %get3A_250 = arith.index_cast %get3A_249 : i32 to index
        %get3A_251 = arith.index_cast %add3A_232 : i32 to index
        %get3A_252 = arith.constant 64 : index
        %get3A_253 = tpu.vector_load %arg7[%get3A_250, %get3A_251, %get3A_252] {strides = array<i32>} : memref<2x128x128xf32, #tpu.memory_space<vmem>>, vector<16xf32>,
        %select_n3A_254 = arith.select %ne3A_243, %get3A_253, %get3A_248 : vector<16xi1>, vector<16xf32>
        %swap3A_255 = arith.constant 1 : i32
        %swap3A_256 = arith.index_cast %swap3A_255 : i32 to index
        %swap3A_257 = arith.index_cast %add3A_232 : i32 to index
        %swap3A_258 = arith.constant 0 : index
        %swap3A_259 = tpu.vector_load %arg8[%swap3A_256, %swap3A_257, %swap3A_258] {strides = array<i32>} : memref<2x128x64xf32, #tpu.memory_space<vmem>>, vector<16xf32>,
        tpu.vector_store %arg8[%swap3A_256, %swap3A_257, %swap3A_258], %select_n3A_254 {strides = array<i32>} : memref<2x128x64xf32, #tpu.memory_space<vmem>>, vector<16xf32>,
        %get3A_260 = arith.constant 1 : i32
        %get3A_261 = arith.index_cast %get3A_260 : i32 to index
        %get3A_262 = arith.index_cast %add3A_232 : i32 to index
        %get3A_263 = arith.constant 16 : index
        %get3A_264 = tpu.vector_load %arg7[%get3A_261, %get3A_262, %get3A_263] {strides = array<i32>} : memref<2x128x128xf32, #tpu.memory_space<vmem>>, vector<16xf32>,
        %get3A_265 = arith.constant 1 : i32
        %get3A_266 = arith.index_cast %get3A_265 : i32 to index
        %get3A_267 = arith.index_cast %add3A_232 : i32 to index
        %get3A_268 = arith.constant 80 : index
        %get3A_269 = tpu.vector_load %arg7[%get3A_266, %get3A_267, %get3A_268] {strides = array<i32>} : memref<2x128x128xf32, #tpu.memory_space<vmem>>, vector<16xf32>,
        %select_n3A_270 = arith.select %ne3A_243, %get3A_269, %get3A_264 : vector<16xi1>, vector<16xf32>
        %swap3A_271 = arith.constant 1 : i32
        %swap3A_272 = arith.index_cast %swap3A_271 : i32 to index
        %swap3A_273 = arith.index_cast %add3A_232 : i32 to index
        %swap3A_274 = arith.constant 16 : index
        %swap3A_275 = tpu.vector_load %arg8[%swap3A_272, %swap3A_273, %swap3A_274] {strides = array<i32>} : memref<2x128x64xf32, #tpu.memory_space<vmem>>, vector<16xf32>,
        tpu.vector_store %arg8[%swap3A_272, %swap3A_273, %swap3A_274], %select_n3A_270 {strides = array<i32>} : memref<2x128x64xf32, #tpu.memory_space<vmem>>, vector<16xf32>,
        %get3A_276 = arith.constant 1 : i32
        %get3A_277 = arith.index_cast %get3A_276 : i32 to index
        %get3A_278 = arith.index_cast %add3A_232 : i32 to index
        %get3A_279 = arith.constant 32 : index
        %get3A_280 = tpu.vector_load %arg7[%get3A_277, %get3A_278, %get3A_279] {strides = array<i32>} : memref<2x128x128xf32, #tpu.memory_space<vmem>>, vector<16xf32>,
        %get3A_281 = arith.constant 1 : i32
        %get3A_282 = arith.index_cast %get3A_281 : i32 to index
        %get3A_283 = arith.index_cast %add3A_232 : i32 to index
        %get3A_284 = arith.constant 96 : index
        %get3A_285 = tpu.vector_load %arg7[%get3A_282, %get3A_283, %get3A_284] {strides = array<i32>} : memref<2x128x128xf32, #tpu.memory_space<vmem>>, vector<16xf32>,
        %select_n3A_286 = arith.select %ne3A_243, %get3A_285, %get3A_280 : vector<16xi1>, vector<16xf32>
        %swap3A_287 = arith.constant 1 : i32
        %swap3A_288 = arith.index_cast %swap3A_287 : i32 to index
        %swap3A_289 = arith.index_cast %add3A_232 : i32 to index
        %swap3A_290 = arith.constant 32 : index
        %swap3A_291 = tpu.vector_load %arg8[%swap3A_288, %swap3A_289, %swap3A_290] {strides = array<i32>} : memref<2x128x64xf32, #tpu.memory_space<vmem>>, vector<16xf32>,
        tpu.vector_store %arg8[%swap3A_288, %swap3A_289, %swap3A_290], %select_n3A_286 {strides = array<i32>} : memref<2x128x64xf32, #tpu.memory_space<vmem>>, vector<16xf32>,
        %get3A_292 = arith.constant 1 : i32
        %get3A_293 = arith.index_cast %get3A_292 : i32 to index
        %get3A_294 = arith.index_cast %add3A_232 : i32 to index
        %get3A_295 = arith.constant 48 : index
        %get3A_296 = tpu.vector_load %arg7[%get3A_293, %get3A_294, %get3A_295] {strides = array<i32>} : memref<2x128x128xf32, #tpu.memory_space<vmem>>, vector<16xf32>,
        %get3A_297 = arith.constant 1 : i32
        %get3A_298 = arith.index_cast %get3A_297 : i32 to index
        %get3A_299 = arith.index_cast %add3A_232 : i32 to index
        %get3A_300 = arith.constant 112 : index
        %get3A_301 = tpu.vector_load %arg7[%get3A_298, %get3A_299, %get3A_300] {strides = array<i32>} : memref<2x128x128xf32, #tpu.memory_space<vmem>>, vector<16xf32>,
        %select_n3A_302 = arith.select %ne3A_243, %get3A_301, %get3A_296 : vector<16xi1>, vector<16xf32>
        %swap3A_303 = arith.constant 1 : i32
        %swap3A_304 = arith.index_cast %swap3A_303 : i32 to index
        %swap3A_305 = arith.index_cast %add3A_232 : i32 to index
        %swap3A_306 = arith.constant 48 : index
        %swap3A_307 = tpu.vector_load %arg8[%swap3A_304, %swap3A_305, %swap3A_306] {strides = array<i32>} : memref<2x128x64xf32, #tpu.memory_space<vmem>>, vector<16xf32>,
        tpu.vector_store %arg8[%swap3A_304, %swap3A_305, %swap3A_306], %select_n3A_302 {strides = array<i32>} : memref<2x128x64xf32, #tpu.memory_space<vmem>>, vector<16xf32>,
        %mul3A_308 = arith.constant 16 : i32
        %mul3A_309 = arith.muli %scan3A_154, %mul3A_308 : i32
        %add3A_310 = arith.constant 2 : i32
        %add3A_311 = arith.addi %mul3A_309, %add3A_310 : i32
        %mul3A_312 = arith.constant 128 : i32
        %mul3A_313 = arith.muli %add3A_121, %mul3A_312 : i32
        %add3A_314 = arith.addi %mul3A_313, %add3A_311 : i32
        %broadcast_in_dim3A_315 = vector.broadcast %add3A_314 : i32 to vector<16xi32>
        %gather3A_316 = tpu.vector_load_idx %arg5[%broadcast_in_dim3A_315] : memref<25600xi32, #tpu.memory_space<vmem>>[vector<16xi32>], vector<16xi32>,
        %and3A_317 = arith.constant 1 : i32
        %and3A_318 = vector.broadcast %and3A_317 : i32 to vector<16xi32>
        %and3A_319 = arith.andi %gather3A_316, %and3A_318 : vector<16xi32>
        %ne3A_320 = arith.constant 0 : i32
        %ne3A_321 = vector.broadcast %ne3A_320 : i32 to vector<16xi32>
        %ne3A_322 = arith.cmpi ne, %and3A_319, %ne3A_321 : vector<16xi32>
        %get3A_323 = arith.constant 1 : i32
        %get3A_324 = arith.index_cast %get3A_323 : i32 to index
        %get3A_325 = arith.index_cast %add3A_311 : i32 to index
        %get3A_326 = arith.constant 0 : index
        %get3A_327 = tpu.vector_load %arg7[%get3A_324, %get3A_325, %get3A_326] {strides = array<i32>} : memref<2x128x128xf32, #tpu.memory_space<vmem>>, vector<16xf32>,
        %get3A_328 = arith.constant 1 : i32
        %get3A_329 = arith.index_cast %get3A_328 : i32 to index
        %get3A_330 = arith.index_cast %add3A_311 : i32 to index
        %get3A_331 = arith.constant 64 : index
        %get3A_332 = tpu.vector_load %arg7[%get3A_329, %get3A_330, %get3A_331] {strides = array<i32>} : memref<2x128x128xf32, #tpu.memory_space<vmem>>, vector<16xf32>,
        %select_n3A_333 = arith.select %ne3A_322, %get3A_332, %get3A_327 : vector<16xi1>, vector<16xf32>
        %swap3A_334 = arith.constant 1 : i32
        %swap3A_335 = arith.index_cast %swap3A_334 : i32 to index
        %swap3A_336 = arith.index_cast %add3A_311 : i32 to index
        %swap3A_337 = arith.constant 0 : index
        %swap3A_338 = tpu.vector_load %arg8[%swap3A_335, %swap3A_336, %swap3A_337] {strides = array<i32>} : memref<2x128x64xf32, #tpu.memory_space<vmem>>, vector<16xf32>,
        tpu.vector_store %arg8[%swap3A_335, %swap3A_336, %swap3A_337], %select_n3A_333 {strides = array<i32>} : memref<2x128x64xf32, #tpu.memory_space<vmem>>, vector<16xf32>,
        %get3A_339 = arith.constant 1 : i32
        %get3A_340 = arith.index_cast %get3A_339 : i32 to index
        %get3A_341 = arith.index_cast %add3A_311 : i32 to index
        %get3A_342 = arith.constant 16 : index
        %get3A_343 = tpu.vector_load %arg7[%get3A_340, %get3A_341, %get3A_342] {strides = array<i32>} : memref<2x128x128xf32, #tpu.memory_space<vmem>>, vector<16xf32>,
        %get3A_344 = arith.constant 1 : i32
        %get3A_345 = arith.index_cast %get3A_344 : i32 to index
        %get3A_346 = arith.index_cast %add3A_311 : i32 to index
        %get3A_347 = arith.constant 80 : index
        %get3A_348 = tpu.vector_load %arg7[%get3A_345, %get3A_346, %get3A_347] {strides = array<i32>} : memref<2x128x128xf32, #tpu.memory_space<vmem>>, vector<16xf32>,
        %select_n3A_349 = arith.select %ne3A_322, %get3A_348, %get3A_343 : vector<16xi1>, vector<16xf32>
        %swap3A_350 = arith.constant 1 : i32
        %swap3A_351 = arith.index_cast %swap3A_350 : i32 to index
        %swap3A_352 = arith.index_cast %add3A_311 : i32 to index
        %swap3A_353 = arith.constant 16 : index
        %swap3A_354 = tpu.vector_load %arg8[%swap3A_351, %swap3A_352, %swap3A_353] {strides = array<i32>} : memref<2x128x64xf32, #tpu.memory_space<vmem>>, vector<16xf32>,
        tpu.vector_store %arg8[%swap3A_351, %swap3A_352, %swap3A_353], %select_n3A_349 {strides = array<i32>} : memref<2x128x64xf32, #tpu.memory_space<vmem>>, vector<16xf32>,
        %get3A_355 = arith.constant 1 : i32
        %get3A_356 = arith.index_cast %get3A_355 : i32 to index
        %get3A_357 = arith.index_cast %add3A_311 : i32 to index
        %get3A_358 = arith.constant 32 : index
        %get3A_359 = tpu.vector_load %arg7[%get3A_356, %get3A_357, %get3A_358] {strides = array<i32>} : memref<2x128x128xf32, #tpu.memory_space<vmem>>, vector<16xf32>,
        %get3A_360 = arith.constant 1 : i32
        %get3A_361 = arith.index_cast %get3A_360 : i32 to index
        %get3A_362 = arith.index_cast %add3A_311 : i32 to index
        %get3A_363 = arith.constant 96 : index
        %get3A_364 = tpu.vector_load %arg7[%get3A_361, %get3A_362, %get3A_363] {strides = array<i32>} : memref<2x128x128xf32, #tpu.memory_space<vmem>>, vector<16xf32>,
        %select_n3A_365 = arith.select %ne3A_322, %get3A_364, %get3A_359 : vector<16xi1>, vector<16xf32>
        %swap3A_366 = arith.constant 1 : i32
        %swap3A_367 = arith.index_cast %swap3A_366 : i32 to index
        %swap3A_368 = arith.index_cast %add3A_311 : i32 to index
        %swap3A_369 = arith.constant 32 : index
        %swap3A_370 = tpu.vector_load %arg8[%swap3A_367, %swap3A_368, %swap3A_369] {strides = array<i32>} : memref<2x128x64xf32, #tpu.memory_space<vmem>>, vector<16xf32>,
        tpu.vector_store %arg8[%swap3A_367, %swap3A_368, %swap3A_369], %select_n3A_365 {strides = array<i32>} : memref<2x128x64xf32, #tpu.memory_space<vmem>>, vector<16xf32>,
        %get3A_371 = arith.constant 1 : i32
        %get3A_372 = arith.index_cast %get3A_371 : i32 to index
        %get3A_373 = arith.index_cast %add3A_311 : i32 to index
        %get3A_374 = arith.constant 48 : index
        %get3A_375 = tpu.vector_load %arg7[%get3A_372, %get3A_373, %get3A_374] {strides = array<i32>} : memref<2x128x128xf32, #tpu.memory_space<vmem>>, vector<16xf32>,
        %get3A_376 = arith.constant 1 : i32
        %get3A_377 = arith.index_cast %get3A_376 : i32 to index
        %get3A_378 = arith.index_cast %add3A_311 : i32 to index
        %get3A_379 = arith.constant 112 : index
        %get3A_380 = tpu.vector_load %arg7[%get3A_377, %get3A_378, %get3A_379] {strides = array<i32>} : memref<2x128x128xf32, #tpu.memory_space<vmem>>, vector<16xf32>,
        %select_n3A_381 = arith.select %ne3A_322, %get3A_380, %get3A_375 : vector<16xi1>, vector<16xf32>
        %swap3A_382 = arith.constant 1 : i32
        %swap3A_383 = arith.index_cast %swap3A_382 : i32 to index
        %swap3A_384 = arith.index_cast %add3A_311 : i32 to index
        %swap3A_385 = arith.constant 48 : index
        %swap3A_386 = tpu.vector_load %arg8[%swap3A_383, %swap3A_384, %swap3A_385] {strides = array<i32>} : memref<2x128x64xf32, #tpu.memory_space<vmem>>, vector<16xf32>,
        tpu.vector_store %arg8[%swap3A_383, %swap3A_384, %swap3A_385], %select_n3A_381 {strides = array<i32>} : memref<2x128x64xf32, #tpu.memory_space<vmem>>, vector<16xf32>,
        %mul3A_387 = arith.constant 16 : i32
        %mul3A_388 = arith.muli %scan3A_154, %mul3A_387 : i32
        %add3A_389 = arith.constant 3 : i32
        %add3A_390 = arith.addi %mul3A_388, %add3A_389 : i32
        %mul3A_391 = arith.constant 128 : i32
        %mul3A_392 = arith.muli %add3A_121, %mul3A_391 : i32
        %add3A_393 = arith.addi %mul3A_392, %add3A_390 : i32
        %broadcast_in_dim3A_394 = vector.broadcast %add3A_393 : i32 to vector<16xi32>
        %gather3A_395 = tpu.vector_load_idx %arg5[%broadcast_in_dim3A_394] : memref<25600xi32, #tpu.memory_space<vmem>>[vector<16xi32>], vector<16xi32>,
        %and3A_396 = arith.constant 1 : i32
        %and3A_397 = vector.broadcast %and3A_396 : i32 to vector<16xi32>
        %and3A_398 = arith.andi %gather3A_395, %and3A_397 : vector<16xi32>
        %ne3A_399 = arith.constant 0 : i32
        %ne3A_400 = vector.broadcast %ne3A_399 : i32 to vector<16xi32>
        %ne3A_401 = arith.cmpi ne, %and3A_398, %ne3A_400 : vector<16xi32>
        %get3A_402 = arith.constant 1 : i32
        %get3A_403 = arith.index_cast %get3A_402 : i32 to index
        %get3A_404 = arith.index_cast %add3A_390 : i32 to index
        %get3A_405 = arith.constant 0 : index
        %get3A_406 = tpu.vector_load %arg7[%get3A_403, %get3A_404, %get3A_405] {strides = array<i32>} : memref<2x128x128xf32, #tpu.memory_space<vmem>>, vector<16xf32>,
        %get3A_407 = arith.constant 1 : i32
        %get3A_408 = arith.index_cast %get3A_407 : i32 to index
        %get3A_409 = arith.index_cast %add3A_390 : i32 to index
        %get3A_410 = arith.constant 64 : index
        %get3A_411 = tpu.vector_load %arg7[%get3A_408, %get3A_409, %get3A_410] {strides = array<i32>} : memref<2x128x128xf32, #tpu.memory_space<vmem>>, vector<16xf32>,
        %select_n3A_412 = arith.select %ne3A_401, %get3A_411, %get3A_406 : vector<16xi1>, vector<16xf32>
        %swap3A_413 = arith.constant 1 : i32
        %swap3A_414 = arith.index_cast %swap3A_413 : i32 to index
        %swap3A_415 = arith.index_cast %add3A_390 : i32 to index
        %swap3A_416 = arith.constant 0 : index
        %swap3A_417 = tpu.vector_load %arg8[%swap3A_414, %swap3A_415, %swap3A_416] {strides = array<i32>} : memref<2x128x64xf32, #tpu.memory_space<vmem>>, vector<16xf32>,
        tpu.vector_store %arg8[%swap3A_414, %swap3A_415, %swap3A_416], %select_n3A_412 {strides = array<i32>} : memref<2x128x64xf32, #tpu.memory_space<vmem>>, vector<16xf32>,
        %get3A_418 = arith.constant 1 : i32
        %get3A_419 = arith.index_cast %get3A_418 : i32 to index
        %get3A_420 = arith.index_cast %add3A_390 : i32 to index
        %get3A_421 = arith.constant 16 : index
        %get3A_422 = tpu.vector_load %arg7[%get3A_419, %get3A_420, %get3A_421] {strides = array<i32>} : memref<2x128x128xf32, #tpu.memory_space<vmem>>, vector<16xf32>,
        %get3A_423 = arith.constant 1 : i32
        %get3A_424 = arith.index_cast %get3A_423 : i32 to index
        %get3A_425 = arith.index_cast %add3A_390 : i32 to index
        %get3A_426 = arith.constant 80 : index
        %get3A_427 = tpu.vector_load %arg7[%get3A_424, %get3A_425, %get3A_426] {strides = array<i32>} : memref<2x128x128xf32, #tpu.memory_space<vmem>>, vector<16xf32>,
        %select_n3A_428 = arith.select %ne3A_401, %get3A_427, %get3A_422 : vector<16xi1>, vector<16xf32>
        %swap3A_429 = arith.constant 1 : i32
        %swap3A_430 = arith.index_cast %swap3A_429 : i32 to index
        %swap3A_431 = arith.index_cast %add3A_390 : i32 to index
        %swap3A_432 = arith.constant 16 : index
        %swap3A_433 = tpu.vector_load %arg8[%swap3A_430, %swap3A_431, %swap3A_432] {strides = array<i32>} : memref<2x128x64xf32, #tpu.memory_space<vmem>>, vector<16xf32>,
        tpu.vector_store %arg8[%swap3A_430, %swap3A_431, %swap3A_432], %select_n3A_428 {strides = array<i32>} : memref<2x128x64xf32, #tpu.memory_space<vmem>>, vector<16xf32>,
        %get3A_434 = arith.constant 1 : i32
        %get3A_435 = arith.index_cast %get3A_434 : i32 to index
        %get3A_436 = arith.index_cast %add3A_390 : i32 to index
        %get3A_437 = arith.constant 32 : index
        %get3A_438 = tpu.vector_load %arg7[%get3A_435, %get3A_436, %get3A_437] {strides = array<i32>} : memref<2x128x128xf32, #tpu.memory_space<vmem>>, vector<16xf32>,
        %get3A_439 = arith.constant 1 : i32
        %get3A_440 = arith.index_cast %get3A_439 : i32 to index
        %get3A_441 = arith.index_cast %add3A_390 : i32 to index
        %get3A_442 = arith.constant 96 : index
        %get3A_443 = tpu.vector_load %arg7[%get3A_440, %get3A_441, %get3A_442] {strides = array<i32>} : memref<2x128x128xf32, #tpu.memory_space<vmem>>, vector<16xf32>,
        %select_n3A_444 = arith.select %ne3A_401, %get3A_443, %get3A_438 : vector<16xi1>, vector<16xf32>
        %swap3A_445 = arith.constant 1 : i32
        %swap3A_446 = arith.index_cast %swap3A_445 : i32 to index
        %swap3A_447 = arith.index_cast %add3A_390 : i32 to index
        %swap3A_448 = arith.constant 32 : index
        %swap3A_449 = tpu.vector_load %arg8[%swap3A_446, %swap3A_447, %swap3A_448] {strides = array<i32>} : memref<2x128x64xf32, #tpu.memory_space<vmem>>, vector<16xf32>,
        tpu.vector_store %arg8[%swap3A_446, %swap3A_447, %swap3A_448], %select_n3A_444 {strides = array<i32>} : memref<2x128x64xf32, #tpu.memory_space<vmem>>, vector<16xf32>,
        %get3A_450 = arith.constant 1 : i32
        %get3A_451 = arith.index_cast %get3A_450 : i32 to index
        %get3A_452 = arith.index_cast %add3A_390 : i32 to index
        %get3A_453 = arith.constant 48 : index
        %get3A_454 = tpu.vector_load %arg7[%get3A_451, %get3A_452, %get3A_453] {strides = array<i32>} : memref<2x128x128xf32, #tpu.memory_space<vmem>>, vector<16xf32>,
        %get3A_455 = arith.constant 1 : i32
        %get3A_456 = arith.index_cast %get3A_455 : i32 to index
        %get3A_457 = arith.index_cast %add3A_390 : i32 to index
        %get3A_458 = arith.constant 112 : index
        %get3A_459 = tpu.vector_load %arg7[%get3A_456, %get3A_457, %get3A_458] {strides = array<i32>} : memref<2x128x128xf32, #tpu.memory_space<vmem>>, vector<16xf32>,
        %select_n3A_460 = arith.select %ne3A_401, %get3A_459, %get3A_454 : vector<16xi1>, vector<16xf32>
        %swap3A_461 = arith.constant 1 : i32
        %swap3A_462 = arith.index_cast %swap3A_461 : i32 to index
        %swap3A_463 = arith.index_cast %add3A_390 : i32 to index
        %swap3A_464 = arith.constant 48 : index
        %swap3A_465 = tpu.vector_load %arg8[%swap3A_462, %swap3A_463, %swap3A_464] {strides = array<i32>} : memref<2x128x64xf32, #tpu.memory_space<vmem>>, vector<16xf32>,
        tpu.vector_store %arg8[%swap3A_462, %swap3A_463, %swap3A_464], %select_n3A_460 {strides = array<i32>} : memref<2x128x64xf32, #tpu.memory_space<vmem>>, vector<16xf32>,
        %mul3A_466 = arith.constant 16 : i32
        %mul3A_467 = arith.muli %scan3A_154, %mul3A_466 : i32
        %add3A_468 = arith.constant 4 : i32
        %add3A_469 = arith.addi %mul3A_467, %add3A_468 : i32
        %mul3A_470 = arith.constant 128 : i32
        %mul3A_471 = arith.muli %add3A_121, %mul3A_470 : i32
        %add3A_472 = arith.addi %mul3A_471, %add3A_469 : i32
        %broadcast_in_dim3A_473 = vector.broadcast %add3A_472 : i32 to vector<16xi32>
        %gather3A_474 = tpu.vector_load_idx %arg5[%broadcast_in_dim3A_473] : memref<25600xi32, #tpu.memory_space<vmem>>[vector<16xi32>], vector<16xi32>,
        %and3A_475 = arith.constant 1 : i32
        %and3A_476 = vector.broadcast %and3A_475 : i32 to vector<16xi32>
        %and3A_477 = arith.andi %gather3A_474, %and3A_476 : vector<16xi32>
        %ne3A_478 = arith.constant 0 : i32
        %ne3A_479 = vector.broadcast %ne3A_478 : i32 to vector<16xi32>
        %ne3A_480 = arith.cmpi ne, %and3A_477, %ne3A_479 : vector<16xi32>
        %get3A_481 = arith.constant 1 : i32
        %get3A_482 = arith.index_cast %get3A_481 : i32 to index
        %get3A_483 = arith.index_cast %add3A_469 : i32 to index
        %get3A_484 = arith.constant 0 : index
        %get3A_485 = tpu.vector_load %arg7[%get3A_482, %get3A_483, %get3A_484] {strides = array<i32>} : memref<2x128x128xf32, #tpu.memory_space<vmem>>, vector<16xf32>,
        %get3A_486 = arith.constant 1 : i32
        %get3A_487 = arith.index_cast %get3A_486 : i32 to index
        %get3A_488 = arith.index_cast %add3A_469 : i32 to index
        %get3A_489 = arith.constant 64 : index
        %get3A_490 = tpu.vector_load %arg7[%get3A_487, %get3A_488, %get3A_489] {strides = array<i32>} : memref<2x128x128xf32, #tpu.memory_space<vmem>>, vector<16xf32>,
        %select_n3A_491 = arith.select %ne3A_480, %get3A_490, %get3A_485 : vector<16xi1>, vector<16xf32>
        %swap3A_492 = arith.constant 1 : i32
        %swap3A_493 = arith.index_cast %swap3A_492 : i32 to index
        %swap3A_494 = arith.index_cast %add3A_469 : i32 to index
        %swap3A_495 = arith.constant 0 : index
        %swap3A_496 = tpu.vector_load %arg8[%swap3A_493, %swap3A_494, %swap3A_495] {strides = array<i32>} : memref<2x128x64xf32, #tpu.memory_space<vmem>>, vector<16xf32>,
        tpu.vector_store %arg8[%swap3A_493, %swap3A_494, %swap3A_495], %select_n3A_491 {strides = array<i32>} : memref<2x128x64xf32, #tpu.memory_space<vmem>>, vector<16xf32>,
        %get3A_497 = arith.constant 1 : i32
        %get3A_498 = arith.index_cast %get3A_497 : i32 to index
        %get3A_499 = arith.index_cast %add3A_469 : i32 to index
        %get3A_500 = arith.constant 16 : index
        %get3A_501 = tpu.vector_load %arg7[%get3A_498, %get3A_499, %get3A_500] {strides = array<i32>} : memref<2x128x128xf32, #tpu.memory_space<vmem>>, vector<16xf32>,
        %get3A_502 = arith.constant 1 : i32
        %get3A_503 = arith.index_cast %get3A_502 : i32 to index
        %get3A_504 = arith.index_cast %add3A_469 : i32 to index
        %get3A_505 = arith.constant 80 : index
        %get3A_506 = tpu.vector_load %arg7[%get3A_503, %get3A_504, %get3A_505] {strides = array<i32>} : memref<2x128x128xf32, #tpu.memory_space<vmem>>, vector<16xf32>,
        %select_n3A_507 = arith.select %ne3A_480, %get3A_506, %get3A_501 : vector<16xi1>, vector<16xf32>
        %swap3A_508 = arith.constant 1 : i32
        %swap3A_509 = arith.index_cast %swap3A_508 : i32 to index
        %swap3A_510 = arith.index_cast %add3A_469 : i32 to index
        %swap3A_511 = arith.constant 16 : index
        %swap3A_512 = tpu.vector_load %arg8[%swap3A_509, %swap3A_510, %swap3A_511] {strides = array<i32>} : memref<2x128x64xf32, #tpu.memory_space<vmem>>, vector<16xf32>,
        tpu.vector_store %arg8[%swap3A_509, %swap3A_510, %swap3A_511], %select_n3A_507 {strides = array<i32>} : memref<2x128x64xf32, #tpu.memory_space<vmem>>, vector<16xf32>,
        %get3A_513 = arith.constant 1 : i32
        %get3A_514 = arith.index_cast %get3A_513 : i32 to index
        %get3A_515 = arith.index_cast %add3A_469 : i32 to index
        %get3A_516 = arith.constant 32 : index
        %get3A_517 = tpu.vector_load %arg7[%get3A_514, %get3A_515, %get3A_516] {strides = array<i32>} : memref<2x128x128xf32, #tpu.memory_space<vmem>>, vector<16xf32>,
        %get3A_518 = arith.constant 1 : i32
        %get3A_519 = arith.index_cast %get3A_518 : i32 to index
        %get3A_520 = arith.index_cast %add3A_469 : i32 to index
        %get3A_521 = arith.constant 96 : index
        %get3A_522 = tpu.vector_load %arg7[%get3A_519, %get3A_520, %get3A_521] {strides = array<i32>} : memref<2x128x128xf32, #tpu.memory_space<vmem>>, vector<16xf32>,
        %select_n3A_523 = arith.select %ne3A_480, %get3A_522, %get3A_517 : vector<16xi1>, vector<16xf32>
        %swap3A_524 = arith.constant 1 : i32
        %swap3A_525 = arith.index_cast %swap3A_524 : i32 to index
        %swap3A_526 = arith.index_cast %add3A_469 : i32 to index
        %swap3A_527 = arith.constant 32 : index
        %swap3A_528 = tpu.vector_load %arg8[%swap3A_525, %swap3A_526, %swap3A_527] {strides = array<i32>} : memref<2x128x64xf32, #tpu.memory_space<vmem>>, vector<16xf32>,
        tpu.vector_store %arg8[%swap3A_525, %swap3A_526, %swap3A_527], %select_n3A_523 {strides = array<i32>} : memref<2x128x64xf32, #tpu.memory_space<vmem>>, vector<16xf32>,
        %get3A_529 = arith.constant 1 : i32
        %get3A_530 = arith.index_cast %get3A_529 : i32 to index
        %get3A_531 = arith.index_cast %add3A_469 : i32 to index
        %get3A_532 = arith.constant 48 : index
        %get3A_533 = tpu.vector_load %arg7[%get3A_530, %get3A_531, %get3A_532] {strides = array<i32>} : memref<2x128x128xf32, #tpu.memory_space<vmem>>, vector<16xf32>,
        %get3A_534 = arith.constant 1 : i32
        %get3A_535 = arith.index_cast %get3A_534 : i32 to index
        %get3A_536 = arith.index_cast %add3A_469 : i32 to index
        %get3A_537 = arith.constant 112 : index
        %get3A_538 = tpu.vector_load %arg7[%get3A_535, %get3A_536, %get3A_537] {strides = array<i32>} : memref<2x128x128xf32, #tpu.memory_space<vmem>>, vector<16xf32>,
        %select_n3A_539 = arith.select %ne3A_480, %get3A_538, %get3A_533 : vector<16xi1>, vector<16xf32>
        %swap3A_540 = arith.constant 1 : i32
        %swap3A_541 = arith.index_cast %swap3A_540 : i32 to index
        %swap3A_542 = arith.index_cast %add3A_469 : i32 to index
        %swap3A_543 = arith.constant 48 : index
        %swap3A_544 = tpu.vector_load %arg8[%swap3A_541, %swap3A_542, %swap3A_543] {strides = array<i32>} : memref<2x128x64xf32, #tpu.memory_space<vmem>>, vector<16xf32>,
        tpu.vector_store %arg8[%swap3A_541, %swap3A_542, %swap3A_543], %select_n3A_539 {strides = array<i32>} : memref<2x128x64xf32, #tpu.memory_space<vmem>>, vector<16xf32>,
        %mul3A_545 = arith.constant 16 : i32
        %mul3A_546 = arith.muli %scan3A_154, %mul3A_545 : i32
        %add3A_547 = arith.constant 5 : i32
        %add3A_548 = arith.addi %mul3A_546, %add3A_547 : i32
        %mul3A_549 = arith.constant 128 : i32
        %mul3A_550 = arith.muli %add3A_121, %mul3A_549 : i32
        %add3A_551 = arith.addi %mul3A_550, %add3A_548 : i32
        %broadcast_in_dim3A_552 = vector.broadcast %add3A_551 : i32 to vector<16xi32>
        %gather3A_553 = tpu.vector_load_idx %arg5[%broadcast_in_dim3A_552] : memref<25600xi32, #tpu.memory_space<vmem>>[vector<16xi32>], vector<16xi32>,
        %and3A_554 = arith.constant 1 : i32
        %and3A_555 = vector.broadcast %and3A_554 : i32 to vector<16xi32>
        %and3A_556 = arith.andi %gather3A_553, %and3A_555 : vector<16xi32>
        %ne3A_557 = arith.constant 0 : i32
        %ne3A_558 = vector.broadcast %ne3A_557 : i32 to vector<16xi32>
        %ne3A_559 = arith.cmpi ne, %and3A_556, %ne3A_558 : vector<16xi32>
        %get3A_560 = arith.constant 1 : i32
        %get3A_561 = arith.index_cast %get3A_560 : i32 to index
        %get3A_562 = arith.index_cast %add3A_548 : i32 to index
        %get3A_563 = arith.constant 0 : index
        %get3A_564 = tpu.vector_load %arg7[%get3A_561, %get3A_562, %get3A_563] {strides = array<i32>} : memref<2x128x128xf32, #tpu.memory_space<vmem>>, vector<16xf32>,
        %get3A_565 = arith.constant 1 : i32
        %get3A_566 = arith.index_cast %get3A_565 : i32 to index
        %get3A_567 = arith.index_cast %add3A_548 : i32 to index
        %get3A_568 = arith.constant 64 : index
        %get3A_569 = tpu.vector_load %arg7[%get3A_566, %get3A_567, %get3A_568] {strides = array<i32>} : memref<2x128x128xf32, #tpu.memory_space<vmem>>, vector<16xf32>,
        %select_n3A_570 = arith.select %ne3A_559, %get3A_569, %get3A_564 : vector<16xi1>, vector<16xf32>
        %swap3A_571 = arith.constant 1 : i32
        %swap3A_572 = arith.index_cast %swap3A_571 : i32 to index
        %swap3A_573 = arith.index_cast %add3A_548 : i32 to index
        %swap3A_574 = arith.constant 0 : index
        %swap3A_575 = tpu.vector_load %arg8[%swap3A_572, %swap3A_573, %swap3A_574] {strides = array<i32>} : memref<2x128x64xf32, #tpu.memory_space<vmem>>, vector<16xf32>,
        tpu.vector_store %arg8[%swap3A_572, %swap3A_573, %swap3A_574], %select_n3A_570 {strides = array<i32>} : memref<2x128x64xf32, #tpu.memory_space<vmem>>, vector<16xf32>,
        %get3A_576 = arith.constant 1 : i32
        %get3A_577 = arith.index_cast %get3A_576 : i32 to index
        %get3A_578 = arith.index_cast %add3A_548 : i32 to index
        %get3A_579 = arith.constant 16 : index
        %get3A_580 = tpu.vector_load %arg7[%get3A_577, %get3A_578, %get3A_579] {strides = array<i32>} : memref<2x128x128xf32, #tpu.memory_space<vmem>>, vector<16xf32>,
        %get3A_581 = arith.constant 1 : i32
        %get3A_582 = arith.index_cast %get3A_581 : i32 to index
        %get3A_583 = arith.index_cast %add3A_548 : i32 to index
        %get3A_584 = arith.constant 80 : index
        %get3A_585 = tpu.vector_load %arg7[%get3A_582, %get3A_583, %get3A_584] {strides = array<i32>} : memref<2x128x128xf32, #tpu.memory_space<vmem>>, vector<16xf32>,
        %select_n3A_586 = arith.select %ne3A_559, %get3A_585, %get3A_580 : vector<16xi1>, vector<16xf32>
        %swap3A_587 = arith.constant 1 : i32
        %swap3A_588 = arith.index_cast %swap3A_587 : i32 to index
        %swap3A_589 = arith.index_cast %add3A_548 : i32 to index
        %swap3A_590 = arith.constant 16 : index
        %swap3A_591 = tpu.vector_load %arg8[%swap3A_588, %swap3A_589, %swap3A_590] {strides = array<i32>} : memref<2x128x64xf32, #tpu.memory_space<vmem>>, vector<16xf32>,
        tpu.vector_store %arg8[%swap3A_588, %swap3A_589, %swap3A_590], %select_n3A_586 {strides = array<i32>} : memref<2x128x64xf32, #tpu.memory_space<vmem>>, vector<16xf32>,
        %get3A_592 = arith.constant 1 : i32
        %get3A_593 = arith.index_cast %get3A_592 : i32 to index
        %get3A_594 = arith.index_cast %add3A_548 : i32 to index
        %get3A_595 = arith.constant 32 : index
        %get3A_596 = tpu.vector_load %arg7[%get3A_593, %get3A_594, %get3A_595] {strides = array<i32>} : memref<2x128x128xf32, #tpu.memory_space<vmem>>, vector<16xf32>,
        %get3A_597 = arith.constant 1 : i32
        %get3A_598 = arith.index_cast %get3A_597 : i32 to index
        %get3A_599 = arith.index_cast %add3A_548 : i32 to index
        %get3A_600 = arith.constant 96 : index
        %get3A_601 = tpu.vector_load %arg7[%get3A_598, %get3A_599, %get3A_600] {strides = array<i32>} : memref<2x128x128xf32, #tpu.memory_space<vmem>>, vector<16xf32>,
        %select_n3A_602 = arith.select %ne3A_559, %get3A_601, %get3A_596 : vector<16xi1>, vector<16xf32>
        %swap3A_603 = arith.constant 1 : i32
        %swap3A_604 = arith.index_cast %swap3A_603 : i32 to index
        %swap3A_605 = arith.index_cast %add3A_548 : i32 to index
        %swap3A_606 = arith.constant 32 : index
        %swap3A_607 = tpu.vector_load %arg8[%swap3A_604, %swap3A_605, %swap3A_606] {strides = array<i32>} : memref<2x128x64xf32, #tpu.memory_space<vmem>>, vector<16xf32>,
        tpu.vector_store %arg8[%swap3A_604, %swap3A_605, %swap3A_606], %select_n3A_602 {strides = array<i32>} : memref<2x128x64xf32, #tpu.memory_space<vmem>>, vector<16xf32>,
        %get3A_608 = arith.constant 1 : i32
        %get3A_609 = arith.index_cast %get3A_608 : i32 to index
        %get3A_610 = arith.index_cast %add3A_548 : i32 to index
        %get3A_611 = arith.constant 48 : index
        %get3A_612 = tpu.vector_load %arg7[%get3A_609, %get3A_610, %get3A_611] {strides = array<i32>} : memref<2x128x128xf32, #tpu.memory_space<vmem>>, vector<16xf32>,
        %get3A_613 = arith.constant 1 : i32
        %get3A_614 = arith.index_cast %get3A_613 : i32 to index
        %get3A_615 = arith.index_cast %add3A_548 : i32 to index
        %get3A_616 = arith.constant 112 : index
        %get3A_617 = tpu.vector_load %arg7[%get3A_614, %get3A_615, %get3A_616] {strides = array<i32>} : memref<2x128x128xf32, #tpu.memory_space<vmem>>, vector<16xf32>,
        %select_n3A_618 = arith.select %ne3A_559, %get3A_617, %get3A_612 : vector<16xi1>, vector<16xf32>
        %swap3A_619 = arith.constant 1 : i32
        %swap3A_620 = arith.index_cast %swap3A_619 : i32 to index
        %swap3A_621 = arith.index_cast %add3A_548 : i32 to index
        %swap3A_622 = arith.constant 48 : index
        %swap3A_623 = tpu.vector_load %arg8[%swap3A_620, %swap3A_621, %swap3A_622] {strides = array<i32>} : memref<2x128x64xf32, #tpu.memory_space<vmem>>, vector<16xf32>,
        tpu.vector_store %arg8[%swap3A_620, %swap3A_621, %swap3A_622], %select_n3A_618 {strides = array<i32>} : memref<2x128x64xf32, #tpu.memory_space<vmem>>, vector<16xf32>,
        %mul3A_624 = arith.constant 16 : i32
        %mul3A_625 = arith.muli %scan3A_154, %mul3A_624 : i32
        %add3A_626 = arith.constant 6 : i32
        %add3A_627 = arith.addi %mul3A_625, %add3A_626 : i32
        %mul3A_628 = arith.constant 128 : i32
        %mul3A_629 = arith.muli %add3A_121, %mul3A_628 : i32
        %add3A_630 = arith.addi %mul3A_629, %add3A_627 : i32
        %broadcast_in_dim3A_631 = vector.broadcast %add3A_630 : i32 to vector<16xi32>
        %gather3A_632 = tpu.vector_load_idx %arg5[%broadcast_in_dim3A_631] : memref<25600xi32, #tpu.memory_space<vmem>>[vector<16xi32>], vector<16xi32>,
        %and3A_633 = arith.constant 1 : i32
        %and3A_634 = vector.broadcast %and3A_633 : i32 to vector<16xi32>
        %and3A_635 = arith.andi %gather3A_632, %and3A_634 : vector<16xi32>
        %ne3A_636 = arith.constant 0 : i32
        %ne3A_637 = vector.broadcast %ne3A_636 : i32 to vector<16xi32>
        %ne3A_638 = arith.cmpi ne, %and3A_635, %ne3A_637 : vector<16xi32>
        %get3A_639 = arith.constant 1 : i32
        %get3A_640 = arith.index_cast %get3A_639 : i32 to index
        %get3A_641 = arith.index_cast %add3A_627 : i32 to index
        %get3A_642 = arith.constant 0 : index
        %get3A_643 = tpu.vector_load %arg7[%get3A_640, %get3A_641, %get3A_642] {strides = array<i32>} : memref<2x128x128xf32, #tpu.memory_space<vmem>>, vector<16xf32>,
        %get3A_644 = arith.constant 1 : i32
        %get3A_645 = arith.index_cast %get3A_644 : i32 to index
        %get3A_646 = arith.index_cast %add3A_627 : i32 to index
        %get3A_647 = arith.constant 64 : index
        %get3A_648 = tpu.vector_load %arg7[%get3A_645, %get3A_646, %get3A_647] {strides = array<i32>} : memref<2x128x128xf32, #tpu.memory_space<vmem>>, vector<16xf32>,
        %select_n3A_649 = arith.select %ne3A_638, %get3A_648, %get3A_643 : vector<16xi1>, vector<16xf32>
        %swap3A_650 = arith.constant 1 : i32
        %swap3A_651 = arith.index_cast %swap3A_650 : i32 to index
        %swap3A_652 = arith.index_cast %add3A_627 : i32 to index
        %swap3A_653 = arith.constant 0 : index
        %swap3A_654 = tpu.vector_load %arg8[%swap3A_651, %swap3A_652, %swap3A_653] {strides = array<i32>} : memref<2x128x64xf32, #tpu.memory_space<vmem>>, vector<16xf32>,
        tpu.vector_store %arg8[%swap3A_651, %swap3A_652, %swap3A_653], %select_n3A_649 {strides = array<i32>} : memref<2x128x64xf32, #tpu.memory_space<vmem>>, vector<16xf32>,
        %get3A_655 = arith.constant 1 : i32
        %get3A_656 = arith.index_cast %get3A_655 : i32 to index
        %get3A_657 = arith.index_cast %add3A_627 : i32 to index
        %get3A_658 = arith.constant 16 : index
        %get3A_659 = tpu.vector_load %arg7[%get3A_656, %get3A_657, %get3A_658] {strides = array<i32>} : memref<2x128x128xf32, #tpu.memory_space<vmem>>, vector<16xf32>,
        %get3A_660 = arith.constant 1 : i32
        %get3A_661 = arith.index_cast %get3A_660 : i32 to index
        %get3A_662 = arith.index_cast %add3A_627 : i32 to index
        %get3A_663 = arith.constant 80 : index
        %get3A_664 = tpu.vector_load %arg7[%get3A_661, %get3A_662, %get3A_663] {strides = array<i32>} : memref<2x128x128xf32, #tpu.memory_space<vmem>>, vector<16xf32>,
        %select_n3A_665 = arith.select %ne3A_638, %get3A_664, %get3A_659 : vector<16xi1>, vector<16xf32>
        %swap3A_666 = arith.constant 1 : i32
        %swap3A_667 = arith.index_cast %swap3A_666 : i32 to index
        %swap3A_668 = arith.index_cast %add3A_627 : i32 to index
        %swap3A_669 = arith.constant 16 : index
        %swap3A_670 = tpu.vector_load %arg8[%swap3A_667, %swap3A_668, %swap3A_669] {strides = array<i32>} : memref<2x128x64xf32, #tpu.memory_space<vmem>>, vector<16xf32>,
        tpu.vector_store %arg8[%swap3A_667, %swap3A_668, %swap3A_669], %select_n3A_665 {strides = array<i32>} : memref<2x128x64xf32, #tpu.memory_space<vmem>>, vector<16xf32>,
        %get3A_671 = arith.constant 1 : i32
        %get3A_672 = arith.index_cast %get3A_671 : i32 to index
        %get3A_673 = arith.index_cast %add3A_627 : i32 to index
        %get3A_674 = arith.constant 32 : index
        %get3A_675 = tpu.vector_load %arg7[%get3A_672, %get3A_673, %get3A_674] {strides = array<i32>} : memref<2x128x128xf32, #tpu.memory_space<vmem>>, vector<16xf32>,
        %get3A_676 = arith.constant 1 : i32
        %get3A_677 = arith.index_cast %get3A_676 : i32 to index
        %get3A_678 = arith.index_cast %add3A_627 : i32 to index
        %get3A_679 = arith.constant 96 : index
        %get3A_680 = tpu.vector_load %arg7[%get3A_677, %get3A_678, %get3A_679] {strides = array<i32>} : memref<2x128x128xf32, #tpu.memory_space<vmem>>, vector<16xf32>,
        %select_n3A_681 = arith.select %ne3A_638, %get3A_680, %get3A_675 : vector<16xi1>, vector<16xf32>
        %swap3A_682 = arith.constant 1 : i32
        %swap3A_683 = arith.index_cast %swap3A_682 : i32 to index
        %swap3A_684 = arith.index_cast %add3A_627 : i32 to index
        %swap3A_685 = arith.constant 32 : index
        %swap3A_686 = tpu.vector_load %arg8[%swap3A_683, %swap3A_684, %swap3A_685] {strides = array<i32>} : memref<2x128x64xf32, #tpu.memory_space<vmem>>, vector<16xf32>,
        tpu.vector_store %arg8[%swap3A_683, %swap3A_684, %swap3A_685], %select_n3A_681 {strides = array<i32>} : memref<2x128x64xf32, #tpu.memory_space<vmem>>, vector<16xf32>,
        %get3A_687 = arith.constant 1 : i32
        %get3A_688 = arith.index_cast %get3A_687 : i32 to index
        %get3A_689 = arith.index_cast %add3A_627 : i32 to index
        %get3A_690 = arith.constant 48 : index
        %get3A_691 = tpu.vector_load %arg7[%get3A_688, %get3A_689, %get3A_690] {strides = array<i32>} : memref<2x128x128xf32, #tpu.memory_space<vmem>>, vector<16xf32>,
        %get3A_692 = arith.constant 1 : i32
        %get3A_693 = arith.index_cast %get3A_692 : i32 to index
        %get3A_694 = arith.index_cast %add3A_627 : i32 to index
        %get3A_695 = arith.constant 112 : index
        %get3A_696 = tpu.vector_load %arg7[%get3A_693, %get3A_694, %get3A_695] {strides = array<i32>} : memref<2x128x128xf32, #tpu.memory_space<vmem>>, vector<16xf32>,
        %select_n3A_697 = arith.select %ne3A_638, %get3A_696, %get3A_691 : vector<16xi1>, vector<16xf32>
        %swap3A_698 = arith.constant 1 : i32
        %swap3A_699 = arith.index_cast %swap3A_698 : i32 to index
        %swap3A_700 = arith.index_cast %add3A_627 : i32 to index
        %swap3A_701 = arith.constant 48 : index
        %swap3A_702 = tpu.vector_load %arg8[%swap3A_699, %swap3A_700, %swap3A_701] {strides = array<i32>} : memref<2x128x64xf32, #tpu.memory_space<vmem>>, vector<16xf32>,
        tpu.vector_store %arg8[%swap3A_699, %swap3A_700, %swap3A_701], %select_n3A_697 {strides = array<i32>} : memref<2x128x64xf32, #tpu.memory_space<vmem>>, vector<16xf32>,
        %mul3A_703 = arith.constant 16 : i32
        %mul3A_704 = arith.muli %scan3A_154, %mul3A_703 : i32
        %add3A_705 = arith.constant 7 : i32
        %add3A_706 = arith.addi %mul3A_704, %add3A_705 : i32
        %mul3A_707 = arith.constant 128 : i32
        %mul3A_708 = arith.muli %add3A_121, %mul3A_707 : i32
        %add3A_709 = arith.addi %mul3A_708, %add3A_706 : i32
        %broadcast_in_dim3A_710 = vector.broadcast %add3A_709 : i32 to vector<16xi32>
        %gather3A_711 = tpu.vector_load_idx %arg5[%broadcast_in_dim3A_710] : memref<25600xi32, #tpu.memory_space<vmem>>[vector<16xi32>], vector<16xi32>,
        %and3A_712 = arith.constant 1 : i32
        %and3A_713 = vector.broadcast %and3A_712 : i32 to vector<16xi32>
        %and3A_714 = arith.andi %gather3A_711, %and3A_713 : vector<16xi32>
        %ne3A_715 = arith.constant 0 : i32
        %ne3A_716 = vector.broadcast %ne3A_715 : i32 to vector<16xi32>
        %ne3A_717 = arith.cmpi ne, %and3A_714, %ne3A_716 : vector<16xi32>
        %get3A_718 = arith.constant 1 : i32
        %get3A_719 = arith.index_cast %get3A_718 : i32 to index
        %get3A_720 = arith.index_cast %add3A_706 : i32 to index
        %get3A_721 = arith.constant 0 : index
        %get3A_722 = tpu.vector_load %arg7[%get3A_719, %get3A_720, %get3A_721] {strides = array<i32>} : memref<2x128x128xf32, #tpu.memory_space<vmem>>, vector<16xf32>,
        %get3A_723 = arith.constant 1 : i32
        %get3A_724 = arith.index_cast %get3A_723 : i32 to index
        %get3A_725 = arith.index_cast %add3A_706 : i32 to index
        %get3A_726 = arith.constant 64 : index
        %get3A_727 = tpu.vector_load %arg7[%get3A_724, %get3A_725, %get3A_726] {strides = array<i32>} : memref<2x128x128xf32, #tpu.memory_space<vmem>>, vector<16xf32>,
        %select_n3A_728 = arith.select %ne3A_717, %get3A_727, %get3A_722 : vector<16xi1>, vector<16xf32>
        %swap3A_729 = arith.constant 1 : i32
        %swap3A_730 = arith.index_cast %swap3A_729 : i32 to index
        %swap3A_731 = arith.index_cast %add3A_706 : i32 to index
        %swap3A_732 = arith.constant 0 : index
        %swap3A_733 = tpu.vector_load %arg8[%swap3A_730, %swap3A_731, %swap3A_732] {strides = array<i32>} : memref<2x128x64xf32, #tpu.memory_space<vmem>>, vector<16xf32>,
        tpu.vector_store %arg8[%swap3A_730, %swap3A_731, %swap3A_732], %select_n3A_728 {strides = array<i32>} : memref<2x128x64xf32, #tpu.memory_space<vmem>>, vector<16xf32>,
        %get3A_734 = arith.constant 1 : i32
        %get3A_735 = arith.index_cast %get3A_734 : i32 to index
        %get3A_736 = arith.index_cast %add3A_706 : i32 to index
        %get3A_737 = arith.constant 16 : index
        %get3A_738 = tpu.vector_load %arg7[%get3A_735, %get3A_736, %get3A_737] {strides = array<i32>} : memref<2x128x128xf32, #tpu.memory_space<vmem>>, vector<16xf32>,
        %get3A_739 = arith.constant 1 : i32
        %get3A_740 = arith.index_cast %get3A_739 : i32 to index
        %get3A_741 = arith.index_cast %add3A_706 : i32 to index
        %get3A_742 = arith.constant 80 : index
        %get3A_743 = tpu.vector_load %arg7[%get3A_740, %get3A_741, %get3A_742] {strides = array<i32>} : memref<2x128x128xf32, #tpu.memory_space<vmem>>, vector<16xf32>,
        %select_n3A_744 = arith.select %ne3A_717, %get3A_743, %get3A_738 : vector<16xi1>, vector<16xf32>
        %swap3A_745 = arith.constant 1 : i32
        %swap3A_746 = arith.index_cast %swap3A_745 : i32 to index
        %swap3A_747 = arith.index_cast %add3A_706 : i32 to index
        %swap3A_748 = arith.constant 16 : index
        %swap3A_749 = tpu.vector_load %arg8[%swap3A_746, %swap3A_747, %swap3A_748] {strides = array<i32>} : memref<2x128x64xf32, #tpu.memory_space<vmem>>, vector<16xf32>,
        tpu.vector_store %arg8[%swap3A_746, %swap3A_747, %swap3A_748], %select_n3A_744 {strides = array<i32>} : memref<2x128x64xf32, #tpu.memory_space<vmem>>, vector<16xf32>,
        %get3A_750 = arith.constant 1 : i32
        %get3A_751 = arith.index_cast %get3A_750 : i32 to index
        %get3A_752 = arith.index_cast %add3A_706 : i32 to index
        %get3A_753 = arith.constant 32 : index
        %get3A_754 = tpu.vector_load %arg7[%get3A_751, %get3A_752, %get3A_753] {strides = array<i32>} : memref<2x128x128xf32, #tpu.memory_space<vmem>>, vector<16xf32>,
        %get3A_755 = arith.constant 1 : i32
        %get3A_756 = arith.index_cast %get3A_755 : i32 to index
        %get3A_757 = arith.index_cast %add3A_706 : i32 to index
        %get3A_758 = arith.constant 96 : index
        %get3A_759 = tpu.vector_load %arg7[%get3A_756, %get3A_757, %get3A_758] {strides = array<i32>} : memref<2x128x128xf32, #tpu.memory_space<vmem>>, vector<16xf32>,
        %select_n3A_760 = arith.select %ne3A_717, %get3A_759, %get3A_754 : vector<16xi1>, vector<16xf32>
        %swap3A_761 = arith.constant 1 : i32
        %swap3A_762 = arith.index_cast %swap3A_761 : i32 to index
        %swap3A_763 = arith.index_cast %add3A_706 : i32 to index
        %swap3A_764 = arith.constant 32 : index
        %swap3A_765 = tpu.vector_load %arg8[%swap3A_762, %swap3A_763, %swap3A_764] {strides = array<i32>} : memref<2x128x64xf32, #tpu.memory_space<vmem>>, vector<16xf32>,
        tpu.vector_store %arg8[%swap3A_762, %swap3A_763, %swap3A_764], %select_n3A_760 {strides = array<i32>} : memref<2x128x64xf32, #tpu.memory_space<vmem>>, vector<16xf32>,
        %get3A_766 = arith.constant 1 : i32
        %get3A_767 = arith.index_cast %get3A_766 : i32 to index
        %get3A_768 = arith.index_cast %add3A_706 : i32 to index
        %get3A_769 = arith.constant 48 : index
        %get3A_770 = tpu.vector_load %arg7[%get3A_767, %get3A_768, %get3A_769] {strides = array<i32>} : memref<2x128x128xf32, #tpu.memory_space<vmem>>, vector<16xf32>,
        %get3A_771 = arith.constant 1 : i32
        %get3A_772 = arith.index_cast %get3A_771 : i32 to index
        %get3A_773 = arith.index_cast %add3A_706 : i32 to index
        %get3A_774 = arith.constant 112 : index
        %get3A_775 = tpu.vector_load %arg7[%get3A_772, %get3A_773, %get3A_774] {strides = array<i32>} : memref<2x128x128xf32, #tpu.memory_space<vmem>>, vector<16xf32>,
        %select_n3A_776 = arith.select %ne3A_717, %get3A_775, %get3A_770 : vector<16xi1>, vector<16xf32>
        %swap3A_777 = arith.constant 1 : i32
        %swap3A_778 = arith.index_cast %swap3A_777 : i32 to index
        %swap3A_779 = arith.index_cast %add3A_706 : i32 to index
        %swap3A_780 = arith.constant 48 : index
        %swap3A_781 = tpu.vector_load %arg8[%swap3A_778, %swap3A_779, %swap3A_780] {strides = array<i32>} : memref<2x128x64xf32, #tpu.memory_space<vmem>>, vector<16xf32>,
        tpu.vector_store %arg8[%swap3A_778, %swap3A_779, %swap3A_780], %select_n3A_776 {strides = array<i32>} : memref<2x128x64xf32, #tpu.memory_space<vmem>>, vector<16xf32>,
        %mul3A_782 = arith.constant 16 : i32
        %mul3A_783 = arith.muli %scan3A_154, %mul3A_782 : i32
        %add3A_784 = arith.constant 8 : i32
        %add3A_785 = arith.addi %mul3A_783, %add3A_784 : i32
        %mul3A_786 = arith.constant 128 : i32
        %mul3A_787 = arith.muli %add3A_121, %mul3A_786 : i32
        %add3A_788 = arith.addi %mul3A_787, %add3A_785 : i32
        %broadcast_in_dim3A_789 = vector.broadcast %add3A_788 : i32 to vector<16xi32>
        %gather3A_790 = tpu.vector_load_idx %arg5[%broadcast_in_dim3A_789] : memref<25600xi32, #tpu.memory_space<vmem>>[vector<16xi32>], vector<16xi32>,
        %and3A_791 = arith.constant 1 : i32
        %and3A_792 = vector.broadcast %and3A_791 : i32 to vector<16xi32>
        %and3A_793 = arith.andi %gather3A_790, %and3A_792 : vector<16xi32>
        %ne3A_794 = arith.constant 0 : i32
        %ne3A_795 = vector.broadcast %ne3A_794 : i32 to vector<16xi32>
        %ne3A_796 = arith.cmpi ne, %and3A_793, %ne3A_795 : vector<16xi32>
        %get3A_797 = arith.constant 1 : i32
        %get3A_798 = arith.index_cast %get3A_797 : i32 to index
        %get3A_799 = arith.index_cast %add3A_785 : i32 to index
        %get3A_800 = arith.constant 0 : index
        %get3A_801 = tpu.vector_load %arg7[%get3A_798, %get3A_799, %get3A_800] {strides = array<i32>} : memref<2x128x128xf32, #tpu.memory_space<vmem>>, vector<16xf32>,
        %get3A_802 = arith.constant 1 : i32
        %get3A_803 = arith.index_cast %get3A_802 : i32 to index
        %get3A_804 = arith.index_cast %add3A_785 : i32 to index
        %get3A_805 = arith.constant 64 : index
        %get3A_806 = tpu.vector_load %arg7[%get3A_803, %get3A_804, %get3A_805] {strides = array<i32>} : memref<2x128x128xf32, #tpu.memory_space<vmem>>, vector<16xf32>,
        %select_n3A_807 = arith.select %ne3A_796, %get3A_806, %get3A_801 : vector<16xi1>, vector<16xf32>
        %swap3A_808 = arith.constant 1 : i32
        %swap3A_809 = arith.index_cast %swap3A_808 : i32 to index
        %swap3A_810 = arith.index_cast %add3A_785 : i32 to index
        %swap3A_811 = arith.constant 0 : index
        %swap3A_812 = tpu.vector_load %arg8[%swap3A_809, %swap3A_810, %swap3A_811] {strides = array<i32>} : memref<2x128x64xf32, #tpu.memory_space<vmem>>, vector<16xf32>,
        tpu.vector_store %arg8[%swap3A_809, %swap3A_810, %swap3A_811], %select_n3A_807 {strides = array<i32>} : memref<2x128x64xf32, #tpu.memory_space<vmem>>, vector<16xf32>,
        %get3A_813 = arith.constant 1 : i32
        %get3A_814 = arith.index_cast %get3A_813 : i32 to index
        %get3A_815 = arith.index_cast %add3A_785 : i32 to index
        %get3A_816 = arith.constant 16 : index
        %get3A_817 = tpu.vector_load %arg7[%get3A_814, %get3A_815, %get3A_816] {strides = array<i32>} : memref<2x128x128xf32, #tpu.memory_space<vmem>>, vector<16xf32>,
        %get3A_818 = arith.constant 1 : i32
        %get3A_819 = arith.index_cast %get3A_818 : i32 to index
        %get3A_820 = arith.index_cast %add3A_785 : i32 to index
        %get3A_821 = arith.constant 80 : index
        %get3A_822 = tpu.vector_load %arg7[%get3A_819, %get3A_820, %get3A_821] {strides = array<i32>} : memref<2x128x128xf32, #tpu.memory_space<vmem>>, vector<16xf32>,
        %select_n3A_823 = arith.select %ne3A_796, %get3A_822, %get3A_817 : vector<16xi1>, vector<16xf32>
        %swap3A_824 = arith.constant 1 : i32
        %swap3A_825 = arith.index_cast %swap3A_824 : i32 to index
        %swap3A_826 = arith.index_cast %add3A_785 : i32 to index
        %swap3A_827 = arith.constant 16 : index
        %swap3A_828 = tpu.vector_load %arg8[%swap3A_825, %swap3A_826, %swap3A_827] {strides = array<i32>} : memref<2x128x64xf32, #tpu.memory_space<vmem>>, vector<16xf32>,
        tpu.vector_store %arg8[%swap3A_825, %swap3A_826, %swap3A_827], %select_n3A_823 {strides = array<i32>} : memref<2x128x64xf32, #tpu.memory_space<vmem>>, vector<16xf32>,
        %get3A_829 = arith.constant 1 : i32
        %get3A_830 = arith.index_cast %get3A_829 : i32 to index
        %get3A_831 = arith.index_cast %add3A_785 : i32 to index
        %get3A_832 = arith.constant 32 : index
        %get3A_833 = tpu.vector_load %arg7[%get3A_830, %get3A_831, %get3A_832] {strides = array<i32>} : memref<2x128x128xf32, #tpu.memory_space<vmem>>, vector<16xf32>,
        %get3A_834 = arith.constant 1 : i32
        %get3A_835 = arith.index_cast %get3A_834 : i32 to index
        %get3A_836 = arith.index_cast %add3A_785 : i32 to index
        %get3A_837 = arith.constant 96 : index
        %get3A_838 = tpu.vector_load %arg7[%get3A_835, %get3A_836, %get3A_837] {strides = array<i32>} : memref<2x128x128xf32, #tpu.memory_space<vmem>>, vector<16xf32>,
        %select_n3A_839 = arith.select %ne3A_796, %get3A_838, %get3A_833 : vector<16xi1>, vector<16xf32>
        %swap3A_840 = arith.constant 1 : i32
        %swap3A_841 = arith.index_cast %swap3A_840 : i32 to index
        %swap3A_842 = arith.index_cast %add3A_785 : i32 to index
        %swap3A_843 = arith.constant 32 : index
        %swap3A_844 = tpu.vector_load %arg8[%swap3A_841, %swap3A_842, %swap3A_843] {strides = array<i32>} : memref<2x128x64xf32, #tpu.memory_space<vmem>>, vector<16xf32>,
        tpu.vector_store %arg8[%swap3A_841, %swap3A_842, %swap3A_843], %select_n3A_839 {strides = array<i32>} : memref<2x128x64xf32, #tpu.memory_space<vmem>>, vector<16xf32>,
        %get3A_845 = arith.constant 1 : i32
        %get3A_846 = arith.index_cast %get3A_845 : i32 to index
        %get3A_847 = arith.index_cast %add3A_785 : i32 to index
        %get3A_848 = arith.constant 48 : index
        %get3A_849 = tpu.vector_load %arg7[%get3A_846, %get3A_847, %get3A_848] {strides = array<i32>} : memref<2x128x128xf32, #tpu.memory_space<vmem>>, vector<16xf32>,
        %get3A_850 = arith.constant 1 : i32
        %get3A_851 = arith.index_cast %get3A_850 : i32 to index
        %get3A_852 = arith.index_cast %add3A_785 : i32 to index
        %get3A_853 = arith.constant 112 : index
        %get3A_854 = tpu.vector_load %arg7[%get3A_851, %get3A_852, %get3A_853] {strides = array<i32>} : memref<2x128x128xf32, #tpu.memory_space<vmem>>, vector<16xf32>,
        %select_n3A_855 = arith.select %ne3A_796, %get3A_854, %get3A_849 : vector<16xi1>, vector<16xf32>
        %swap3A_856 = arith.constant 1 : i32
        %swap3A_857 = arith.index_cast %swap3A_856 : i32 to index
        %swap3A_858 = arith.index_cast %add3A_785 : i32 to index
        %swap3A_859 = arith.constant 48 : index
        %swap3A_860 = tpu.vector_load %arg8[%swap3A_857, %swap3A_858, %swap3A_859] {strides = array<i32>} : memref<2x128x64xf32, #tpu.memory_space<vmem>>, vector<16xf32>,
        tpu.vector_store %arg8[%swap3A_857, %swap3A_858, %swap3A_859], %select_n3A_855 {strides = array<i32>} : memref<2x128x64xf32, #tpu.memory_space<vmem>>, vector<16xf32>,
        %mul3A_861 = arith.constant 16 : i32
        %mul3A_862 = arith.muli %scan3A_154, %mul3A_861 : i32
        %add3A_863 = arith.constant 9 : i32
        %add3A_864 = arith.addi %mul3A_862, %add3A_863 : i32
        %mul3A_865 = arith.constant 128 : i32
        %mul3A_866 = arith.muli %add3A_121, %mul3A_865 : i32
        %add3A_867 = arith.addi %mul3A_866, %add3A_864 : i32
        %broadcast_in_dim3A_868 = vector.broadcast %add3A_867 : i32 to vector<16xi32>
        %gather3A_869 = tpu.vector_load_idx %arg5[%broadcast_in_dim3A_868] : memref<25600xi32, #tpu.memory_space<vmem>>[vector<16xi32>], vector<16xi32>,
        %and3A_870 = arith.constant 1 : i32
        %and3A_871 = vector.broadcast %and3A_870 : i32 to vector<16xi32>
        %and3A_872 = arith.andi %gather3A_869, %and3A_871 : vector<16xi32>
        %ne3A_873 = arith.constant 0 : i32
        %ne3A_874 = vector.broadcast %ne3A_873 : i32 to vector<16xi32>
        %ne3A_875 = arith.cmpi ne, %and3A_872, %ne3A_874 : vector<16xi32>
        %get3A_876 = arith.constant 1 : i32
        %get3A_877 = arith.index_cast %get3A_876 : i32 to index
        %get3A_878 = arith.index_cast %add3A_864 : i32 to index
        %get3A_879 = arith.constant 0 : index
        %get3A_880 = tpu.vector_load %arg7[%get3A_877, %get3A_878, %get3A_879] {strides = array<i32>} : memref<2x128x128xf32, #tpu.memory_space<vmem>>, vector<16xf32>,
        %get3A_881 = arith.constant 1 : i32
        %get3A_882 = arith.index_cast %get3A_881 : i32 to index
        %get3A_883 = arith.index_cast %add3A_864 : i32 to index
        %get3A_884 = arith.constant 64 : index
        %get3A_885 = tpu.vector_load %arg7[%get3A_882, %get3A_883, %get3A_884] {strides = array<i32>} : memref<2x128x128xf32, #tpu.memory_space<vmem>>, vector<16xf32>,
        %select_n3A_886 = arith.select %ne3A_875, %get3A_885, %get3A_880 : vector<16xi1>, vector<16xf32>
        %swap3A_887 = arith.constant 1 : i32
        %swap3A_888 = arith.index_cast %swap3A_887 : i32 to index
        %swap3A_889 = arith.index_cast %add3A_864 : i32 to index
        %swap3A_890 = arith.constant 0 : index
        %swap3A_891 = tpu.vector_load %arg8[%swap3A_888, %swap3A_889, %swap3A_890] {strides = array<i32>} : memref<2x128x64xf32, #tpu.memory_space<vmem>>, vector<16xf32>,
        tpu.vector_store %arg8[%swap3A_888, %swap3A_889, %swap3A_890], %select_n3A_886 {strides = array<i32>} : memref<2x128x64xf32, #tpu.memory_space<vmem>>, vector<16xf32>,
        %get3A_892 = arith.constant 1 : i32
        %get3A_893 = arith.index_cast %get3A_892 : i32 to index
        %get3A_894 = arith.index_cast %add3A_864 : i32 to index
        %get3A_895 = arith.constant 16 : index
        %get3A_896 = tpu.vector_load %arg7[%get3A_893, %get3A_894, %get3A_895] {strides = array<i32>} : memref<2x128x128xf32, #tpu.memory_space<vmem>>, vector<16xf32>,
        %get3A_897 = arith.constant 1 : i32
        %get3A_898 = arith.index_cast %get3A_897 : i32 to index
        %get3A_899 = arith.index_cast %add3A_864 : i32 to index
        %get3A_900 = arith.constant 80 : index
        %get3A_901 = tpu.vector_load %arg7[%get3A_898, %get3A_899, %get3A_900] {strides = array<i32>} : memref<2x128x128xf32, #tpu.memory_space<vmem>>, vector<16xf32>,
        %select_n3A_902 = arith.select %ne3A_875, %get3A_901, %get3A_896 : vector<16xi1>, vector<16xf32>
        %swap3A_903 = arith.constant 1 : i32
        %swap3A_904 = arith.index_cast %swap3A_903 : i32 to index
        %swap3A_905 = arith.index_cast %add3A_864 : i32 to index
        %swap3A_906 = arith.constant 16 : index
        %swap3A_907 = tpu.vector_load %arg8[%swap3A_904, %swap3A_905, %swap3A_906] {strides = array<i32>} : memref<2x128x64xf32, #tpu.memory_space<vmem>>, vector<16xf32>,
        tpu.vector_store %arg8[%swap3A_904, %swap3A_905, %swap3A_906], %select_n3A_902 {strides = array<i32>} : memref<2x128x64xf32, #tpu.memory_space<vmem>>, vector<16xf32>,
        %get3A_908 = arith.constant 1 : i32
        %get3A_909 = arith.index_cast %get3A_908 : i32 to index
        %get3A_910 = arith.index_cast %add3A_864 : i32 to index
        %get3A_911 = arith.constant 32 : index
        %get3A_912 = tpu.vector_load %arg7[%get3A_909, %get3A_910, %get3A_911] {strides = array<i32>} : memref<2x128x128xf32, #tpu.memory_space<vmem>>, vector<16xf32>,
        %get3A_913 = arith.constant 1 : i32
        %get3A_914 = arith.index_cast %get3A_913 : i32 to index
        %get3A_915 = arith.index_cast %add3A_864 : i32 to index
        %get3A_916 = arith.constant 96 : index
        %get3A_917 = tpu.vector_load %arg7[%get3A_914, %get3A_915, %get3A_916] {strides = array<i32>} : memref<2x128x128xf32, #tpu.memory_space<vmem>>, vector<16xf32>,
        %select_n3A_918 = arith.select %ne3A_875, %get3A_917, %get3A_912 : vector<16xi1>, vector<16xf32>
        %swap3A_919 = arith.constant 1 : i32
        %swap3A_920 = arith.index_cast %swap3A_919 : i32 to index
        %swap3A_921 = arith.index_cast %add3A_864 : i32 to index
        %swap3A_922 = arith.constant 32 : index
        %swap3A_923 = tpu.vector_load %arg8[%swap3A_920, %swap3A_921, %swap3A_922] {strides = array<i32>} : memref<2x128x64xf32, #tpu.memory_space<vmem>>, vector<16xf32>,
        tpu.vector_store %arg8[%swap3A_920, %swap3A_921, %swap3A_922], %select_n3A_918 {strides = array<i32>} : memref<2x128x64xf32, #tpu.memory_space<vmem>>, vector<16xf32>,
        %get3A_924 = arith.constant 1 : i32
        %get3A_925 = arith.index_cast %get3A_924 : i32 to index
        %get3A_926 = arith.index_cast %add3A_864 : i32 to index
        %get3A_927 = arith.constant 48 : index
        %get3A_928 = tpu.vector_load %arg7[%get3A_925, %get3A_926, %get3A_927] {strides = array<i32>} : memref<2x128x128xf32, #tpu.memory_space<vmem>>, vector<16xf32>,
        %get3A_929 = arith.constant 1 : i32
        %get3A_930 = arith.index_cast %get3A_929 : i32 to index
        %get3A_931 = arith.index_cast %add3A_864 : i32 to index
        %get3A_932 = arith.constant 112 : index
        %get3A_933 = tpu.vector_load %arg7[%get3A_930, %get3A_931, %get3A_932] {strides = array<i32>} : memref<2x128x128xf32, #tpu.memory_space<vmem>>, vector<16xf32>,
        %select_n3A_934 = arith.select %ne3A_875, %get3A_933, %get3A_928 : vector<16xi1>, vector<16xf32>
        %swap3A_935 = arith.constant 1 : i32
        %swap3A_936 = arith.index_cast %swap3A_935 : i32 to index
        %swap3A_937 = arith.index_cast %add3A_864 : i32 to index
        %swap3A_938 = arith.constant 48 : index
        %swap3A_939 = tpu.vector_load %arg8[%swap3A_936, %swap3A_937, %swap3A_938] {strides = array<i32>} : memref<2x128x64xf32, #tpu.memory_space<vmem>>, vector<16xf32>,
        tpu.vector_store %arg8[%swap3A_936, %swap3A_937, %swap3A_938], %select_n3A_934 {strides = array<i32>} : memref<2x128x64xf32, #tpu.memory_space<vmem>>, vector<16xf32>,
        %mul3A_940 = arith.constant 16 : i32
        %mul3A_941 = arith.muli %scan3A_154, %mul3A_940 : i32
        %add3A_942 = arith.constant 10 : i32
        %add3A_943 = arith.addi %mul3A_941, %add3A_942 : i32
        %mul3A_944 = arith.constant 128 : i32
        %mul3A_945 = arith.muli %add3A_121, %mul3A_944 : i32
        %add3A_946 = arith.addi %mul3A_945, %add3A_943 : i32
        %broadcast_in_dim3A_947 = vector.broadcast %add3A_946 : i32 to vector<16xi32>
        %gather3A_948 = tpu.vector_load_idx %arg5[%broadcast_in_dim3A_947] : memref<25600xi32, #tpu.memory_space<vmem>>[vector<16xi32>], vector<16xi32>,
        %and3A_949 = arith.constant 1 : i32
        %and3A_950 = vector.broadcast %and3A_949 : i32 to vector<16xi32>
        %and3A_951 = arith.andi %gather3A_948, %and3A_950 : vector<16xi32>
        %ne3A_952 = arith.constant 0 : i32
        %ne3A_953 = vector.broadcast %ne3A_952 : i32 to vector<16xi32>
        %ne3A_954 = arith.cmpi ne, %and3A_951, %ne3A_953 : vector<16xi32>
        %get3A_955 = arith.constant 1 : i32
        %get3A_956 = arith.index_cast %get3A_955 : i32 to index
        %get3A_957 = arith.index_cast %add3A_943 : i32 to index
        %get3A_958 = arith.constant 0 : index
        %get3A_959 = tpu.vector_load %arg7[%get3A_956, %get3A_957, %get3A_958] {strides = array<i32>} : memref<2x128x128xf32, #tpu.memory_space<vmem>>, vector<16xf32>,
        %get3A_960 = arith.constant 1 : i32
        %get3A_961 = arith.index_cast %get3A_960 : i32 to index
        %get3A_962 = arith.index_cast %add3A_943 : i32 to index
        %get3A_963 = arith.constant 64 : index
        %get3A_964 = tpu.vector_load %arg7[%get3A_961, %get3A_962, %get3A_963] {strides = array<i32>} : memref<2x128x128xf32, #tpu.memory_space<vmem>>, vector<16xf32>,
        %select_n3A_965 = arith.select %ne3A_954, %get3A_964, %get3A_959 : vector<16xi1>, vector<16xf32>
        %swap3A_966 = arith.constant 1 : i32
        %swap3A_967 = arith.index_cast %swap3A_966 : i32 to index
        %swap3A_968 = arith.index_cast %add3A_943 : i32 to index
        %swap3A_969 = arith.constant 0 : index
        %swap3A_970 = tpu.vector_load %arg8[%swap3A_967, %swap3A_968, %swap3A_969] {strides = array<i32>} : memref<2x128x64xf32, #tpu.memory_space<vmem>>, vector<16xf32>,
        tpu.vector_store %arg8[%swap3A_967, %swap3A_968, %swap3A_969], %select_n3A_965 {strides = array<i32>} : memref<2x128x64xf32, #tpu.memory_space<vmem>>, vector<16xf32>,
        %get3A_971 = arith.constant 1 : i32
        %get3A_972 = arith.index_cast %get3A_971 : i32 to index
        %get3A_973 = arith.index_cast %add3A_943 : i32 to index
        %get3A_974 = arith.constant 16 : index
        %get3A_975 = tpu.vector_load %arg7[%get3A_972, %get3A_973, %get3A_974] {strides = array<i32>} : memref<2x128x128xf32, #tpu.memory_space<vmem>>, vector<16xf32>,
        %get3A_976 = arith.constant 1 : i32
        %get3A_977 = arith.index_cast %get3A_976 : i32 to index
        %get3A_978 = arith.index_cast %add3A_943 : i32 to index
        %get3A_979 = arith.constant 80 : index
        %get3A_980 = tpu.vector_load %arg7[%get3A_977, %get3A_978, %get3A_979] {strides = array<i32>} : memref<2x128x128xf32, #tpu.memory_space<vmem>>, vector<16xf32>,
        %select_n3A_981 = arith.select %ne3A_954, %get3A_980, %get3A_975 : vector<16xi1>, vector<16xf32>
        %swap3A_982 = arith.constant 1 : i32
        %swap3A_983 = arith.index_cast %swap3A_982 : i32 to index
        %swap3A_984 = arith.index_cast %add3A_943 : i32 to index
        %swap3A_985 = arith.constant 16 : index
        %swap3A_986 = tpu.vector_load %arg8[%swap3A_983, %swap3A_984, %swap3A_985] {strides = array<i32>} : memref<2x128x64xf32, #tpu.memory_space<vmem>>, vector<16xf32>,
        tpu.vector_store %arg8[%swap3A_983, %swap3A_984, %swap3A_985], %select_n3A_981 {strides = array<i32>} : memref<2x128x64xf32, #tpu.memory_space<vmem>>, vector<16xf32>,
        %get3A_987 = arith.constant 1 : i32
        %get3A_988 = arith.index_cast %get3A_987 : i32 to index
        %get3A_989 = arith.index_cast %add3A_943 : i32 to index
        %get3A_990 = arith.constant 32 : index
        %get3A_991 = tpu.vector_load %arg7[%get3A_988, %get3A_989, %get3A_990] {strides = array<i32>} : memref<2x128x128xf32, #tpu.memory_space<vmem>>, vector<16xf32>,
        %get3A_992 = arith.constant 1 : i32
        %get3A_993 = arith.index_cast %get3A_992 : i32 to index
        %get3A_994 = arith.index_cast %add3A_943 : i32 to index
        %get3A_995 = arith.constant 96 : index
        %get3A_996 = tpu.vector_load %arg7[%get3A_993, %get3A_994, %get3A_995] {strides = array<i32>} : memref<2x128x128xf32, #tpu.memory_space<vmem>>, vector<16xf32>,
        %select_n3A_997 = arith.select %ne3A_954, %get3A_996, %get3A_991 : vector<16xi1>, vector<16xf32>
        %swap3A_998 = arith.constant 1 : i32
        %swap3A_999 = arith.index_cast %swap3A_998 : i32 to index
        %swap3A_1000 = arith.index_cast %add3A_943 : i32 to index
        %swap3A_1001 = arith.constant 32 : index
        %swap3A_1002 = tpu.vector_load %arg8[%swap3A_999, %swap3A_1000, %swap3A_1001] {strides = array<i32>} : memref<2x128x64xf32, #tpu.memory_space<vmem>>, vector<16xf32>,
        tpu.vector_store %arg8[%swap3A_999, %swap3A_1000, %swap3A_1001], %select_n3A_997 {strides = array<i32>} : memref<2x128x64xf32, #tpu.memory_space<vmem>>, vector<16xf32>,
        %get3A_1003 = arith.constant 1 : i32
        %get3A_1004 = arith.index_cast %get3A_1003 : i32 to index
        %get3A_1005 = arith.index_cast %add3A_943 : i32 to index
        %get3A_1006 = arith.constant 48 : index
        %get3A_1007 = tpu.vector_load %arg7[%get3A_1004, %get3A_1005, %get3A_1006] {strides = array<i32>} : memref<2x128x128xf32, #tpu.memory_space<vmem>>, vector<16xf32>,
        %get3A_1008 = arith.constant 1 : i32
        %get3A_1009 = arith.index_cast %get3A_1008 : i32 to index
        %get3A_1010 = arith.index_cast %add3A_943 : i32 to index
        %get3A_1011 = arith.constant 112 : index
        %get3A_1012 = tpu.vector_load %arg7[%get3A_1009, %get3A_1010, %get3A_1011] {strides = array<i32>} : memref<2x128x128xf32, #tpu.memory_space<vmem>>, vector<16xf32>,
        %select_n3A_1013 = arith.select %ne3A_954, %get3A_1012, %get3A_1007 : vector<16xi1>, vector<16xf32>
        %swap3A_1014 = arith.constant 1 : i32
        %swap3A_1015 = arith.index_cast %swap3A_1014 : i32 to index
        %swap3A_1016 = arith.index_cast %add3A_943 : i32 to index
        %swap3A_1017 = arith.constant 48 : index
        %swap3A_1018 = tpu.vector_load %arg8[%swap3A_1015, %swap3A_1016, %swap3A_1017] {strides = array<i32>} : memref<2x128x64xf32, #tpu.memory_space<vmem>>, vector<16xf32>,
        tpu.vector_store %arg8[%swap3A_1015, %swap3A_1016, %swap3A_1017], %select_n3A_1013 {strides = array<i32>} : memref<2x128x64xf32, #tpu.memory_space<vmem>>, vector<16xf32>,
        %mul3A_1019 = arith.constant 16 : i32
        %mul3A_1020 = arith.muli %scan3A_154, %mul3A_1019 : i32
        %add3A_1021 = arith.constant 11 : i32
        %add3A_1022 = arith.addi %mul3A_1020, %add3A_1021 : i32
        %mul3A_1023 = arith.constant 128 : i32
        %mul3A_1024 = arith.muli %add3A_121, %mul3A_1023 : i32
        %add3A_1025 = arith.addi %mul3A_1024, %add3A_1022 : i32
        %broadcast_in_dim3A_1026 = vector.broadcast %add3A_1025 : i32 to vector<16xi32>
        %gather3A_1027 = tpu.vector_load_idx %arg5[%broadcast_in_dim3A_1026] : memref<25600xi32, #tpu.memory_space<vmem>>[vector<16xi32>], vector<16xi32>,
        %and3A_1028 = arith.constant 1 : i32
        %and3A_1029 = vector.broadcast %and3A_1028 : i32 to vector<16xi32>
        %and3A_1030 = arith.andi %gather3A_1027, %and3A_1029 : vector<16xi32>
        %ne3A_1031 = arith.constant 0 : i32
        %ne3A_1032 = vector.broadcast %ne3A_1031 : i32 to vector<16xi32>
        %ne3A_1033 = arith.cmpi ne, %and3A_1030, %ne3A_1032 : vector<16xi32>
        %get3A_1034 = arith.constant 1 : i32
        %get3A_1035 = arith.index_cast %get3A_1034 : i32 to index
        %get3A_1036 = arith.index_cast %add3A_1022 : i32 to index
        %get3A_1037 = arith.constant 0 : index
        %get3A_1038 = tpu.vector_load %arg7[%get3A_1035, %get3A_1036, %get3A_1037] {strides = array<i32>} : memref<2x128x128xf32, #tpu.memory_space<vmem>>, vector<16xf32>,
        %get3A_1039 = arith.constant 1 : i32
        %get3A_1040 = arith.index_cast %get3A_1039 : i32 to index
        %get3A_1041 = arith.index_cast %add3A_1022 : i32 to index
        %get3A_1042 = arith.constant 64 : index
        %get3A_1043 = tpu.vector_load %arg7[%get3A_1040, %get3A_1041, %get3A_1042] {strides = array<i32>} : memref<2x128x128xf32, #tpu.memory_space<vmem>>, vector<16xf32>,
        %select_n3A_1044 = arith.select %ne3A_1033, %get3A_1043, %get3A_1038 : vector<16xi1>, vector<16xf32>
        %swap3A_1045 = arith.constant 1 : i32
        %swap3A_1046 = arith.index_cast %swap3A_1045 : i32 to index
        %swap3A_1047 = arith.index_cast %add3A_1022 : i32 to index
        %swap3A_1048 = arith.constant 0 : index
        %swap3A_1049 = tpu.vector_load %arg8[%swap3A_1046, %swap3A_1047, %swap3A_1048] {strides = array<i32>} : memref<2x128x64xf32, #tpu.memory_space<vmem>>, vector<16xf32>,
        tpu.vector_store %arg8[%swap3A_1046, %swap3A_1047, %swap3A_1048], %select_n3A_1044 {strides = array<i32>} : memref<2x128x64xf32, #tpu.memory_space<vmem>>, vector<16xf32>,
        %get3A_1050 = arith.constant 1 : i32
        %get3A_1051 = arith.index_cast %get3A_1050 : i32 to index
        %get3A_1052 = arith.index_cast %add3A_1022 : i32 to index
        %get3A_1053 = arith.constant 16 : index
        %get3A_1054 = tpu.vector_load %arg7[%get3A_1051, %get3A_1052, %get3A_1053] {strides = array<i32>} : memref<2x128x128xf32, #tpu.memory_space<vmem>>, vector<16xf32>,
        %get3A_1055 = arith.constant 1 : i32
        %get3A_1056 = arith.index_cast %get3A_1055 : i32 to index
        %get3A_1057 = arith.index_cast %add3A_1022 : i32 to index
        %get3A_1058 = arith.constant 80 : index
        %get3A_1059 = tpu.vector_load %arg7[%get3A_1056, %get3A_1057, %get3A_1058] {strides = array<i32>} : memref<2x128x128xf32, #tpu.memory_space<vmem>>, vector<16xf32>,
        %select_n3A_1060 = arith.select %ne3A_1033, %get3A_1059, %get3A_1054 : vector<16xi1>, vector<16xf32>
        %swap3A_1061 = arith.constant 1 : i32
        %swap3A_1062 = arith.index_cast %swap3A_1061 : i32 to index
        %swap3A_1063 = arith.index_cast %add3A_1022 : i32 to index
        %swap3A_1064 = arith.constant 16 : index
        %swap3A_1065 = tpu.vector_load %arg8[%swap3A_1062, %swap3A_1063, %swap3A_1064] {strides = array<i32>} : memref<2x128x64xf32, #tpu.memory_space<vmem>>, vector<16xf32>,
        tpu.vector_store %arg8[%swap3A_1062, %swap3A_1063, %swap3A_1064], %select_n3A_1060 {strides = array<i32>} : memref<2x128x64xf32, #tpu.memory_space<vmem>>, vector<16xf32>,
        %get3A_1066 = arith.constant 1 : i32
        %get3A_1067 = arith.index_cast %get3A_1066 : i32 to index
        %get3A_1068 = arith.index_cast %add3A_1022 : i32 to index
        %get3A_1069 = arith.constant 32 : index
        %get3A_1070 = tpu.vector_load %arg7[%get3A_1067, %get3A_1068, %get3A_1069] {strides = array<i32>} : memref<2x128x128xf32, #tpu.memory_space<vmem>>, vector<16xf32>,
        %get3A_1071 = arith.constant 1 : i32
        %get3A_1072 = arith.index_cast %get3A_1071 : i32 to index
        %get3A_1073 = arith.index_cast %add3A_1022 : i32 to index
        %get3A_1074 = arith.constant 96 : index
        %get3A_1075 = tpu.vector_load %arg7[%get3A_1072, %get3A_1073, %get3A_1074] {strides = array<i32>} : memref<2x128x128xf32, #tpu.memory_space<vmem>>, vector<16xf32>,
        %select_n3A_1076 = arith.select %ne3A_1033, %get3A_1075, %get3A_1070 : vector<16xi1>, vector<16xf32>
        %swap3A_1077 = arith.constant 1 : i32
        %swap3A_1078 = arith.index_cast %swap3A_1077 : i32 to index
        %swap3A_1079 = arith.index_cast %add3A_1022 : i32 to index
        %swap3A_1080 = arith.constant 32 : index
        %swap3A_1081 = tpu.vector_load %arg8[%swap3A_1078, %swap3A_1079, %swap3A_1080] {strides = array<i32>} : memref<2x128x64xf32, #tpu.memory_space<vmem>>, vector<16xf32>,
        tpu.vector_store %arg8[%swap3A_1078, %swap3A_1079, %swap3A_1080], %select_n3A_1076 {strides = array<i32>} : memref<2x128x64xf32, #tpu.memory_space<vmem>>, vector<16xf32>,
        %get3A_1082 = arith.constant 1 : i32
        %get3A_1083 = arith.index_cast %get3A_1082 : i32 to index
        %get3A_1084 = arith.index_cast %add3A_1022 : i32 to index
        %get3A_1085 = arith.constant 48 : index
        %get3A_1086 = tpu.vector_load %arg7[%get3A_1083, %get3A_1084, %get3A_1085] {strides = array<i32>} : memref<2x128x128xf32, #tpu.memory_space<vmem>>, vector<16xf32>,
        %get3A_1087 = arith.constant 1 : i32
        %get3A_1088 = arith.index_cast %get3A_1087 : i32 to index
        %get3A_1089 = arith.index_cast %add3A_1022 : i32 to index
        %get3A_1090 = arith.constant 112 : index
        %get3A_1091 = tpu.vector_load %arg7[%get3A_1088, %get3A_1089, %get3A_1090] {strides = array<i32>} : memref<2x128x128xf32, #tpu.memory_space<vmem>>, vector<16xf32>,
        %select_n3A_1092 = arith.select %ne3A_1033, %get3A_1091, %get3A_1086 : vector<16xi1>, vector<16xf32>
        %swap3A_1093 = arith.constant 1 : i32
        %swap3A_1094 = arith.index_cast %swap3A_1093 : i32 to index
        %swap3A_1095 = arith.index_cast %add3A_1022 : i32 to index
        %swap3A_1096 = arith.constant 48 : index
        %swap3A_1097 = tpu.vector_load %arg8[%swap3A_1094, %swap3A_1095, %swap3A_1096] {strides = array<i32>} : memref<2x128x64xf32, #tpu.memory_space<vmem>>, vector<16xf32>,
        tpu.vector_store %arg8[%swap3A_1094, %swap3A_1095, %swap3A_1096], %select_n3A_1092 {strides = array<i32>} : memref<2x128x64xf32, #tpu.memory_space<vmem>>, vector<16xf32>,
        %mul3A_1098 = arith.constant 16 : i32
        %mul3A_1099 = arith.muli %scan3A_154, %mul3A_1098 : i32
        %add3A_1100 = arith.constant 12 : i32
        %add3A_1101 = arith.addi %mul3A_1099, %add3A_1100 : i32
        %mul3A_1102 = arith.constant 128 : i32
        %mul3A_1103 = arith.muli %add3A_121, %mul3A_1102 : i32
        %add3A_1104 = arith.addi %mul3A_1103, %add3A_1101 : i32
        %broadcast_in_dim3A_1105 = vector.broadcast %add3A_1104 : i32 to vector<16xi32>
        %gather3A_1106 = tpu.vector_load_idx %arg5[%broadcast_in_dim3A_1105] : memref<25600xi32, #tpu.memory_space<vmem>>[vector<16xi32>], vector<16xi32>,
        %and3A_1107 = arith.constant 1 : i32
        %and3A_1108 = vector.broadcast %and3A_1107 : i32 to vector<16xi32>
        %and3A_1109 = arith.andi %gather3A_1106, %and3A_1108 : vector<16xi32>
        %ne3A_1110 = arith.constant 0 : i32
        %ne3A_1111 = vector.broadcast %ne3A_1110 : i32 to vector<16xi32>
        %ne3A_1112 = arith.cmpi ne, %and3A_1109, %ne3A_1111 : vector<16xi32>
        %get3A_1113 = arith.constant 1 : i32
        %get3A_1114 = arith.index_cast %get3A_1113 : i32 to index
        %get3A_1115 = arith.index_cast %add3A_1101 : i32 to index
        %get3A_1116 = arith.constant 0 : index
        %get3A_1117 = tpu.vector_load %arg7[%get3A_1114, %get3A_1115, %get3A_1116] {strides = array<i32>} : memref<2x128x128xf32, #tpu.memory_space<vmem>>, vector<16xf32>,
        %get3A_1118 = arith.constant 1 : i32
        %get3A_1119 = arith.index_cast %get3A_1118 : i32 to index
        %get3A_1120 = arith.index_cast %add3A_1101 : i32 to index
        %get3A_1121 = arith.constant 64 : index
        %get3A_1122 = tpu.vector_load %arg7[%get3A_1119, %get3A_1120, %get3A_1121] {strides = array<i32>} : memref<2x128x128xf32, #tpu.memory_space<vmem>>, vector<16xf32>,
        %select_n3A_1123 = arith.select %ne3A_1112, %get3A_1122, %get3A_1117 : vector<16xi1>, vector<16xf32>
        %swap3A_1124 = arith.constant 1 : i32
        %swap3A_1125 = arith.index_cast %swap3A_1124 : i32 to index
        %swap3A_1126 = arith.index_cast %add3A_1101 : i32 to index
        %swap3A_1127 = arith.constant 0 : index
        %swap3A_1128 = tpu.vector_load %arg8[%swap3A_1125, %swap3A_1126, %swap3A_1127] {strides = array<i32>} : memref<2x128x64xf32, #tpu.memory_space<vmem>>, vector<16xf32>,
        tpu.vector_store %arg8[%swap3A_1125, %swap3A_1126, %swap3A_1127], %select_n3A_1123 {strides = array<i32>} : memref<2x128x64xf32, #tpu.memory_space<vmem>>, vector<16xf32>,
        %get3A_1129 = arith.constant 1 : i32
        %get3A_1130 = arith.index_cast %get3A_1129 : i32 to index
        %get3A_1131 = arith.index_cast %add3A_1101 : i32 to index
        %get3A_1132 = arith.constant 16 : index
        %get3A_1133 = tpu.vector_load %arg7[%get3A_1130, %get3A_1131, %get3A_1132] {strides = array<i32>} : memref<2x128x128xf32, #tpu.memory_space<vmem>>, vector<16xf32>,
        %get3A_1134 = arith.constant 1 : i32
        %get3A_1135 = arith.index_cast %get3A_1134 : i32 to index
        %get3A_1136 = arith.index_cast %add3A_1101 : i32 to index
        %get3A_1137 = arith.constant 80 : index
        %get3A_1138 = tpu.vector_load %arg7[%get3A_1135, %get3A_1136, %get3A_1137] {strides = array<i32>} : memref<2x128x128xf32, #tpu.memory_space<vmem>>, vector<16xf32>,
        %select_n3A_1139 = arith.select %ne3A_1112, %get3A_1138, %get3A_1133 : vector<16xi1>, vector<16xf32>
        %swap3A_1140 = arith.constant 1 : i32
        %swap3A_1141 = arith.index_cast %swap3A_1140 : i32 to index
        %swap3A_1142 = arith.index_cast %add3A_1101 : i32 to index
        %swap3A_1143 = arith.constant 16 : index
        %swap3A_1144 = tpu.vector_load %arg8[%swap3A_1141, %swap3A_1142, %swap3A_1143] {strides = array<i32>} : memref<2x128x64xf32, #tpu.memory_space<vmem>>, vector<16xf32>,
        tpu.vector_store %arg8[%swap3A_1141, %swap3A_1142, %swap3A_1143], %select_n3A_1139 {strides = array<i32>} : memref<2x128x64xf32, #tpu.memory_space<vmem>>, vector<16xf32>,
        %get3A_1145 = arith.constant 1 : i32
        %get3A_1146 = arith.index_cast %get3A_1145 : i32 to index
        %get3A_1147 = arith.index_cast %add3A_1101 : i32 to index
        %get3A_1148 = arith.constant 32 : index
        %get3A_1149 = tpu.vector_load %arg7[%get3A_1146, %get3A_1147, %get3A_1148] {strides = array<i32>} : memref<2x128x128xf32, #tpu.memory_space<vmem>>, vector<16xf32>,
        %get3A_1150 = arith.constant 1 : i32
        %get3A_1151 = arith.index_cast %get3A_1150 : i32 to index
        %get3A_1152 = arith.index_cast %add3A_1101 : i32 to index
        %get3A_1153 = arith.constant 96 : index
        %get3A_1154 = tpu.vector_load %arg7[%get3A_1151, %get3A_1152, %get3A_1153] {strides = array<i32>} : memref<2x128x128xf32, #tpu.memory_space<vmem>>, vector<16xf32>,
        %select_n3A_1155 = arith.select %ne3A_1112, %get3A_1154, %get3A_1149 : vector<16xi1>, vector<16xf32>
        %swap3A_1156 = arith.constant 1 : i32
        %swap3A_1157 = arith.index_cast %swap3A_1156 : i32 to index
        %swap3A_1158 = arith.index_cast %add3A_1101 : i32 to index
        %swap3A_1159 = arith.constant 32 : index
        %swap3A_1160 = tpu.vector_load %arg8[%swap3A_1157, %swap3A_1158, %swap3A_1159] {strides = array<i32>} : memref<2x128x64xf32, #tpu.memory_space<vmem>>, vector<16xf32>,
        tpu.vector_store %arg8[%swap3A_1157, %swap3A_1158, %swap3A_1159], %select_n3A_1155 {strides = array<i32>} : memref<2x128x64xf32, #tpu.memory_space<vmem>>, vector<16xf32>,
        %get3A_1161 = arith.constant 1 : i32
        %get3A_1162 = arith.index_cast %get3A_1161 : i32 to index
        %get3A_1163 = arith.index_cast %add3A_1101 : i32 to index
        %get3A_1164 = arith.constant 48 : index
        %get3A_1165 = tpu.vector_load %arg7[%get3A_1162, %get3A_1163, %get3A_1164] {strides = array<i32>} : memref<2x128x128xf32, #tpu.memory_space<vmem>>, vector<16xf32>,
        %get3A_1166 = arith.constant 1 : i32
        %get3A_1167 = arith.index_cast %get3A_1166 : i32 to index
        %get3A_1168 = arith.index_cast %add3A_1101 : i32 to index
        %get3A_1169 = arith.constant 112 : index
        %get3A_1170 = tpu.vector_load %arg7[%get3A_1167, %get3A_1168, %get3A_1169] {strides = array<i32>} : memref<2x128x128xf32, #tpu.memory_space<vmem>>, vector<16xf32>,
        %select_n3A_1171 = arith.select %ne3A_1112, %get3A_1170, %get3A_1165 : vector<16xi1>, vector<16xf32>
        %swap3A_1172 = arith.constant 1 : i32
        %swap3A_1173 = arith.index_cast %swap3A_1172 : i32 to index
        %swap3A_1174 = arith.index_cast %add3A_1101 : i32 to index
        %swap3A_1175 = arith.constant 48 : index
        %swap3A_1176 = tpu.vector_load %arg8[%swap3A_1173, %swap3A_1174, %swap3A_1175] {strides = array<i32>} : memref<2x128x64xf32, #tpu.memory_space<vmem>>, vector<16xf32>,
        tpu.vector_store %arg8[%swap3A_1173, %swap3A_1174, %swap3A_1175], %select_n3A_1171 {strides = array<i32>} : memref<2x128x64xf32, #tpu.memory_space<vmem>>, vector<16xf32>,
        %mul3A_1177 = arith.constant 16 : i32
        %mul3A_1178 = arith.muli %scan3A_154, %mul3A_1177 : i32
        %add3A_1179 = arith.constant 13 : i32
        %add3A_1180 = arith.addi %mul3A_1178, %add3A_1179 : i32
        %mul3A_1181 = arith.constant 128 : i32
        %mul3A_1182 = arith.muli %add3A_121, %mul3A_1181 : i32
        %add3A_1183 = arith.addi %mul3A_1182, %add3A_1180 : i32
        %broadcast_in_dim3A_1184 = vector.broadcast %add3A_1183 : i32 to vector<16xi32>
        %gather3A_1185 = tpu.vector_load_idx %arg5[%broadcast_in_dim3A_1184] : memref<25600xi32, #tpu.memory_space<vmem>>[vector<16xi32>], vector<16xi32>,
        %and3A_1186 = arith.constant 1 : i32
        %and3A_1187 = vector.broadcast %and3A_1186 : i32 to vector<16xi32>
        %and3A_1188 = arith.andi %gather3A_1185, %and3A_1187 : vector<16xi32>
        %ne3A_1189 = arith.constant 0 : i32
        %ne3A_1190 = vector.broadcast %ne3A_1189 : i32 to vector<16xi32>
        %ne3A_1191 = arith.cmpi ne, %and3A_1188, %ne3A_1190 : vector<16xi32>
        %get3A_1192 = arith.constant 1 : i32
        %get3A_1193 = arith.index_cast %get3A_1192 : i32 to index
        %get3A_1194 = arith.index_cast %add3A_1180 : i32 to index
        %get3A_1195 = arith.constant 0 : index
        %get3A_1196 = tpu.vector_load %arg7[%get3A_1193, %get3A_1194, %get3A_1195] {strides = array<i32>} : memref<2x128x128xf32, #tpu.memory_space<vmem>>, vector<16xf32>,
        %get3A_1197 = arith.constant 1 : i32
        %get3A_1198 = arith.index_cast %get3A_1197 : i32 to index
        %get3A_1199 = arith.index_cast %add3A_1180 : i32 to index
        %get3A_1200 = arith.constant 64 : index
        %get3A_1201 = tpu.vector_load %arg7[%get3A_1198, %get3A_1199, %get3A_1200] {strides = array<i32>} : memref<2x128x128xf32, #tpu.memory_space<vmem>>, vector<16xf32>,
        %select_n3A_1202 = arith.select %ne3A_1191, %get3A_1201, %get3A_1196 : vector<16xi1>, vector<16xf32>
        %swap3A_1203 = arith.constant 1 : i32
        %swap3A_1204 = arith.index_cast %swap3A_1203 : i32 to index
        %swap3A_1205 = arith.index_cast %add3A_1180 : i32 to index
        %swap3A_1206 = arith.constant 0 : index
        %swap3A_1207 = tpu.vector_load %arg8[%swap3A_1204, %swap3A_1205, %swap3A_1206] {strides = array<i32>} : memref<2x128x64xf32, #tpu.memory_space<vmem>>, vector<16xf32>,
        tpu.vector_store %arg8[%swap3A_1204, %swap3A_1205, %swap3A_1206], %select_n3A_1202 {strides = array<i32>} : memref<2x128x64xf32, #tpu.memory_space<vmem>>, vector<16xf32>,
        %get3A_1208 = arith.constant 1 : i32
        %get3A_1209 = arith.index_cast %get3A_1208 : i32 to index
        %get3A_1210 = arith.index_cast %add3A_1180 : i32 to index
        %get3A_1211 = arith.constant 16 : index
        %get3A_1212 = tpu.vector_load %arg7[%get3A_1209, %get3A_1210, %get3A_1211] {strides = array<i32>} : memref<2x128x128xf32, #tpu.memory_space<vmem>>, vector<16xf32>,
        %get3A_1213 = arith.constant 1 : i32
        %get3A_1214 = arith.index_cast %get3A_1213 : i32 to index
        %get3A_1215 = arith.index_cast %add3A_1180 : i32 to index
        %get3A_1216 = arith.constant 80 : index
        %get3A_1217 = tpu.vector_load %arg7[%get3A_1214, %get3A_1215, %get3A_1216] {strides = array<i32>} : memref<2x128x128xf32, #tpu.memory_space<vmem>>, vector<16xf32>,
        %select_n3A_1218 = arith.select %ne3A_1191, %get3A_1217, %get3A_1212 : vector<16xi1>, vector<16xf32>
        %swap3A_1219 = arith.constant 1 : i32
        %swap3A_1220 = arith.index_cast %swap3A_1219 : i32 to index
        %swap3A_1221 = arith.index_cast %add3A_1180 : i32 to index
        %swap3A_1222 = arith.constant 16 : index
        %swap3A_1223 = tpu.vector_load %arg8[%swap3A_1220, %swap3A_1221, %swap3A_1222] {strides = array<i32>} : memref<2x128x64xf32, #tpu.memory_space<vmem>>, vector<16xf32>,
        tpu.vector_store %arg8[%swap3A_1220, %swap3A_1221, %swap3A_1222], %select_n3A_1218 {strides = array<i32>} : memref<2x128x64xf32, #tpu.memory_space<vmem>>, vector<16xf32>,
        %get3A_1224 = arith.constant 1 : i32
        %get3A_1225 = arith.index_cast %get3A_1224 : i32 to index
        %get3A_1226 = arith.index_cast %add3A_1180 : i32 to index
        %get3A_1227 = arith.constant 32 : index
        %get3A_1228 = tpu.vector_load %arg7[%get3A_1225, %get3A_1226, %get3A_1227] {strides = array<i32>} : memref<2x128x128xf32, #tpu.memory_space<vmem>>, vector<16xf32>,
        %get3A_1229 = arith.constant 1 : i32
        %get3A_1230 = arith.index_cast %get3A_1229 : i32 to index
        %get3A_1231 = arith.index_cast %add3A_1180 : i32 to index
        %get3A_1232 = arith.constant 96 : index
        %get3A_1233 = tpu.vector_load %arg7[%get3A_1230, %get3A_1231, %get3A_1232] {strides = array<i32>} : memref<2x128x128xf32, #tpu.memory_space<vmem>>, vector<16xf32>,
        %select_n3A_1234 = arith.select %ne3A_1191, %get3A_1233, %get3A_1228 : vector<16xi1>, vector<16xf32>
        %swap3A_1235 = arith.constant 1 : i32
        %swap3A_1236 = arith.index_cast %swap3A_1235 : i32 to index
        %swap3A_1237 = arith.index_cast %add3A_1180 : i32 to index
        %swap3A_1238 = arith.constant 32 : index
        %swap3A_1239 = tpu.vector_load %arg8[%swap3A_1236, %swap3A_1237, %swap3A_1238] {strides = array<i32>} : memref<2x128x64xf32, #tpu.memory_space<vmem>>, vector<16xf32>,
        tpu.vector_store %arg8[%swap3A_1236, %swap3A_1237, %swap3A_1238], %select_n3A_1234 {strides = array<i32>} : memref<2x128x64xf32, #tpu.memory_space<vmem>>, vector<16xf32>,
        %get3A_1240 = arith.constant 1 : i32
        %get3A_1241 = arith.index_cast %get3A_1240 : i32 to index
        %get3A_1242 = arith.index_cast %add3A_1180 : i32 to index
        %get3A_1243 = arith.constant 48 : index
        %get3A_1244 = tpu.vector_load %arg7[%get3A_1241, %get3A_1242, %get3A_1243] {strides = array<i32>} : memref<2x128x128xf32, #tpu.memory_space<vmem>>, vector<16xf32>,
        %get3A_1245 = arith.constant 1 : i32
        %get3A_1246 = arith.index_cast %get3A_1245 : i32 to index
        %get3A_1247 = arith.index_cast %add3A_1180 : i32 to index
        %get3A_1248 = arith.constant 112 : index
        %get3A_1249 = tpu.vector_load %arg7[%get3A_1246, %get3A_1247, %get3A_1248] {strides = array<i32>} : memref<2x128x128xf32, #tpu.memory_space<vmem>>, vector<16xf32>,
        %select_n3A_1250 = arith.select %ne3A_1191, %get3A_1249, %get3A_1244 : vector<16xi1>, vector<16xf32>
        %swap3A_1251 = arith.constant 1 : i32
        %swap3A_1252 = arith.index_cast %swap3A_1251 : i32 to index
        %swap3A_1253 = arith.index_cast %add3A_1180 : i32 to index
        %swap3A_1254 = arith.constant 48 : index
        %swap3A_1255 = tpu.vector_load %arg8[%swap3A_1252, %swap3A_1253, %swap3A_1254] {strides = array<i32>} : memref<2x128x64xf32, #tpu.memory_space<vmem>>, vector<16xf32>,
        tpu.vector_store %arg8[%swap3A_1252, %swap3A_1253, %swap3A_1254], %select_n3A_1250 {strides = array<i32>} : memref<2x128x64xf32, #tpu.memory_space<vmem>>, vector<16xf32>,
        %mul3A_1256 = arith.constant 16 : i32
        %mul3A_1257 = arith.muli %scan3A_154, %mul3A_1256 : i32
        %add3A_1258 = arith.constant 14 : i32
        %add3A_1259 = arith.addi %mul3A_1257, %add3A_1258 : i32
        %mul3A_1260 = arith.constant 128 : i32
        %mul3A_1261 = arith.muli %add3A_121, %mul3A_1260 : i32
        %add3A_1262 = arith.addi %mul3A_1261, %add3A_1259 : i32
        %broadcast_in_dim3A_1263 = vector.broadcast %add3A_1262 : i32 to vector<16xi32>
        %gather3A_1264 = tpu.vector_load_idx %arg5[%broadcast_in_dim3A_1263] : memref<25600xi32, #tpu.memory_space<vmem>>[vector<16xi32>], vector<16xi32>,
        %and3A_1265 = arith.constant 1 : i32
        %and3A_1266 = vector.broadcast %and3A_1265 : i32 to vector<16xi32>
        %and3A_1267 = arith.andi %gather3A_1264, %and3A_1266 : vector<16xi32>
        %ne3A_1268 = arith.constant 0 : i32
        %ne3A_1269 = vector.broadcast %ne3A_1268 : i32 to vector<16xi32>
        %ne3A_1270 = arith.cmpi ne, %and3A_1267, %ne3A_1269 : vector<16xi32>
        %get3A_1271 = arith.constant 1 : i32
        %get3A_1272 = arith.index_cast %get3A_1271 : i32 to index
        %get3A_1273 = arith.index_cast %add3A_1259 : i32 to index
        %get3A_1274 = arith.constant 0 : index
        %get3A_1275 = tpu.vector_load %arg7[%get3A_1272, %get3A_1273, %get3A_1274] {strides = array<i32>} : memref<2x128x128xf32, #tpu.memory_space<vmem>>, vector<16xf32>,
        %get3A_1276 = arith.constant 1 : i32
        %get3A_1277 = arith.index_cast %get3A_1276 : i32 to index
        %get3A_1278 = arith.index_cast %add3A_1259 : i32 to index
        %get3A_1279 = arith.constant 64 : index
        %get3A_1280 = tpu.vector_load %arg7[%get3A_1277, %get3A_1278, %get3A_1279] {strides = array<i32>} : memref<2x128x128xf32, #tpu.memory_space<vmem>>, vector<16xf32>,
        %select_n3A_1281 = arith.select %ne3A_1270, %get3A_1280, %get3A_1275 : vector<16xi1>, vector<16xf32>
        %swap3A_1282 = arith.constant 1 : i32
        %swap3A_1283 = arith.index_cast %swap3A_1282 : i32 to index
        %swap3A_1284 = arith.index_cast %add3A_1259 : i32 to index
        %swap3A_1285 = arith.constant 0 : index
        %swap3A_1286 = tpu.vector_load %arg8[%swap3A_1283, %swap3A_1284, %swap3A_1285] {strides = array<i32>} : memref<2x128x64xf32, #tpu.memory_space<vmem>>, vector<16xf32>,
        tpu.vector_store %arg8[%swap3A_1283, %swap3A_1284, %swap3A_1285], %select_n3A_1281 {strides = array<i32>} : memref<2x128x64xf32, #tpu.memory_space<vmem>>, vector<16xf32>,
        %get3A_1287 = arith.constant 1 : i32
        %get3A_1288 = arith.index_cast %get3A_1287 : i32 to index
        %get3A_1289 = arith.index_cast %add3A_1259 : i32 to index
        %get3A_1290 = arith.constant 16 : index
        %get3A_1291 = tpu.vector_load %arg7[%get3A_1288, %get3A_1289, %get3A_1290] {strides = array<i32>} : memref<2x128x128xf32, #tpu.memory_space<vmem>>, vector<16xf32>,
        %get3A_1292 = arith.constant 1 : i32
        %get3A_1293 = arith.index_cast %get3A_1292 : i32 to index
        %get3A_1294 = arith.index_cast %add3A_1259 : i32 to index
        %get3A_1295 = arith.constant 80 : index
        %get3A_1296 = tpu.vector_load %arg7[%get3A_1293, %get3A_1294, %get3A_1295] {strides = array<i32>} : memref<2x128x128xf32, #tpu.memory_space<vmem>>, vector<16xf32>,
        %select_n3A_1297 = arith.select %ne3A_1270, %get3A_1296, %get3A_1291 : vector<16xi1>, vector<16xf32>
        %swap3A_1298 = arith.constant 1 : i32
        %swap3A_1299 = arith.index_cast %swap3A_1298 : i32 to index
        %swap3A_1300 = arith.index_cast %add3A_1259 : i32 to index
        %swap3A_1301 = arith.constant 16 : index
        %swap3A_1302 = tpu.vector_load %arg8[%swap3A_1299, %swap3A_1300, %swap3A_1301] {strides = array<i32>} : memref<2x128x64xf32, #tpu.memory_space<vmem>>, vector<16xf32>,
        tpu.vector_store %arg8[%swap3A_1299, %swap3A_1300, %swap3A_1301], %select_n3A_1297 {strides = array<i32>} : memref<2x128x64xf32, #tpu.memory_space<vmem>>, vector<16xf32>,
        %get3A_1303 = arith.constant 1 : i32
        %get3A_1304 = arith.index_cast %get3A_1303 : i32 to index
        %get3A_1305 = arith.index_cast %add3A_1259 : i32 to index
        %get3A_1306 = arith.constant 32 : index
        %get3A_1307 = tpu.vector_load %arg7[%get3A_1304, %get3A_1305, %get3A_1306] {strides = array<i32>} : memref<2x128x128xf32, #tpu.memory_space<vmem>>, vector<16xf32>,
        %get3A_1308 = arith.constant 1 : i32
        %get3A_1309 = arith.index_cast %get3A_1308 : i32 to index
        %get3A_1310 = arith.index_cast %add3A_1259 : i32 to index
        %get3A_1311 = arith.constant 96 : index
        %get3A_1312 = tpu.vector_load %arg7[%get3A_1309, %get3A_1310, %get3A_1311] {strides = array<i32>} : memref<2x128x128xf32, #tpu.memory_space<vmem>>, vector<16xf32>,
        %select_n3A_1313 = arith.select %ne3A_1270, %get3A_1312, %get3A_1307 : vector<16xi1>, vector<16xf32>
        %swap3A_1314 = arith.constant 1 : i32
        %swap3A_1315 = arith.index_cast %swap3A_1314 : i32 to index
        %swap3A_1316 = arith.index_cast %add3A_1259 : i32 to index
        %swap3A_1317 = arith.constant 32 : index
        %swap3A_1318 = tpu.vector_load %arg8[%swap3A_1315, %swap3A_1316, %swap3A_1317] {strides = array<i32>} : memref<2x128x64xf32, #tpu.memory_space<vmem>>, vector<16xf32>,
        tpu.vector_store %arg8[%swap3A_1315, %swap3A_1316, %swap3A_1317], %select_n3A_1313 {strides = array<i32>} : memref<2x128x64xf32, #tpu.memory_space<vmem>>, vector<16xf32>,
        %get3A_1319 = arith.constant 1 : i32
        %get3A_1320 = arith.index_cast %get3A_1319 : i32 to index
        %get3A_1321 = arith.index_cast %add3A_1259 : i32 to index
        %get3A_1322 = arith.constant 48 : index
        %get3A_1323 = tpu.vector_load %arg7[%get3A_1320, %get3A_1321, %get3A_1322] {strides = array<i32>} : memref<2x128x128xf32, #tpu.memory_space<vmem>>, vector<16xf32>,
        %get3A_1324 = arith.constant 1 : i32
        %get3A_1325 = arith.index_cast %get3A_1324 : i32 to index
        %get3A_1326 = arith.index_cast %add3A_1259 : i32 to index
        %get3A_1327 = arith.constant 112 : index
        %get3A_1328 = tpu.vector_load %arg7[%get3A_1325, %get3A_1326, %get3A_1327] {strides = array<i32>} : memref<2x128x128xf32, #tpu.memory_space<vmem>>, vector<16xf32>,
        %select_n3A_1329 = arith.select %ne3A_1270, %get3A_1328, %get3A_1323 : vector<16xi1>, vector<16xf32>
        %swap3A_1330 = arith.constant 1 : i32
        %swap3A_1331 = arith.index_cast %swap3A_1330 : i32 to index
        %swap3A_1332 = arith.index_cast %add3A_1259 : i32 to index
        %swap3A_1333 = arith.constant 48 : index
        %swap3A_1334 = tpu.vector_load %arg8[%swap3A_1331, %swap3A_1332, %swap3A_1333] {strides = array<i32>} : memref<2x128x64xf32, #tpu.memory_space<vmem>>, vector<16xf32>,
        tpu.vector_store %arg8[%swap3A_1331, %swap3A_1332, %swap3A_1333], %select_n3A_1329 {strides = array<i32>} : memref<2x128x64xf32, #tpu.memory_space<vmem>>, vector<16xf32>,
        %mul3A_1335 = arith.constant 16 : i32
        %mul3A_1336 = arith.muli %scan3A_154, %mul3A_1335 : i32
        %add3A_1337 = arith.constant 15 : i32
        %add3A_1338 = arith.addi %mul3A_1336, %add3A_1337 : i32
        %mul3A_1339 = arith.constant 128 : i32
        %mul3A_1340 = arith.muli %add3A_121, %mul3A_1339 : i32
        %add3A_1341 = arith.addi %mul3A_1340, %add3A_1338 : i32
        %broadcast_in_dim3A_1342 = vector.broadcast %add3A_1341 : i32 to vector<16xi32>
        %gather3A_1343 = tpu.vector_load_idx %arg5[%broadcast_in_dim3A_1342] : memref<25600xi32, #tpu.memory_space<vmem>>[vector<16xi32>], vector<16xi32>,
        %and3A_1344 = arith.constant 1 : i32
        %and3A_1345 = vector.broadcast %and3A_1344 : i32 to vector<16xi32>
        %and3A_1346 = arith.andi %gather3A_1343, %and3A_1345 : vector<16xi32>
        %ne3A_1347 = arith.constant 0 : i32
        %ne3A_1348 = vector.broadcast %ne3A_1347 : i32 to vector<16xi32>
        %ne3A_1349 = arith.cmpi ne, %and3A_1346, %ne3A_1348 : vector<16xi32>
        %get3A_1350 = arith.constant 1 : i32
        %get3A_1351 = arith.index_cast %get3A_1350 : i32 to index
        %get3A_1352 = arith.index_cast %add3A_1338 : i32 to index
        %get3A_1353 = arith.constant 0 : index
        %get3A_1354 = tpu.vector_load %arg7[%get3A_1351, %get3A_1352, %get3A_1353] {strides = array<i32>} : memref<2x128x128xf32, #tpu.memory_space<vmem>>, vector<16xf32>,
        %get3A_1355 = arith.constant 1 : i32
        %get3A_1356 = arith.index_cast %get3A_1355 : i32 to index
        %get3A_1357 = arith.index_cast %add3A_1338 : i32 to index
        %get3A_1358 = arith.constant 64 : index
        %get3A_1359 = tpu.vector_load %arg7[%get3A_1356, %get3A_1357, %get3A_1358] {strides = array<i32>} : memref<2x128x128xf32, #tpu.memory_space<vmem>>, vector<16xf32>,
        %select_n3A_1360 = arith.select %ne3A_1349, %get3A_1359, %get3A_1354 : vector<16xi1>, vector<16xf32>
        %swap3A_1361 = arith.constant 1 : i32
        %swap3A_1362 = arith.index_cast %swap3A_1361 : i32 to index
        %swap3A_1363 = arith.index_cast %add3A_1338 : i32 to index
        %swap3A_1364 = arith.constant 0 : index
        %swap3A_1365 = tpu.vector_load %arg8[%swap3A_1362, %swap3A_1363, %swap3A_1364] {strides = array<i32>} : memref<2x128x64xf32, #tpu.memory_space<vmem>>, vector<16xf32>,
        tpu.vector_store %arg8[%swap3A_1362, %swap3A_1363, %swap3A_1364], %select_n3A_1360 {strides = array<i32>} : memref<2x128x64xf32, #tpu.memory_space<vmem>>, vector<16xf32>,
        %get3A_1366 = arith.constant 1 : i32
        %get3A_1367 = arith.index_cast %get3A_1366 : i32 to index
        %get3A_1368 = arith.index_cast %add3A_1338 : i32 to index
        %get3A_1369 = arith.constant 16 : index
        %get3A_1370 = tpu.vector_load %arg7[%get3A_1367, %get3A_1368, %get3A_1369] {strides = array<i32>} : memref<2x128x128xf32, #tpu.memory_space<vmem>>, vector<16xf32>,
        %get3A_1371 = arith.constant 1 : i32
        %get3A_1372 = arith.index_cast %get3A_1371 : i32 to index
        %get3A_1373 = arith.index_cast %add3A_1338 : i32 to index
        %get3A_1374 = arith.constant 80 : index
        %get3A_1375 = tpu.vector_load %arg7[%get3A_1372, %get3A_1373, %get3A_1374] {strides = array<i32>} : memref<2x128x128xf32, #tpu.memory_space<vmem>>, vector<16xf32>,
        %select_n3A_1376 = arith.select %ne3A_1349, %get3A_1375, %get3A_1370 : vector<16xi1>, vector<16xf32>
        %swap3A_1377 = arith.constant 1 : i32
        %swap3A_1378 = arith.index_cast %swap3A_1377 : i32 to index
        %swap3A_1379 = arith.index_cast %add3A_1338 : i32 to index
        %swap3A_1380 = arith.constant 16 : index
        %swap3A_1381 = tpu.vector_load %arg8[%swap3A_1378, %swap3A_1379, %swap3A_1380] {strides = array<i32>} : memref<2x128x64xf32, #tpu.memory_space<vmem>>, vector<16xf32>,
        tpu.vector_store %arg8[%swap3A_1378, %swap3A_1379, %swap3A_1380], %select_n3A_1376 {strides = array<i32>} : memref<2x128x64xf32, #tpu.memory_space<vmem>>, vector<16xf32>,
        %get3A_1382 = arith.constant 1 : i32
        %get3A_1383 = arith.index_cast %get3A_1382 : i32 to index
        %get3A_1384 = arith.index_cast %add3A_1338 : i32 to index
        %get3A_1385 = arith.constant 32 : index
        %get3A_1386 = tpu.vector_load %arg7[%get3A_1383, %get3A_1384, %get3A_1385] {strides = array<i32>} : memref<2x128x128xf32, #tpu.memory_space<vmem>>, vector<16xf32>,
        %get3A_1387 = arith.constant 1 : i32
        %get3A_1388 = arith.index_cast %get3A_1387 : i32 to index
        %get3A_1389 = arith.index_cast %add3A_1338 : i32 to index
        %get3A_1390 = arith.constant 96 : index
        %get3A_1391 = tpu.vector_load %arg7[%get3A_1388, %get3A_1389, %get3A_1390] {strides = array<i32>} : memref<2x128x128xf32, #tpu.memory_space<vmem>>, vector<16xf32>,
        %select_n3A_1392 = arith.select %ne3A_1349, %get3A_1391, %get3A_1386 : vector<16xi1>, vector<16xf32>
        %swap3A_1393 = arith.constant 1 : i32
        %swap3A_1394 = arith.index_cast %swap3A_1393 : i32 to index
        %swap3A_1395 = arith.index_cast %add3A_1338 : i32 to index
        %swap3A_1396 = arith.constant 32 : index
        %swap3A_1397 = tpu.vector_load %arg8[%swap3A_1394, %swap3A_1395, %swap3A_1396] {strides = array<i32>} : memref<2x128x64xf32, #tpu.memory_space<vmem>>, vector<16xf32>,
        tpu.vector_store %arg8[%swap3A_1394, %swap3A_1395, %swap3A_1396], %select_n3A_1392 {strides = array<i32>} : memref<2x128x64xf32, #tpu.memory_space<vmem>>, vector<16xf32>,
        %get3A_1398 = arith.constant 1 : i32
        %get3A_1399 = arith.index_cast %get3A_1398 : i32 to index
        %get3A_1400 = arith.index_cast %add3A_1338 : i32 to index
        %get3A_1401 = arith.constant 48 : index
        %get3A_1402 = tpu.vector_load %arg7[%get3A_1399, %get3A_1400, %get3A_1401] {strides = array<i32>} : memref<2x128x128xf32, #tpu.memory_space<vmem>>, vector<16xf32>,
        %get3A_1403 = arith.constant 1 : i32
        %get3A_1404 = arith.index_cast %get3A_1403 : i32 to index
        %get3A_1405 = arith.index_cast %add3A_1338 : i32 to index
        %get3A_1406 = arith.constant 112 : index
        %get3A_1407 = tpu.vector_load %arg7[%get3A_1404, %get3A_1405, %get3A_1406] {strides = array<i32>} : memref<2x128x128xf32, #tpu.memory_space<vmem>>, vector<16xf32>,
        %select_n3A_1408 = arith.select %ne3A_1349, %get3A_1407, %get3A_1402 : vector<16xi1>, vector<16xf32>
        %swap3A_1409 = arith.constant 1 : i32
        %swap3A_1410 = arith.index_cast %swap3A_1409 : i32 to index
        %swap3A_1411 = arith.index_cast %add3A_1338 : i32 to index
        %swap3A_1412 = arith.constant 48 : index
        %swap3A_1413 = tpu.vector_load %arg8[%swap3A_1410, %swap3A_1411, %swap3A_1412] {strides = array<i32>} : memref<2x128x64xf32, #tpu.memory_space<vmem>>, vector<16xf32>,
        tpu.vector_store %arg8[%swap3A_1410, %swap3A_1411, %swap3A_1412], %select_n3A_1408 {strides = array<i32>} : memref<2x128x64xf32, #tpu.memory_space<vmem>>, vector<16xf32>,
      }
      %scan3A_149 = arith.constant 8 : i32
      %mul3A_150 = arith.constant 128 : i32
      %mul3A_151 = arith.muli %add3A_121, %mul3A_150 : i32
      %add3A_152 = arith.addi %mul3A_2, %mul3A_151 : i32
      %run_scoped3A_153 = arith.constant 1 : i32
      "tpu.region"() ({
        %run_scoped3A_154 = tpu.sem_alloc : memref<!tpu.dma_semaphore, #tpu.memory_space<semaphore_mem>>
        %dma_start3A_155 = arith.constant 0 : i32
        %dma_start3A_156 = arith.constant 0 : i32
        %dma_start3A_157 = tpu.memref_slice %arg8[%run_scoped3A_153, %dma_start3A_155, %dma_start3A_156] : memref<2x128x64xf32, #tpu.memory_space<vmem>> -> memref<1x128x64xf32, #tpu.memory_space<vmem>>
        %dma_start3A_158 = tpu.memref_squeeze %dma_start3A_157 : memref<1x128x64xf32, #tpu.memory_space<vmem>> -> memref<128x64xf32, #tpu.memory_space<vmem>>
        %dma_start3A_159 = arith.constant 0 : i32
        %dma_start3A_160 = tpu.memref_slice %arg4[%add3A_152, %dma_start3A_159] : memref<819200x64xf32, #tpu.memory_space<hbm>> -> memref<128x64xf32, #tpu.memory_space<hbm>>
        %dma_start3A_161 = arith.constant 0 : i32
        %dma_start3A_162 = tpu.memref_slice %arg4[%add3A_152, %dma_start3A_161] : memref<819200x64xf32, #tpu.memory_space<hbm>> -> memref<128x64xf32, #tpu.memory_space<hbm>>
        %dma_start3A_163 = arith.constant 0 : i32
        %dma_start3A_164 = arith.constant 0 : i32
        %dma_start3A_165 = tpu.memref_slice %arg8[%run_scoped3A_153, %dma_start3A_163, %dma_start3A_164] : memref<2x128x64xf32, #tpu.memory_space<vmem>> -> memref<1x128x64xf32, #tpu.memory_space<vmem>>
        %dma_start3A_166 = tpu.memref_squeeze %dma_start3A_165 : memref<1x128x64xf32, #tpu.memory_space<vmem>> -> memref<128x64xf32, #tpu.memory_space<vmem>>
        tpu.enqueue_dma source(%dma_start3A_166 : memref<128x64xf32, #tpu.memory_space<vmem>>) target(%dma_start3A_162 : memref<128x64xf32, #tpu.memory_space<hbm>>) target_semaphore(%run_scoped3A_154 : memref<!tpu.dma_semaphore, #tpu.memory_space<semaphore_mem>>)
        %dma_wait3A_167 = arith.constant 0 : i32
        %dma_wait3A_168 = arith.constant 0 : i32
        %dma_wait3A_169 = tpu.memref_slice %arg8[%run_scoped3A_153, %dma_wait3A_167, %dma_wait3A_168] : memref<2x128x64xf32, #tpu.memory_space<vmem>> -> memref<1x128x64xf32, #tpu.memory_space<vmem>>
        %dma_wait3A_170 = tpu.memref_squeeze %dma_wait3A_169 : memref<1x128x64xf32, #tpu.memory_space<vmem>> -> memref<128x64xf32, #tpu.memory_space<vmem>>
        %dma_wait3A_171 = arith.constant 0 : i32
        %dma_wait3A_172 = tpu.memref_slice %arg4[%add3A_152, %dma_wait3A_171] : memref<819200x64xf32, #tpu.memory_space<hbm>> -> memref<128x64xf32, #tpu.memory_space<hbm>>
        %dma_wait3A_173 = arith.constant 0 : i32
        %dma_wait3A_174 = tpu.memref_slice %arg4[%add3A_152, %dma_wait3A_173] : memref<819200x64xf32, #tpu.memory_space<hbm>> -> memref<128x64xf32, #tpu.memory_space<hbm>>
        %dma_wait3A_175 = arith.constant 0 : i32
        %dma_wait3A_176 = arith.constant 0 : i32
        %dma_wait3A_177 = tpu.memref_slice %arg8[%run_scoped3A_153, %dma_wait3A_175, %dma_wait3A_176] : memref<2x128x64xf32, #tpu.memory_space<vmem>> -> memref<1x128x64xf32, #tpu.memory_space<vmem>>
        %dma_wait3A_178 = tpu.memref_squeeze %dma_wait3A_177 : memref<1x128x64xf32, #tpu.memory_space<vmem>> -> memref<128x64xf32, #tpu.memory_space<vmem>>
        tpu.wait_dma2 semaphore(%run_scoped3A_154 : memref<!tpu.dma_semaphore, #tpu.memory_space<semaphore_mem>>) src(%dma_wait3A_178 : memref<128x64xf32, #tpu.memory_space<vmem>>) dst(%dma_wait3A_174 : memref<128x64xf32, #tpu.memory_space<hbm>>)
        tpu.yield
      }) : () -> ()
    }
    %scan3A_87 = arith.constant 100 : i32
    return
  }
}

#map = affine_map<(d0, d1) -> (0, 0)>
module attributes {stable_mosaic.version = 14 : i64} {
  func.func @_pairify(%arg0: i32, %arg1: i32, %arg2: memref<64x1000000xf32, #tpu.memory_space<hbm>>, %arg3: memref<32x128xf32, #tpu.memory_space<hbm>>, %arg4: memref<500000x128xf32, #tpu.memory_space<hbm>>, %arg5: memref<2x64x128xf32, #tpu.memory_space<vmem>>, %arg6: memref<2x64x128xf32, #tpu.memory_space<vmem>>, %arg7: memref<!tpu.dma_semaphore, #tpu.memory_space<semaphore_mem>>, %arg8: memref<!tpu.dma_semaphore, #tpu.memory_space<semaphore_mem>>) attributes {dimension_semantics = [#tpu.dimension_semantics<core_parallel>, #tpu.dimension_semantics<subcore_parallel>], iteration_bounds = array<i64: 2, 16>, scalar_prefetch = 0 : i64, scratch_operands = 4 : i64, tpu.core_type = #tpu.core_type<sc_vector_subcore>, window_params = [{transform_indices = #map}, {transform_indices = #map}, {transform_indices = #map}]} {
    %mul3A = arith.constant 2 : i32
    %mul3A_0 = arith.muli %arg1, %mul3A : i32
    %add3A = arith.addi %mul3A_0, %arg0 : i32
    %lt3A = arith.constant 4 : i32
    %lt3A_1 = arith.cmpi slt, %add3A, %lt3A : i32
    %jit3A = arith.constant 1 : i32
    %jit3A_2 = arith.constant 0 : i32
    %select_n3A = arith.select %lt3A_1, %jit3A, %jit3A_2 : i32
    %add3A_3 = arith.constant 244 : i32
    %add3A_4 = arith.addi %add3A_3, %select_n3A : i32
    %mul3A_5 = arith.constant 244 : i32
    %mul3A_6 = arith.muli %add3A, %mul3A_5 : i32
    %min3A = arith.constant 4 : i32
    %min3A_7 = arith.minsi %add3A, %min3A : i32
    %add3A_8 = arith.addi %mul3A_6, %min3A_7 : i32
    %iota3A = tpu.iota {dimensions = array<i32: 0>} : vector<16xi32>
    %add3A_9 = arith.constant 0 : i32
    %add3A_10 = arith.addi %add3A_8, %add3A_9 : i32
    %mul3A_11 = arith.constant 128 : i32
    %mul3A_12 = arith.muli %add3A_10, %mul3A_11 : i32
    %multiple_of3A = tpu.assume_multiple %mul3A_12, 128 : i32
    %dma_start3A = arith.constant 0 : i32
    %dma_start3A_13 = arith.constant 0 : i32
    %dma_start3A_14 = arith.constant 0 : i32
    %dma_start3A_15 = tpu.memref_slice %arg5[%dma_start3A, %dma_start3A_13, %dma_start3A_14] : memref<2x64x128xf32, #tpu.memory_space<vmem>> -> memref<1x64x128xf32, #tpu.memory_space<vmem>>
    %dma_start3A_16 = tpu.memref_squeeze %dma_start3A_15 : memref<1x64x128xf32, #tpu.memory_space<vmem>> -> memref<64x128xf32, #tpu.memory_space<vmem>>
    %dma_start3A_17 = arith.constant 0 : i32
    %dma_start3A_18 = arith.constant 0 : i32
    %dma_start3A_19 = tpu.memref_slice %dma_start3A_16[%dma_start3A_17, %dma_start3A_18] : memref<64x128xf32, #tpu.memory_space<vmem>> -> memref<8x128xf32, #tpu.memory_space<vmem>>
    %dma_start3A_20 = arith.constant 0 : i32
    %dma_start3A_21 = tpu.memref_slice %arg2[%dma_start3A_20, %multiple_of3A] : memref<64x1000000xf32, #tpu.memory_space<hbm>> -> memref<8x128xf32, #tpu.memory_space<hbm>>
    %dma_start3A_22 = arith.constant 0 : i32
    %dma_start3A_23 = arith.constant 0 : i32
    %dma_start3A_24 = tpu.memref_slice %arg5[%dma_start3A, %dma_start3A_22, %dma_start3A_23] : memref<2x64x128xf32, #tpu.memory_space<vmem>> -> memref<1x64x128xf32, #tpu.memory_space<vmem>>
    %dma_start3A_25 = tpu.memref_squeeze %dma_start3A_24 : memref<1x64x128xf32, #tpu.memory_space<vmem>> -> memref<64x128xf32, #tpu.memory_space<vmem>>
    %dma_start3A_26 = arith.constant 0 : i32
    %dma_start3A_27 = arith.constant 0 : i32
    %dma_start3A_28 = tpu.memref_slice %dma_start3A_25[%dma_start3A_26, %dma_start3A_27] : memref<64x128xf32, #tpu.memory_space<vmem>> -> memref<8x128xf32, #tpu.memory_space<vmem>>
    %dma_start3A_29 = arith.constant 0 : i32
    %dma_start3A_30 = tpu.memref_slice %arg2[%dma_start3A_29, %multiple_of3A] : memref<64x1000000xf32, #tpu.memory_space<hbm>> -> memref<8x128xf32, #tpu.memory_space<hbm>>
    tpu.enqueue_dma source(%dma_start3A_30 : memref<8x128xf32, #tpu.memory_space<hbm>>) target(%dma_start3A_28 : memref<8x128xf32, #tpu.memory_space<vmem>>) target_semaphore(%arg7 : memref<!tpu.dma_semaphore, #tpu.memory_space<semaphore_mem>>)
    %add3A_31 = arith.constant 0 : i32
    %add3A_32 = arith.addi %add3A_8, %add3A_31 : i32
    %mul3A_33 = arith.constant 128 : i32
    %mul3A_34 = arith.muli %add3A_32, %mul3A_33 : i32
    %multiple_of3A_35 = tpu.assume_multiple %mul3A_34, 128 : i32
    %dma_start3A_36 = arith.constant 0 : i32
    %dma_start3A_37 = arith.constant 0 : i32
    %dma_start3A_38 = arith.constant 0 : i32
    %dma_start3A_39 = tpu.memref_slice %arg5[%dma_start3A_36, %dma_start3A_37, %dma_start3A_38] : memref<2x64x128xf32, #tpu.memory_space<vmem>> -> memref<1x64x128xf32, #tpu.memory_space<vmem>>
    %dma_start3A_40 = tpu.memref_squeeze %dma_start3A_39 : memref<1x64x128xf32, #tpu.memory_space<vmem>> -> memref<64x128xf32, #tpu.memory_space<vmem>>
    %dma_start3A_41 = arith.constant 8 : i32
    %dma_start3A_42 = arith.constant 0 : i32
    %dma_start3A_43 = tpu.memref_slice %dma_start3A_40[%dma_start3A_41, %dma_start3A_42] : memref<64x128xf32, #tpu.memory_space<vmem>> -> memref<8x128xf32, #tpu.memory_space<vmem>>
    %dma_start3A_44 = arith.constant 8 : i32
    %dma_start3A_45 = tpu.memref_slice %arg2[%dma_start3A_44, %multiple_of3A_35] : memref<64x1000000xf32, #tpu.memory_space<hbm>> -> memref<8x128xf32, #tpu.memory_space<hbm>>
    %dma_start3A_46 = arith.constant 0 : i32
    %dma_start3A_47 = arith.constant 0 : i32
    %dma_start3A_48 = tpu.memref_slice %arg5[%dma_start3A_36, %dma_start3A_46, %dma_start3A_47] : memref<2x64x128xf32, #tpu.memory_space<vmem>> -> memref<1x64x128xf32, #tpu.memory_space<vmem>>
    %dma_start3A_49 = tpu.memref_squeeze %dma_start3A_48 : memref<1x64x128xf32, #tpu.memory_space<vmem>> -> memref<64x128xf32, #tpu.memory_space<vmem>>
    %dma_start3A_50 = arith.constant 8 : i32
    %dma_start3A_51 = arith.constant 0 : i32
    %dma_start3A_52 = tpu.memref_slice %dma_start3A_49[%dma_start3A_50, %dma_start3A_51] : memref<64x128xf32, #tpu.memory_space<vmem>> -> memref<8x128xf32, #tpu.memory_space<vmem>>
    %dma_start3A_53 = arith.constant 8 : i32
    %dma_start3A_54 = tpu.memref_slice %arg2[%dma_start3A_53, %multiple_of3A_35] : memref<64x1000000xf32, #tpu.memory_space<hbm>> -> memref<8x128xf32, #tpu.memory_space<hbm>>
    tpu.enqueue_dma source(%dma_start3A_54 : memref<8x128xf32, #tpu.memory_space<hbm>>) target(%dma_start3A_52 : memref<8x128xf32, #tpu.memory_space<vmem>>) target_semaphore(%arg7 : memref<!tpu.dma_semaphore, #tpu.memory_space<semaphore_mem>>)
    %add3A_55 = arith.constant 0 : i32
    %add3A_56 = arith.addi %add3A_8, %add3A_55 : i32
    %mul3A_57 = arith.constant 128 : i32
    %mul3A_58 = arith.muli %add3A_56, %mul3A_57 : i32
    %multiple_of3A_59 = tpu.assume_multiple %mul3A_58, 128 : i32
    %dma_start3A_60 = arith.constant 0 : i32
    %dma_start3A_61 = arith.constant 0 : i32
    %dma_start3A_62 = arith.constant 0 : i32
    %dma_start3A_63 = tpu.memref_slice %arg5[%dma_start3A_60, %dma_start3A_61, %dma_start3A_62] : memref<2x64x128xf32, #tpu.memory_space<vmem>> -> memref<1x64x128xf32, #tpu.memory_space<vmem>>
    %dma_start3A_64 = tpu.memref_squeeze %dma_start3A_63 : memref<1x64x128xf32, #tpu.memory_space<vmem>> -> memref<64x128xf32, #tpu.memory_space<vmem>>
    %dma_start3A_65 = arith.constant 16 : i32
    %dma_start3A_66 = arith.constant 0 : i32
    %dma_start3A_67 = tpu.memref_slice %dma_start3A_64[%dma_start3A_65, %dma_start3A_66] : memref<64x128xf32, #tpu.memory_space<vmem>> -> memref<8x128xf32, #tpu.memory_space<vmem>>
    %dma_start3A_68 = arith.constant 16 : i32
    %dma_start3A_69 = tpu.memref_slice %arg2[%dma_start3A_68, %multiple_of3A_59] : memref<64x1000000xf32, #tpu.memory_space<hbm>> -> memref<8x128xf32, #tpu.memory_space<hbm>>
    %dma_start3A_70 = arith.constant 0 : i32
    %dma_start3A_71 = arith.constant 0 : i32
    %dma_start3A_72 = tpu.memref_slice %arg5[%dma_start3A_60, %dma_start3A_70, %dma_start3A_71] : memref<2x64x128xf32, #tpu.memory_space<vmem>> -> memref<1x64x128xf32, #tpu.memory_space<vmem>>
    %dma_start3A_73 = tpu.memref_squeeze %dma_start3A_72 : memref<1x64x128xf32, #tpu.memory_space<vmem>> -> memref<64x128xf32, #tpu.memory_space<vmem>>
    %dma_start3A_74 = arith.constant 16 : i32
    %dma_start3A_75 = arith.constant 0 : i32
    %dma_start3A_76 = tpu.memref_slice %dma_start3A_73[%dma_start3A_74, %dma_start3A_75] : memref<64x128xf32, #tpu.memory_space<vmem>> -> memref<8x128xf32, #tpu.memory_space<vmem>>
    %dma_start3A_77 = arith.constant 16 : i32
    %dma_start3A_78 = tpu.memref_slice %arg2[%dma_start3A_77, %multiple_of3A_59] : memref<64x1000000xf32, #tpu.memory_space<hbm>> -> memref<8x128xf32, #tpu.memory_space<hbm>>
    tpu.enqueue_dma source(%dma_start3A_78 : memref<8x128xf32, #tpu.memory_space<hbm>>) target(%dma_start3A_76 : memref<8x128xf32, #tpu.memory_space<vmem>>) target_semaphore(%arg7 : memref<!tpu.dma_semaphore, #tpu.memory_space<semaphore_mem>>)
    %add3A_79 = arith.constant 0 : i32
    %add3A_80 = arith.addi %add3A_8, %add3A_79 : i32
    %mul3A_81 = arith.constant 128 : i32
    %mul3A_82 = arith.muli %add3A_80, %mul3A_81 : i32
    %multiple_of3A_83 = tpu.assume_multiple %mul3A_82, 128 : i32
    %dma_start3A_84 = arith.constant 0 : i32
    %dma_start3A_85 = arith.constant 0 : i32
    %dma_start3A_86 = arith.constant 0 : i32
    %dma_start3A_87 = tpu.memref_slice %arg5[%dma_start3A_84, %dma_start3A_85, %dma_start3A_86] : memref<2x64x128xf32, #tpu.memory_space<vmem>> -> memref<1x64x128xf32, #tpu.memory_space<vmem>>
    %dma_start3A_88 = tpu.memref_squeeze %dma_start3A_87 : memref<1x64x128xf32, #tpu.memory_space<vmem>> -> memref<64x128xf32, #tpu.memory_space<vmem>>
    %dma_start3A_89 = arith.constant 24 : i32
    %dma_start3A_90 = arith.constant 0 : i32
    %dma_start3A_91 = tpu.memref_slice %dma_start3A_88[%dma_start3A_89, %dma_start3A_90] : memref<64x128xf32, #tpu.memory_space<vmem>> -> memref<8x128xf32, #tpu.memory_space<vmem>>
    %dma_start3A_92 = arith.constant 24 : i32
    %dma_start3A_93 = tpu.memref_slice %arg2[%dma_start3A_92, %multiple_of3A_83] : memref<64x1000000xf32, #tpu.memory_space<hbm>> -> memref<8x128xf32, #tpu.memory_space<hbm>>
    %dma_start3A_94 = arith.constant 0 : i32
    %dma_start3A_95 = arith.constant 0 : i32
    %dma_start3A_96 = tpu.memref_slice %arg5[%dma_start3A_84, %dma_start3A_94, %dma_start3A_95] : memref<2x64x128xf32, #tpu.memory_space<vmem>> -> memref<1x64x128xf32, #tpu.memory_space<vmem>>
    %dma_start3A_97 = tpu.memref_squeeze %dma_start3A_96 : memref<1x64x128xf32, #tpu.memory_space<vmem>> -> memref<64x128xf32, #tpu.memory_space<vmem>>
    %dma_start3A_98 = arith.constant 24 : i32
    %dma_start3A_99 = arith.constant 0 : i32
    %dma_start3A_100 = tpu.memref_slice %dma_start3A_97[%dma_start3A_98, %dma_start3A_99] : memref<64x128xf32, #tpu.memory_space<vmem>> -> memref<8x128xf32, #tpu.memory_space<vmem>>
    %dma_start3A_101 = arith.constant 24 : i32
    %dma_start3A_102 = tpu.memref_slice %arg2[%dma_start3A_101, %multiple_of3A_83] : memref<64x1000000xf32, #tpu.memory_space<hbm>> -> memref<8x128xf32, #tpu.memory_space<hbm>>
    tpu.enqueue_dma source(%dma_start3A_102 : memref<8x128xf32, #tpu.memory_space<hbm>>) target(%dma_start3A_100 : memref<8x128xf32, #tpu.memory_space<vmem>>) target_semaphore(%arg7 : memref<!tpu.dma_semaphore, #tpu.memory_space<semaphore_mem>>)
    %add3A_103 = arith.constant 0 : i32
    %add3A_104 = arith.addi %add3A_8, %add3A_103 : i32
    %mul3A_105 = arith.constant 128 : i32
    %mul3A_106 = arith.muli %add3A_104, %mul3A_105 : i32
    %multiple_of3A_107 = tpu.assume_multiple %mul3A_106, 128 : i32
    %dma_start3A_108 = arith.constant 0 : i32
    %dma_start3A_109 = arith.constant 0 : i32
    %dma_start3A_110 = arith.constant 0 : i32
    %dma_start3A_111 = tpu.memref_slice %arg5[%dma_start3A_108, %dma_start3A_109, %dma_start3A_110] : memref<2x64x128xf32, #tpu.memory_space<vmem>> -> memref<1x64x128xf32, #tpu.memory_space<vmem>>
    %dma_start3A_112 = tpu.memref_squeeze %dma_start3A_111 : memref<1x64x128xf32, #tpu.memory_space<vmem>> -> memref<64x128xf32, #tpu.memory_space<vmem>>
    %dma_start3A_113 = arith.constant 32 : i32
    %dma_start3A_114 = arith.constant 0 : i32
    %dma_start3A_115 = tpu.memref_slice %dma_start3A_112[%dma_start3A_113, %dma_start3A_114] : memref<64x128xf32, #tpu.memory_space<vmem>> -> memref<8x128xf32, #tpu.memory_space<vmem>>
    %dma_start3A_116 = arith.constant 32 : i32
    %dma_start3A_117 = tpu.memref_slice %arg2[%dma_start3A_116, %multiple_of3A_107] : memref<64x1000000xf32, #tpu.memory_space<hbm>> -> memref<8x128xf32, #tpu.memory_space<hbm>>
    %dma_start3A_118 = arith.constant 0 : i32
    %dma_start3A_119 = arith.constant 0 : i32
    %dma_start3A_120 = tpu.memref_slice %arg5[%dma_start3A_108, %dma_start3A_118, %dma_start3A_119] : memref<2x64x128xf32, #tpu.memory_space<vmem>> -> memref<1x64x128xf32, #tpu.memory_space<vmem>>
    %dma_start3A_121 = tpu.memref_squeeze %dma_start3A_120 : memref<1x64x128xf32, #tpu.memory_space<vmem>> -> memref<64x128xf32, #tpu.memory_space<vmem>>
    %dma_start3A_122 = arith.constant 32 : i32
    %dma_start3A_123 = arith.constant 0 : i32
    %dma_start3A_124 = tpu.memref_slice %dma_start3A_121[%dma_start3A_122, %dma_start3A_123] : memref<64x128xf32, #tpu.memory_space<vmem>> -> memref<8x128xf32, #tpu.memory_space<vmem>>
    %dma_start3A_125 = arith.constant 32 : i32
    %dma_start3A_126 = tpu.memref_slice %arg2[%dma_start3A_125, %multiple_of3A_107] : memref<64x1000000xf32, #tpu.memory_space<hbm>> -> memref<8x128xf32, #tpu.memory_space<hbm>>
    tpu.enqueue_dma source(%dma_start3A_126 : memref<8x128xf32, #tpu.memory_space<hbm>>) target(%dma_start3A_124 : memref<8x128xf32, #tpu.memory_space<vmem>>) target_semaphore(%arg7 : memref<!tpu.dma_semaphore, #tpu.memory_space<semaphore_mem>>)
    %add3A_127 = arith.constant 0 : i32
    %add3A_128 = arith.addi %add3A_8, %add3A_127 : i32
    %mul3A_129 = arith.constant 128 : i32
    %mul3A_130 = arith.muli %add3A_128, %mul3A_129 : i32
    %multiple_of3A_131 = tpu.assume_multiple %mul3A_130, 128 : i32
    %dma_start3A_132 = arith.constant 0 : i32
    %dma_start3A_133 = arith.constant 0 : i32
    %dma_start3A_134 = arith.constant 0 : i32
    %dma_start3A_135 = tpu.memref_slice %arg5[%dma_start3A_132, %dma_start3A_133, %dma_start3A_134] : memref<2x64x128xf32, #tpu.memory_space<vmem>> -> memref<1x64x128xf32, #tpu.memory_space<vmem>>
    %dma_start3A_136 = tpu.memref_squeeze %dma_start3A_135 : memref<1x64x128xf32, #tpu.memory_space<vmem>> -> memref<64x128xf32, #tpu.memory_space<vmem>>
    %dma_start3A_137 = arith.constant 40 : i32
    %dma_start3A_138 = arith.constant 0 : i32
    %dma_start3A_139 = tpu.memref_slice %dma_start3A_136[%dma_start3A_137, %dma_start3A_138] : memref<64x128xf32, #tpu.memory_space<vmem>> -> memref<8x128xf32, #tpu.memory_space<vmem>>
    %dma_start3A_140 = arith.constant 40 : i32
    %dma_start3A_141 = tpu.memref_slice %arg2[%dma_start3A_140, %multiple_of3A_131] : memref<64x1000000xf32, #tpu.memory_space<hbm>> -> memref<8x128xf32, #tpu.memory_space<hbm>>
    %dma_start3A_142 = arith.constant 0 : i32
    %dma_start3A_143 = arith.constant 0 : i32
    %dma_start3A_144 = tpu.memref_slice %arg5[%dma_start3A_132, %dma_start3A_142, %dma_start3A_143] : memref<2x64x128xf32, #tpu.memory_space<vmem>> -> memref<1x64x128xf32, #tpu.memory_space<vmem>>
    %dma_start3A_145 = tpu.memref_squeeze %dma_start3A_144 : memref<1x64x128xf32, #tpu.memory_space<vmem>> -> memref<64x128xf32, #tpu.memory_space<vmem>>
    %dma_start3A_146 = arith.constant 40 : i32
    %dma_start3A_147 = arith.constant 0 : i32
    %dma_start3A_148 = tpu.memref_slice %dma_start3A_145[%dma_start3A_146, %dma_start3A_147] : memref<64x128xf32, #tpu.memory_space<vmem>> -> memref<8x128xf32, #tpu.memory_space<vmem>>
    %dma_start3A_149 = arith.constant 40 : i32
    %dma_start3A_150 = tpu.memref_slice %arg2[%dma_start3A_149, %multiple_of3A_131] : memref<64x1000000xf32, #tpu.memory_space<hbm>> -> memref<8x128xf32, #tpu.memory_space<hbm>>
    tpu.enqueue_dma source(%dma_start3A_150 : memref<8x128xf32, #tpu.memory_space<hbm>>) target(%dma_start3A_148 : memref<8x128xf32, #tpu.memory_space<vmem>>) target_semaphore(%arg7 : memref<!tpu.dma_semaphore, #tpu.memory_space<semaphore_mem>>)
    %add3A_151 = arith.constant 0 : i32
    %add3A_152 = arith.addi %add3A_8, %add3A_151 : i32
    %mul3A_153 = arith.constant 128 : i32
    %mul3A_154 = arith.muli %add3A_152, %mul3A_153 : i32
    %multiple_of3A_155 = tpu.assume_multiple %mul3A_154, 128 : i32
    %dma_start3A_156 = arith.constant 0 : i32
    %dma_start3A_157 = arith.constant 0 : i32
    %dma_start3A_158 = arith.constant 0 : i32
    %dma_start3A_159 = tpu.memref_slice %arg5[%dma_start3A_156, %dma_start3A_157, %dma_start3A_158] : memref<2x64x128xf32, #tpu.memory_space<vmem>> -> memref<1x64x128xf32, #tpu.memory_space<vmem>>
    %dma_start3A_160 = tpu.memref_squeeze %dma_start3A_159 : memref<1x64x128xf32, #tpu.memory_space<vmem>> -> memref<64x128xf32, #tpu.memory_space<vmem>>
    %dma_start3A_161 = arith.constant 48 : i32
    %dma_start3A_162 = arith.constant 0 : i32
    %dma_start3A_163 = tpu.memref_slice %dma_start3A_160[%dma_start3A_161, %dma_start3A_162] : memref<64x128xf32, #tpu.memory_space<vmem>> -> memref<8x128xf32, #tpu.memory_space<vmem>>
    %dma_start3A_164 = arith.constant 48 : i32
    %dma_start3A_165 = tpu.memref_slice %arg2[%dma_start3A_164, %multiple_of3A_155] : memref<64x1000000xf32, #tpu.memory_space<hbm>> -> memref<8x128xf32, #tpu.memory_space<hbm>>
    %dma_start3A_166 = arith.constant 0 : i32
    %dma_start3A_167 = arith.constant 0 : i32
    %dma_start3A_168 = tpu.memref_slice %arg5[%dma_start3A_156, %dma_start3A_166, %dma_start3A_167] : memref<2x64x128xf32, #tpu.memory_space<vmem>> -> memref<1x64x128xf32, #tpu.memory_space<vmem>>
    %dma_start3A_169 = tpu.memref_squeeze %dma_start3A_168 : memref<1x64x128xf32, #tpu.memory_space<vmem>> -> memref<64x128xf32, #tpu.memory_space<vmem>>
    %dma_start3A_170 = arith.constant 48 : i32
    %dma_start3A_171 = arith.constant 0 : i32
    %dma_start3A_172 = tpu.memref_slice %dma_start3A_169[%dma_start3A_170, %dma_start3A_171] : memref<64x128xf32, #tpu.memory_space<vmem>> -> memref<8x128xf32, #tpu.memory_space<vmem>>
    %dma_start3A_173 = arith.constant 48 : i32
    %dma_start3A_174 = tpu.memref_slice %arg2[%dma_start3A_173, %multiple_of3A_155] : memref<64x1000000xf32, #tpu.memory_space<hbm>> -> memref<8x128xf32, #tpu.memory_space<hbm>>
    tpu.enqueue_dma source(%dma_start3A_174 : memref<8x128xf32, #tpu.memory_space<hbm>>) target(%dma_start3A_172 : memref<8x128xf32, #tpu.memory_space<vmem>>) target_semaphore(%arg7 : memref<!tpu.dma_semaphore, #tpu.memory_space<semaphore_mem>>)
    %add3A_175 = arith.constant 0 : i32
    %add3A_176 = arith.addi %add3A_8, %add3A_175 : i32
    %mul3A_177 = arith.constant 128 : i32
    %mul3A_178 = arith.muli %add3A_176, %mul3A_177 : i32
    %multiple_of3A_179 = tpu.assume_multiple %mul3A_178, 128 : i32
    %dma_start3A_180 = arith.constant 0 : i32
    %dma_start3A_181 = arith.constant 0 : i32
    %dma_start3A_182 = arith.constant 0 : i32
    %dma_start3A_183 = tpu.memref_slice %arg5[%dma_start3A_180, %dma_start3A_181, %dma_start3A_182] : memref<2x64x128xf32, #tpu.memory_space<vmem>> -> memref<1x64x128xf32, #tpu.memory_space<vmem>>
    %dma_start3A_184 = tpu.memref_squeeze %dma_start3A_183 : memref<1x64x128xf32, #tpu.memory_space<vmem>> -> memref<64x128xf32, #tpu.memory_space<vmem>>
    %dma_start3A_185 = arith.constant 56 : i32
    %dma_start3A_186 = arith.constant 0 : i32
    %dma_start3A_187 = tpu.memref_slice %dma_start3A_184[%dma_start3A_185, %dma_start3A_186] : memref<64x128xf32, #tpu.memory_space<vmem>> -> memref<8x128xf32, #tpu.memory_space<vmem>>
    %dma_start3A_188 = arith.constant 56 : i32
    %dma_start3A_189 = tpu.memref_slice %arg2[%dma_start3A_188, %multiple_of3A_179] : memref<64x1000000xf32, #tpu.memory_space<hbm>> -> memref<8x128xf32, #tpu.memory_space<hbm>>
    %dma_start3A_190 = arith.constant 0 : i32
    %dma_start3A_191 = arith.constant 0 : i32
    %dma_start3A_192 = tpu.memref_slice %arg5[%dma_start3A_180, %dma_start3A_190, %dma_start3A_191] : memref<2x64x128xf32, #tpu.memory_space<vmem>> -> memref<1x64x128xf32, #tpu.memory_space<vmem>>
    %dma_start3A_193 = tpu.memref_squeeze %dma_start3A_192 : memref<1x64x128xf32, #tpu.memory_space<vmem>> -> memref<64x128xf32, #tpu.memory_space<vmem>>
    %dma_start3A_194 = arith.constant 56 : i32
    %dma_start3A_195 = arith.constant 0 : i32
    %dma_start3A_196 = tpu.memref_slice %dma_start3A_193[%dma_start3A_194, %dma_start3A_195] : memref<64x128xf32, #tpu.memory_space<vmem>> -> memref<8x128xf32, #tpu.memory_space<vmem>>
    %dma_start3A_197 = arith.constant 56 : i32
    %dma_start3A_198 = tpu.memref_slice %arg2[%dma_start3A_197, %multiple_of3A_179] : memref<64x1000000xf32, #tpu.memory_space<hbm>> -> memref<8x128xf32, #tpu.memory_space<hbm>>
    tpu.enqueue_dma source(%dma_start3A_198 : memref<8x128xf32, #tpu.memory_space<hbm>>) target(%dma_start3A_196 : memref<8x128xf32, #tpu.memory_space<vmem>>) target_semaphore(%arg7 : memref<!tpu.dma_semaphore, #tpu.memory_space<semaphore_mem>>)
    %scan3A = arith.constant 0 : i32
    %scan3A_199 = arith.constant 0 : i32
    %scan3A_200 = arith.constant 123 : i32
    %scan3A_201 = arith.addi %scan3A_199, %scan3A_200 : i32
    %scan3A_202 = arith.constant 1 : i32
    scf.for %scan3A_206 = %scan3A_199 to %scan3A_201 step %scan3A_202  : i32 {
      %mul3A_207 = arith.constant 2 : i32
      %mul3A_208 = arith.muli %scan3A_206, %mul3A_207 : i32
      %add3A_209 = arith.constant 0 : i32
      %add3A_210 = arith.addi %mul3A_208, %add3A_209 : i32
      %add3A_211 = arith.constant 1 : i32
      %add3A_212 = arith.addi %add3A_210, %add3A_211 : i32
      %lt3A_213 = arith.cmpi slt, %add3A_212, %add3A_4 : i32
      %convert_element_type3A_214 = arith.extui %lt3A_213 : i1 to i32
      %cond3A_215 = arith.constant 0 : i32
      %cond3A_216 = arith.cmpi ne, %convert_element_type3A_214, %cond3A_215 : i32
      scf.if %cond3A_216 {
        %add3A_235 = arith.constant 1 : i32
        %add3A_236 = arith.addi %add3A_210, %add3A_235 : i32
        %add3A_237 = arith.addi %add3A_8, %add3A_236 : i32
        %mul3A_238 = arith.constant 128 : i32
        %mul3A_239 = arith.muli %add3A_237, %mul3A_238 : i32
        %multiple_of3A_240 = tpu.assume_multiple %mul3A_239, 128 : i32
        %dma_start3A_241 = arith.constant 1 : i32
        %dma_start3A_242 = arith.constant 0 : i32
        %dma_start3A_243 = arith.constant 0 : i32
        %dma_start3A_244 = tpu.memref_slice %arg5[%dma_start3A_241, %dma_start3A_242, %dma_start3A_243] : memref<2x64x128xf32, #tpu.memory_space<vmem>> -> memref<1x64x128xf32, #tpu.memory_space<vmem>>
        %dma_start3A_245 = tpu.memref_squeeze %dma_start3A_244 : memref<1x64x128xf32, #tpu.memory_space<vmem>> -> memref<64x128xf32, #tpu.memory_space<vmem>>
        %dma_start3A_246 = arith.constant 0 : i32
        %dma_start3A_247 = arith.constant 0 : i32
        %dma_start3A_248 = tpu.memref_slice %dma_start3A_245[%dma_start3A_246, %dma_start3A_247] : memref<64x128xf32, #tpu.memory_space<vmem>> -> memref<8x128xf32, #tpu.memory_space<vmem>>
        %dma_start3A_249 = arith.constant 0 : i32
        %dma_start3A_250 = tpu.memref_slice %arg2[%dma_start3A_249, %multiple_of3A_240] : memref<64x1000000xf32, #tpu.memory_space<hbm>> -> memref<8x128xf32, #tpu.memory_space<hbm>>
        %dma_start3A_251 = arith.constant 0 : i32
        %dma_start3A_252 = arith.constant 0 : i32
        %dma_start3A_253 = tpu.memref_slice %arg5[%dma_start3A_241, %dma_start3A_251, %dma_start3A_252] : memref<2x64x128xf32, #tpu.memory_space<vmem>> -> memref<1x64x128xf32, #tpu.memory_space<vmem>>
        %dma_start3A_254 = tpu.memref_squeeze %dma_start3A_253 : memref<1x64x128xf32, #tpu.memory_space<vmem>> -> memref<64x128xf32, #tpu.memory_space<vmem>>
        %dma_start3A_255 = arith.constant 0 : i32
        %dma_start3A_256 = arith.constant 0 : i32
        %dma_start3A_257 = tpu.memref_slice %dma_start3A_254[%dma_start3A_255, %dma_start3A_256] : memref<64x128xf32, #tpu.memory_space<vmem>> -> memref<8x128xf32, #tpu.memory_space<vmem>>
        %dma_start3A_258 = arith.constant 0 : i32
        %dma_start3A_259 = tpu.memref_slice %arg2[%dma_start3A_258, %multiple_of3A_240] : memref<64x1000000xf32, #tpu.memory_space<hbm>> -> memref<8x128xf32, #tpu.memory_space<hbm>>
        tpu.enqueue_dma source(%dma_start3A_259 : memref<8x128xf32, #tpu.memory_space<hbm>>) target(%dma_start3A_257 : memref<8x128xf32, #tpu.memory_space<vmem>>) target_semaphore(%arg8 : memref<!tpu.dma_semaphore, #tpu.memory_space<semaphore_mem>>)
        %add3A_260 = arith.addi %add3A_8, %add3A_236 : i32
        %mul3A_261 = arith.constant 128 : i32
        %mul3A_262 = arith.muli %add3A_260, %mul3A_261 : i32
        %multiple_of3A_263 = tpu.assume_multiple %mul3A_262, 128 : i32
        %dma_start3A_264 = arith.constant 1 : i32
        %dma_start3A_265 = arith.constant 0 : i32
        %dma_start3A_266 = arith.constant 0 : i32
        %dma_start3A_267 = tpu.memref_slice %arg5[%dma_start3A_264, %dma_start3A_265, %dma_start3A_266] : memref<2x64x128xf32, #tpu.memory_space<vmem>> -> memref<1x64x128xf32, #tpu.memory_space<vmem>>
        %dma_start3A_268 = tpu.memref_squeeze %dma_start3A_267 : memref<1x64x128xf32, #tpu.memory_space<vmem>> -> memref<64x128xf32, #tpu.memory_space<vmem>>
        %dma_start3A_269 = arith.constant 8 : i32
        %dma_start3A_270 = arith.constant 0 : i32
        %dma_start3A_271 = tpu.memref_slice %dma_start3A_268[%dma_start3A_269, %dma_start3A_270] : memref<64x128xf32, #tpu.memory_space<vmem>> -> memref<8x128xf32, #tpu.memory_space<vmem>>
        %dma_start3A_272 = arith.constant 8 : i32
        %dma_start3A_273 = tpu.memref_slice %arg2[%dma_start3A_272, %multiple_of3A_263] : memref<64x1000000xf32, #tpu.memory_space<hbm>> -> memref<8x128xf32, #tpu.memory_space<hbm>>
        %dma_start3A_274 = arith.constant 0 : i32
        %dma_start3A_275 = arith.constant 0 : i32
        %dma_start3A_276 = tpu.memref_slice %arg5[%dma_start3A_264, %dma_start3A_274, %dma_start3A_275] : memref<2x64x128xf32, #tpu.memory_space<vmem>> -> memref<1x64x128xf32, #tpu.memory_space<vmem>>
        %dma_start3A_277 = tpu.memref_squeeze %dma_start3A_276 : memref<1x64x128xf32, #tpu.memory_space<vmem>> -> memref<64x128xf32, #tpu.memory_space<vmem>>
        %dma_start3A_278 = arith.constant 8 : i32
        %dma_start3A_279 = arith.constant 0 : i32
        %dma_start3A_280 = tpu.memref_slice %dma_start3A_277[%dma_start3A_278, %dma_start3A_279] : memref<64x128xf32, #tpu.memory_space<vmem>> -> memref<8x128xf32, #tpu.memory_space<vmem>>
        %dma_start3A_281 = arith.constant 8 : i32
        %dma_start3A_282 = tpu.memref_slice %arg2[%dma_start3A_281, %multiple_of3A_263] : memref<64x1000000xf32, #tpu.memory_space<hbm>> -> memref<8x128xf32, #tpu.memory_space<hbm>>
        tpu.enqueue_dma source(%dma_start3A_282 : memref<8x128xf32, #tpu.memory_space<hbm>>) target(%dma_start3A_280 : memref<8x128xf32, #tpu.memory_space<vmem>>) target_semaphore(%arg8 : memref<!tpu.dma_semaphore, #tpu.memory_space<semaphore_mem>>)
        %add3A_283 = arith.addi %add3A_8, %add3A_236 : i32
        %mul3A_284 = arith.constant 128 : i32
        %mul3A_285 = arith.muli %add3A_283, %mul3A_284 : i32
        %multiple_of3A_286 = tpu.assume_multiple %mul3A_285, 128 : i32
        %dma_start3A_287 = arith.constant 1 : i32
        %dma_start3A_288 = arith.constant 0 : i32
        %dma_start3A_289 = arith.constant 0 : i32
        %dma_start3A_290 = tpu.memref_slice %arg5[%dma_start3A_287, %dma_start3A_288, %dma_start3A_289] : memref<2x64x128xf32, #tpu.memory_space<vmem>> -> memref<1x64x128xf32, #tpu.memory_space<vmem>>
        %dma_start3A_291 = tpu.memref_squeeze %dma_start3A_290 : memref<1x64x128xf32, #tpu.memory_space<vmem>> -> memref<64x128xf32, #tpu.memory_space<vmem>>
        %dma_start3A_292 = arith.constant 16 : i32
        %dma_start3A_293 = arith.constant 0 : i32
        %dma_start3A_294 = tpu.memref_slice %dma_start3A_291[%dma_start3A_292, %dma_start3A_293] : memref<64x128xf32, #tpu.memory_space<vmem>> -> memref<8x128xf32, #tpu.memory_space<vmem>>
        %dma_start3A_295 = arith.constant 16 : i32
        %dma_start3A_296 = tpu.memref_slice %arg2[%dma_start3A_295, %multiple_of3A_286] : memref<64x1000000xf32, #tpu.memory_space<hbm>> -> memref<8x128xf32, #tpu.memory_space<hbm>>
        %dma_start3A_297 = arith.constant 0 : i32
        %dma_start3A_298 = arith.constant 0 : i32
        %dma_start3A_299 = tpu.memref_slice %arg5[%dma_start3A_287, %dma_start3A_297, %dma_start3A_298] : memref<2x64x128xf32, #tpu.memory_space<vmem>> -> memref<1x64x128xf32, #tpu.memory_space<vmem>>
        %dma_start3A_300 = tpu.memref_squeeze %dma_start3A_299 : memref<1x64x128xf32, #tpu.memory_space<vmem>> -> memref<64x128xf32, #tpu.memory_space<vmem>>
        %dma_start3A_301 = arith.constant 16 : i32
        %dma_start3A_302 = arith.constant 0 : i32
        %dma_start3A_303 = tpu.memref_slice %dma_start3A_300[%dma_start3A_301, %dma_start3A_302] : memref<64x128xf32, #tpu.memory_space<vmem>> -> memref<8x128xf32, #tpu.memory_space<vmem>>
        %dma_start3A_304 = arith.constant 16 : i32
        %dma_start3A_305 = tpu.memref_slice %arg2[%dma_start3A_304, %multiple_of3A_286] : memref<64x1000000xf32, #tpu.memory_space<hbm>> -> memref<8x128xf32, #tpu.memory_space<hbm>>
        tpu.enqueue_dma source(%dma_start3A_305 : memref<8x128xf32, #tpu.memory_space<hbm>>) target(%dma_start3A_303 : memref<8x128xf32, #tpu.memory_space<vmem>>) target_semaphore(%arg8 : memref<!tpu.dma_semaphore, #tpu.memory_space<semaphore_mem>>)
        %add3A_306 = arith.addi %add3A_8, %add3A_236 : i32
        %mul3A_307 = arith.constant 128 : i32
        %mul3A_308 = arith.muli %add3A_306, %mul3A_307 : i32
        %multiple_of3A_309 = tpu.assume_multiple %mul3A_308, 128 : i32
        %dma_start3A_310 = arith.constant 1 : i32
        %dma_start3A_311 = arith.constant 0 : i32
        %dma_start3A_312 = arith.constant 0 : i32
        %dma_start3A_313 = tpu.memref_slice %arg5[%dma_start3A_310, %dma_start3A_311, %dma_start3A_312] : memref<2x64x128xf32, #tpu.memory_space<vmem>> -> memref<1x64x128xf32, #tpu.memory_space<vmem>>
        %dma_start3A_314 = tpu.memref_squeeze %dma_start3A_313 : memref<1x64x128xf32, #tpu.memory_space<vmem>> -> memref<64x128xf32, #tpu.memory_space<vmem>>
        %dma_start3A_315 = arith.constant 24 : i32
        %dma_start3A_316 = arith.constant 0 : i32
        %dma_start3A_317 = tpu.memref_slice %dma_start3A_314[%dma_start3A_315, %dma_start3A_316] : memref<64x128xf32, #tpu.memory_space<vmem>> -> memref<8x128xf32, #tpu.memory_space<vmem>>
        %dma_start3A_318 = arith.constant 24 : i32
        %dma_start3A_319 = tpu.memref_slice %arg2[%dma_start3A_318, %multiple_of3A_309] : memref<64x1000000xf32, #tpu.memory_space<hbm>> -> memref<8x128xf32, #tpu.memory_space<hbm>>
        %dma_start3A_320 = arith.constant 0 : i32
        %dma_start3A_321 = arith.constant 0 : i32
        %dma_start3A_322 = tpu.memref_slice %arg5[%dma_start3A_310, %dma_start3A_320, %dma_start3A_321] : memref<2x64x128xf32, #tpu.memory_space<vmem>> -> memref<1x64x128xf32, #tpu.memory_space<vmem>>
        %dma_start3A_323 = tpu.memref_squeeze %dma_start3A_322 : memref<1x64x128xf32, #tpu.memory_space<vmem>> -> memref<64x128xf32, #tpu.memory_space<vmem>>
        %dma_start3A_324 = arith.constant 24 : i32
        %dma_start3A_325 = arith.constant 0 : i32
        %dma_start3A_326 = tpu.memref_slice %dma_start3A_323[%dma_start3A_324, %dma_start3A_325] : memref<64x128xf32, #tpu.memory_space<vmem>> -> memref<8x128xf32, #tpu.memory_space<vmem>>
        %dma_start3A_327 = arith.constant 24 : i32
        %dma_start3A_328 = tpu.memref_slice %arg2[%dma_start3A_327, %multiple_of3A_309] : memref<64x1000000xf32, #tpu.memory_space<hbm>> -> memref<8x128xf32, #tpu.memory_space<hbm>>
        tpu.enqueue_dma source(%dma_start3A_328 : memref<8x128xf32, #tpu.memory_space<hbm>>) target(%dma_start3A_326 : memref<8x128xf32, #tpu.memory_space<vmem>>) target_semaphore(%arg8 : memref<!tpu.dma_semaphore, #tpu.memory_space<semaphore_mem>>)
        %add3A_329 = arith.addi %add3A_8, %add3A_236 : i32
        %mul3A_330 = arith.constant 128 : i32
        %mul3A_331 = arith.muli %add3A_329, %mul3A_330 : i32
        %multiple_of3A_332 = tpu.assume_multiple %mul3A_331, 128 : i32
        %dma_start3A_333 = arith.constant 1 : i32
        %dma_start3A_334 = arith.constant 0 : i32
        %dma_start3A_335 = arith.constant 0 : i32
        %dma_start3A_336 = tpu.memref_slice %arg5[%dma_start3A_333, %dma_start3A_334, %dma_start3A_335] : memref<2x64x128xf32, #tpu.memory_space<vmem>> -> memref<1x64x128xf32, #tpu.memory_space<vmem>>
        %dma_start3A_337 = tpu.memref_squeeze %dma_start3A_336 : memref<1x64x128xf32, #tpu.memory_space<vmem>> -> memref<64x128xf32, #tpu.memory_space<vmem>>
        %dma_start3A_338 = arith.constant 32 : i32
        %dma_start3A_339 = arith.constant 0 : i32
        %dma_start3A_340 = tpu.memref_slice %dma_start3A_337[%dma_start3A_338, %dma_start3A_339] : memref<64x128xf32, #tpu.memory_space<vmem>> -> memref<8x128xf32, #tpu.memory_space<vmem>>
        %dma_start3A_341 = arith.constant 32 : i32
        %dma_start3A_342 = tpu.memref_slice %arg2[%dma_start3A_341, %multiple_of3A_332] : memref<64x1000000xf32, #tpu.memory_space<hbm>> -> memref<8x128xf32, #tpu.memory_space<hbm>>
        %dma_start3A_343 = arith.constant 0 : i32
        %dma_start3A_344 = arith.constant 0 : i32
        %dma_start3A_345 = tpu.memref_slice %arg5[%dma_start3A_333, %dma_start3A_343, %dma_start3A_344] : memref<2x64x128xf32, #tpu.memory_space<vmem>> -> memref<1x64x128xf32, #tpu.memory_space<vmem>>
        %dma_start3A_346 = tpu.memref_squeeze %dma_start3A_345 : memref<1x64x128xf32, #tpu.memory_space<vmem>> -> memref<64x128xf32, #tpu.memory_space<vmem>>
        %dma_start3A_347 = arith.constant 32 : i32
        %dma_start3A_348 = arith.constant 0 : i32
        %dma_start3A_349 = tpu.memref_slice %dma_start3A_346[%dma_start3A_347, %dma_start3A_348] : memref<64x128xf32, #tpu.memory_space<vmem>> -> memref<8x128xf32, #tpu.memory_space<vmem>>
        %dma_start3A_350 = arith.constant 32 : i32
        %dma_start3A_351 = tpu.memref_slice %arg2[%dma_start3A_350, %multiple_of3A_332] : memref<64x1000000xf32, #tpu.memory_space<hbm>> -> memref<8x128xf32, #tpu.memory_space<hbm>>
        tpu.enqueue_dma source(%dma_start3A_351 : memref<8x128xf32, #tpu.memory_space<hbm>>) target(%dma_start3A_349 : memref<8x128xf32, #tpu.memory_space<vmem>>) target_semaphore(%arg8 : memref<!tpu.dma_semaphore, #tpu.memory_space<semaphore_mem>>)
        %add3A_352 = arith.addi %add3A_8, %add3A_236 : i32
        %mul3A_353 = arith.constant 128 : i32
        %mul3A_354 = arith.muli %add3A_352, %mul3A_353 : i32
        %multiple_of3A_355 = tpu.assume_multiple %mul3A_354, 128 : i32
        %dma_start3A_356 = arith.constant 1 : i32
        %dma_start3A_357 = arith.constant 0 : i32
        %dma_start3A_358 = arith.constant 0 : i32
        %dma_start3A_359 = tpu.memref_slice %arg5[%dma_start3A_356, %dma_start3A_357, %dma_start3A_358] : memref<2x64x128xf32, #tpu.memory_space<vmem>> -> memref<1x64x128xf32, #tpu.memory_space<vmem>>
        %dma_start3A_360 = tpu.memref_squeeze %dma_start3A_359 : memref<1x64x128xf32, #tpu.memory_space<vmem>> -> memref<64x128xf32, #tpu.memory_space<vmem>>
        %dma_start3A_361 = arith.constant 40 : i32
        %dma_start3A_362 = arith.constant 0 : i32
        %dma_start3A_363 = tpu.memref_slice %dma_start3A_360[%dma_start3A_361, %dma_start3A_362] : memref<64x128xf32, #tpu.memory_space<vmem>> -> memref<8x128xf32, #tpu.memory_space<vmem>>
        %dma_start3A_364 = arith.constant 40 : i32
        %dma_start3A_365 = tpu.memref_slice %arg2[%dma_start3A_364, %multiple_of3A_355] : memref<64x1000000xf32, #tpu.memory_space<hbm>> -> memref<8x128xf32, #tpu.memory_space<hbm>>
        %dma_start3A_366 = arith.constant 0 : i32
        %dma_start3A_367 = arith.constant 0 : i32
        %dma_start3A_368 = tpu.memref_slice %arg5[%dma_start3A_356, %dma_start3A_366, %dma_start3A_367] : memref<2x64x128xf32, #tpu.memory_space<vmem>> -> memref<1x64x128xf32, #tpu.memory_space<vmem>>
        %dma_start3A_369 = tpu.memref_squeeze %dma_start3A_368 : memref<1x64x128xf32, #tpu.memory_space<vmem>> -> memref<64x128xf32, #tpu.memory_space<vmem>>
        %dma_start3A_370 = arith.constant 40 : i32
        %dma_start3A_371 = arith.constant 0 : i32
        %dma_start3A_372 = tpu.memref_slice %dma_start3A_369[%dma_start3A_370, %dma_start3A_371] : memref<64x128xf32, #tpu.memory_space<vmem>> -> memref<8x128xf32, #tpu.memory_space<vmem>>
        %dma_start3A_373 = arith.constant 40 : i32
        %dma_start3A_374 = tpu.memref_slice %arg2[%dma_start3A_373, %multiple_of3A_355] : memref<64x1000000xf32, #tpu.memory_space<hbm>> -> memref<8x128xf32, #tpu.memory_space<hbm>>
        tpu.enqueue_dma source(%dma_start3A_374 : memref<8x128xf32, #tpu.memory_space<hbm>>) target(%dma_start3A_372 : memref<8x128xf32, #tpu.memory_space<vmem>>) target_semaphore(%arg8 : memref<!tpu.dma_semaphore, #tpu.memory_space<semaphore_mem>>)
        %add3A_375 = arith.addi %add3A_8, %add3A_236 : i32
        %mul3A_376 = arith.constant 128 : i32
        %mul3A_377 = arith.muli %add3A_375, %mul3A_376 : i32
        %multiple_of3A_378 = tpu.assume_multiple %mul3A_377, 128 : i32
        %dma_start3A_379 = arith.constant 1 : i32
        %dma_start3A_380 = arith.constant 0 : i32
        %dma_start3A_381 = arith.constant 0 : i32
        %dma_start3A_382 = tpu.memref_slice %arg5[%dma_start3A_379, %dma_start3A_380, %dma_start3A_381] : memref<2x64x128xf32, #tpu.memory_space<vmem>> -> memref<1x64x128xf32, #tpu.memory_space<vmem>>
        %dma_start3A_383 = tpu.memref_squeeze %dma_start3A_382 : memref<1x64x128xf32, #tpu.memory_space<vmem>> -> memref<64x128xf32, #tpu.memory_space<vmem>>
        %dma_start3A_384 = arith.constant 48 : i32
        %dma_start3A_385 = arith.constant 0 : i32
        %dma_start3A_386 = tpu.memref_slice %dma_start3A_383[%dma_start3A_384, %dma_start3A_385] : memref<64x128xf32, #tpu.memory_space<vmem>> -> memref<8x128xf32, #tpu.memory_space<vmem>>
        %dma_start3A_387 = arith.constant 48 : i32
        %dma_start3A_388 = tpu.memref_slice %arg2[%dma_start3A_387, %multiple_of3A_378] : memref<64x1000000xf32, #tpu.memory_space<hbm>> -> memref<8x128xf32, #tpu.memory_space<hbm>>
        %dma_start3A_389 = arith.constant 0 : i32
        %dma_start3A_390 = arith.constant 0 : i32
        %dma_start3A_391 = tpu.memref_slice %arg5[%dma_start3A_379, %dma_start3A_389, %dma_start3A_390] : memref<2x64x128xf32, #tpu.memory_space<vmem>> -> memref<1x64x128xf32, #tpu.memory_space<vmem>>
        %dma_start3A_392 = tpu.memref_squeeze %dma_start3A_391 : memref<1x64x128xf32, #tpu.memory_space<vmem>> -> memref<64x128xf32, #tpu.memory_space<vmem>>
        %dma_start3A_393 = arith.constant 48 : i32
        %dma_start3A_394 = arith.constant 0 : i32
        %dma_start3A_395 = tpu.memref_slice %dma_start3A_392[%dma_start3A_393, %dma_start3A_394] : memref<64x128xf32, #tpu.memory_space<vmem>> -> memref<8x128xf32, #tpu.memory_space<vmem>>
        %dma_start3A_396 = arith.constant 48 : i32
        %dma_start3A_397 = tpu.memref_slice %arg2[%dma_start3A_396, %multiple_of3A_378] : memref<64x1000000xf32, #tpu.memory_space<hbm>> -> memref<8x128xf32, #tpu.memory_space<hbm>>
        tpu.enqueue_dma source(%dma_start3A_397 : memref<8x128xf32, #tpu.memory_space<hbm>>) target(%dma_start3A_395 : memref<8x128xf32, #tpu.memory_space<vmem>>) target_semaphore(%arg8 : memref<!tpu.dma_semaphore, #tpu.memory_space<semaphore_mem>>)
        %add3A_398 = arith.addi %add3A_8, %add3A_236 : i32
        %mul3A_399 = arith.constant 128 : i32
        %mul3A_400 = arith.muli %add3A_398, %mul3A_399 : i32
        %multiple_of3A_401 = tpu.assume_multiple %mul3A_400, 128 : i32
        %dma_start3A_402 = arith.constant 1 : i32
        %dma_start3A_403 = arith.constant 0 : i32
        %dma_start3A_404 = arith.constant 0 : i32
        %dma_start3A_405 = tpu.memref_slice %arg5[%dma_start3A_402, %dma_start3A_403, %dma_start3A_404] : memref<2x64x128xf32, #tpu.memory_space<vmem>> -> memref<1x64x128xf32, #tpu.memory_space<vmem>>
        %dma_start3A_406 = tpu.memref_squeeze %dma_start3A_405 : memref<1x64x128xf32, #tpu.memory_space<vmem>> -> memref<64x128xf32, #tpu.memory_space<vmem>>
        %dma_start3A_407 = arith.constant 56 : i32
        %dma_start3A_408 = arith.constant 0 : i32
        %dma_start3A_409 = tpu.memref_slice %dma_start3A_406[%dma_start3A_407, %dma_start3A_408] : memref<64x128xf32, #tpu.memory_space<vmem>> -> memref<8x128xf32, #tpu.memory_space<vmem>>
        %dma_start3A_410 = arith.constant 56 : i32
        %dma_start3A_411 = tpu.memref_slice %arg2[%dma_start3A_410, %multiple_of3A_401] : memref<64x1000000xf32, #tpu.memory_space<hbm>> -> memref<8x128xf32, #tpu.memory_space<hbm>>
        %dma_start3A_412 = arith.constant 0 : i32
        %dma_start3A_413 = arith.constant 0 : i32
        %dma_start3A_414 = tpu.memref_slice %arg5[%dma_start3A_402, %dma_start3A_412, %dma_start3A_413] : memref<2x64x128xf32, #tpu.memory_space<vmem>> -> memref<1x64x128xf32, #tpu.memory_space<vmem>>
        %dma_start3A_415 = tpu.memref_squeeze %dma_start3A_414 : memref<1x64x128xf32, #tpu.memory_space<vmem>> -> memref<64x128xf32, #tpu.memory_space<vmem>>
        %dma_start3A_416 = arith.constant 56 : i32
        %dma_start3A_417 = arith.constant 0 : i32
        %dma_start3A_418 = tpu.memref_slice %dma_start3A_415[%dma_start3A_416, %dma_start3A_417] : memref<64x128xf32, #tpu.memory_space<vmem>> -> memref<8x128xf32, #tpu.memory_space<vmem>>
        %dma_start3A_419 = arith.constant 56 : i32
        %dma_start3A_420 = tpu.memref_slice %arg2[%dma_start3A_419, %multiple_of3A_401] : memref<64x1000000xf32, #tpu.memory_space<hbm>> -> memref<8x128xf32, #tpu.memory_space<hbm>>
        tpu.enqueue_dma source(%dma_start3A_420 : memref<8x128xf32, #tpu.memory_space<hbm>>) target(%dma_start3A_418 : memref<8x128xf32, #tpu.memory_space<vmem>>) target_semaphore(%arg8 : memref<!tpu.dma_semaphore, #tpu.memory_space<semaphore_mem>>)
      } else {
      }
      %lt3A_217 = arith.cmpi slt, %add3A_210, %add3A_4 : i32
      %convert_element_type3A_218 = arith.extui %lt3A_217 : i1 to i32
      %cond3A_219 = arith.constant 0 : i32
      %cond3A_220 = arith.cmpi ne, %convert_element_type3A_218, %cond3A_219 : i32
      scf.if %cond3A_220 {
        %dma_wait3A = arith.constant 0 : i32
        %dma_wait3A_235 = arith.constant 0 : i32
        %dma_wait3A_236 = arith.constant 0 : i32
        %dma_wait3A_237 = tpu.memref_slice %arg5[%dma_wait3A, %dma_wait3A_235, %dma_wait3A_236] : memref<2x64x128xf32, #tpu.memory_space<vmem>> -> memref<1x64x128xf32, #tpu.memory_space<vmem>>
        %dma_wait3A_238 = tpu.memref_squeeze %dma_wait3A_237 : memref<1x64x128xf32, #tpu.memory_space<vmem>> -> memref<64x128xf32, #tpu.memory_space<vmem>>
        %dma_wait3A_239 = arith.constant 0 : i32
        %dma_wait3A_240 = arith.constant 0 : i32
        %dma_wait3A_241 = tpu.memref_slice %arg2[%dma_wait3A_239, %dma_wait3A_240] : memref<64x1000000xf32, #tpu.memory_space<hbm>> -> memref<64x128xf32, #tpu.memory_space<hbm>>
        %dma_wait3A_242 = arith.constant 0 : i32
        %dma_wait3A_243 = arith.constant 0 : i32
        %dma_wait3A_244 = tpu.memref_slice %arg5[%dma_wait3A, %dma_wait3A_242, %dma_wait3A_243] : memref<2x64x128xf32, #tpu.memory_space<vmem>> -> memref<1x64x128xf32, #tpu.memory_space<vmem>>
        %dma_wait3A_245 = tpu.memref_squeeze %dma_wait3A_244 : memref<1x64x128xf32, #tpu.memory_space<vmem>> -> memref<64x128xf32, #tpu.memory_space<vmem>>
        %dma_wait3A_246 = arith.constant 0 : i32
        %dma_wait3A_247 = arith.constant 0 : i32
        %dma_wait3A_248 = tpu.memref_slice %arg2[%dma_wait3A_246, %dma_wait3A_247] : memref<64x1000000xf32, #tpu.memory_space<hbm>> -> memref<64x128xf32, #tpu.memory_space<hbm>>
        tpu.wait_dma2 semaphore(%arg7 : memref<!tpu.dma_semaphore, #tpu.memory_space<semaphore_mem>>) src(%dma_wait3A_248 : memref<64x128xf32, #tpu.memory_space<hbm>>) dst(%dma_wait3A_245 : memref<64x128xf32, #tpu.memory_space<vmem>>)
        %add3A_249 = arith.constant 0 : i32
        %add3A_250 = vector.broadcast %add3A_249 : i32 to vector<16xi32>
        %add3A_251 = arith.addi %add3A_250, %iota3A : vector<16xi32>
        %shift_right_logical3A = arith.constant 1 : i32
        %shift_right_logical3A_252 = vector.broadcast %shift_right_logical3A : i32 to vector<16xi32>
        %shift_right_logical3A_253 = arith.shrui %add3A_251, %shift_right_logical3A_252 : vector<16xi32>
        %and3A = arith.constant 1 : i32
        %and3A_254 = vector.broadcast %and3A : i32 to vector<16xi32>
        %and3A_255 = arith.andi %add3A_251, %and3A_254 : vector<16xi32>
        %mul3A_256 = arith.constant 64 : i32
        %mul3A_257 = vector.broadcast %mul3A_256 : i32 to vector<16xi32>
        %mul3A_258 = arith.muli %and3A_255, %mul3A_257 : vector<16xi32>
        %add3A_259 = arith.constant 16 : i32
        %add3A_260 = vector.broadcast %add3A_259 : i32 to vector<16xi32>
        %add3A_261 = arith.addi %add3A_260, %iota3A : vector<16xi32>
        %shift_right_logical3A_262 = arith.constant 1 : i32
        %shift_right_logical3A_263 = vector.broadcast %shift_right_logical3A_262 : i32 to vector<16xi32>
        %shift_right_logical3A_264 = arith.shrui %add3A_261, %shift_right_logical3A_263 : vector<16xi32>
        %and3A_265 = arith.constant 1 : i32
        %and3A_266 = vector.broadcast %and3A_265 : i32 to vector<16xi32>
        %and3A_267 = arith.andi %add3A_261, %and3A_266 : vector<16xi32>
        %mul3A_268 = arith.constant 64 : i32
        %mul3A_269 = vector.broadcast %mul3A_268 : i32 to vector<16xi32>
        %mul3A_270 = arith.muli %and3A_267, %mul3A_269 : vector<16xi32>
        %add3A_271 = arith.constant 32 : i32
        %add3A_272 = vector.broadcast %add3A_271 : i32 to vector<16xi32>
        %add3A_273 = arith.addi %add3A_272, %iota3A : vector<16xi32>
        %shift_right_logical3A_274 = arith.constant 1 : i32
        %shift_right_logical3A_275 = vector.broadcast %shift_right_logical3A_274 : i32 to vector<16xi32>
        %shift_right_logical3A_276 = arith.shrui %add3A_273, %shift_right_logical3A_275 : vector<16xi32>
        %and3A_277 = arith.constant 1 : i32
        %and3A_278 = vector.broadcast %and3A_277 : i32 to vector<16xi32>
        %and3A_279 = arith.andi %add3A_273, %and3A_278 : vector<16xi32>
        %mul3A_280 = arith.constant 64 : i32
        %mul3A_281 = vector.broadcast %mul3A_280 : i32 to vector<16xi32>
        %mul3A_282 = arith.muli %and3A_279, %mul3A_281 : vector<16xi32>
        %add3A_283 = arith.constant 48 : i32
        %add3A_284 = vector.broadcast %add3A_283 : i32 to vector<16xi32>
        %add3A_285 = arith.addi %add3A_284, %iota3A : vector<16xi32>
        %shift_right_logical3A_286 = arith.constant 1 : i32
        %shift_right_logical3A_287 = vector.broadcast %shift_right_logical3A_286 : i32 to vector<16xi32>
        %shift_right_logical3A_288 = arith.shrui %add3A_285, %shift_right_logical3A_287 : vector<16xi32>
        %and3A_289 = arith.constant 1 : i32
        %and3A_290 = vector.broadcast %and3A_289 : i32 to vector<16xi32>
        %and3A_291 = arith.andi %add3A_285, %and3A_290 : vector<16xi32>
        %mul3A_292 = arith.constant 64 : i32
        %mul3A_293 = vector.broadcast %mul3A_292 : i32 to vector<16xi32>
        %mul3A_294 = arith.muli %and3A_291, %mul3A_293 : vector<16xi32>
        %add3A_295 = arith.constant 64 : i32
        %add3A_296 = vector.broadcast %add3A_295 : i32 to vector<16xi32>
        %add3A_297 = arith.addi %add3A_296, %iota3A : vector<16xi32>
        %shift_right_logical3A_298 = arith.constant 1 : i32
        %shift_right_logical3A_299 = vector.broadcast %shift_right_logical3A_298 : i32 to vector<16xi32>
        %shift_right_logical3A_300 = arith.shrui %add3A_297, %shift_right_logical3A_299 : vector<16xi32>
        %and3A_301 = arith.constant 1 : i32
        %and3A_302 = vector.broadcast %and3A_301 : i32 to vector<16xi32>
        %and3A_303 = arith.andi %add3A_297, %and3A_302 : vector<16xi32>
        %mul3A_304 = arith.constant 64 : i32
        %mul3A_305 = vector.broadcast %mul3A_304 : i32 to vector<16xi32>
        %mul3A_306 = arith.muli %and3A_303, %mul3A_305 : vector<16xi32>
        %add3A_307 = arith.constant 80 : i32
        %add3A_308 = vector.broadcast %add3A_307 : i32 to vector<16xi32>
        %add3A_309 = arith.addi %add3A_308, %iota3A : vector<16xi32>
        %shift_right_logical3A_310 = arith.constant 1 : i32
        %shift_right_logical3A_311 = vector.broadcast %shift_right_logical3A_310 : i32 to vector<16xi32>
        %shift_right_logical3A_312 = arith.shrui %add3A_309, %shift_right_logical3A_311 : vector<16xi32>
        %and3A_313 = arith.constant 1 : i32
        %and3A_314 = vector.broadcast %and3A_313 : i32 to vector<16xi32>
        %and3A_315 = arith.andi %add3A_309, %and3A_314 : vector<16xi32>
        %mul3A_316 = arith.constant 64 : i32
        %mul3A_317 = vector.broadcast %mul3A_316 : i32 to vector<16xi32>
        %mul3A_318 = arith.muli %and3A_315, %mul3A_317 : vector<16xi32>
        %add3A_319 = arith.constant 96 : i32
        %add3A_320 = vector.broadcast %add3A_319 : i32 to vector<16xi32>
        %add3A_321 = arith.addi %add3A_320, %iota3A : vector<16xi32>
        %shift_right_logical3A_322 = arith.constant 1 : i32
        %shift_right_logical3A_323 = vector.broadcast %shift_right_logical3A_322 : i32 to vector<16xi32>
        %shift_right_logical3A_324 = arith.shrui %add3A_321, %shift_right_logical3A_323 : vector<16xi32>
        %and3A_325 = arith.constant 1 : i32
        %and3A_326 = vector.broadcast %and3A_325 : i32 to vector<16xi32>
        %and3A_327 = arith.andi %add3A_321, %and3A_326 : vector<16xi32>
        %mul3A_328 = arith.constant 64 : i32
        %mul3A_329 = vector.broadcast %mul3A_328 : i32 to vector<16xi32>
        %mul3A_330 = arith.muli %and3A_327, %mul3A_329 : vector<16xi32>
        %add3A_331 = arith.constant 112 : i32
        %add3A_332 = vector.broadcast %add3A_331 : i32 to vector<16xi32>
        %add3A_333 = arith.addi %add3A_332, %iota3A : vector<16xi32>
        %shift_right_logical3A_334 = arith.constant 1 : i32
        %shift_right_logical3A_335 = vector.broadcast %shift_right_logical3A_334 : i32 to vector<16xi32>
        %shift_right_logical3A_336 = arith.shrui %add3A_333, %shift_right_logical3A_335 : vector<16xi32>
        %and3A_337 = arith.constant 1 : i32
        %and3A_338 = vector.broadcast %and3A_337 : i32 to vector<16xi32>
        %and3A_339 = arith.andi %add3A_333, %and3A_338 : vector<16xi32>
        %mul3A_340 = arith.constant 64 : i32
        %mul3A_341 = vector.broadcast %mul3A_340 : i32 to vector<16xi32>
        %mul3A_342 = arith.muli %and3A_339, %mul3A_341 : vector<16xi32>
        %parallel_loop3A = arith.constant 0 : i32
        %parallel_loop3A_343 = arith.constant 64 : i32
        %parallel_loop3A_344 = arith.constant 1 : i32
        scf.for %parallel_loop3A_352 = %parallel_loop3A to %parallel_loop3A_343 step %parallel_loop3A_344  : i32 {
          %parallel_loop3A_353 = vector.broadcast %parallel_loop3A_352 : i32 to vector<16xi32>
          %parallel_loop3A_354 = arith.addi %mul3A_258, %parallel_loop3A_353 : vector<16xi32>
          %parallel_loop3A_355 = arith.constant 0 : i32
          %parallel_loop3A_356 = arith.index_cast %parallel_loop3A_355 : i32 to index
          %parallel_loop3A_357 = arith.index_cast %parallel_loop3A_352 : i32 to index
          %parallel_loop3A_358 = arith.constant 0 : index
          %parallel_loop3A_359 = tpu.vector_load %arg5[%parallel_loop3A_356, %parallel_loop3A_357, %parallel_loop3A_358] {strides = array<i32>} : memref<2x64x128xf32, #tpu.memory_space<vmem>>, vector<16xf32>,
          %parallel_loop3A_360 = arith.constant 0 : i32
          %parallel_loop3A_361 = arith.constant 0 : i32
          %parallel_loop3A_362 = arith.constant 0 : i32
          %parallel_loop3A_363 = tpu.memref_slice %arg6[%parallel_loop3A_360, %parallel_loop3A_361, %parallel_loop3A_362] : memref<2x64x128xf32, #tpu.memory_space<vmem>> -> memref<1x64x128xf32, #tpu.memory_space<vmem>>
          %parallel_loop3A_364 = tpu.memref_squeeze %parallel_loop3A_363 : memref<1x64x128xf32, #tpu.memory_space<vmem>> -> memref<64x128xf32, #tpu.memory_space<vmem>>
          tpu.vector_store_idx %parallel_loop3A_364[%shift_right_logical3A_253, %parallel_loop3A_354], %parallel_loop3A_359 : memref<64x128xf32, #tpu.memory_space<vmem>>[vector<16xi32>, vector<16xi32>], vector<16xf32>,
          %parallel_loop3A_365 = vector.broadcast %parallel_loop3A_352 : i32 to vector<16xi32>
          %parallel_loop3A_366 = arith.addi %mul3A_270, %parallel_loop3A_365 : vector<16xi32>
          %parallel_loop3A_367 = arith.constant 0 : i32
          %parallel_loop3A_368 = arith.index_cast %parallel_loop3A_367 : i32 to index
          %parallel_loop3A_369 = arith.index_cast %parallel_loop3A_352 : i32 to index
          %parallel_loop3A_370 = arith.constant 16 : index
          %parallel_loop3A_371 = tpu.vector_load %arg5[%parallel_loop3A_368, %parallel_loop3A_369, %parallel_loop3A_370] {strides = array<i32>} : memref<2x64x128xf32, #tpu.memory_space<vmem>>, vector<16xf32>,
          %parallel_loop3A_372 = arith.constant 0 : i32
          %parallel_loop3A_373 = arith.constant 0 : i32
          %parallel_loop3A_374 = arith.constant 0 : i32
          %parallel_loop3A_375 = tpu.memref_slice %arg6[%parallel_loop3A_372, %parallel_loop3A_373, %parallel_loop3A_374] : memref<2x64x128xf32, #tpu.memory_space<vmem>> -> memref<1x64x128xf32, #tpu.memory_space<vmem>>
          %parallel_loop3A_376 = tpu.memref_squeeze %parallel_loop3A_375 : memref<1x64x128xf32, #tpu.memory_space<vmem>> -> memref<64x128xf32, #tpu.memory_space<vmem>>
          tpu.vector_store_idx %parallel_loop3A_376[%shift_right_logical3A_264, %parallel_loop3A_366], %parallel_loop3A_371 : memref<64x128xf32, #tpu.memory_space<vmem>>[vector<16xi32>, vector<16xi32>], vector<16xf32>,
          %parallel_loop3A_377 = vector.broadcast %parallel_loop3A_352 : i32 to vector<16xi32>
          %parallel_loop3A_378 = arith.addi %mul3A_282, %parallel_loop3A_377 : vector<16xi32>
          %parallel_loop3A_379 = arith.constant 0 : i32
          %parallel_loop3A_380 = arith.index_cast %parallel_loop3A_379 : i32 to index
          %parallel_loop3A_381 = arith.index_cast %parallel_loop3A_352 : i32 to index
          %parallel_loop3A_382 = arith.constant 32 : index
          %parallel_loop3A_383 = tpu.vector_load %arg5[%parallel_loop3A_380, %parallel_loop3A_381, %parallel_loop3A_382] {strides = array<i32>} : memref<2x64x128xf32, #tpu.memory_space<vmem>>, vector<16xf32>,
          %parallel_loop3A_384 = arith.constant 0 : i32
          %parallel_loop3A_385 = arith.constant 0 : i32
          %parallel_loop3A_386 = arith.constant 0 : i32
          %parallel_loop3A_387 = tpu.memref_slice %arg6[%parallel_loop3A_384, %parallel_loop3A_385, %parallel_loop3A_386] : memref<2x64x128xf32, #tpu.memory_space<vmem>> -> memref<1x64x128xf32, #tpu.memory_space<vmem>>
          %parallel_loop3A_388 = tpu.memref_squeeze %parallel_loop3A_387 : memref<1x64x128xf32, #tpu.memory_space<vmem>> -> memref<64x128xf32, #tpu.memory_space<vmem>>
          tpu.vector_store_idx %parallel_loop3A_388[%shift_right_logical3A_276, %parallel_loop3A_378], %parallel_loop3A_383 : memref<64x128xf32, #tpu.memory_space<vmem>>[vector<16xi32>, vector<16xi32>], vector<16xf32>,
          %parallel_loop3A_389 = vector.broadcast %parallel_loop3A_352 : i32 to vector<16xi32>
          %parallel_loop3A_390 = arith.addi %mul3A_294, %parallel_loop3A_389 : vector<16xi32>
          %parallel_loop3A_391 = arith.constant 0 : i32
          %parallel_loop3A_392 = arith.index_cast %parallel_loop3A_391 : i32 to index
          %parallel_loop3A_393 = arith.index_cast %parallel_loop3A_352 : i32 to index
          %parallel_loop3A_394 = arith.constant 48 : index
          %parallel_loop3A_395 = tpu.vector_load %arg5[%parallel_loop3A_392, %parallel_loop3A_393, %parallel_loop3A_394] {strides = array<i32>} : memref<2x64x128xf32, #tpu.memory_space<vmem>>, vector<16xf32>,
          %parallel_loop3A_396 = arith.constant 0 : i32
          %parallel_loop3A_397 = arith.constant 0 : i32
          %parallel_loop3A_398 = arith.constant 0 : i32
          %parallel_loop3A_399 = tpu.memref_slice %arg6[%parallel_loop3A_396, %parallel_loop3A_397, %parallel_loop3A_398] : memref<2x64x128xf32, #tpu.memory_space<vmem>> -> memref<1x64x128xf32, #tpu.memory_space<vmem>>
          %parallel_loop3A_400 = tpu.memref_squeeze %parallel_loop3A_399 : memref<1x64x128xf32, #tpu.memory_space<vmem>> -> memref<64x128xf32, #tpu.memory_space<vmem>>
          tpu.vector_store_idx %parallel_loop3A_400[%shift_right_logical3A_288, %parallel_loop3A_390], %parallel_loop3A_395 : memref<64x128xf32, #tpu.memory_space<vmem>>[vector<16xi32>, vector<16xi32>], vector<16xf32>,
          %parallel_loop3A_401 = vector.broadcast %parallel_loop3A_352 : i32 to vector<16xi32>
          %parallel_loop3A_402 = arith.addi %mul3A_306, %parallel_loop3A_401 : vector<16xi32>
          %parallel_loop3A_403 = arith.constant 0 : i32
          %parallel_loop3A_404 = arith.index_cast %parallel_loop3A_403 : i32 to index
          %parallel_loop3A_405 = arith.index_cast %parallel_loop3A_352 : i32 to index
          %parallel_loop3A_406 = arith.constant 64 : index
          %parallel_loop3A_407 = tpu.vector_load %arg5[%parallel_loop3A_404, %parallel_loop3A_405, %parallel_loop3A_406] {strides = array<i32>} : memref<2x64x128xf32, #tpu.memory_space<vmem>>, vector<16xf32>,
          %parallel_loop3A_408 = arith.constant 0 : i32
          %parallel_loop3A_409 = arith.constant 0 : i32
          %parallel_loop3A_410 = arith.constant 0 : i32
          %parallel_loop3A_411 = tpu.memref_slice %arg6[%parallel_loop3A_408, %parallel_loop3A_409, %parallel_loop3A_410] : memref<2x64x128xf32, #tpu.memory_space<vmem>> -> memref<1x64x128xf32, #tpu.memory_space<vmem>>
          %parallel_loop3A_412 = tpu.memref_squeeze %parallel_loop3A_411 : memref<1x64x128xf32, #tpu.memory_space<vmem>> -> memref<64x128xf32, #tpu.memory_space<vmem>>
          tpu.vector_store_idx %parallel_loop3A_412[%shift_right_logical3A_300, %parallel_loop3A_402], %parallel_loop3A_407 : memref<64x128xf32, #tpu.memory_space<vmem>>[vector<16xi32>, vector<16xi32>], vector<16xf32>,
          %parallel_loop3A_413 = vector.broadcast %parallel_loop3A_352 : i32 to vector<16xi32>
          %parallel_loop3A_414 = arith.addi %mul3A_318, %parallel_loop3A_413 : vector<16xi32>
          %parallel_loop3A_415 = arith.constant 0 : i32
          %parallel_loop3A_416 = arith.index_cast %parallel_loop3A_415 : i32 to index
          %parallel_loop3A_417 = arith.index_cast %parallel_loop3A_352 : i32 to index
          %parallel_loop3A_418 = arith.constant 80 : index
          %parallel_loop3A_419 = tpu.vector_load %arg5[%parallel_loop3A_416, %parallel_loop3A_417, %parallel_loop3A_418] {strides = array<i32>} : memref<2x64x128xf32, #tpu.memory_space<vmem>>, vector<16xf32>,
          %parallel_loop3A_420 = arith.constant 0 : i32
          %parallel_loop3A_421 = arith.constant 0 : i32
          %parallel_loop3A_422 = arith.constant 0 : i32
          %parallel_loop3A_423 = tpu.memref_slice %arg6[%parallel_loop3A_420, %parallel_loop3A_421, %parallel_loop3A_422] : memref<2x64x128xf32, #tpu.memory_space<vmem>> -> memref<1x64x128xf32, #tpu.memory_space<vmem>>
          %parallel_loop3A_424 = tpu.memref_squeeze %parallel_loop3A_423 : memref<1x64x128xf32, #tpu.memory_space<vmem>> -> memref<64x128xf32, #tpu.memory_space<vmem>>
          tpu.vector_store_idx %parallel_loop3A_424[%shift_right_logical3A_312, %parallel_loop3A_414], %parallel_loop3A_419 : memref<64x128xf32, #tpu.memory_space<vmem>>[vector<16xi32>, vector<16xi32>], vector<16xf32>,
          %parallel_loop3A_425 = vector.broadcast %parallel_loop3A_352 : i32 to vector<16xi32>
          %parallel_loop3A_426 = arith.addi %mul3A_330, %parallel_loop3A_425 : vector<16xi32>
          %parallel_loop3A_427 = arith.constant 0 : i32
          %parallel_loop3A_428 = arith.index_cast %parallel_loop3A_427 : i32 to index
          %parallel_loop3A_429 = arith.index_cast %parallel_loop3A_352 : i32 to index
          %parallel_loop3A_430 = arith.constant 96 : index
          %parallel_loop3A_431 = tpu.vector_load %arg5[%parallel_loop3A_428, %parallel_loop3A_429, %parallel_loop3A_430] {strides = array<i32>} : memref<2x64x128xf32, #tpu.memory_space<vmem>>, vector<16xf32>,
          %parallel_loop3A_432 = arith.constant 0 : i32
          %parallel_loop3A_433 = arith.constant 0 : i32
          %parallel_loop3A_434 = arith.constant 0 : i32
          %parallel_loop3A_435 = tpu.memref_slice %arg6[%parallel_loop3A_432, %parallel_loop3A_433, %parallel_loop3A_434] : memref<2x64x128xf32, #tpu.memory_space<vmem>> -> memref<1x64x128xf32, #tpu.memory_space<vmem>>
          %parallel_loop3A_436 = tpu.memref_squeeze %parallel_loop3A_435 : memref<1x64x128xf32, #tpu.memory_space<vmem>> -> memref<64x128xf32, #tpu.memory_space<vmem>>
          tpu.vector_store_idx %parallel_loop3A_436[%shift_right_logical3A_324, %parallel_loop3A_426], %parallel_loop3A_431 : memref<64x128xf32, #tpu.memory_space<vmem>>[vector<16xi32>, vector<16xi32>], vector<16xf32>,
          %parallel_loop3A_437 = vector.broadcast %parallel_loop3A_352 : i32 to vector<16xi32>
          %parallel_loop3A_438 = arith.addi %mul3A_342, %parallel_loop3A_437 : vector<16xi32>
          %parallel_loop3A_439 = arith.constant 0 : i32
          %parallel_loop3A_440 = arith.index_cast %parallel_loop3A_439 : i32 to index
          %parallel_loop3A_441 = arith.index_cast %parallel_loop3A_352 : i32 to index
          %parallel_loop3A_442 = arith.constant 112 : index
          %parallel_loop3A_443 = tpu.vector_load %arg5[%parallel_loop3A_440, %parallel_loop3A_441, %parallel_loop3A_442] {strides = array<i32>} : memref<2x64x128xf32, #tpu.memory_space<vmem>>, vector<16xf32>,
          %parallel_loop3A_444 = arith.constant 0 : i32
          %parallel_loop3A_445 = arith.constant 0 : i32
          %parallel_loop3A_446 = arith.constant 0 : i32
          %parallel_loop3A_447 = tpu.memref_slice %arg6[%parallel_loop3A_444, %parallel_loop3A_445, %parallel_loop3A_446] : memref<2x64x128xf32, #tpu.memory_space<vmem>> -> memref<1x64x128xf32, #tpu.memory_space<vmem>>
          %parallel_loop3A_448 = tpu.memref_squeeze %parallel_loop3A_447 : memref<1x64x128xf32, #tpu.memory_space<vmem>> -> memref<64x128xf32, #tpu.memory_space<vmem>>
          tpu.vector_store_idx %parallel_loop3A_448[%shift_right_logical3A_336, %parallel_loop3A_438], %parallel_loop3A_443 : memref<64x128xf32, #tpu.memory_space<vmem>>[vector<16xi32>, vector<16xi32>], vector<16xf32>,
        } {sc.loop_unroll_factor = 8 : i64, sc.parallel_access}
        %add3A_345 = arith.addi %add3A_8, %add3A_210 : i32
        %mul3A_346 = arith.constant 128 : i32
        %mul3A_347 = arith.muli %add3A_345, %mul3A_346 : i32
        %multiple_of3A_348 = tpu.assume_multiple %mul3A_347, 128 : i32
        %shift_right_logical3A_349 = arith.constant 1 : i32
        %shift_right_logical3A_350 = arith.shrui %multiple_of3A_348, %shift_right_logical3A_349 : i32
        %multiple_of3A_351 = tpu.assume_multiple %shift_right_logical3A_350, 64 : i32
        %run_scoped3A = arith.constant 0 : i32
        "tpu.region"() ({
          %run_scoped3A_352 = tpu.sem_alloc : memref<!tpu.dma_semaphore, #tpu.memory_space<semaphore_mem>>
          %dma_start3A_353 = arith.constant 0 : i32
          %dma_start3A_354 = arith.constant 0 : i32
          %dma_start3A_355 = tpu.memref_slice %arg6[%run_scoped3A, %dma_start3A_353, %dma_start3A_354] : memref<2x64x128xf32, #tpu.memory_space<vmem>> -> memref<1x64x128xf32, #tpu.memory_space<vmem>>
          %dma_start3A_356 = tpu.memref_squeeze %dma_start3A_355 : memref<1x64x128xf32, #tpu.memory_space<vmem>> -> memref<64x128xf32, #tpu.memory_space<vmem>>
          %dma_start3A_357 = arith.constant 0 : i32
          %dma_start3A_358 = tpu.memref_slice %arg4[%multiple_of3A_351, %dma_start3A_357] : memref<500000x128xf32, #tpu.memory_space<hbm>> -> memref<64x128xf32, #tpu.memory_space<hbm>>
          %dma_start3A_359 = arith.constant 0 : i32
          %dma_start3A_360 = tpu.memref_slice %arg4[%multiple_of3A_351, %dma_start3A_359] : memref<500000x128xf32, #tpu.memory_space<hbm>> -> memref<64x128xf32, #tpu.memory_space<hbm>>
          %dma_start3A_361 = arith.constant 0 : i32
          %dma_start3A_362 = arith.constant 0 : i32
          %dma_start3A_363 = tpu.memref_slice %arg6[%run_scoped3A, %dma_start3A_361, %dma_start3A_362] : memref<2x64x128xf32, #tpu.memory_space<vmem>> -> memref<1x64x128xf32, #tpu.memory_space<vmem>>
          %dma_start3A_364 = tpu.memref_squeeze %dma_start3A_363 : memref<1x64x128xf32, #tpu.memory_space<vmem>> -> memref<64x128xf32, #tpu.memory_space<vmem>>
          tpu.enqueue_dma source(%dma_start3A_364 : memref<64x128xf32, #tpu.memory_space<vmem>>) target(%dma_start3A_360 : memref<64x128xf32, #tpu.memory_space<hbm>>) target_semaphore(%run_scoped3A_352 : memref<!tpu.dma_semaphore, #tpu.memory_space<semaphore_mem>>)
          %dma_wait3A_365 = arith.constant 0 : i32
          %dma_wait3A_366 = arith.constant 0 : i32
          %dma_wait3A_367 = tpu.memref_slice %arg6[%run_scoped3A, %dma_wait3A_365, %dma_wait3A_366] : memref<2x64x128xf32, #tpu.memory_space<vmem>> -> memref<1x64x128xf32, #tpu.memory_space<vmem>>
          %dma_wait3A_368 = tpu.memref_squeeze %dma_wait3A_367 : memref<1x64x128xf32, #tpu.memory_space<vmem>> -> memref<64x128xf32, #tpu.memory_space<vmem>>
          %dma_wait3A_369 = arith.constant 0 : i32
          %dma_wait3A_370 = tpu.memref_slice %arg4[%multiple_of3A_351, %dma_wait3A_369] : memref<500000x128xf32, #tpu.memory_space<hbm>> -> memref<64x128xf32, #tpu.memory_space<hbm>>
          %dma_wait3A_371 = arith.constant 0 : i32
          %dma_wait3A_372 = tpu.memref_slice %arg4[%multiple_of3A_351, %dma_wait3A_371] : memref<500000x128xf32, #tpu.memory_space<hbm>> -> memref<64x128xf32, #tpu.memory_space<hbm>>
          %dma_wait3A_373 = arith.constant 0 : i32
          %dma_wait3A_374 = arith.constant 0 : i32
          %dma_wait3A_375 = tpu.memref_slice %arg6[%run_scoped3A, %dma_wait3A_373, %dma_wait3A_374] : memref<2x64x128xf32, #tpu.memory_space<vmem>> -> memref<1x64x128xf32, #tpu.memory_space<vmem>>
          %dma_wait3A_376 = tpu.memref_squeeze %dma_wait3A_375 : memref<1x64x128xf32, #tpu.memory_space<vmem>> -> memref<64x128xf32, #tpu.memory_space<vmem>>
          tpu.wait_dma2 semaphore(%run_scoped3A_352 : memref<!tpu.dma_semaphore, #tpu.memory_space<semaphore_mem>>) src(%dma_wait3A_376 : memref<64x128xf32, #tpu.memory_space<vmem>>) dst(%dma_wait3A_372 : memref<64x128xf32, #tpu.memory_space<hbm>>)
          tpu.yield
        }) : () -> ()
      } else {
      }
      %mul3A_221 = arith.constant 2 : i32
      %mul3A_222 = arith.muli %scan3A_206, %mul3A_221 : i32
      %add3A_223 = arith.constant 1 : i32
      %add3A_224 = arith.addi %mul3A_222, %add3A_223 : i32
      %add3A_225 = arith.constant 1 : i32
      %add3A_226 = arith.addi %add3A_224, %add3A_225 : i32
      %lt3A_227 = arith.cmpi slt, %add3A_226, %add3A_4 : i32
      %convert_element_type3A_228 = arith.extui %lt3A_227 : i1 to i32
      %cond3A_229 = arith.constant 0 : i32
      %cond3A_230 = arith.cmpi ne, %convert_element_type3A_228, %cond3A_229 : i32
      scf.if %cond3A_230 {
        %add3A_235 = arith.constant 1 : i32
        %add3A_236 = arith.addi %add3A_224, %add3A_235 : i32
        %add3A_237 = arith.addi %add3A_8, %add3A_236 : i32
        %mul3A_238 = arith.constant 128 : i32
        %mul3A_239 = arith.muli %add3A_237, %mul3A_238 : i32
        %multiple_of3A_240 = tpu.assume_multiple %mul3A_239, 128 : i32
        %dma_start3A_241 = arith.constant 0 : i32
        %dma_start3A_242 = arith.constant 0 : i32
        %dma_start3A_243 = arith.constant 0 : i32
        %dma_start3A_244 = tpu.memref_slice %arg5[%dma_start3A_241, %dma_start3A_242, %dma_start3A_243] : memref<2x64x128xf32, #tpu.memory_space<vmem>> -> memref<1x64x128xf32, #tpu.memory_space<vmem>>
        %dma_start3A_245 = tpu.memref_squeeze %dma_start3A_244 : memref<1x64x128xf32, #tpu.memory_space<vmem>> -> memref<64x128xf32, #tpu.memory_space<vmem>>
        %dma_start3A_246 = arith.constant 0 : i32
        %dma_start3A_247 = arith.constant 0 : i32
        %dma_start3A_248 = tpu.memref_slice %dma_start3A_245[%dma_start3A_246, %dma_start3A_247] : memref<64x128xf32, #tpu.memory_space<vmem>> -> memref<8x128xf32, #tpu.memory_space<vmem>>
        %dma_start3A_249 = arith.constant 0 : i32
        %dma_start3A_250 = tpu.memref_slice %arg2[%dma_start3A_249, %multiple_of3A_240] : memref<64x1000000xf32, #tpu.memory_space<hbm>> -> memref<8x128xf32, #tpu.memory_space<hbm>>
        %dma_start3A_251 = arith.constant 0 : i32
        %dma_start3A_252 = arith.constant 0 : i32
        %dma_start3A_253 = tpu.memref_slice %arg5[%dma_start3A_241, %dma_start3A_251, %dma_start3A_252] : memref<2x64x128xf32, #tpu.memory_space<vmem>> -> memref<1x64x128xf32, #tpu.memory_space<vmem>>
        %dma_start3A_254 = tpu.memref_squeeze %dma_start3A_253 : memref<1x64x128xf32, #tpu.memory_space<vmem>> -> memref<64x128xf32, #tpu.memory_space<vmem>>
        %dma_start3A_255 = arith.constant 0 : i32
        %dma_start3A_256 = arith.constant 0 : i32
        %dma_start3A_257 = tpu.memref_slice %dma_start3A_254[%dma_start3A_255, %dma_start3A_256] : memref<64x128xf32, #tpu.memory_space<vmem>> -> memref<8x128xf32, #tpu.memory_space<vmem>>
        %dma_start3A_258 = arith.constant 0 : i32
        %dma_start3A_259 = tpu.memref_slice %arg2[%dma_start3A_258, %multiple_of3A_240] : memref<64x1000000xf32, #tpu.memory_space<hbm>> -> memref<8x128xf32, #tpu.memory_space<hbm>>
        tpu.enqueue_dma source(%dma_start3A_259 : memref<8x128xf32, #tpu.memory_space<hbm>>) target(%dma_start3A_257 : memref<8x128xf32, #tpu.memory_space<vmem>>) target_semaphore(%arg7 : memref<!tpu.dma_semaphore, #tpu.memory_space<semaphore_mem>>)
        %add3A_260 = arith.addi %add3A_8, %add3A_236 : i32
        %mul3A_261 = arith.constant 128 : i32
        %mul3A_262 = arith.muli %add3A_260, %mul3A_261 : i32
        %multiple_of3A_263 = tpu.assume_multiple %mul3A_262, 128 : i32
        %dma_start3A_264 = arith.constant 0 : i32
        %dma_start3A_265 = arith.constant 0 : i32
        %dma_start3A_266 = arith.constant 0 : i32
        %dma_start3A_267 = tpu.memref_slice %arg5[%dma_start3A_264, %dma_start3A_265, %dma_start3A_266] : memref<2x64x128xf32, #tpu.memory_space<vmem>> -> memref<1x64x128xf32, #tpu.memory_space<vmem>>
        %dma_start3A_268 = tpu.memref_squeeze %dma_start3A_267 : memref<1x64x128xf32, #tpu.memory_space<vmem>> -> memref<64x128xf32, #tpu.memory_space<vmem>>
        %dma_start3A_269 = arith.constant 8 : i32
        %dma_start3A_270 = arith.constant 0 : i32
        %dma_start3A_271 = tpu.memref_slice %dma_start3A_268[%dma_start3A_269, %dma_start3A_270] : memref<64x128xf32, #tpu.memory_space<vmem>> -> memref<8x128xf32, #tpu.memory_space<vmem>>
        %dma_start3A_272 = arith.constant 8 : i32
        %dma_start3A_273 = tpu.memref_slice %arg2[%dma_start3A_272, %multiple_of3A_263] : memref<64x1000000xf32, #tpu.memory_space<hbm>> -> memref<8x128xf32, #tpu.memory_space<hbm>>
        %dma_start3A_274 = arith.constant 0 : i32
        %dma_start3A_275 = arith.constant 0 : i32
        %dma_start3A_276 = tpu.memref_slice %arg5[%dma_start3A_264, %dma_start3A_274, %dma_start3A_275] : memref<2x64x128xf32, #tpu.memory_space<vmem>> -> memref<1x64x128xf32, #tpu.memory_space<vmem>>
        %dma_start3A_277 = tpu.memref_squeeze %dma_start3A_276 : memref<1x64x128xf32, #tpu.memory_space<vmem>> -> memref<64x128xf32, #tpu.memory_space<vmem>>
        %dma_start3A_278 = arith.constant 8 : i32
        %dma_start3A_279 = arith.constant 0 : i32
        %dma_start3A_280 = tpu.memref_slice %dma_start3A_277[%dma_start3A_278, %dma_start3A_279] : memref<64x128xf32, #tpu.memory_space<vmem>> -> memref<8x128xf32, #tpu.memory_space<vmem>>
        %dma_start3A_281 = arith.constant 8 : i32
        %dma_start3A_282 = tpu.memref_slice %arg2[%dma_start3A_281, %multiple_of3A_263] : memref<64x1000000xf32, #tpu.memory_space<hbm>> -> memref<8x128xf32, #tpu.memory_space<hbm>>
        tpu.enqueue_dma source(%dma_start3A_282 : memref<8x128xf32, #tpu.memory_space<hbm>>) target(%dma_start3A_280 : memref<8x128xf32, #tpu.memory_space<vmem>>) target_semaphore(%arg7 : memref<!tpu.dma_semaphore, #tpu.memory_space<semaphore_mem>>)
        %add3A_283 = arith.addi %add3A_8, %add3A_236 : i32
        %mul3A_284 = arith.constant 128 : i32
        %mul3A_285 = arith.muli %add3A_283, %mul3A_284 : i32
        %multiple_of3A_286 = tpu.assume_multiple %mul3A_285, 128 : i32
        %dma_start3A_287 = arith.constant 0 : i32
        %dma_start3A_288 = arith.constant 0 : i32
        %dma_start3A_289 = arith.constant 0 : i32
        %dma_start3A_290 = tpu.memref_slice %arg5[%dma_start3A_287, %dma_start3A_288, %dma_start3A_289] : memref<2x64x128xf32, #tpu.memory_space<vmem>> -> memref<1x64x128xf32, #tpu.memory_space<vmem>>
        %dma_start3A_291 = tpu.memref_squeeze %dma_start3A_290 : memref<1x64x128xf32, #tpu.memory_space<vmem>> -> memref<64x128xf32, #tpu.memory_space<vmem>>
        %dma_start3A_292 = arith.constant 16 : i32
        %dma_start3A_293 = arith.constant 0 : i32
        %dma_start3A_294 = tpu.memref_slice %dma_start3A_291[%dma_start3A_292, %dma_start3A_293] : memref<64x128xf32, #tpu.memory_space<vmem>> -> memref<8x128xf32, #tpu.memory_space<vmem>>
        %dma_start3A_295 = arith.constant 16 : i32
        %dma_start3A_296 = tpu.memref_slice %arg2[%dma_start3A_295, %multiple_of3A_286] : memref<64x1000000xf32, #tpu.memory_space<hbm>> -> memref<8x128xf32, #tpu.memory_space<hbm>>
        %dma_start3A_297 = arith.constant 0 : i32
        %dma_start3A_298 = arith.constant 0 : i32
        %dma_start3A_299 = tpu.memref_slice %arg5[%dma_start3A_287, %dma_start3A_297, %dma_start3A_298] : memref<2x64x128xf32, #tpu.memory_space<vmem>> -> memref<1x64x128xf32, #tpu.memory_space<vmem>>
        %dma_start3A_300 = tpu.memref_squeeze %dma_start3A_299 : memref<1x64x128xf32, #tpu.memory_space<vmem>> -> memref<64x128xf32, #tpu.memory_space<vmem>>
        %dma_start3A_301 = arith.constant 16 : i32
        %dma_start3A_302 = arith.constant 0 : i32
        %dma_start3A_303 = tpu.memref_slice %dma_start3A_300[%dma_start3A_301, %dma_start3A_302] : memref<64x128xf32, #tpu.memory_space<vmem>> -> memref<8x128xf32, #tpu.memory_space<vmem>>
        %dma_start3A_304 = arith.constant 16 : i32
        %dma_start3A_305 = tpu.memref_slice %arg2[%dma_start3A_304, %multiple_of3A_286] : memref<64x1000000xf32, #tpu.memory_space<hbm>> -> memref<8x128xf32, #tpu.memory_space<hbm>>
        tpu.enqueue_dma source(%dma_start3A_305 : memref<8x128xf32, #tpu.memory_space<hbm>>) target(%dma_start3A_303 : memref<8x128xf32, #tpu.memory_space<vmem>>) target_semaphore(%arg7 : memref<!tpu.dma_semaphore, #tpu.memory_space<semaphore_mem>>)
        %add3A_306 = arith.addi %add3A_8, %add3A_236 : i32
        %mul3A_307 = arith.constant 128 : i32
        %mul3A_308 = arith.muli %add3A_306, %mul3A_307 : i32
        %multiple_of3A_309 = tpu.assume_multiple %mul3A_308, 128 : i32
        %dma_start3A_310 = arith.constant 0 : i32
        %dma_start3A_311 = arith.constant 0 : i32
        %dma_start3A_312 = arith.constant 0 : i32
        %dma_start3A_313 = tpu.memref_slice %arg5[%dma_start3A_310, %dma_start3A_311, %dma_start3A_312] : memref<2x64x128xf32, #tpu.memory_space<vmem>> -> memref<1x64x128xf32, #tpu.memory_space<vmem>>
        %dma_start3A_314 = tpu.memref_squeeze %dma_start3A_313 : memref<1x64x128xf32, #tpu.memory_space<vmem>> -> memref<64x128xf32, #tpu.memory_space<vmem>>
        %dma_start3A_315 = arith.constant 24 : i32
        %dma_start3A_316 = arith.constant 0 : i32
        %dma_start3A_317 = tpu.memref_slice %dma_start3A_314[%dma_start3A_315, %dma_start3A_316] : memref<64x128xf32, #tpu.memory_space<vmem>> -> memref<8x128xf32, #tpu.memory_space<vmem>>
        %dma_start3A_318 = arith.constant 24 : i32
        %dma_start3A_319 = tpu.memref_slice %arg2[%dma_start3A_318, %multiple_of3A_309] : memref<64x1000000xf32, #tpu.memory_space<hbm>> -> memref<8x128xf32, #tpu.memory_space<hbm>>
        %dma_start3A_320 = arith.constant 0 : i32
        %dma_start3A_321 = arith.constant 0 : i32
        %dma_start3A_322 = tpu.memref_slice %arg5[%dma_start3A_310, %dma_start3A_320, %dma_start3A_321] : memref<2x64x128xf32, #tpu.memory_space<vmem>> -> memref<1x64x128xf32, #tpu.memory_space<vmem>>
        %dma_start3A_323 = tpu.memref_squeeze %dma_start3A_322 : memref<1x64x128xf32, #tpu.memory_space<vmem>> -> memref<64x128xf32, #tpu.memory_space<vmem>>
        %dma_start3A_324 = arith.constant 24 : i32
        %dma_start3A_325 = arith.constant 0 : i32
        %dma_start3A_326 = tpu.memref_slice %dma_start3A_323[%dma_start3A_324, %dma_start3A_325] : memref<64x128xf32, #tpu.memory_space<vmem>> -> memref<8x128xf32, #tpu.memory_space<vmem>>
        %dma_start3A_327 = arith.constant 24 : i32
        %dma_start3A_328 = tpu.memref_slice %arg2[%dma_start3A_327, %multiple_of3A_309] : memref<64x1000000xf32, #tpu.memory_space<hbm>> -> memref<8x128xf32, #tpu.memory_space<hbm>>
        tpu.enqueue_dma source(%dma_start3A_328 : memref<8x128xf32, #tpu.memory_space<hbm>>) target(%dma_start3A_326 : memref<8x128xf32, #tpu.memory_space<vmem>>) target_semaphore(%arg7 : memref<!tpu.dma_semaphore, #tpu.memory_space<semaphore_mem>>)
        %add3A_329 = arith.addi %add3A_8, %add3A_236 : i32
        %mul3A_330 = arith.constant 128 : i32
        %mul3A_331 = arith.muli %add3A_329, %mul3A_330 : i32
        %multiple_of3A_332 = tpu.assume_multiple %mul3A_331, 128 : i32
        %dma_start3A_333 = arith.constant 0 : i32
        %dma_start3A_334 = arith.constant 0 : i32
        %dma_start3A_335 = arith.constant 0 : i32
        %dma_start3A_336 = tpu.memref_slice %arg5[%dma_start3A_333, %dma_start3A_334, %dma_start3A_335] : memref<2x64x128xf32, #tpu.memory_space<vmem>> -> memref<1x64x128xf32, #tpu.memory_space<vmem>>
        %dma_start3A_337 = tpu.memref_squeeze %dma_start3A_336 : memref<1x64x128xf32, #tpu.memory_space<vmem>> -> memref<64x128xf32, #tpu.memory_space<vmem>>
        %dma_start3A_338 = arith.constant 32 : i32
        %dma_start3A_339 = arith.constant 0 : i32
        %dma_start3A_340 = tpu.memref_slice %dma_start3A_337[%dma_start3A_338, %dma_start3A_339] : memref<64x128xf32, #tpu.memory_space<vmem>> -> memref<8x128xf32, #tpu.memory_space<vmem>>
        %dma_start3A_341 = arith.constant 32 : i32
        %dma_start3A_342 = tpu.memref_slice %arg2[%dma_start3A_341, %multiple_of3A_332] : memref<64x1000000xf32, #tpu.memory_space<hbm>> -> memref<8x128xf32, #tpu.memory_space<hbm>>
        %dma_start3A_343 = arith.constant 0 : i32
        %dma_start3A_344 = arith.constant 0 : i32
        %dma_start3A_345 = tpu.memref_slice %arg5[%dma_start3A_333, %dma_start3A_343, %dma_start3A_344] : memref<2x64x128xf32, #tpu.memory_space<vmem>> -> memref<1x64x128xf32, #tpu.memory_space<vmem>>
        %dma_start3A_346 = tpu.memref_squeeze %dma_start3A_345 : memref<1x64x128xf32, #tpu.memory_space<vmem>> -> memref<64x128xf32, #tpu.memory_space<vmem>>
        %dma_start3A_347 = arith.constant 32 : i32
        %dma_start3A_348 = arith.constant 0 : i32
        %dma_start3A_349 = tpu.memref_slice %dma_start3A_346[%dma_start3A_347, %dma_start3A_348] : memref<64x128xf32, #tpu.memory_space<vmem>> -> memref<8x128xf32, #tpu.memory_space<vmem>>
        %dma_start3A_350 = arith.constant 32 : i32
        %dma_start3A_351 = tpu.memref_slice %arg2[%dma_start3A_350, %multiple_of3A_332] : memref<64x1000000xf32, #tpu.memory_space<hbm>> -> memref<8x128xf32, #tpu.memory_space<hbm>>
        tpu.enqueue_dma source(%dma_start3A_351 : memref<8x128xf32, #tpu.memory_space<hbm>>) target(%dma_start3A_349 : memref<8x128xf32, #tpu.memory_space<vmem>>) target_semaphore(%arg7 : memref<!tpu.dma_semaphore, #tpu.memory_space<semaphore_mem>>)
        %add3A_352 = arith.addi %add3A_8, %add3A_236 : i32
        %mul3A_353 = arith.constant 128 : i32
        %mul3A_354 = arith.muli %add3A_352, %mul3A_353 : i32
        %multiple_of3A_355 = tpu.assume_multiple %mul3A_354, 128 : i32
        %dma_start3A_356 = arith.constant 0 : i32
        %dma_start3A_357 = arith.constant 0 : i32
        %dma_start3A_358 = arith.constant 0 : i32
        %dma_start3A_359 = tpu.memref_slice %arg5[%dma_start3A_356, %dma_start3A_357, %dma_start3A_358] : memref<2x64x128xf32, #tpu.memory_space<vmem>> -> memref<1x64x128xf32, #tpu.memory_space<vmem>>
        %dma_start3A_360 = tpu.memref_squeeze %dma_start3A_359 : memref<1x64x128xf32, #tpu.memory_space<vmem>> -> memref<64x128xf32, #tpu.memory_space<vmem>>
        %dma_start3A_361 = arith.constant 40 : i32
        %dma_start3A_362 = arith.constant 0 : i32
        %dma_start3A_363 = tpu.memref_slice %dma_start3A_360[%dma_start3A_361, %dma_start3A_362] : memref<64x128xf32, #tpu.memory_space<vmem>> -> memref<8x128xf32, #tpu.memory_space<vmem>>
        %dma_start3A_364 = arith.constant 40 : i32
        %dma_start3A_365 = tpu.memref_slice %arg2[%dma_start3A_364, %multiple_of3A_355] : memref<64x1000000xf32, #tpu.memory_space<hbm>> -> memref<8x128xf32, #tpu.memory_space<hbm>>
        %dma_start3A_366 = arith.constant 0 : i32
        %dma_start3A_367 = arith.constant 0 : i32
        %dma_start3A_368 = tpu.memref_slice %arg5[%dma_start3A_356, %dma_start3A_366, %dma_start3A_367] : memref<2x64x128xf32, #tpu.memory_space<vmem>> -> memref<1x64x128xf32, #tpu.memory_space<vmem>>
        %dma_start3A_369 = tpu.memref_squeeze %dma_start3A_368 : memref<1x64x128xf32, #tpu.memory_space<vmem>> -> memref<64x128xf32, #tpu.memory_space<vmem>>
        %dma_start3A_370 = arith.constant 40 : i32
        %dma_start3A_371 = arith.constant 0 : i32
        %dma_start3A_372 = tpu.memref_slice %dma_start3A_369[%dma_start3A_370, %dma_start3A_371] : memref<64x128xf32, #tpu.memory_space<vmem>> -> memref<8x128xf32, #tpu.memory_space<vmem>>
        %dma_start3A_373 = arith.constant 40 : i32
        %dma_start3A_374 = tpu.memref_slice %arg2[%dma_start3A_373, %multiple_of3A_355] : memref<64x1000000xf32, #tpu.memory_space<hbm>> -> memref<8x128xf32, #tpu.memory_space<hbm>>
        tpu.enqueue_dma source(%dma_start3A_374 : memref<8x128xf32, #tpu.memory_space<hbm>>) target(%dma_start3A_372 : memref<8x128xf32, #tpu.memory_space<vmem>>) target_semaphore(%arg7 : memref<!tpu.dma_semaphore, #tpu.memory_space<semaphore_mem>>)
        %add3A_375 = arith.addi %add3A_8, %add3A_236 : i32
        %mul3A_376 = arith.constant 128 : i32
        %mul3A_377 = arith.muli %add3A_375, %mul3A_376 : i32
        %multiple_of3A_378 = tpu.assume_multiple %mul3A_377, 128 : i32
        %dma_start3A_379 = arith.constant 0 : i32
        %dma_start3A_380 = arith.constant 0 : i32
        %dma_start3A_381 = arith.constant 0 : i32
        %dma_start3A_382 = tpu.memref_slice %arg5[%dma_start3A_379, %dma_start3A_380, %dma_start3A_381] : memref<2x64x128xf32, #tpu.memory_space<vmem>> -> memref<1x64x128xf32, #tpu.memory_space<vmem>>
        %dma_start3A_383 = tpu.memref_squeeze %dma_start3A_382 : memref<1x64x128xf32, #tpu.memory_space<vmem>> -> memref<64x128xf32, #tpu.memory_space<vmem>>
        %dma_start3A_384 = arith.constant 48 : i32
        %dma_start3A_385 = arith.constant 0 : i32
        %dma_start3A_386 = tpu.memref_slice %dma_start3A_383[%dma_start3A_384, %dma_start3A_385] : memref<64x128xf32, #tpu.memory_space<vmem>> -> memref<8x128xf32, #tpu.memory_space<vmem>>
        %dma_start3A_387 = arith.constant 48 : i32
        %dma_start3A_388 = tpu.memref_slice %arg2[%dma_start3A_387, %multiple_of3A_378] : memref<64x1000000xf32, #tpu.memory_space<hbm>> -> memref<8x128xf32, #tpu.memory_space<hbm>>
        %dma_start3A_389 = arith.constant 0 : i32
        %dma_start3A_390 = arith.constant 0 : i32
        %dma_start3A_391 = tpu.memref_slice %arg5[%dma_start3A_379, %dma_start3A_389, %dma_start3A_390] : memref<2x64x128xf32, #tpu.memory_space<vmem>> -> memref<1x64x128xf32, #tpu.memory_space<vmem>>
        %dma_start3A_392 = tpu.memref_squeeze %dma_start3A_391 : memref<1x64x128xf32, #tpu.memory_space<vmem>> -> memref<64x128xf32, #tpu.memory_space<vmem>>
        %dma_start3A_393 = arith.constant 48 : i32
        %dma_start3A_394 = arith.constant 0 : i32
        %dma_start3A_395 = tpu.memref_slice %dma_start3A_392[%dma_start3A_393, %dma_start3A_394] : memref<64x128xf32, #tpu.memory_space<vmem>> -> memref<8x128xf32, #tpu.memory_space<vmem>>
        %dma_start3A_396 = arith.constant 48 : i32
        %dma_start3A_397 = tpu.memref_slice %arg2[%dma_start3A_396, %multiple_of3A_378] : memref<64x1000000xf32, #tpu.memory_space<hbm>> -> memref<8x128xf32, #tpu.memory_space<hbm>>
        tpu.enqueue_dma source(%dma_start3A_397 : memref<8x128xf32, #tpu.memory_space<hbm>>) target(%dma_start3A_395 : memref<8x128xf32, #tpu.memory_space<vmem>>) target_semaphore(%arg7 : memref<!tpu.dma_semaphore, #tpu.memory_space<semaphore_mem>>)
        %add3A_398 = arith.addi %add3A_8, %add3A_236 : i32
        %mul3A_399 = arith.constant 128 : i32
        %mul3A_400 = arith.muli %add3A_398, %mul3A_399 : i32
        %multiple_of3A_401 = tpu.assume_multiple %mul3A_400, 128 : i32
        %dma_start3A_402 = arith.constant 0 : i32
        %dma_start3A_403 = arith.constant 0 : i32
        %dma_start3A_404 = arith.constant 0 : i32
        %dma_start3A_405 = tpu.memref_slice %arg5[%dma_start3A_402, %dma_start3A_403, %dma_start3A_404] : memref<2x64x128xf32, #tpu.memory_space<vmem>> -> memref<1x64x128xf32, #tpu.memory_space<vmem>>
        %dma_start3A_406 = tpu.memref_squeeze %dma_start3A_405 : memref<1x64x128xf32, #tpu.memory_space<vmem>> -> memref<64x128xf32, #tpu.memory_space<vmem>>
        %dma_start3A_407 = arith.constant 56 : i32
        %dma_start3A_408 = arith.constant 0 : i32
        %dma_start3A_409 = tpu.memref_slice %dma_start3A_406[%dma_start3A_407, %dma_start3A_408] : memref<64x128xf32, #tpu.memory_space<vmem>> -> memref<8x128xf32, #tpu.memory_space<vmem>>
        %dma_start3A_410 = arith.constant 56 : i32
        %dma_start3A_411 = tpu.memref_slice %arg2[%dma_start3A_410, %multiple_of3A_401] : memref<64x1000000xf32, #tpu.memory_space<hbm>> -> memref<8x128xf32, #tpu.memory_space<hbm>>
        %dma_start3A_412 = arith.constant 0 : i32
        %dma_start3A_413 = arith.constant 0 : i32
        %dma_start3A_414 = tpu.memref_slice %arg5[%dma_start3A_402, %dma_start3A_412, %dma_start3A_413] : memref<2x64x128xf32, #tpu.memory_space<vmem>> -> memref<1x64x128xf32, #tpu.memory_space<vmem>>
        %dma_start3A_415 = tpu.memref_squeeze %dma_start3A_414 : memref<1x64x128xf32, #tpu.memory_space<vmem>> -> memref<64x128xf32, #tpu.memory_space<vmem>>
        %dma_start3A_416 = arith.constant 56 : i32
        %dma_start3A_417 = arith.constant 0 : i32
        %dma_start3A_418 = tpu.memref_slice %dma_start3A_415[%dma_start3A_416, %dma_start3A_417] : memref<64x128xf32, #tpu.memory_space<vmem>> -> memref<8x128xf32, #tpu.memory_space<vmem>>
        %dma_start3A_419 = arith.constant 56 : i32
        %dma_start3A_420 = tpu.memref_slice %arg2[%dma_start3A_419, %multiple_of3A_401] : memref<64x1000000xf32, #tpu.memory_space<hbm>> -> memref<8x128xf32, #tpu.memory_space<hbm>>
        tpu.enqueue_dma source(%dma_start3A_420 : memref<8x128xf32, #tpu.memory_space<hbm>>) target(%dma_start3A_418 : memref<8x128xf32, #tpu.memory_space<vmem>>) target_semaphore(%arg7 : memref<!tpu.dma_semaphore, #tpu.memory_space<semaphore_mem>>)
      } else {
      }
      %lt3A_231 = arith.cmpi slt, %add3A_224, %add3A_4 : i32
      %convert_element_type3A_232 = arith.extui %lt3A_231 : i1 to i32
      %cond3A_233 = arith.constant 0 : i32
      %cond3A_234 = arith.cmpi ne, %convert_element_type3A_232, %cond3A_233 : i32
      scf.if %cond3A_234 {
        %dma_wait3A = arith.constant 1 : i32
        %dma_wait3A_235 = arith.constant 0 : i32
        %dma_wait3A_236 = arith.constant 0 : i32
        %dma_wait3A_237 = tpu.memref_slice %arg5[%dma_wait3A, %dma_wait3A_235, %dma_wait3A_236] : memref<2x64x128xf32, #tpu.memory_space<vmem>> -> memref<1x64x128xf32, #tpu.memory_space<vmem>>
        %dma_wait3A_238 = tpu.memref_squeeze %dma_wait3A_237 : memref<1x64x128xf32, #tpu.memory_space<vmem>> -> memref<64x128xf32, #tpu.memory_space<vmem>>
        %dma_wait3A_239 = arith.constant 0 : i32
        %dma_wait3A_240 = arith.constant 0 : i32
        %dma_wait3A_241 = tpu.memref_slice %arg2[%dma_wait3A_239, %dma_wait3A_240] : memref<64x1000000xf32, #tpu.memory_space<hbm>> -> memref<64x128xf32, #tpu.memory_space<hbm>>
        %dma_wait3A_242 = arith.constant 0 : i32
        %dma_wait3A_243 = arith.constant 0 : i32
        %dma_wait3A_244 = tpu.memref_slice %arg5[%dma_wait3A, %dma_wait3A_242, %dma_wait3A_243] : memref<2x64x128xf32, #tpu.memory_space<vmem>> -> memref<1x64x128xf32, #tpu.memory_space<vmem>>
        %dma_wait3A_245 = tpu.memref_squeeze %dma_wait3A_244 : memref<1x64x128xf32, #tpu.memory_space<vmem>> -> memref<64x128xf32, #tpu.memory_space<vmem>>
        %dma_wait3A_246 = arith.constant 0 : i32
        %dma_wait3A_247 = arith.constant 0 : i32
        %dma_wait3A_248 = tpu.memref_slice %arg2[%dma_wait3A_246, %dma_wait3A_247] : memref<64x1000000xf32, #tpu.memory_space<hbm>> -> memref<64x128xf32, #tpu.memory_space<hbm>>
        tpu.wait_dma2 semaphore(%arg8 : memref<!tpu.dma_semaphore, #tpu.memory_space<semaphore_mem>>) src(%dma_wait3A_248 : memref<64x128xf32, #tpu.memory_space<hbm>>) dst(%dma_wait3A_245 : memref<64x128xf32, #tpu.memory_space<vmem>>)
        %add3A_249 = arith.constant 0 : i32
        %add3A_250 = vector.broadcast %add3A_249 : i32 to vector<16xi32>
        %add3A_251 = arith.addi %add3A_250, %iota3A : vector<16xi32>
        %shift_right_logical3A = arith.constant 1 : i32
        %shift_right_logical3A_252 = vector.broadcast %shift_right_logical3A : i32 to vector<16xi32>
        %shift_right_logical3A_253 = arith.shrui %add3A_251, %shift_right_logical3A_252 : vector<16xi32>
        %and3A = arith.constant 1 : i32
        %and3A_254 = vector.broadcast %and3A : i32 to vector<16xi32>
        %and3A_255 = arith.andi %add3A_251, %and3A_254 : vector<16xi32>
        %mul3A_256 = arith.constant 64 : i32
        %mul3A_257 = vector.broadcast %mul3A_256 : i32 to vector<16xi32>
        %mul3A_258 = arith.muli %and3A_255, %mul3A_257 : vector<16xi32>
        %add3A_259 = arith.constant 16 : i32
        %add3A_260 = vector.broadcast %add3A_259 : i32 to vector<16xi32>
        %add3A_261 = arith.addi %add3A_260, %iota3A : vector<16xi32>
        %shift_right_logical3A_262 = arith.constant 1 : i32
        %shift_right_logical3A_263 = vector.broadcast %shift_right_logical3A_262 : i32 to vector<16xi32>
        %shift_right_logical3A_264 = arith.shrui %add3A_261, %shift_right_logical3A_263 : vector<16xi32>
        %and3A_265 = arith.constant 1 : i32
        %and3A_266 = vector.broadcast %and3A_265 : i32 to vector<16xi32>
        %and3A_267 = arith.andi %add3A_261, %and3A_266 : vector<16xi32>
        %mul3A_268 = arith.constant 64 : i32
        %mul3A_269 = vector.broadcast %mul3A_268 : i32 to vector<16xi32>
        %mul3A_270 = arith.muli %and3A_267, %mul3A_269 : vector<16xi32>
        %add3A_271 = arith.constant 32 : i32
        %add3A_272 = vector.broadcast %add3A_271 : i32 to vector<16xi32>
        %add3A_273 = arith.addi %add3A_272, %iota3A : vector<16xi32>
        %shift_right_logical3A_274 = arith.constant 1 : i32
        %shift_right_logical3A_275 = vector.broadcast %shift_right_logical3A_274 : i32 to vector<16xi32>
        %shift_right_logical3A_276 = arith.shrui %add3A_273, %shift_right_logical3A_275 : vector<16xi32>
        %and3A_277 = arith.constant 1 : i32
        %and3A_278 = vector.broadcast %and3A_277 : i32 to vector<16xi32>
        %and3A_279 = arith.andi %add3A_273, %and3A_278 : vector<16xi32>
        %mul3A_280 = arith.constant 64 : i32
        %mul3A_281 = vector.broadcast %mul3A_280 : i32 to vector<16xi32>
        %mul3A_282 = arith.muli %and3A_279, %mul3A_281 : vector<16xi32>
        %add3A_283 = arith.constant 48 : i32
        %add3A_284 = vector.broadcast %add3A_283 : i32 to vector<16xi32>
        %add3A_285 = arith.addi %add3A_284, %iota3A : vector<16xi32>
        %shift_right_logical3A_286 = arith.constant 1 : i32
        %shift_right_logical3A_287 = vector.broadcast %shift_right_logical3A_286 : i32 to vector<16xi32>
        %shift_right_logical3A_288 = arith.shrui %add3A_285, %shift_right_logical3A_287 : vector<16xi32>
        %and3A_289 = arith.constant 1 : i32
        %and3A_290 = vector.broadcast %and3A_289 : i32 to vector<16xi32>
        %and3A_291 = arith.andi %add3A_285, %and3A_290 : vector<16xi32>
        %mul3A_292 = arith.constant 64 : i32
        %mul3A_293 = vector.broadcast %mul3A_292 : i32 to vector<16xi32>
        %mul3A_294 = arith.muli %and3A_291, %mul3A_293 : vector<16xi32>
        %add3A_295 = arith.constant 64 : i32
        %add3A_296 = vector.broadcast %add3A_295 : i32 to vector<16xi32>
        %add3A_297 = arith.addi %add3A_296, %iota3A : vector<16xi32>
        %shift_right_logical3A_298 = arith.constant 1 : i32
        %shift_right_logical3A_299 = vector.broadcast %shift_right_logical3A_298 : i32 to vector<16xi32>
        %shift_right_logical3A_300 = arith.shrui %add3A_297, %shift_right_logical3A_299 : vector<16xi32>
        %and3A_301 = arith.constant 1 : i32
        %and3A_302 = vector.broadcast %and3A_301 : i32 to vector<16xi32>
        %and3A_303 = arith.andi %add3A_297, %and3A_302 : vector<16xi32>
        %mul3A_304 = arith.constant 64 : i32
        %mul3A_305 = vector.broadcast %mul3A_304 : i32 to vector<16xi32>
        %mul3A_306 = arith.muli %and3A_303, %mul3A_305 : vector<16xi32>
        %add3A_307 = arith.constant 80 : i32
        %add3A_308 = vector.broadcast %add3A_307 : i32 to vector<16xi32>
        %add3A_309 = arith.addi %add3A_308, %iota3A : vector<16xi32>
        %shift_right_logical3A_310 = arith.constant 1 : i32
        %shift_right_logical3A_311 = vector.broadcast %shift_right_logical3A_310 : i32 to vector<16xi32>
        %shift_right_logical3A_312 = arith.shrui %add3A_309, %shift_right_logical3A_311 : vector<16xi32>
        %and3A_313 = arith.constant 1 : i32
        %and3A_314 = vector.broadcast %and3A_313 : i32 to vector<16xi32>
        %and3A_315 = arith.andi %add3A_309, %and3A_314 : vector<16xi32>
        %mul3A_316 = arith.constant 64 : i32
        %mul3A_317 = vector.broadcast %mul3A_316 : i32 to vector<16xi32>
        %mul3A_318 = arith.muli %and3A_315, %mul3A_317 : vector<16xi32>
        %add3A_319 = arith.constant 96 : i32
        %add3A_320 = vector.broadcast %add3A_319 : i32 to vector<16xi32>
        %add3A_321 = arith.addi %add3A_320, %iota3A : vector<16xi32>
        %shift_right_logical3A_322 = arith.constant 1 : i32
        %shift_right_logical3A_323 = vector.broadcast %shift_right_logical3A_322 : i32 to vector<16xi32>
        %shift_right_logical3A_324 = arith.shrui %add3A_321, %shift_right_logical3A_323 : vector<16xi32>
        %and3A_325 = arith.constant 1 : i32
        %and3A_326 = vector.broadcast %and3A_325 : i32 to vector<16xi32>
        %and3A_327 = arith.andi %add3A_321, %and3A_326 : vector<16xi32>
        %mul3A_328 = arith.constant 64 : i32
        %mul3A_329 = vector.broadcast %mul3A_328 : i32 to vector<16xi32>
        %mul3A_330 = arith.muli %and3A_327, %mul3A_329 : vector<16xi32>
        %add3A_331 = arith.constant 112 : i32
        %add3A_332 = vector.broadcast %add3A_331 : i32 to vector<16xi32>
        %add3A_333 = arith.addi %add3A_332, %iota3A : vector<16xi32>
        %shift_right_logical3A_334 = arith.constant 1 : i32
        %shift_right_logical3A_335 = vector.broadcast %shift_right_logical3A_334 : i32 to vector<16xi32>
        %shift_right_logical3A_336 = arith.shrui %add3A_333, %shift_right_logical3A_335 : vector<16xi32>
        %and3A_337 = arith.constant 1 : i32
        %and3A_338 = vector.broadcast %and3A_337 : i32 to vector<16xi32>
        %and3A_339 = arith.andi %add3A_333, %and3A_338 : vector<16xi32>
        %mul3A_340 = arith.constant 64 : i32
        %mul3A_341 = vector.broadcast %mul3A_340 : i32 to vector<16xi32>
        %mul3A_342 = arith.muli %and3A_339, %mul3A_341 : vector<16xi32>
        %parallel_loop3A = arith.constant 0 : i32
        %parallel_loop3A_343 = arith.constant 64 : i32
        %parallel_loop3A_344 = arith.constant 1 : i32
        scf.for %parallel_loop3A_352 = %parallel_loop3A to %parallel_loop3A_343 step %parallel_loop3A_344  : i32 {
          %parallel_loop3A_353 = vector.broadcast %parallel_loop3A_352 : i32 to vector<16xi32>
          %parallel_loop3A_354 = arith.addi %mul3A_258, %parallel_loop3A_353 : vector<16xi32>
          %parallel_loop3A_355 = arith.constant 1 : i32
          %parallel_loop3A_356 = arith.index_cast %parallel_loop3A_355 : i32 to index
          %parallel_loop3A_357 = arith.index_cast %parallel_loop3A_352 : i32 to index
          %parallel_loop3A_358 = arith.constant 0 : index
          %parallel_loop3A_359 = tpu.vector_load %arg5[%parallel_loop3A_356, %parallel_loop3A_357, %parallel_loop3A_358] {strides = array<i32>} : memref<2x64x128xf32, #tpu.memory_space<vmem>>, vector<16xf32>,
          %parallel_loop3A_360 = arith.constant 1 : i32
          %parallel_loop3A_361 = arith.constant 0 : i32
          %parallel_loop3A_362 = arith.constant 0 : i32
          %parallel_loop3A_363 = tpu.memref_slice %arg6[%parallel_loop3A_360, %parallel_loop3A_361, %parallel_loop3A_362] : memref<2x64x128xf32, #tpu.memory_space<vmem>> -> memref<1x64x128xf32, #tpu.memory_space<vmem>>
          %parallel_loop3A_364 = tpu.memref_squeeze %parallel_loop3A_363 : memref<1x64x128xf32, #tpu.memory_space<vmem>> -> memref<64x128xf32, #tpu.memory_space<vmem>>
          tpu.vector_store_idx %parallel_loop3A_364[%shift_right_logical3A_253, %parallel_loop3A_354], %parallel_loop3A_359 : memref<64x128xf32, #tpu.memory_space<vmem>>[vector<16xi32>, vector<16xi32>], vector<16xf32>,
          %parallel_loop3A_365 = vector.broadcast %parallel_loop3A_352 : i32 to vector<16xi32>
          %parallel_loop3A_366 = arith.addi %mul3A_270, %parallel_loop3A_365 : vector<16xi32>
          %parallel_loop3A_367 = arith.constant 1 : i32
          %parallel_loop3A_368 = arith.index_cast %parallel_loop3A_367 : i32 to index
          %parallel_loop3A_369 = arith.index_cast %parallel_loop3A_352 : i32 to index
          %parallel_loop3A_370 = arith.constant 16 : index
          %parallel_loop3A_371 = tpu.vector_load %arg5[%parallel_loop3A_368, %parallel_loop3A_369, %parallel_loop3A_370] {strides = array<i32>} : memref<2x64x128xf32, #tpu.memory_space<vmem>>, vector<16xf32>,
          %parallel_loop3A_372 = arith.constant 1 : i32
          %parallel_loop3A_373 = arith.constant 0 : i32
          %parallel_loop3A_374 = arith.constant 0 : i32
          %parallel_loop3A_375 = tpu.memref_slice %arg6[%parallel_loop3A_372, %parallel_loop3A_373, %parallel_loop3A_374] : memref<2x64x128xf32, #tpu.memory_space<vmem>> -> memref<1x64x128xf32, #tpu.memory_space<vmem>>
          %parallel_loop3A_376 = tpu.memref_squeeze %parallel_loop3A_375 : memref<1x64x128xf32, #tpu.memory_space<vmem>> -> memref<64x128xf32, #tpu.memory_space<vmem>>
          tpu.vector_store_idx %parallel_loop3A_376[%shift_right_logical3A_264, %parallel_loop3A_366], %parallel_loop3A_371 : memref<64x128xf32, #tpu.memory_space<vmem>>[vector<16xi32>, vector<16xi32>], vector<16xf32>,
          %parallel_loop3A_377 = vector.broadcast %parallel_loop3A_352 : i32 to vector<16xi32>
          %parallel_loop3A_378 = arith.addi %mul3A_282, %parallel_loop3A_377 : vector<16xi32>
          %parallel_loop3A_379 = arith.constant 1 : i32
          %parallel_loop3A_380 = arith.index_cast %parallel_loop3A_379 : i32 to index
          %parallel_loop3A_381 = arith.index_cast %parallel_loop3A_352 : i32 to index
          %parallel_loop3A_382 = arith.constant 32 : index
          %parallel_loop3A_383 = tpu.vector_load %arg5[%parallel_loop3A_380, %parallel_loop3A_381, %parallel_loop3A_382] {strides = array<i32>} : memref<2x64x128xf32, #tpu.memory_space<vmem>>, vector<16xf32>,
          %parallel_loop3A_384 = arith.constant 1 : i32
          %parallel_loop3A_385 = arith.constant 0 : i32
          %parallel_loop3A_386 = arith.constant 0 : i32
          %parallel_loop3A_387 = tpu.memref_slice %arg6[%parallel_loop3A_384, %parallel_loop3A_385, %parallel_loop3A_386] : memref<2x64x128xf32, #tpu.memory_space<vmem>> -> memref<1x64x128xf32, #tpu.memory_space<vmem>>
          %parallel_loop3A_388 = tpu.memref_squeeze %parallel_loop3A_387 : memref<1x64x128xf32, #tpu.memory_space<vmem>> -> memref<64x128xf32, #tpu.memory_space<vmem>>
          tpu.vector_store_idx %parallel_loop3A_388[%shift_right_logical3A_276, %parallel_loop3A_378], %parallel_loop3A_383 : memref<64x128xf32, #tpu.memory_space<vmem>>[vector<16xi32>, vector<16xi32>], vector<16xf32>,
          %parallel_loop3A_389 = vector.broadcast %parallel_loop3A_352 : i32 to vector<16xi32>
          %parallel_loop3A_390 = arith.addi %mul3A_294, %parallel_loop3A_389 : vector<16xi32>
          %parallel_loop3A_391 = arith.constant 1 : i32
          %parallel_loop3A_392 = arith.index_cast %parallel_loop3A_391 : i32 to index
          %parallel_loop3A_393 = arith.index_cast %parallel_loop3A_352 : i32 to index
          %parallel_loop3A_394 = arith.constant 48 : index
          %parallel_loop3A_395 = tpu.vector_load %arg5[%parallel_loop3A_392, %parallel_loop3A_393, %parallel_loop3A_394] {strides = array<i32>} : memref<2x64x128xf32, #tpu.memory_space<vmem>>, vector<16xf32>,
          %parallel_loop3A_396 = arith.constant 1 : i32
          %parallel_loop3A_397 = arith.constant 0 : i32
          %parallel_loop3A_398 = arith.constant 0 : i32
          %parallel_loop3A_399 = tpu.memref_slice %arg6[%parallel_loop3A_396, %parallel_loop3A_397, %parallel_loop3A_398] : memref<2x64x128xf32, #tpu.memory_space<vmem>> -> memref<1x64x128xf32, #tpu.memory_space<vmem>>
          %parallel_loop3A_400 = tpu.memref_squeeze %parallel_loop3A_399 : memref<1x64x128xf32, #tpu.memory_space<vmem>> -> memref<64x128xf32, #tpu.memory_space<vmem>>
          tpu.vector_store_idx %parallel_loop3A_400[%shift_right_logical3A_288, %parallel_loop3A_390], %parallel_loop3A_395 : memref<64x128xf32, #tpu.memory_space<vmem>>[vector<16xi32>, vector<16xi32>], vector<16xf32>,
          %parallel_loop3A_401 = vector.broadcast %parallel_loop3A_352 : i32 to vector<16xi32>
          %parallel_loop3A_402 = arith.addi %mul3A_306, %parallel_loop3A_401 : vector<16xi32>
          %parallel_loop3A_403 = arith.constant 1 : i32
          %parallel_loop3A_404 = arith.index_cast %parallel_loop3A_403 : i32 to index
          %parallel_loop3A_405 = arith.index_cast %parallel_loop3A_352 : i32 to index
          %parallel_loop3A_406 = arith.constant 64 : index
          %parallel_loop3A_407 = tpu.vector_load %arg5[%parallel_loop3A_404, %parallel_loop3A_405, %parallel_loop3A_406] {strides = array<i32>} : memref<2x64x128xf32, #tpu.memory_space<vmem>>, vector<16xf32>,
          %parallel_loop3A_408 = arith.constant 1 : i32
          %parallel_loop3A_409 = arith.constant 0 : i32
          %parallel_loop3A_410 = arith.constant 0 : i32
          %parallel_loop3A_411 = tpu.memref_slice %arg6[%parallel_loop3A_408, %parallel_loop3A_409, %parallel_loop3A_410] : memref<2x64x128xf32, #tpu.memory_space<vmem>> -> memref<1x64x128xf32, #tpu.memory_space<vmem>>
          %parallel_loop3A_412 = tpu.memref_squeeze %parallel_loop3A_411 : memref<1x64x128xf32, #tpu.memory_space<vmem>> -> memref<64x128xf32, #tpu.memory_space<vmem>>
          tpu.vector_store_idx %parallel_loop3A_412[%shift_right_logical3A_300, %parallel_loop3A_402], %parallel_loop3A_407 : memref<64x128xf32, #tpu.memory_space<vmem>>[vector<16xi32>, vector<16xi32>], vector<16xf32>,
          %parallel_loop3A_413 = vector.broadcast %parallel_loop3A_352 : i32 to vector<16xi32>
          %parallel_loop3A_414 = arith.addi %mul3A_318, %parallel_loop3A_413 : vector<16xi32>
          %parallel_loop3A_415 = arith.constant 1 : i32
          %parallel_loop3A_416 = arith.index_cast %parallel_loop3A_415 : i32 to index
          %parallel_loop3A_417 = arith.index_cast %parallel_loop3A_352 : i32 to index
          %parallel_loop3A_418 = arith.constant 80 : index
          %parallel_loop3A_419 = tpu.vector_load %arg5[%parallel_loop3A_416, %parallel_loop3A_417, %parallel_loop3A_418] {strides = array<i32>} : memref<2x64x128xf32, #tpu.memory_space<vmem>>, vector<16xf32>,
          %parallel_loop3A_420 = arith.constant 1 : i32
          %parallel_loop3A_421 = arith.constant 0 : i32
          %parallel_loop3A_422 = arith.constant 0 : i32
          %parallel_loop3A_423 = tpu.memref_slice %arg6[%parallel_loop3A_420, %parallel_loop3A_421, %parallel_loop3A_422] : memref<2x64x128xf32, #tpu.memory_space<vmem>> -> memref<1x64x128xf32, #tpu.memory_space<vmem>>
          %parallel_loop3A_424 = tpu.memref_squeeze %parallel_loop3A_423 : memref<1x64x128xf32, #tpu.memory_space<vmem>> -> memref<64x128xf32, #tpu.memory_space<vmem>>
          tpu.vector_store_idx %parallel_loop3A_424[%shift_right_logical3A_312, %parallel_loop3A_414], %parallel_loop3A_419 : memref<64x128xf32, #tpu.memory_space<vmem>>[vector<16xi32>, vector<16xi32>], vector<16xf32>,
          %parallel_loop3A_425 = vector.broadcast %parallel_loop3A_352 : i32 to vector<16xi32>
          %parallel_loop3A_426 = arith.addi %mul3A_330, %parallel_loop3A_425 : vector<16xi32>
          %parallel_loop3A_427 = arith.constant 1 : i32
          %parallel_loop3A_428 = arith.index_cast %parallel_loop3A_427 : i32 to index
          %parallel_loop3A_429 = arith.index_cast %parallel_loop3A_352 : i32 to index
          %parallel_loop3A_430 = arith.constant 96 : index
          %parallel_loop3A_431 = tpu.vector_load %arg5[%parallel_loop3A_428, %parallel_loop3A_429, %parallel_loop3A_430] {strides = array<i32>} : memref<2x64x128xf32, #tpu.memory_space<vmem>>, vector<16xf32>,
          %parallel_loop3A_432 = arith.constant 1 : i32
          %parallel_loop3A_433 = arith.constant 0 : i32
          %parallel_loop3A_434 = arith.constant 0 : i32
          %parallel_loop3A_435 = tpu.memref_slice %arg6[%parallel_loop3A_432, %parallel_loop3A_433, %parallel_loop3A_434] : memref<2x64x128xf32, #tpu.memory_space<vmem>> -> memref<1x64x128xf32, #tpu.memory_space<vmem>>
          %parallel_loop3A_436 = tpu.memref_squeeze %parallel_loop3A_435 : memref<1x64x128xf32, #tpu.memory_space<vmem>> -> memref<64x128xf32, #tpu.memory_space<vmem>>
          tpu.vector_store_idx %parallel_loop3A_436[%shift_right_logical3A_324, %parallel_loop3A_426], %parallel_loop3A_431 : memref<64x128xf32, #tpu.memory_space<vmem>>[vector<16xi32>, vector<16xi32>], vector<16xf32>,
          %parallel_loop3A_437 = vector.broadcast %parallel_loop3A_352 : i32 to vector<16xi32>
          %parallel_loop3A_438 = arith.addi %mul3A_342, %parallel_loop3A_437 : vector<16xi32>
          %parallel_loop3A_439 = arith.constant 1 : i32
          %parallel_loop3A_440 = arith.index_cast %parallel_loop3A_439 : i32 to index
          %parallel_loop3A_441 = arith.index_cast %parallel_loop3A_352 : i32 to index
          %parallel_loop3A_442 = arith.constant 112 : index
          %parallel_loop3A_443 = tpu.vector_load %arg5[%parallel_loop3A_440, %parallel_loop3A_441, %parallel_loop3A_442] {strides = array<i32>} : memref<2x64x128xf32, #tpu.memory_space<vmem>>, vector<16xf32>,
          %parallel_loop3A_444 = arith.constant 1 : i32
          %parallel_loop3A_445 = arith.constant 0 : i32
          %parallel_loop3A_446 = arith.constant 0 : i32
          %parallel_loop3A_447 = tpu.memref_slice %arg6[%parallel_loop3A_444, %parallel_loop3A_445, %parallel_loop3A_446] : memref<2x64x128xf32, #tpu.memory_space<vmem>> -> memref<1x64x128xf32, #tpu.memory_space<vmem>>
          %parallel_loop3A_448 = tpu.memref_squeeze %parallel_loop3A_447 : memref<1x64x128xf32, #tpu.memory_space<vmem>> -> memref<64x128xf32, #tpu.memory_space<vmem>>
          tpu.vector_store_idx %parallel_loop3A_448[%shift_right_logical3A_336, %parallel_loop3A_438], %parallel_loop3A_443 : memref<64x128xf32, #tpu.memory_space<vmem>>[vector<16xi32>, vector<16xi32>], vector<16xf32>,
        } {sc.loop_unroll_factor = 8 : i64, sc.parallel_access}
        %add3A_345 = arith.addi %add3A_8, %add3A_224 : i32
        %mul3A_346 = arith.constant 128 : i32
        %mul3A_347 = arith.muli %add3A_345, %mul3A_346 : i32
        %multiple_of3A_348 = tpu.assume_multiple %mul3A_347, 128 : i32
        %shift_right_logical3A_349 = arith.constant 1 : i32
        %shift_right_logical3A_350 = arith.shrui %multiple_of3A_348, %shift_right_logical3A_349 : i32
        %multiple_of3A_351 = tpu.assume_multiple %shift_right_logical3A_350, 64 : i32
        %run_scoped3A = arith.constant 1 : i32
        "tpu.region"() ({
          %run_scoped3A_352 = tpu.sem_alloc : memref<!tpu.dma_semaphore, #tpu.memory_space<semaphore_mem>>
          %dma_start3A_353 = arith.constant 0 : i32
          %dma_start3A_354 = arith.constant 0 : i32
          %dma_start3A_355 = tpu.memref_slice %arg6[%run_scoped3A, %dma_start3A_353, %dma_start3A_354] : memref<2x64x128xf32, #tpu.memory_space<vmem>> -> memref<1x64x128xf32, #tpu.memory_space<vmem>>
          %dma_start3A_356 = tpu.memref_squeeze %dma_start3A_355 : memref<1x64x128xf32, #tpu.memory_space<vmem>> -> memref<64x128xf32, #tpu.memory_space<vmem>>
          %dma_start3A_357 = arith.constant 0 : i32
          %dma_start3A_358 = tpu.memref_slice %arg4[%multiple_of3A_351, %dma_start3A_357] : memref<500000x128xf32, #tpu.memory_space<hbm>> -> memref<64x128xf32, #tpu.memory_space<hbm>>
          %dma_start3A_359 = arith.constant 0 : i32
          %dma_start3A_360 = tpu.memref_slice %arg4[%multiple_of3A_351, %dma_start3A_359] : memref<500000x128xf32, #tpu.memory_space<hbm>> -> memref<64x128xf32, #tpu.memory_space<hbm>>
          %dma_start3A_361 = arith.constant 0 : i32
          %dma_start3A_362 = arith.constant 0 : i32
          %dma_start3A_363 = tpu.memref_slice %arg6[%run_scoped3A, %dma_start3A_361, %dma_start3A_362] : memref<2x64x128xf32, #tpu.memory_space<vmem>> -> memref<1x64x128xf32, #tpu.memory_space<vmem>>
          %dma_start3A_364 = tpu.memref_squeeze %dma_start3A_363 : memref<1x64x128xf32, #tpu.memory_space<vmem>> -> memref<64x128xf32, #tpu.memory_space<vmem>>
          tpu.enqueue_dma source(%dma_start3A_364 : memref<64x128xf32, #tpu.memory_space<vmem>>) target(%dma_start3A_360 : memref<64x128xf32, #tpu.memory_space<hbm>>) target_semaphore(%run_scoped3A_352 : memref<!tpu.dma_semaphore, #tpu.memory_space<semaphore_mem>>)
          %dma_wait3A_365 = arith.constant 0 : i32
          %dma_wait3A_366 = arith.constant 0 : i32
          %dma_wait3A_367 = tpu.memref_slice %arg6[%run_scoped3A, %dma_wait3A_365, %dma_wait3A_366] : memref<2x64x128xf32, #tpu.memory_space<vmem>> -> memref<1x64x128xf32, #tpu.memory_space<vmem>>
          %dma_wait3A_368 = tpu.memref_squeeze %dma_wait3A_367 : memref<1x64x128xf32, #tpu.memory_space<vmem>> -> memref<64x128xf32, #tpu.memory_space<vmem>>
          %dma_wait3A_369 = arith.constant 0 : i32
          %dma_wait3A_370 = tpu.memref_slice %arg4[%multiple_of3A_351, %dma_wait3A_369] : memref<500000x128xf32, #tpu.memory_space<hbm>> -> memref<64x128xf32, #tpu.memory_space<hbm>>
          %dma_wait3A_371 = arith.constant 0 : i32
          %dma_wait3A_372 = tpu.memref_slice %arg4[%multiple_of3A_351, %dma_wait3A_371] : memref<500000x128xf32, #tpu.memory_space<hbm>> -> memref<64x128xf32, #tpu.memory_space<hbm>>
          %dma_wait3A_373 = arith.constant 0 : i32
          %dma_wait3A_374 = arith.constant 0 : i32
          %dma_wait3A_375 = tpu.memref_slice %arg6[%run_scoped3A, %dma_wait3A_373, %dma_wait3A_374] : memref<2x64x128xf32, #tpu.memory_space<vmem>> -> memref<1x64x128xf32, #tpu.memory_space<vmem>>
          %dma_wait3A_376 = tpu.memref_squeeze %dma_wait3A_375 : memref<1x64x128xf32, #tpu.memory_space<vmem>> -> memref<64x128xf32, #tpu.memory_space<vmem>>
          tpu.wait_dma2 semaphore(%run_scoped3A_352 : memref<!tpu.dma_semaphore, #tpu.memory_space<semaphore_mem>>) src(%dma_wait3A_376 : memref<64x128xf32, #tpu.memory_space<vmem>>) dst(%dma_wait3A_372 : memref<64x128xf32, #tpu.memory_space<hbm>>)
          tpu.yield
        }) : () -> ()
      } else {
      }
    }
    %scan3A_203 = arith.constant 123 : i32
    %eq3A = arith.constant 31 : i32
    %eq3A_204 = arith.cmpi eq, %add3A, %eq3A : i32
    %convert_element_type3A = arith.extui %eq3A_204 : i1 to i32
    %cond3A = arith.constant 0 : i32
    %cond3A_205 = arith.cmpi ne, %convert_element_type3A, %cond3A : i32
    scf.if %cond3A_205 {
      %run_scoped3A = arith.constant 0 : i32
      "tpu.region"() ({
        %run_scoped3A_207 = tpu.sem_alloc : memref<!tpu.dma_semaphore, #tpu.memory_space<semaphore_mem>>
        %dma_start3A_208 = arith.constant 0 : i32
        %dma_start3A_209 = arith.constant 0 : i32
        %dma_start3A_210 = tpu.memref_slice %arg6[%run_scoped3A, %dma_start3A_208, %dma_start3A_209] : memref<2x64x128xf32, #tpu.memory_space<vmem>> -> memref<1x64x128xf32, #tpu.memory_space<vmem>>
        %dma_start3A_211 = tpu.memref_squeeze %dma_start3A_210 : memref<1x64x128xf32, #tpu.memory_space<vmem>> -> memref<64x128xf32, #tpu.memory_space<vmem>>
        %dma_start3A_212 = arith.constant 0 : i32
        %dma_start3A_213 = arith.constant 0 : i32
        %dma_start3A_214 = tpu.memref_slice %dma_start3A_211[%dma_start3A_212, %dma_start3A_213] : memref<64x128xf32, #tpu.memory_space<vmem>> -> memref<32x128xf32, #tpu.memory_space<vmem>>
        %dma_start3A_215 = arith.constant 0 : i32
        %dma_start3A_216 = arith.constant 0 : i32
        %dma_start3A_217 = tpu.memref_slice %arg6[%run_scoped3A, %dma_start3A_215, %dma_start3A_216] : memref<2x64x128xf32, #tpu.memory_space<vmem>> -> memref<1x64x128xf32, #tpu.memory_space<vmem>>
        %dma_start3A_218 = tpu.memref_squeeze %dma_start3A_217 : memref<1x64x128xf32, #tpu.memory_space<vmem>> -> memref<64x128xf32, #tpu.memory_space<vmem>>
        %dma_start3A_219 = arith.constant 0 : i32
        %dma_start3A_220 = arith.constant 0 : i32
        %dma_start3A_221 = tpu.memref_slice %dma_start3A_218[%dma_start3A_219, %dma_start3A_220] : memref<64x128xf32, #tpu.memory_space<vmem>> -> memref<32x128xf32, #tpu.memory_space<vmem>>
        tpu.enqueue_dma source(%arg3 : memref<32x128xf32, #tpu.memory_space<hbm>>) target(%dma_start3A_221 : memref<32x128xf32, #tpu.memory_space<vmem>>) target_semaphore(%run_scoped3A_207 : memref<!tpu.dma_semaphore, #tpu.memory_space<semaphore_mem>>)
        %dma_wait3A = arith.constant 0 : i32
        %dma_wait3A_222 = arith.constant 0 : i32
        %dma_wait3A_223 = tpu.memref_slice %arg6[%run_scoped3A, %dma_wait3A, %dma_wait3A_222] : memref<2x64x128xf32, #tpu.memory_space<vmem>> -> memref<1x64x128xf32, #tpu.memory_space<vmem>>
        %dma_wait3A_224 = tpu.memref_squeeze %dma_wait3A_223 : memref<1x64x128xf32, #tpu.memory_space<vmem>> -> memref<64x128xf32, #tpu.memory_space<vmem>>
        %dma_wait3A_225 = arith.constant 0 : i32
        %dma_wait3A_226 = arith.constant 0 : i32
        %dma_wait3A_227 = tpu.memref_slice %dma_wait3A_224[%dma_wait3A_225, %dma_wait3A_226] : memref<64x128xf32, #tpu.memory_space<vmem>> -> memref<32x128xf32, #tpu.memory_space<vmem>>
        %dma_wait3A_228 = arith.constant 0 : i32
        %dma_wait3A_229 = arith.constant 0 : i32
        %dma_wait3A_230 = tpu.memref_slice %arg6[%run_scoped3A, %dma_wait3A_228, %dma_wait3A_229] : memref<2x64x128xf32, #tpu.memory_space<vmem>> -> memref<1x64x128xf32, #tpu.memory_space<vmem>>
        %dma_wait3A_231 = tpu.memref_squeeze %dma_wait3A_230 : memref<1x64x128xf32, #tpu.memory_space<vmem>> -> memref<64x128xf32, #tpu.memory_space<vmem>>
        %dma_wait3A_232 = arith.constant 0 : i32
        %dma_wait3A_233 = arith.constant 0 : i32
        %dma_wait3A_234 = tpu.memref_slice %dma_wait3A_231[%dma_wait3A_232, %dma_wait3A_233] : memref<64x128xf32, #tpu.memory_space<vmem>> -> memref<32x128xf32, #tpu.memory_space<vmem>>
        tpu.wait_dma2 semaphore(%run_scoped3A_207 : memref<!tpu.dma_semaphore, #tpu.memory_space<semaphore_mem>>) src(%arg3 : memref<32x128xf32, #tpu.memory_space<hbm>>) dst(%dma_wait3A_234 : memref<32x128xf32, #tpu.memory_space<vmem>>)
        tpu.yield
      }) : () -> ()
      %run_scoped3A_206 = arith.constant 0 : i32
      "tpu.region"() ({
        %run_scoped3A_207 = tpu.sem_alloc : memref<!tpu.dma_semaphore, #tpu.memory_space<semaphore_mem>>
        %dma_start3A_208 = arith.constant 0 : i32
        %dma_start3A_209 = arith.constant 0 : i32
        %dma_start3A_210 = tpu.memref_slice %arg6[%run_scoped3A_206, %dma_start3A_208, %dma_start3A_209] : memref<2x64x128xf32, #tpu.memory_space<vmem>> -> memref<1x64x128xf32, #tpu.memory_space<vmem>>
        %dma_start3A_211 = tpu.memref_squeeze %dma_start3A_210 : memref<1x64x128xf32, #tpu.memory_space<vmem>> -> memref<64x128xf32, #tpu.memory_space<vmem>>
        %dma_start3A_212 = arith.constant 0 : i32
        %dma_start3A_213 = arith.constant 0 : i32
        %dma_start3A_214 = tpu.memref_slice %dma_start3A_211[%dma_start3A_212, %dma_start3A_213] : memref<64x128xf32, #tpu.memory_space<vmem>> -> memref<32x128xf32, #tpu.memory_space<vmem>>
        %dma_start3A_215 = arith.constant 499968 : i32
        %dma_start3A_216 = arith.constant 0 : i32
        %dma_start3A_217 = tpu.memref_slice %arg4[%dma_start3A_215, %dma_start3A_216] : memref<500000x128xf32, #tpu.memory_space<hbm>> -> memref<32x128xf32, #tpu.memory_space<hbm>>
        %dma_start3A_218 = arith.constant 499968 : i32
        %dma_start3A_219 = arith.constant 0 : i32
        %dma_start3A_220 = tpu.memref_slice %arg4[%dma_start3A_218, %dma_start3A_219] : memref<500000x128xf32, #tpu.memory_space<hbm>> -> memref<32x128xf32, #tpu.memory_space<hbm>>
        %dma_start3A_221 = arith.constant 0 : i32
        %dma_start3A_222 = arith.constant 0 : i32
        %dma_start3A_223 = tpu.memref_slice %arg6[%run_scoped3A_206, %dma_start3A_221, %dma_start3A_222] : memref<2x64x128xf32, #tpu.memory_space<vmem>> -> memref<1x64x128xf32, #tpu.memory_space<vmem>>
        %dma_start3A_224 = tpu.memref_squeeze %dma_start3A_223 : memref<1x64x128xf32, #tpu.memory_space<vmem>> -> memref<64x128xf32, #tpu.memory_space<vmem>>
        %dma_start3A_225 = arith.constant 0 : i32
        %dma_start3A_226 = arith.constant 0 : i32
        %dma_start3A_227 = tpu.memref_slice %dma_start3A_224[%dma_start3A_225, %dma_start3A_226] : memref<64x128xf32, #tpu.memory_space<vmem>> -> memref<32x128xf32, #tpu.memory_space<vmem>>
        tpu.enqueue_dma source(%dma_start3A_227 : memref<32x128xf32, #tpu.memory_space<vmem>>) target(%dma_start3A_220 : memref<32x128xf32, #tpu.memory_space<hbm>>) target_semaphore(%run_scoped3A_207 : memref<!tpu.dma_semaphore, #tpu.memory_space<semaphore_mem>>)
        %dma_wait3A = arith.constant 0 : i32
        %dma_wait3A_228 = arith.constant 0 : i32
        %dma_wait3A_229 = tpu.memref_slice %arg6[%run_scoped3A_206, %dma_wait3A, %dma_wait3A_228] : memref<2x64x128xf32, #tpu.memory_space<vmem>> -> memref<1x64x128xf32, #tpu.memory_space<vmem>>
        %dma_wait3A_230 = tpu.memref_squeeze %dma_wait3A_229 : memref<1x64x128xf32, #tpu.memory_space<vmem>> -> memref<64x128xf32, #tpu.memory_space<vmem>>
        %dma_wait3A_231 = arith.constant 0 : i32
        %dma_wait3A_232 = arith.constant 0 : i32
        %dma_wait3A_233 = tpu.memref_slice %dma_wait3A_230[%dma_wait3A_231, %dma_wait3A_232] : memref<64x128xf32, #tpu.memory_space<vmem>> -> memref<32x128xf32, #tpu.memory_space<vmem>>
        %dma_wait3A_234 = arith.constant 499968 : i32
        %dma_wait3A_235 = arith.constant 0 : i32
        %dma_wait3A_236 = tpu.memref_slice %arg4[%dma_wait3A_234, %dma_wait3A_235] : memref<500000x128xf32, #tpu.memory_space<hbm>> -> memref<32x128xf32, #tpu.memory_space<hbm>>
        %dma_wait3A_237 = arith.constant 499968 : i32
        %dma_wait3A_238 = arith.constant 0 : i32
        %dma_wait3A_239 = tpu.memref_slice %arg4[%dma_wait3A_237, %dma_wait3A_238] : memref<500000x128xf32, #tpu.memory_space<hbm>> -> memref<32x128xf32, #tpu.memory_space<hbm>>
        %dma_wait3A_240 = arith.constant 0 : i32
        %dma_wait3A_241 = arith.constant 0 : i32
        %dma_wait3A_242 = tpu.memref_slice %arg6[%run_scoped3A_206, %dma_wait3A_240, %dma_wait3A_241] : memref<2x64x128xf32, #tpu.memory_space<vmem>> -> memref<1x64x128xf32, #tpu.memory_space<vmem>>
        %dma_wait3A_243 = tpu.memref_squeeze %dma_wait3A_242 : memref<1x64x128xf32, #tpu.memory_space<vmem>> -> memref<64x128xf32, #tpu.memory_space<vmem>>
        %dma_wait3A_244 = arith.constant 0 : i32
        %dma_wait3A_245 = arith.constant 0 : i32
        %dma_wait3A_246 = tpu.memref_slice %dma_wait3A_243[%dma_wait3A_244, %dma_wait3A_245] : memref<64x128xf32, #tpu.memory_space<vmem>> -> memref<32x128xf32, #tpu.memory_space<vmem>>
        tpu.wait_dma2 semaphore(%run_scoped3A_207 : memref<!tpu.dma_semaphore, #tpu.memory_space<semaphore_mem>>) src(%dma_wait3A_246 : memref<32x128xf32, #tpu.memory_space<vmem>>) dst(%dma_wait3A_239 : memref<32x128xf32, #tpu.memory_space<hbm>>)
        tpu.yield
      }) : () -> ()
    } else {
    }
    return
  }
}

</mosaic_0001>

<sc_bundles>
// kernel: kernel.4.cloned.1.call-start
scs
__scs_entry_jumppad:
0x0: {  	(pc) =	sbr.rel $0x88, $3  }
0x1: {  	(tag) =	ssettag $0x0;
	lr =	simm.s32 $0x1  }
0x2: {  	[smem:$0x3F9F] =	sst lr;
	_ =	strace $0xD0000000  }
0x3: {  	_ = 	snop  }
0x4: {  	_ = 	snop  }
0x5: {  	_ = 	snop  }
0x6: {  	_ = 	snop  }
0x7: {  	_ = 	snop  }
__scs_overlays_trampoline_lowered:
0x8: {  	[smem:$0x3FAE] =	sst s0  }
0x9: {  	[smem:$0x3FAF] =	sst s1  }
0xa: {  	[smem:$0x3FB0] =	sst s2  }
0xb: {  	[smem:$0x3FB1] =	sst s3  }
0xc: {  	[smem:$0x3FB2] =	sst s4  }
0xd: {  	[smem:$0x3FB3] =	sst s5  }
0xe: {  	[smem:$0x3FB4] =	sst s6  }
0xf: {  	[smem:$0x3FB5] =	sst s7  }
0x10: {  	[smem:$0x3FB6] =	sst s8  }
0x11: {  	[smem:$0x3FB7] =	sst s9;
	s0 =	simm.s32 @!p0 $0x0  }
0x12: {  	s1 =	sld [smem:$0x3F9D];
	s0 =	simm.s32 @p0 $0x1  }
0x13: {  	[smem:$0x3FB8] =	sst s0;
	s0 =	simm.s32 @!p1 $0x0  }
0x14: {  	s2 =	sld [smem:$0x3F9C];
	s0 =	simm.s32 @p1 $0x1  }
0x15: {  	[smem:$0x3FB9] =	sst s0;
	s0 =	simm.s32 @!p2 $0x0  }
0x16: {  	s3 =	sld [smem:$0x3FDB];
	s0 =	simm.s32 @p2 $0x1  }
0x17: {  	s4 =	simm.s32 $0x1BF5;
	[smem:$0x3FBB] =	sst s0  }
0x18: {  	s0 =	sld [smem:$0x3F9E];
	_ =	swait.ge [sflag:s4], $0x0  }
0x19: {  	s7 =	sld [smem:$0x3F9F]  }
0x1a: {  	s8 =	sadd.s32 $0xFFFFE003, lr  }
0x1b: {  	s9 =	sadd.s32 $0xFFFFFEF7, lr;
	s5 =	simm.s32 $0xFFFFFFFF;
	p2 =	slt.u32 s8, $0xFFFFF086  }
0x1c: {  	p1 =	slt.u32 s9, $0xF7A;
	s5 =	simm.s32 @!p2 $0x0  }
0x1d: {  	s5 =	simm.s32 @p1 $0x1;
	p0 =	seq.s32 s7, s2  }
0x1e: {  	s7 =	smul.u32 @!p0 $0xF7A, s2;
	p2 =	seq.s32 @!p0 s5, $0x0  }
0x1f: {  	s9 =	smul.u32 $0xF7A, s1;
	s8 =	simm.s32 @!p0 $0x1BF5;
	p2 =	por !p2, p0  }
0x20: {  	[sflag:s8] =	ssyncset.s32 @!p0 $0xFFFFF086;
	s6 =	sadd.s32 @!p0 s3, s7;
	s7 =	simm.s32 @!p0 $0x108  }
0x21: {  	s3 =	sadd.s32 s3, s9;
	s6 =	sadd.s32 @!p0 $0x88, s6;
	s7 =	simm.s32 @p2 $0x1082  }
0x22: {  	[simem:s7], [sflag:s8] =	dma.local @!p0 [hbm:s6], $0xF7A  }
0x23: {  	s9 =	sor.u32 $0xD0000000, s2;
	s6 =	simm.s32 $0x108;
	_ =	swait.ge @!p0 [sflag:s8], $0x0  }
0x24: {  	s3 =	sadd.s32 $0x88, s3;
	s6 =	simm.s32 @!p1 $0x1082;
	[sflag:s4] =	ssyncset.s32 $0xFFFFF086  }
0x25: {  	[simem:s6], [sflag:s4] =	dma.local [hbm:s3], $0xF7A  }
0x26: {  	[smem:$0x3F9F] =	sst s1;
	(tag) =	ssettag s2;
	_ =	strace s9  }
0x27: {  	s1 =	sld [smem:$0x3FAF]  }
0x28: {  	s2 =	sld [smem:$0x3FB0]  }
0x29: {  	s4 =	sld [smem:$0x3FB2]  }
0x2a: {  	p0 =	seq.s32 s5, $0x0;
	s5 =	sld [smem:$0x3FB3]  }
0x2b: {  	s6 =	sld [smem:$0x3FB4]  }
0x2c: {  	s7 =	sld [smem:$0x3FB5]  }
0x2d: {  	s3 =	simm.s32 $0x108;
	s8 =	sld [smem:$0x3FB6]  }
0x2e: {  	s3 =	simm.s32 @!p0 $0x1082;
	s9 =	sld [smem:$0x3FB7]  }
0x2f: {  	lr =	sadd.s32 s0, s3;
	s0 =	sld [smem:$0x3FAE]  }
0x30: {  	s3 =	sld [smem:$0x3FB1]  }
0x31: {  	[smem:$0x3FBA] =	sst s10  }
0x32: {  	s10 =	sld [smem:$0x3FB8];
	_ =	sdelay $0x3  }
0x33: {  	p0 =	seq.s32 s10, $0x1;
	s10 =	sld [smem:$0x3FBA];
	_ =	sdelay $0x3  }
0x34: {  	[smem:$0x3FBA] =	sst s10  }
0x35: {  	s10 =	sld [smem:$0x3FB9];
	_ =	sdelay $0x3  }
0x36: {  	p1 =	seq.s32 s10, $0x1;
	s10 =	sld [smem:$0x3FBA];
	_ =	sdelay $0x3  }
0x37: {  	[smem:$0x3FBA] =	sst s10  }
0x38: {  	s10 =	sld [smem:$0x3FBB]  }
0x39: {  	_ = 	snop;
	(pc) =	sbr.ind lr, $3  }
0x3a: {  	_ = 	snop  }
0x3b: {  	_ = 	snop  }
0x3c: {  	p2 =	seq.s32 s10, $0x1;
	s10 =	sld [smem:$0x3FBA]  }
0x3d: {  	_ =	shalt  }
0x3e: {  	_ =	shalt  }
0x3f: {  	_ =	shalt  }
0x40: {  	_ =	shalt  }
0x41: {  	_ =	shalt  }
0x42: {  	_ =	shalt  }
0x43: {  	_ =	shalt  }
0x44: {  	_ =	shalt  }
0x45: {  	_ =	shalt  }
0x46: {  	_ =	shalt  }
0x47: {  	_ =	shalt  }
0x48: {  	_ =	shalt  }
0x49: {  	_ =	shalt  }
0x4a: {  	_ =	shalt  }
0x4b: {  	_ =	shalt  }
0x4c: {  	_ =	shalt  }
0x4d: {  	_ =	shalt  }
0x4e: {  	_ =	shalt  }
0x4f: {  	_ =	shalt  }
0x50: {  	_ =	shalt  }
0x51: {  	_ =	shalt  }
0x52: {  	_ =	shalt  }
0x53: {  	_ =	shalt  }
0x54: {  	_ =	shalt  }
0x55: {  	_ =	shalt  }
0x56: {  	_ =	shalt  }
0x57: {  	_ =	shalt  }
0x58: {  	_ =	shalt  }
0x59: {  	_ =	shalt  }
0x5a: {  	_ =	shalt  }
0x5b: {  	_ =	shalt  }
0x5c: {  	_ =	shalt  }
0x5d: {  	_ =	shalt  }
0x5e: {  	_ =	shalt  }
0x5f: {  	_ =	shalt  }
0x60: {  	_ =	shalt  }
0x61: {  	_ =	shalt  }
0x62: {  	_ =	shalt  }
0x63: {  	_ =	shalt  }
0x64: {  	_ =	shalt  }
0x65: {  	_ =	shalt  }
0x66: {  	_ =	shalt  }
0x67: {  	_ =	shalt  }
0x68: {  	_ =	shalt  }
0x69: {  	_ =	shalt  }
0x6a: {  	_ =	shalt  }
0x6b: {  	_ =	shalt  }
0x6c: {  	_ =	shalt  }
0x6d: {  	_ =	shalt  }
0x6e: {  	_ =	shalt  }
0x6f: {  	_ =	shalt  }
0x70: {  	_ =	shalt  }
0x71: {  	_ =	shalt  }
0x72: {  	_ =	shalt  }
0x73: {  	_ =	shalt  }
0x74: {  	_ =	shalt  }
0x75: {  	_ =	shalt  }
0x76: {  	_ =	shalt  }
0x77: {  	_ =	shalt  }
0x78: {  	_ =	shalt  }
0x79: {  	_ =	shalt  }
0x7a: {  	_ =	shalt  }
0x7b: {  	_ =	shalt  }
0x7c: {  	_ =	shalt  }
0x7d: {  	_ =	shalt  }
0x7e: {  	_ =	shalt  }
0x7f: {  	_ =	shalt  }
0x80: {  	_ =	shalt  }
0x81: {  	_ =	shalt  }
0x82: {  	_ =	shalt  }
0x83: {  	_ =	shalt  }
0x84: {  	_ =	shalt  }
0x85: {  	_ =	shalt  }
0x86: {  	_ =	shalt  }
0x87: {  	_ =	shalt  }
.Lfunc_end0:
.L_simem_size_0:
called_computation.1_lowered:
.L_overlay_start_0:
0x88: {  	s2 =	sld [smem:$0x3FD9]  }
0x89: {  	s3 =	sld [smem:$0x3FFE];
	_ =	sdelay $0x1  }
0x8a: {  	s1 =	srdreg.scid  }
0x8b: {  	s0 =	sand.u32 $0x1, s1  }
0x8c: {  	s17 =	sshll.u32 s0, $0xA;
	s2 =	sadd.s32 s3, s2  }
0x8d: {  	s2 =	sadd.s32 s2, s17  }
0x8e: {  	[smem:$0x3FC6] =	sst s2  }
0x8f: {  	_ = 	snop  }
0x90: {  	s2 =	sld [smem:$0x3FC8];
	(tm) =	ssettm $0x1  }
0x91: {  	s18 =	sld [smem:$0x3FFB];
	_ =	sdelay $0x3  }
0x92: {  	_ =	strace s18  }
0x93: {  	s3 =	sld [smem:$0x3FFC];
	_ =	sdelay $0x3  }
0x94: {  	_ =	strace s3  }
0x95: {  	s3 =	sld [smem:$0x3FFD];
	_ =	sdelay $0x3  }
0x96: {  	_ =	strace s3  }
0x97: {  	_ =	strace $0x8FFFFFFF  }
0x98: {  	s19 =	sld [smem:$0x3FDB];
	_ =	sdelay $0x1  }
0x99: {  	s4 =	simm.s32 $_scs_section_size  }
0x9a: {  	s5 =	simm.s32 $_size__tile_overlayer_lowered;
	s6 =	simm.s32 $_tile_overlayer_lowered  }
0x9b: {  	s22 =	simm.s32 $0x1BFF;
	s21 =	sshll.u32 s6, $0x1;
	s3 =	sadd.s32 s4, s19  }
0x9c: {  	s7 =	simm.s32 $0x0;
	s20 =	sshll.u32 s5, $0x1;
	s5 =	sadd.s32 s21, s3  }
0x9d: {  	[timem:s7], [sflag:s22] =	dma.local [hbm:s5], s20  }
0x9e: {  	_ =	swait.ge [sflag:s22], s20  }
0x9f: {  	s4 =	ssub.s32 $0x0, s20;
	[sflag:s22] =	ssyncset.done $0x0  }
0xa0: {  	[sflag:s22] =	ssyncadd.s32 s4;
	_ =	sdelay $0x1  }
0xa1: {  	s23 =	simm.s32 $0x1B8B  }
0xa2: {  	_ =	swait.ge [sflag:s23], $0x1  }
0xa3: {  	[sflag:s23] =	ssyncset.done $0x0  }
0xa4: {  	s25 =	simm.s32 $0x1B8E;
	s24 =	sld [smem:$0x3FFE];
	[sflag:s23] =	ssyncadd.s32 $0xFFFFFFFF  }
0xa5: {  	s26 =	simm.s32 $execute0_lowered;
	[smem:$0x3FD2] =	sst s25  }
0xa6: {  	s5 =	sshll.u32 s26, $0x1;
	_ =	strace $0x80000046;
	[dreg:$0x1] =	wrdreg $0xFFFFFFFF  }
0xa7: {  	s28 =	simm.s32 $_size_execute0_lowered;
	s3 =	sadd.s32 s3, s5;
	[dreg:$0x0] =	wrdreg $0x0  }
0xa8: {  	s5 =	sshll.u32 s28, $0x1;
	[dreg:$0x2] =	wrdreg s3  }
0xa9: {  	[dreg:$0x3] =	wrdreg s5  }
0xaa: {  	[dreg:$0x4] =	wrdreg $0xC0  }
0xab: {  	_ =	task [dreg:s7], $0x5FFFF  }
0xac: {  	[dreg:$0x1] =	wrdreg $0xFFFFFFFF  }
0xad: {  	[dreg:$0x0] =	wrdreg $0x60  }
0xae: {  	[dreg:$0x2] =	wrdreg s2  }
0xaf: {  	[dreg:$0x3] =	wrdreg s24  }
0xb0: {  	[dreg:$0x4] =	wrdreg $0x9  }
0xb1: {  	_ =	task.clear_ibuf [dreg:s7], $0x5FFFF;
	_ =	strace $0x90000046  }
0xb2: {  	s29 =	simm.s32 $0x9;
	_ =	strace $0x80000048  }
0xb3: {  	_ =	swait.ge [sflag:s29], $0x1  }
0xb4: {  	[sflag:s29] =	ssyncadd.s32 $0xFFFFFFFF  }
0xb5: {  	_ =	strace $0x90000048  }
0xb6: {  	_ =	sfence  }
0xb7: {  	s30 =	sld [smem:$0x0];
	_ =	sdelay $0x2  }
0xb8: {  	s31 =	sshll.u32 s1, $0xD;
	s1 =	sshrl.u32 s1, $0x2  }
0xb9: {  	s3 =	sand.u32 $0x4000, s31;
	s1 =	sadd.s32 s1, s30  }
0xba: {  	s0 =	sor.u32 s3, s0;
	s1 =	sshll.u32 s1, $0x11  }
0xbb: {  	s0 =	sor.u32 s1, s0  }
0xbc: {  	s0 =	sadd.s32 $0x8F2B, s0  }
0xbd: {  	[sflag:s0] =	ssyncadd.remote.s32 $0x1  }
0xbe: {  	_ =	sfence.sel $0xFFFF  }
0xbf: {  	[dreg:$0x0] =	wrdreg $0xFFFFFFFF;
	(pc) =	sbr.abs _section_cstart, $3  }
0xc0: {  	[dreg:$0x1] =	wrdreg $0xFFFFFFFF  }
0xc1: {  	_ =	task.clear_ibuf [dreg:s7], $0x2FFFF;
	_ =	strace $0x9FFFFFFF  }
0xc2: {  	(tm) =	ssettm $0x7FFFFFFF  }
0xc3: {  	_ =	shalt  }
tec
execute0_lowered:
.L_overlay_start_1:
0x0: {  	(tag) =	ssettag $0x1  }
0x1: {  	s0 =	srdreg.scid;
	s2 =	rddreg [dreg:$0x0]  }
0x2: {  	s9 =	stileid.u32;
	s5 =	rddreg [dreg:$0x1];
	s3 =	simm.s32 $0x0  }
0x3: {  	s28 =	simm.s32 $0x4;
	s0 =	sand.u32 $0x1, s0;
	s1 =	sshll.u32 s9, $0x1  }
0x4: {  	s29 =	simm.s32 $0x2;
	s30 =	simm.s32 $0x6000;
	s1 =	sor.u32 s0, s1  }
0x5: {  	s31 =	simm.s32 $0x3;
	[smem:$0x7FF] =	sst s3;
	s4 =	smul.u32 $0xF4, s1  }
0x6: {  	s22 =	sadd.s32 $0xE00, s5;
	p0 =	slt.u32 s9, $0x2;
	s6 =	smin.u32 s1, $0x4  }
0x7: {  	s16 =	sadd.s32 $0x7A2000, s5;
	s0 =	ssub.s32 $0x2, s0;
	s4 =	sadd.s32 s6, s4  }
0x8: {  	_ =	strace $0x80000047;
	s7 =	sshrl.u32 s0, $0x1;
	s8 =	sshll.u32 s4, $0x7  }
0x9: {  	[dreg:$0x3] =	wrdreg s22;
	s0 =	ssub.s32 s0, s7;
	s7 =	sadd.s32 s2, s8  }
0xa: {  	s6 =	sadd.s32 $0x1000, s5;
	s8 =	simm.s32 $0xF5;
	s10 =	sadd.s32 $0xF4280, s7  }
0xb: {  	v0 =	vlaneseq.u32;
	s17 =	smax.u32 s0, $0x1;
	s23 =	sadd.s32 $0x1E8500, s7;
	s24 =	sadd.s32 $0x2DC780, s7  }
.Ltmp0:
0xc: {  	v0 =	vmul.u32 $0x40, v0;
	s25 =	sadd.s32 $0x3D0A00, s7;
	[dreg:$0x4] =	wrdreg s10;
	(pc) =	sbr.rel .LBB2_1-.Ltmp0, $4  }
0xd: {  	s8 =	simm.s32 @!p0 $0xF4;
	s26 =	sadd.s32 $0x4C4C80, s7;
	[dreg:$0x5] =	wrdreg s23  }
0xe: {  	v1 =	vor.u32 $0x400, v0;
	s14 =	sadd.s32 $0x5B8F00, s7;
	s15 =	sadd.s32 $0x6AD180, s7;
	[dreg:$0x6] =	wrdreg s24  }
0xf: {  	v2 =	vor.u32 $0x800, v0;
	v3 =	vor.u32 $0xC00, v0;
	v4 =	vor.u32 $0x1000, v0;
	p0 =	sne.s32 s1, $0x1F;
	s1 =	simm.s32 $0x0;
	[dreg:$0x7] =	wrdreg s25  }
0x10: {  	v5 =	vor.u32 $0x1400, v0;
	v6 =	vor.u32 $0x1800, v0;
	v7 =	vor.u32 $0x1C00, v0;
	[dreg:$0x8] =	wrdreg s26;
	s25 =	simm.s32 $0x1;
	s26 =	simm.s32 $0x4000  }
.LBB2_11:
0x11: {  	s0 =	simm.s32 @!p0 $0x0;
	s5 =	simm.s32 @!p0 $0x4000;
	s9 =	rddreg [dreg:$0x3]  }
0x12: {  	[tilespmem:s5], [sflag:$0x3] =	stream.linear.gather @!p0 [hbm4b:s9+s0], $0x1000, $0x38;
	[tilespmem:$0x8000] =	vst v63  }
0x13: {  	s9 =	simm.s32 @!p0 $0x3  }
0x14: {  	s1 =	sadd.s32 $0x1, s1;
	_ =	swait.ge @!p0 [sflag:s9], $0x1000  }
0x15: {  	p1 =	sne.s32 s1, s17;
	[sflag:s9] =	ssyncset.done @!p0 $0x0  }
.Ltmp1:
0x16: {  	[sflag:s9] =	ssyncadd.s32 @!p0 $0xFFFFF000;
	(pc) =	sbr.rel @!p1 .LBB2_12-.Ltmp1, $4  }
0x17: {  	[hbm4b:s16+s0] =	stream.linear.scatter @!p0 [tilespmem:s5], [sflag:$0x3], $0x1000, $0x38;
	[tilespmem:$0x8000] =	vst v63  }
0x18: {  	_ =	swait.ge @!p0 [sflag:s9], $0x1000  }
0x19: {  	[sflag:s9] =	ssyncset.done @!p0 $0x0  }
0x1a: {  	[sflag:s9] =	ssyncadd.s32 @!p0 $0xFFFFF000  }
.LBB2_1:
0x1b: {  	[tilespmem:s3], [sflag:$0x1] =	stream.linear.gather [hbm4b:s7+s3], $0x400, $0x38;
	[tilespmem:$0x8000] =	vst v63  }
0x1c: {  	s0 =	rddreg [dreg:$0x4];
	s5 =	simm.s32 $0x400  }
0x1d: {  	[tilespmem:s5], [sflag:$0x1] =	stream.linear.gather [hbm4b:s0+s3], $0x400, $0x38;
	[tilespmem:$0x8000] =	vst v63  }
0x1e: {  	s11 =	rddreg [dreg:$0x5];
	s12 =	simm.s32 $0x800  }
0x1f: {  	[tilespmem:s12], [sflag:$0x1] =	stream.linear.gather [hbm4b:s11+s3], $0x400, $0x38;
	[tilespmem:$0x8000] =	vst v63  }
0x20: {  	s13 =	rddreg [dreg:$0x6];
	s18 =	simm.s32 $0xC00  }
0x21: {  	[tilespmem:s18], [sflag:$0x1] =	stream.linear.gather [hbm4b:s13+s3], $0x400, $0x38;
	[tilespmem:$0x8000] =	vst v63  }
0x22: {  	s19 =	rddreg [dreg:$0x7];
	s20 =	simm.s32 $0x1000  }
0x23: {  	[tilespmem:s20], [sflag:$0x1] =	stream.linear.gather [hbm4b:s19+s3], $0x400, $0x38;
	[tilespmem:$0x8000] =	vst v63  }
0x24: {  	s21 =	rddreg [dreg:$0x8];
	s22 =	simm.s32 $0x1400  }
0x25: {  	[tilespmem:s22], [sflag:$0x1] =	stream.linear.gather [hbm4b:s21+s3], $0x400, $0x38;
	[tilespmem:$0x8000] =	vst v63  }
.Ltmp2:
0x26: {  	_ = 	snop;
	(pc) =	sbr.rel .LBB2_2-.Ltmp2, $4  }
0x27: {  	s23 =	simm.s32 $0x1800  }
0x28: {  	[tilespmem:s23], [sflag:$0x1] =	stream.linear.gather [hbm4b:s14+s3], $0x400, $0x38;
	[tilespmem:$0x8000] =	vst v63  }
0x29: {  	s24 =	simm.s32 $0x1C00;
	s0 =	simm.s32 $0x0  }
0x2a: {  	[tilespmem:s24], [sflag:$0x1] =	stream.linear.gather [hbm4b:s15+s3], $0x400, $0x38;
	[tilespmem:$0x8000] =	vst v63  }
.LBB2_10:
0x2b: {  	s0 =	sadd.s32 $0x1, s0  }
0x2c: {  	p1 =	sne.s32 s0, $0x7B  }
.Ltmp3:
0x2d: {  	_ = 	snop;
	(pc) =	sbr.rel @!p1 .LBB2_11-.Ltmp3, $1  }
0x2e: {  	_ =	sdelay $0x3  }
.LBB2_2:
0x2f: {  	s18 =	sshllo.u32 s0, $0x1  }
0x30: {  	p1 =	sge.u32 s18, s8  }
0x31: {  	s5 =	sadd.s32 @!p1 s4, s18  }
0x32: {  	s10 =	simm.s32 @!p1 $0x0;
	s5 =	sshll.u32 @!p1 s5, $0x7  }
0x33: {  	s11 =	simm.s32 @!p1 $0x2000;
	s9 =	sadd.s32 @!p1 s2, s5;
	s5 =	sand.u32 @!p1 $0x1FFFFF80, s5  }
0x34: {  	[tilespmem:s11], [sflag:$0x2] =	stream.linear.gather @!p1 [hbm4b:s9+s10], $0x400, $0x38;
	[tilespmem:$0x8000] =	vst v63  }
0x35: {  	s5 =	sadd.s32 @!p1 s2, s5  }
0x36: {  	s11 =	simm.s32 @!p1 $0x2400;
	s9 =	sadd.s32 @!p1 $0xF4280, s5  }
0x37: {  	[tilespmem:s11], [sflag:$0x2] =	stream.linear.gather @!p1 [hbm4b:s9+s10], $0x400, $0x38;
	[tilespmem:$0x8000] =	vst v63  }
0x38: {  	s9 =	sadd.s32 @!p1 $0x1E8500, s5;
	s11 =	simm.s32 @!p1 $0x2800  }
0x39: {  	[tilespmem:s11], [sflag:$0x2] =	stream.linear.gather @!p1 [hbm4b:s9+s10], $0x400, $0x38;
	[tilespmem:$0x8000] =	vst v63  }
0x3a: {  	s9 =	sadd.s32 @!p1 $0x2DC780, s5;
	s11 =	simm.s32 @!p1 $0x2C00  }
0x3b: {  	[tilespmem:s11], [sflag:$0x2] =	stream.linear.gather @!p1 [hbm4b:s9+s10], $0x400, $0x38;
	[tilespmem:$0x8000] =	vst v63  }
0x3c: {  	s19 =	sshll.u32 s0, $0x1;
	s9 =	sadd.s32 @!p1 $0x3D0A00, s5;
	s11 =	simm.s32 @!p1 $0x3000  }
0x3d: {  	[tilespmem:s11], [sflag:$0x2] =	stream.linear.gather @!p1 [hbm4b:s9+s10], $0x400, $0x38;
	[tilespmem:$0x8000] =	vst v63  }
0x3e: {  	p2 =	sge.u32 s19, s8;
	s9 =	sadd.s32 @!p1 $0x4C4C80, s5;
	s11 =	simm.s32 @!p1 $0x3400  }
0x3f: {  	[tilespmem:s11], [sflag:$0x2] =	stream.linear.gather @!p1 [hbm4b:s9+s10], $0x400, $0x38;
	[tilespmem:$0x8000] =	vst v63  }
.Ltmp4:
0x40: {  	_ = 	snop;
	(pc) =	sbr.rel @p2 .LBB2_6-.Ltmp4, $4  }
0x41: {  	s9 =	sadd.s32 @!p1 $0x5B8F00, s5;
	s11 =	simm.s32 @!p1 $0x3800  }
0x42: {  	[tilespmem:s11], [sflag:$0x2] =	stream.linear.gather @!p1 [hbm4b:s9+s10], $0x400, $0x38;
	[tilespmem:$0x8000] =	vst v63  }
0x43: {  	s5 =	sadd.s32 @!p1 $0x6AD180, s5;
	s9 =	simm.s32 @!p1 $0x3C00  }
0x44: {  	[tilespmem:s9], [sflag:$0x2] =	stream.linear.gather @!p1 [hbm4b:s5+s10], $0x400, $0x38;
	[tilespmem:$0x8000] =	vst v63  }
0x45: {  	_ =	swait.ge [sflag:s25], $0x2000  }
0x46: {  	[sflag:s25] =	ssyncset.done $0x0  }
0x47: {  	s5 =	simm.s32 $0x200;
	s22 =	simm.s32 $0x7;
	[sflag:s25] =	ssyncadd.s32 $0xFFFFE000  }
0x48: {  	s11 =	simm.s32 $0x1;
	v9 =	vor.u32 s22, v0;
	v8 =	vld [tilespmem:s5+$0x180]  }
0x49: {  	s20 =	simm.s32 $0x2;
	v11 =	vor.u32 s11, v0;
	v10 =	vld [tilespmem:s5+$0xFFFFFE80]  }
0x4a: {  	s10 =	simm.s32 $0x3;
	v13 =	vor.u32 s20, v0;
	v12 =	vld [tilespmem:s5+$0xFFFFFF00]  }
0x4b: {  	s9 =	simm.s32 $0x4;
	v15 =	vor.u32 s10, v0;
	v14 =	vld [tilespmem:s5+$0xFFFFFF80]  }
0x4c: {  	s12 =	simm.s32 $0x5;
	v17 =	vor.u32 s9, v0;
	v16 =	vld [tilespmem:s5+$0x0]  }
0x4d: {  	s21 =	simm.s32 $0x6;
	v19 =	vor.u32 s12, v0;
	v18 =	vld [tilespmem:s5+$0x80];
	[tilespmem:v9+s26+$0x0] =	vst.idx.msk $0xffff, v8  }
0x4e: {  	s13 =	simm.s32 $0x0;
	[tilespmem:v11+s26+$0x0] =	vst.idx.msk $0xffff, v10;
	v10 =	vld [tilespmem:s5+$0x100];
	v11 =	vor.u32 s21, v0  }
0x4f: {  	[tilespmem:v13+s26+$0x0] =	vst.idx.msk $0xffff, v12;
	v12 =	vld [tilespmem:s5+$0xFFFFFE00];
	v13 =	vor.u32 s13, v0  }
0x50: {  	v9 =	vor.u32 s22, v1;
	[tilespmem:v15+s26+$0x0] =	vst.idx.msk $0xffff, v14;
	v8 =	vld [tilespmem:s5+$0x190]  }
0x51: {  	v15 =	vor.u32 s11, v1;
	[tilespmem:v17+s26+$0x0] =	vst.idx.msk $0xffff, v16;
	v14 =	vld [tilespmem:s5+$0xFFFFFE90]  }
0x52: {  	v17 =	vor.u32 s20, v1;
	[tilespmem:v19+s26+$0x0] =	vst.idx.msk $0xffff, v18;
	v16 =	vld [tilespmem:s5+$0xFFFFFF10]  }
0x53: {  	v19 =	vor.u32 s10, v1;
	v18 =	vld [tilespmem:s5+$0xFFFFFF90];
	[tilespmem:v11+s26+$0x0] =	vst.idx.msk $0xffff, v10  }
0x54: {  	[tilespmem:v13+s26+$0x0] =	vst.idx.msk $0xffff, v12;
	v10 =	vld [tilespmem:s5+$0x10];
	v11 =	vor.u32 s9, v1  }
0x55: {  	v12 =	vld [tilespmem:s5+$0x90];
	v13 =	vor.u32 s12, v1;
	[tilespmem:v9+s26+$0x0] =	vst.idx.msk $0xffff, v8  }
0x56: {  	[tilespmem:v15+s26+$0x0] =	vst.idx.msk $0xffff, v14;
	v14 =	vld [tilespmem:s5+$0x110];
	v15 =	vor.u32 s21, v1  }
0x57: {  	v9 =	vor.u32 s22, v2;
	[tilespmem:v17+s26+$0x0] =	vst.idx.msk $0xffff, v16;
	v8 =	vld [tilespmem:s5+$0x1A0]  }
0x58: {  	v16 =	vld [tilespmem:s5+$0xFFFFFE10];
	v17 =	vor.u32 s13, v1;
	[tilespmem:v19+s26+$0x0] =	vst.idx.msk $0xffff, v18  }
0x59: {  	v19 =	vor.u32 s11, v2;
	v18 =	vld [tilespmem:s5+$0xFFFFFEA0];
	[tilespmem:v11+s26+$0x0] =	vst.idx.msk $0xffff, v10  }
0x5a: {  	v10 =	vld [tilespmem:s5+$0xFFFFFF20];
	v11 =	vor.u32 s20, v2;
	[tilespmem:v13+s26+$0x0] =	vst.idx.msk $0xffff, v12  }
0x5b: {  	v12 =	vld [tilespmem:s5+$0xFFFFFFA0];
	v13 =	vor.u32 s10, v2;
	[tilespmem:v15+s26+$0x0] =	vst.idx.msk $0xffff, v14  }
0x5c: {  	v14 =	vld [tilespmem:s5+$0x20];
	v15 =	vor.u32 s9, v2;
	[tilespmem:v9+s26+$0x0] =	vst.idx.msk $0xffff, v8  }
0x5d: {  	[tilespmem:v17+s26+$0x0] =	vst.idx.msk $0xffff, v16;
	v9 =	vor.u32 s22, v3;
	v8 =	vld [tilespmem:s5+$0x1B0]  }
0x5e: {  	v16 =	vld [tilespmem:s5+$0xA0];
	v17 =	vor.u32 s12, v2;
	[tilespmem:v19+s26+$0x0] =	vst.idx.msk $0xffff, v18  }
0x5f: {  	v18 =	vld [tilespmem:s5+$0x120];
	v19 =	vor.u32 s21, v2;
	[tilespmem:v11+s26+$0x0] =	vst.idx.msk $0xffff, v10  }
0x60: {  	v10 =	vld [tilespmem:s5+$0xFFFFFE20];
	v11 =	vor.u32 s13, v2;
	[tilespmem:v13+s26+$0x0] =	vst.idx.msk $0xffff, v12  }
0x61: {  	v12 =	vld [tilespmem:s5+$0xFFFFFEB0];
	v13 =	vor.u32 s11, v3;
	[tilespmem:v15+s26+$0x0] =	vst.idx.msk $0xffff, v14  }
0x62: {  	v14 =	vld [tilespmem:s5+$0xFFFFFF30];
	v15 =	vor.u32 s20, v3;
	[tilespmem:v9+s26+$0x0] =	vst.idx.msk $0xffff, v8  }
0x63: {  	[tilespmem:v17+s26+$0x0] =	vst.idx.msk $0xffff, v16;
	v9 =	vor.u32 s22, v4;
	v8 =	vld [tilespmem:s5+$0x1C0]  }
0x64: {  	v16 =	vld [tilespmem:s5+$0xFFFFFFB0];
	v17 =	vor.u32 s10, v3;
	[tilespmem:v19+s26+$0x0] =	vst.idx.msk $0xffff, v18  }
0x65: {  	v18 =	vld [tilespmem:s5+$0x30];
	v19 =	vor.u32 s9, v3;
	[tilespmem:v11+s26+$0x0] =	vst.idx.msk $0xffff, v10  }
0x66: {  	[tilespmem:v13+s26+$0x0] =	vst.idx.msk $0xffff, v12;
	v10 =	vld [tilespmem:s5+$0xB0];
	v11 =	vor.u32 s12, v3  }
0x67: {  	v12 =	vld [tilespmem:s5+$0x130];
	v13 =	vor.u32 s21, v3;
	[tilespmem:v15+s26+$0x0] =	vst.idx.msk $0xffff, v14  }
0x68: {  	v14 =	vld [tilespmem:s5+$0xFFFFFE30];
	v15 =	vor.u32 s13, v3;
	[tilespmem:v9+s26+$0x0] =	vst.idx.msk $0xffff, v8  }
0x69: {  	[tilespmem:v17+s26+$0x0] =	vst.idx.msk $0xffff, v16;
	v9 =	vor.u32 s22, v5;
	v8 =	vld [tilespmem:s5+$0x1D0]  }
0x6a: {  	v16 =	vld [tilespmem:s5+$0xFFFFFEC0];
	v17 =	vor.u32 s11, v4;
	[tilespmem:v19+s26+$0x0] =	vst.idx.msk $0xffff, v18  }
0x6b: {  	v18 =	vld [tilespmem:s5+$0xFFFFFF40];
	v19 =	vor.u32 s20, v4;
	[tilespmem:v11+s26+$0x0] =	vst.idx.msk $0xffff, v10  }
0x6c: {  	v10 =	vld [tilespmem:s5+$0xFFFFFFC0];
	v11 =	vor.u32 s10, v4;
	[tilespmem:v13+s26+$0x0] =	vst.idx.msk $0xffff, v12  }
0x6d: {  	v12 =	vld [tilespmem:s5+$0x40];
	v13 =	vor.u32 s9, v4;
	[tilespmem:v15+s26+$0x0] =	vst.idx.msk $0xffff, v14  }
0x6e: {  	v14 =	vld [tilespmem:s5+$0xC0];
	v15 =	vor.u32 s12, v4;
	[tilespmem:v9+s26+$0x0] =	vst.idx.msk $0xffff, v8  }
0x6f: {  	[tilespmem:v17+s26+$0x0] =	vst.idx.msk $0xffff, v16;
	v9 =	vor.u32 s22, v6;
	v8 =	vld [tilespmem:s5+$0x1E0]  }
0x70: {  	v16 =	vld [tilespmem:s5+$0x140];
	v17 =	vor.u32 s21, v4;
	[tilespmem:v19+s26+$0x0] =	vst.idx.msk $0xffff, v18  }
0x71: {  	v18 =	vld [tilespmem:s5+$0xFFFFFE40];
	v19 =	vor.u32 s13, v4;
	[tilespmem:v11+s26+$0x0] =	vst.idx.msk $0xffff, v10  }
0x72: {  	v10 =	vld [tilespmem:s5+$0xFFFFFED0];
	v11 =	vor.u32 s11, v5;
	[tilespmem:v13+s26+$0x0] =	vst.idx.msk $0xffff, v12  }
0x73: {  	v12 =	vld [tilespmem:s5+$0xFFFFFF50];
	v13 =	vor.u32 s20, v5;
	[tilespmem:v15+s26+$0x0] =	vst.idx.msk $0xffff, v14  }
0x74: {  	v14 =	vld [tilespmem:s5+$0xFFFFFFD0];
	v15 =	vor.u32 s10, v5;
	[tilespmem:v9+s26+$0x0] =	vst.idx.msk $0xffff, v8  }
0x75: {  	[tilespmem:v17+s26+$0x0] =	vst.idx.msk $0xffff, v16;
	v9 =	vor.u32 s22, v7;
	v8 =	vld [tilespmem:s5+$0x1F0]  }
0x76: {  	v16 =	vld [tilespmem:s5+$0x50];
	v17 =	vor.u32 s9, v5;
	[tilespmem:v19+s26+$0x0] =	vst.idx.msk $0xffff, v18  }
0x77: {  	v18 =	vld [tilespmem:s5+$0xD0];
	v19 =	vor.u32 s12, v5;
	[tilespmem:v11+s26+$0x0] =	vst.idx.msk $0xffff, v10  }
0x78: {  	v10 =	vld [tilespmem:s5+$0xFFFFFE50];
	v11 =	vor.u32 s13, v5;
	[tilespmem:v13+s26+$0x0] =	vst.idx.msk $0xffff, v12  }
0x79: {  	v13 =	vor.u32 s11, v6;
	v12 =	vld [tilespmem:s5+$0xFFFFFEE0];
	[tilespmem:v15+s26+$0x0] =	vst.idx.msk $0xffff, v14  }
0x7a: {  	[tilespmem:v9+s26+$0x0] =	vst.idx.msk $0xffff, v8;
	v8 =	vld [tilespmem:s5+$0x150];
	v9 =	vor.u32 s21, v5  }
0x7b: {  	v14 =	vld [tilespmem:s5+$0xFFFFFF60];
	v15 =	vor.u32 s20, v6;
	[tilespmem:v17+s26+$0x0] =	vst.idx.msk $0xffff, v16  }
0x7c: {  	v17 =	vor.u32 s10, v6;
	v16 =	vld [tilespmem:s5+$0xFFFFFFE0];
	[tilespmem:v19+s26+$0x0] =	vst.idx.msk $0xffff, v18  }
0x7d: {  	v18 =	vld [tilespmem:s5+$0x60];
	v19 =	vor.u32 s9, v6;
	[tilespmem:v11+s26+$0x0] =	vst.idx.msk $0xffff, v10  }
0x7e: {  	v20 =	vor.u32 s13, v6;
	[tilespmem:v13+s26+$0x0] =	vst.idx.msk $0xffff, v12;
	v13 =	vld [tilespmem:s5+$0xFFFFFE60]  }
0x7f: {  	[tilespmem:v9+s26+$0x0] =	vst.idx.msk $0xffff, v8;
	v8 =	vld [tilespmem:s5+$0xE0];
	v9 =	vor.u32 s12, v6  }
0x80: {  	v12 =	vor.u32 s21, v6;
	[tilespmem:v15+s26+$0x0] =	vst.idx.msk $0xffff, v14;
	v10 =	vld [tilespmem:s5+$0x160]  }
0x81: {  	v22 =	vor.u32 s11, v7;
	v21 =	vld [tilespmem:s5+$0xFFFFFEF0];
	[tilespmem:v17+s26+$0x0] =	vst.idx.msk $0xffff, v16  }
0x82: {  	v24 =	vor.u32 s20, v7;
	v23 =	vld [tilespmem:s5+$0xFFFFFF70];
	[tilespmem:v19+s26+$0x0] =	vst.idx.msk $0xffff, v18  }
0x83: {  	v17 =	vor.u32 s10, v7;
	v15 =	vld [tilespmem:s5+$0xFFFFFFF0];
	[tilespmem:v20+s26+$0x0] =	vst.idx.msk $0xffff, v13  }
0x84: {  	v16 =	vor.u32 s9, v7;
	v11 =	vld [tilespmem:s5+$0x70];
	[tilespmem:v9+s26+$0x0] =	vst.idx.msk $0xffff, v8  }
0x85: {  	v14 =	vor.u32 s12, v7;
	[tilespmem:v12+s26+$0x0] =	vst.idx.msk $0xffff, v10;
	v8 =	vld [tilespmem:s5+$0xF0]  }
0x86: {  	s23 =	simm.s32 $0x10;
	[tilespmem:v22+s26+$0x0] =	vst.idx.msk $0xffff, v21;
	v12 =	vor.u32 s21, v7;
	v9 =	vld [tilespmem:s5+$0x170]  }
0x87: {  	s20 =	simm.s32 $0x8;
	s22 =	simm.s32 $0xF;
	v13 =	vor.u32 s13, v7;
	[tilespmem:v24+s26+$0x0] =	vst.idx.msk $0xffff, v23;
	v10 =	vld [tilespmem:s5+$0xFFFFFE70];
	s21 =	simm.s32 $0x600  }
.LBB2_4:
0x88: {  	p2 =	slt.u32 s23, $0x38;
	s5 =	sadd.s32 $0x1, s20;
	v18 =	vld [tilespmem:s21+$0x180];
	v19 =	vor.u32 s22, v0;
	[tilespmem:v17+s26+$0x0] =	vst.idx.msk $0xffff, v15;
	s24 =	smov.u32 s20  }
0x89: {  	s20 =	smov.u32 s23;
	v15 =	vld [tilespmem:s21+$0xFFFFFE80];
	v17 =	vor.u32 s5, v0;
	s9 =	sadd.s32 $0x2, s24;
	[tilespmem:v16+s26+$0x0] =	vst.idx.msk $0xffff, v11  }
0x8a: {  	s10 =	sadd.s32 $0x3, s24;
	v11 =	vld [tilespmem:s21+$0xFFFFFF00];
	v16 =	vor.u32 s9, v0;
	[tilespmem:v14+s26+$0x0] =	vst.idx.msk $0xffff, v8  }
0x8b: {  	s11 =	sadd.s32 $0x4, s24;
	v14 =	vor.u32 s10, v0;
	v8 =	vld [tilespmem:s21+$0xFFFFFF80];
	[tilespmem:v12+s26+$0x0] =	vst.idx.msk $0xffff, v9  }
0x8c: {  	s12 =	sadd.s32 $0x5, s24;
	v12 =	vor.u32 s11, v0;
	v9 =	vld [tilespmem:s21+$0x0];
	[tilespmem:v13+s26+$0x0] =	vst.idx.msk $0xffff, v10  }
0x8d: {  	v13 =	vor.u32 s12, v0;
	v10 =	vld [tilespmem:s21+$0x80];
	[tilespmem:v19+s26+$0x0] =	vst.idx.msk $0xffff, v18  }
0x8e: {  	s13 =	sadd.s32 $0x6, s24;
	[tilespmem:v17+s26+$0x0] =	vst.idx.msk $0xffff, v15;
	v15 =	vld [tilespmem:s21+$0x190];
	v17 =	vor.u32 s22, v1  }
0x8f: {  	[tilespmem:v16+s26+$0x0] =	vst.idx.msk $0xffff, v11;
	v11 =	vld [tilespmem:s21+$0x100];
	v16 =	vor.u32 s13, v0  }
0x90: {  	v19 =	vor.u32 s24, v0;
	v18 =	vld [tilespmem:s21+$0xFFFFFE00];
	[tilespmem:v14+s26+$0x0] =	vst.idx.msk $0xffff, v8  }
0x91: {  	v14 =	vor.u32 s5, v1;
	v8 =	vld [tilespmem:s21+$0xFFFFFE90];
	[tilespmem:v12+s26+$0x0] =	vst.idx.msk $0xffff, v9  }
0x92: {  	v12 =	vor.u32 s9, v1;
	v9 =	vld [tilespmem:s21+$0xFFFFFF10];
	[tilespmem:v13+s26+$0x0] =	vst.idx.msk $0xffff, v10  }
0x93: {  	v13 =	vor.u32 s10, v1;
	v10 =	vld [tilespmem:s21+$0xFFFFFF90];
	[tilespmem:v17+s26+$0x0] =	vst.idx.msk $0xffff, v15  }
0x94: {  	v15 =	vor.u32 s22, v2;
	[tilespmem:v16+s26+$0x0] =	vst.idx.msk $0xffff, v11;
	v11 =	vld [tilespmem:s21+$0x1A0]  }
0x95: {  	v17 =	vor.u32 s11, v1;
	[tilespmem:v19+s26+$0x0] =	vst.idx.msk $0xffff, v18;
	v16 =	vld [tilespmem:s21+$0x10]  }
0x96: {  	[tilespmem:v14+s26+$0x0] =	vst.idx.msk $0xffff, v8;
	v8 =	vld [tilespmem:s21+$0x90];
	v14 =	vor.u32 s12, v1  }
0x97: {  	[tilespmem:v12+s26+$0x0] =	vst.idx.msk $0xffff, v9;
	v9 =	vld [tilespmem:s21+$0x110];
	v12 =	vor.u32 s13, v1  }
0x98: {  	v19 =	vor.u32 s24, v1;
	v18 =	vld [tilespmem:s21+$0xFFFFFE10];
	[tilespmem:v13+s26+$0x0] =	vst.idx.msk $0xffff, v10  }
0x99: {  	v13 =	vor.u32 s5, v2;
	v10 =	vld [tilespmem:s21+$0xFFFFFEA0];
	[tilespmem:v15+s26+$0x0] =	vst.idx.msk $0xffff, v11  }
0x9a: {  	v15 =	vor.u32 s22, v3;
	[tilespmem:v17+s26+$0x0] =	vst.idx.msk $0xffff, v16;
	v11 =	vld [tilespmem:s21+$0x1B0]  }
0x9b: {  	v17 =	vor.u32 s9, v2;
	v16 =	vld [tilespmem:s21+$0xFFFFFF20];
	[tilespmem:v14+s26+$0x0] =	vst.idx.msk $0xffff, v8  }
0x9c: {  	v14 =	vor.u32 s10, v2;
	v8 =	vld [tilespmem:s21+$0xFFFFFFA0];
	[tilespmem:v12+s26+$0x0] =	vst.idx.msk $0xffff, v9  }
0x9d: {  	v12 =	vor.u32 s11, v2;
	[tilespmem:v19+s26+$0x0] =	vst.idx.msk $0xffff, v18;
	v9 =	vld [tilespmem:s21+$0x20]  }
0x9e: {  	[tilespmem:v13+s26+$0x0] =	vst.idx.msk $0xffff, v10;
	v10 =	vld [tilespmem:s21+$0xA0];
	v13 =	vor.u32 s12, v2  }
0x9f: {  	v19 =	vor.u32 s13, v2;
	v18 =	vld [tilespmem:s21+$0x120];
	[tilespmem:v15+s26+$0x0] =	vst.idx.msk $0xffff, v11  }
0xa0: {  	v15 =	vor.u32 s22, v4;
	[tilespmem:v17+s26+$0x0] =	vst.idx.msk $0xffff, v16;
	v11 =	vld [tilespmem:s21+$0x1C0]  }
0xa1: {  	v17 =	vor.u32 s24, v2;
	v16 =	vld [tilespmem:s21+$0xFFFFFE20];
	[tilespmem:v14+s26+$0x0] =	vst.idx.msk $0xffff, v8  }
0xa2: {  	v14 =	vor.u32 s5, v3;
	v8 =	vld [tilespmem:s21+$0xFFFFFEB0];
	[tilespmem:v12+s26+$0x0] =	vst.idx.msk $0xffff, v9  }
0xa3: {  	v12 =	vor.u32 s9, v3;
	v9 =	vld [tilespmem:s21+$0xFFFFFF30];
	[tilespmem:v13+s26+$0x0] =	vst.idx.msk $0xffff, v10  }
0xa4: {  	v13 =	vor.u32 s10, v3;
	v10 =	vld [tilespmem:s21+$0xFFFFFFB0];
	[tilespmem:v19+s26+$0x0] =	vst.idx.msk $0xffff, v18  }
0xa5: {  	v19 =	vor.u32 s11, v3;
	v18 =	vld [tilespmem:s21+$0x30];
	[tilespmem:v15+s26+$0x0] =	vst.idx.msk $0xffff, v11  }
0xa6: {  	v15 =	vor.u32 s22, v5;
	[tilespmem:v17+s26+$0x0] =	vst.idx.msk $0xffff, v16;
	v11 =	vld [tilespmem:s21+$0x1D0]  }
0xa7: {  	[tilespmem:v14+s26+$0x0] =	vst.idx.msk $0xffff, v8;
	v8 =	vld [tilespmem:s21+$0xB0];
	v14 =	vor.u32 s12, v3  }
0xa8: {  	[tilespmem:v12+s26+$0x0] =	vst.idx.msk $0xffff, v9;
	v9 =	vld [tilespmem:s21+$0x130];
	v12 =	vor.u32 s13, v3  }
0xa9: {  	v17 =	vor.u32 s24, v3;
	v16 =	vld [tilespmem:s21+$0xFFFFFE30];
	[tilespmem:v13+s26+$0x0] =	vst.idx.msk $0xffff, v10  }
0xaa: {  	v13 =	vor.u32 s5, v4;
	v10 =	vld [tilespmem:s21+$0xFFFFFEC0];
	[tilespmem:v19+s26+$0x0] =	vst.idx.msk $0xffff, v18  }
0xab: {  	v19 =	vor.u32 s9, v4;
	v18 =	vld [tilespmem:s21+$0xFFFFFF40];
	[tilespmem:v15+s26+$0x0] =	vst.idx.msk $0xffff, v11  }
0xac: {  	v11 =	vor.u32 s22, v6;
	[tilespmem:v14+s26+$0x0] =	vst.idx.msk $0xffff, v8;
	v8 =	vld [tilespmem:s21+$0x1E0]  }
0xad: {  	v15 =	vor.u32 s10, v4;
	v14 =	vld [tilespmem:s21+$0xFFFFFFC0];
	[tilespmem:v12+s26+$0x0] =	vst.idx.msk $0xffff, v9  }
0xae: {  	v12 =	vor.u32 s11, v4;
	[tilespmem:v17+s26+$0x0] =	vst.idx.msk $0xffff, v16;
	v9 =	vld [tilespmem:s21+$0x40]  }
0xaf: {  	[tilespmem:v13+s26+$0x0] =	vst.idx.msk $0xffff, v10;
	v10 =	vld [tilespmem:s21+$0xC0];
	v13 =	vor.u32 s12, v4  }
0xb0: {  	v17 =	vor.u32 s13, v4;
	[tilespmem:v19+s26+$0x0] =	vst.idx.msk $0xffff, v18;
	v16 =	vld [tilespmem:s21+$0x140]  }
0xb1: {  	v19 =	vor.u32 s24, v4;
	v18 =	vld [tilespmem:s21+$0xFFFFFE40];
	[tilespmem:v11+s26+$0x0] =	vst.idx.msk $0xffff, v8  }
0xb2: {  	v11 =	vor.u32 s22, v7;
	[tilespmem:v15+s26+$0x0] =	vst.idx.msk $0xffff, v14;
	v8 =	vld [tilespmem:s21+$0x1F0]  }
0xb3: {  	v15 =	vor.u32 s5, v5;
	v14 =	vld [tilespmem:s21+$0xFFFFFED0];
	[tilespmem:v12+s26+$0x0] =	vst.idx.msk $0xffff, v9  }
0xb4: {  	v12 =	vor.u32 s9, v5;
	v9 =	vld [tilespmem:s21+$0xFFFFFF50];
	[tilespmem:v13+s26+$0x0] =	vst.idx.msk $0xffff, v10  }
0xb5: {  	v13 =	vor.u32 s10, v5;
	v10 =	vld [tilespmem:s21+$0xFFFFFFD0];
	[tilespmem:v17+s26+$0x0] =	vst.idx.msk $0xffff, v16  }
0xb6: {  	v17 =	vor.u32 s11, v5;
	[tilespmem:v19+s26+$0x0] =	vst.idx.msk $0xffff, v18;
	v16 =	vld [tilespmem:s21+$0x50]  }
0xb7: {  	v19 =	vor.u32 s12, v5;
	v18 =	vld [tilespmem:s21+$0xD0];
	[tilespmem:v11+s26+$0x0] =	vst.idx.msk $0xffff, v8  }
0xb8: {  	v11 =	vor.u32 s13, v5;
	[tilespmem:v15+s26+$0x0] =	vst.idx.msk $0xffff, v14;
	v8 =	vld [tilespmem:s21+$0x150]  }
0xb9: {  	v15 =	vor.u32 s24, v5;
	v14 =	vld [tilespmem:s21+$0xFFFFFE50];
	[tilespmem:v12+s26+$0x0] =	vst.idx.msk $0xffff, v9  }
0xba: {  	v12 =	vor.u32 s5, v6;
	v9 =	vld [tilespmem:s21+$0xFFFFFEE0];
	[tilespmem:v13+s26+$0x0] =	vst.idx.msk $0xffff, v10  }
0xbb: {  	v13 =	vor.u32 s9, v6;
	v10 =	vld [tilespmem:s21+$0xFFFFFF60];
	[tilespmem:v17+s26+$0x0] =	vst.idx.msk $0xffff, v16  }
0xbc: {  	v17 =	vor.u32 s10, v6;
	v16 =	vld [tilespmem:s21+$0xFFFFFFE0];
	[tilespmem:v19+s26+$0x0] =	vst.idx.msk $0xffff, v18  }
0xbd: {  	v19 =	vor.u32 s11, v6;
	v18 =	vld [tilespmem:s21+$0x60];
	[tilespmem:v11+s26+$0x0] =	vst.idx.msk $0xffff, v8  }
0xbe: {  	v11 =	vor.u32 s12, v6;
	[tilespmem:v15+s26+$0x0] =	vst.idx.msk $0xffff, v14;
	v8 =	vld [tilespmem:s21+$0xE0]  }
0xbf: {  	[tilespmem:v12+s26+$0x0] =	vst.idx.msk $0xffff, v9;
	v9 =	vld [tilespmem:s21+$0x160];
	v12 =	vor.u32 s13, v6  }
0xc0: {  	v20 =	vor.u32 s24, v6;
	v14 =	vld [tilespmem:s21+$0xFFFFFE60];
	[tilespmem:v13+s26+$0x0] =	vst.idx.msk $0xffff, v10  }
0xc1: {  	v13 =	vor.u32 s5, v7;
	v10 =	vld [tilespmem:s21+$0xFFFFFEF0];
	[tilespmem:v17+s26+$0x0] =	vst.idx.msk $0xffff, v16  }
0xc2: {  	v22 =	vor.u32 s9, v7;
	v21 =	vld [tilespmem:s21+$0xFFFFFF70];
	[tilespmem:v19+s26+$0x0] =	vst.idx.msk $0xffff, v18  }
.Ltmp5:
0xc3: {  	v17 =	vor.u32 s10, v7;
	v15 =	vld [tilespmem:s21+$0xFFFFFFF0];
	[tilespmem:v11+s26+$0x0] =	vst.idx.msk $0xffff, v8;
	(pc) =	sbr.rel @p2 .LBB2_4-.Ltmp5, $4  }
0xc4: {  	v16 =	vor.u32 s11, v7;
	v11 =	vld [tilespmem:s21+$0x70];
	[tilespmem:v12+s26+$0x0] =	vst.idx.msk $0xffff, v9  }
0xc5: {  	[tilespmem:v20+s26+$0x0] =	vst.idx.msk $0xffff, v14;
	v8 =	vld [tilespmem:s21+$0xF0];
	v14 =	vor.u32 s12, v7  }
0xc6: {  	v12 =	vor.u32 s13, v7;
	[tilespmem:v13+s26+$0x0] =	vst.idx.msk $0xffff, v10;
	v9 =	vld [tilespmem:s21+$0x170]  }
0xc7: {  	s23 =	sadd.s32 $0x8, s23;
	s22 =	sadd.s32 $0x7, s20;
	v13 =	vor.u32 s24, v7;
	v10 =	vld [tilespmem:s21+$0xFFFFFE70];
	[tilespmem:v22+s26+$0x0] =	vst.idx.msk $0xffff, v21;
	s21 =	sadd.s32 $0x400, s21  }
0xc8: {  	_ =	sdelay $0x3  }
0xc9: {  	v18 =	vld [tilespmem:s21+$0x180];
	v19 =	vor.u32 s22, v0;
	[tilespmem:v17+s26+$0x0] =	vst.idx.msk $0xffff, v15  }
0xca: {  	s5 =	sadd.s32 $0x1, s20;
	v55 =	vld [tilespmem:s21+$0xFFFFFE00];
	v56 =	vor.u32 s20, v0;
	[tilespmem:v16+s26+$0x0] =	vst.idx.msk $0xffff, v11  }
0xcb: {  	v42 =	vld [tilespmem:s21+$0xFFFFFE80];
	s9 =	sadd.s32 $0x2, s20;
	v43 =	vor.u32 s5, v0;
	[tilespmem:v14+s26+$0x0] =	vst.idx.msk $0xffff, v8  }
0xcc: {  	v44 =	vld [tilespmem:s21+$0xFFFFFF00];
	s11 =	sadd.s32 $0x4, s20;
	v45 =	vor.u32 s9, v0;
	[tilespmem:v12+s26+$0x0] =	vst.idx.msk $0xffff, v9  }
0xcd: {  	s10 =	sadd.s32 $0x3, s20;
	v47 =	vld [tilespmem:s21+$0x0];
	v48 =	vor.u32 s11, v0;
	[tilespmem:v13+s26+$0x0] =	vst.idx.msk $0xffff, v10  }
0xce: {  	s12 =	sadd.s32 $0x5, s20;
	v46 =	vor.u32 s10, v0;
	v8 =	vld [tilespmem:s21+$0xFFFFFF80];
	[tilespmem:v19+s26+$0x0] =	vst.idx.msk $0xffff, v18  }
0xcf: {  	v49 =	vld [tilespmem:s21+$0x80];
	s13 =	sadd.s32 $0x6, s20;
	v50 =	vor.u32 s12, v0;
	[tilespmem:v56+s26+$0x0] =	vst.idx.msk $0xffff, v55  }
0xd0: {  	v53 =	vld [tilespmem:s21+$0x100];
	v54 =	vor.u32 s13, v0;
	[tilespmem:v43+s26+$0x0] =	vst.idx.msk $0xffff, v42  }
0xd1: {  	v52 =	vor.u32 s22, v1;
	v51 =	vld [tilespmem:s21+$0x190];
	[tilespmem:v45+s26+$0x0] =	vst.idx.msk $0xffff, v44  }
0xd2: {  	v26 =	vor.u32 s20, v1;
	[tilespmem:v48+s26+$0x0] =	vst.idx.msk $0xffff, v47;
	v18 =	vld [tilespmem:s21+$0xFFFFFE10]  }
0xd3: {  	v57 =	vor.u32 s5, v1;
	[tilespmem:v46+s26+$0x0] =	vst.idx.msk $0xffff, v8;
	v8 =	vld [tilespmem:s21+$0xFFFFFE90]  }
0xd4: {  	v59 =	vor.u32 s9, v1;
	[tilespmem:v50+s26+$0x0] =	vst.idx.msk $0xffff, v49;
	v58 =	vld [tilespmem:s21+$0xFFFFFF10]  }
0xd5: {  	v22 =	vor.u32 s11, v1;
	[tilespmem:v54+s26+$0x0] =	vst.idx.msk $0xffff, v53;
	v21 =	vld [tilespmem:s21+$0x10]  }
0xd6: {  	v25 =	vor.u32 s13, v1;
	v24 =	vld [tilespmem:s21+$0x110];
	[tilespmem:v52+s26+$0x0] =	vst.idx.msk $0xffff, v51  }
0xd7: {  	v61 =	vor.u32 s10, v1;
	v60 =	vld [tilespmem:s21+$0xFFFFFF90];
	[tilespmem:v26+s26+$0x0] =	vst.idx.msk $0xffff, v18  }
0xd8: {  	v63 =	vor.u32 s22, v2;
	v62 =	vld [tilespmem:s21+$0x1A0];
	[tilespmem:v57+s26+$0x0] =	vst.idx.msk $0xffff, v8  }
0xd9: {  	v23 =	vor.u32 s12, v1;
	v8 =	vld [tilespmem:s21+$0x90];
	[tilespmem:v59+s26+$0x0] =	vst.idx.msk $0xffff, v58  }
0xda: {  	v41 =	vor.u32 s20, v2;
	[tilespmem:v22+s26+$0x0] =	vst.idx.msk $0xffff, v21;
	v40 =	vld [tilespmem:s21+$0xFFFFFE20]  }
0xdb: {  	v28 =	vor.u32 s5, v2;
	[tilespmem:v25+s26+$0x0] =	vst.idx.msk $0xffff, v24;
	v27 =	vld [tilespmem:s21+$0xFFFFFEA0]  }
0xdc: {  	v31 =	vor.u32 s9, v2;
	[tilespmem:v61+s26+$0x0] =	vst.idx.msk $0xffff, v60;
	v30 =	vld [tilespmem:s21+$0xFFFFFF20]  }
0xdd: {  	v34 =	vor.u32 s11, v2;
	v33 =	vld [tilespmem:s21+$0x20];
	[tilespmem:v63+s26+$0x0] =	vst.idx.msk $0xffff, v62  }
0xde: {  	v38 =	vor.u32 s13, v2;
	v37 =	vld [tilespmem:s21+$0x120];
	[tilespmem:v23+s26+$0x0] =	vst.idx.msk $0xffff, v8  }
0xdf: {  	v29 =	vor.u32 s22, v3;
	[tilespmem:v41+s26+$0x0] =	vst.idx.msk $0xffff, v40;
	v11 =	vld [tilespmem:s21+$0x1B0]  }
0xe0: {  	v32 =	vor.u32 s10, v2;
	v8 =	vld [tilespmem:s21+$0xFFFFFFA0];
	[tilespmem:v28+s26+$0x0] =	vst.idx.msk $0xffff, v27  }
0xe1: {  	v36 =	vor.u32 s12, v2;
	v35 =	vld [tilespmem:s21+$0xA0];
	[tilespmem:v31+s26+$0x0] =	vst.idx.msk $0xffff, v30  }
0xe2: {  	v53 =	vor.u32 s20, v3;
	[tilespmem:v34+s26+$0x0] =	vst.idx.msk $0xffff, v33;
	v16 =	vld [tilespmem:s21+$0xFFFFFE30]  }
0xe3: {  	v44 =	vor.u32 s9, v3;
	[tilespmem:v38+s26+$0x0] =	vst.idx.msk $0xffff, v37;
	v43 =	vld [tilespmem:s21+$0xFFFFFF30]  }
0xe4: {  	v48 =	vor.u32 s11, v3;
	v47 =	vld [tilespmem:s21+$0x30];
	[tilespmem:v29+s26+$0x0] =	vst.idx.msk $0xffff, v11  }
0xe5: {  	v39 =	vor.u32 s22, v4;
	[tilespmem:v32+s26+$0x0] =	vst.idx.msk $0xffff, v8;
	v11 =	vld [tilespmem:s21+$0x1C0]  }
0xe6: {  	v52 =	vor.u32 s13, v3;
	v51 =	vld [tilespmem:s21+$0x130];
	[tilespmem:v36+s26+$0x0] =	vst.idx.msk $0xffff, v35  }
0xe7: {  	v42 =	vor.u32 s5, v3;
	v8 =	vld [tilespmem:s21+$0xFFFFFEB0];
	[tilespmem:v53+s26+$0x0] =	vst.idx.msk $0xffff, v16  }
0xe8: {  	v46 =	vor.u32 s10, v3;
	v45 =	vld [tilespmem:s21+$0xFFFFFFB0];
	[tilespmem:v44+s26+$0x0] =	vst.idx.msk $0xffff, v43  }
0xe9: {  	v25 =	vor.u32 s20, v4;
	[tilespmem:v48+s26+$0x0] =	vst.idx.msk $0xffff, v47;
	v24 =	vld [tilespmem:s21+$0xFFFFFE40]  }
0xea: {  	v57 =	vor.u32 s9, v4;
	v56 =	vld [tilespmem:s21+$0xFFFFFF40];
	[tilespmem:v39+s26+$0x0] =	vst.idx.msk $0xffff, v11  }
0xeb: {  	v49 =	vor.u32 s22, v5;
	[tilespmem:v52+s26+$0x0] =	vst.idx.msk $0xffff, v51;
	v11 =	vld [tilespmem:s21+$0x1D0]  }
0xec: {  	v50 =	vor.u32 s12, v3;
	[tilespmem:v42+s26+$0x0] =	vst.idx.msk $0xffff, v8;
	v8 =	vld [tilespmem:s21+$0xB0]  }
0xed: {  	v62 =	vor.u32 s11, v4;
	v61 =	vld [tilespmem:s21+$0x40];
	[tilespmem:v46+s26+$0x0] =	vst.idx.msk $0xffff, v45  }
0xee: {  	v23 =	vor.u32 s13, v4;
	v22 =	vld [tilespmem:s21+$0x140];
	[tilespmem:v25+s26+$0x0] =	vst.idx.msk $0xffff, v24  }
0xef: {  	v55 =	vor.u32 s5, v4;
	v54 =	vld [tilespmem:s21+$0xFFFFFEC0];
	[tilespmem:v57+s26+$0x0] =	vst.idx.msk $0xffff, v56  }
0xf0: {  	v60 =	vor.u32 s10, v4;
	v59 =	vld [tilespmem:s21+$0xFFFFFFC0];
	[tilespmem:v49+s26+$0x0] =	vst.idx.msk $0xffff, v11  }
0xf1: {  	v58 =	vor.u32 s22, v6;
	[tilespmem:v50+s26+$0x0] =	vst.idx.msk $0xffff, v8;
	v8 =	vld [tilespmem:s21+$0x1E0]  }
0xf2: {  	v39 =	vor.u32 s20, v5;
	[tilespmem:v62+s26+$0x0] =	vst.idx.msk $0xffff, v61;
	v38 =	vld [tilespmem:s21+$0xFFFFFE50]  }
0xf3: {  	v30 =	vor.u32 s9, v5;
	[tilespmem:v23+s26+$0x0] =	vst.idx.msk $0xffff, v22;
	v29 =	vld [tilespmem:s21+$0xFFFFFF50]  }
0xf4: {  	v34 =	vor.u32 s11, v5;
	v33 =	vld [tilespmem:s21+$0x50];
	[tilespmem:v55+s26+$0x0] =	vst.idx.msk $0xffff, v54  }
0xf5: {  	v21 =	vor.u32 s12, v4;
	v63 =	vld [tilespmem:s21+$0xC0];
	[tilespmem:v60+s26+$0x0] =	vst.idx.msk $0xffff, v59  }
0xf6: {  	v28 =	vor.u32 s5, v5;
	v27 =	vld [tilespmem:s21+$0xFFFFFED0];
	[tilespmem:v58+s26+$0x0] =	vst.idx.msk $0xffff, v8  }
0xf7: {  	v26 =	vor.u32 s22, v7;
	[tilespmem:v39+s26+$0x0] =	vst.idx.msk $0xffff, v38;
	v8 =	vld [tilespmem:s21+$0x1F0]  }
0xf8: {  	v32 =	vor.u32 s10, v5;
	v31 =	vld [tilespmem:s21+$0xFFFFFFD0];
	[tilespmem:v30+s26+$0x0] =	vst.idx.msk $0xffff, v29  }
0xf9: {  	v51 =	vor.u32 s20, v6;
	[tilespmem:v34+s26+$0x0] =	vst.idx.msk $0xffff, v33;
	v14 =	vld [tilespmem:s21+$0xFFFFFE60]  }
0xfa: {  	v43 =	vor.u32 s9, v6;
	v42 =	vld [tilespmem:s21+$0xFFFFFF60];
	[tilespmem:v21+s26+$0x0] =	vst.idx.msk $0xffff, v63  }
0xfb: {  	v36 =	vor.u32 s12, v5;
	v35 =	vld [tilespmem:s21+$0xD0];
	[tilespmem:v28+s26+$0x0] =	vst.idx.msk $0xffff, v27  }
0xfc: {  	v37 =	vor.u32 s13, v5;
	[tilespmem:v26+s26+$0x0] =	vst.idx.msk $0xffff, v8;
	v8 =	vld [tilespmem:s21+$0x150]  }
0xfd: {  	v47 =	vor.u32 s11, v6;
	v46 =	vld [tilespmem:s21+$0x60];
	[tilespmem:v32+s26+$0x0] =	vst.idx.msk $0xffff, v31  }
0xfe: {  	v41 =	vor.u32 s5, v6;
	v40 =	vld [tilespmem:s21+$0xFFFFFEE0];
	[tilespmem:v51+s26+$0x0] =	vst.idx.msk $0xffff, v14  }
0xff: {  	v45 =	vor.u32 s10, v6;
	v44 =	vld [tilespmem:s21+$0xFFFFFFE0];
	[tilespmem:v43+s26+$0x0] =	vst.idx.msk $0xffff, v42  }
0x100: {  	v63 =	vor.u32 s20, v7;
	v14 =	vld [tilespmem:s21+$0xFFFFFE70];
	[tilespmem:v36+s26+$0x0] =	vst.idx.msk $0xffff, v35  }
0x101: {  	v48 =	vor.u32 s12, v6;
	[tilespmem:v37+s26+$0x0] =	vst.idx.msk $0xffff, v8;
	v8 =	vld [tilespmem:s21+$0xE0]  }
0x102: {  	v50 =	vor.u32 s13, v6;
	[tilespmem:v47+s26+$0x0] =	vst.idx.msk $0xffff, v46;
	v49 =	vld [tilespmem:s21+$0x160]  }
0x103: {  	v55 =	vor.u32 s9, v7;
	v54 =	vld [tilespmem:s21+$0xFFFFFF70];
	[tilespmem:v41+s26+$0x0] =	vst.idx.msk $0xffff, v40  }
0x104: {  	v53 =	vor.u32 s5, v7;
	v52 =	vld [tilespmem:s21+$0xFFFFFEF0];
	[tilespmem:v45+s26+$0x0] =	vst.idx.msk $0xffff, v44  }
0x105: {  	v57 =	vor.u32 s10, v7;
	v56 =	vld [tilespmem:s21+$0xFFFFFFF0];
	[tilespmem:v63+s26+$0x0] =	vst.idx.msk $0xffff, v14  }
0x106: {  	v58 =	vor.u32 s11, v7;
	[tilespmem:v48+s26+$0x0] =	vst.idx.msk $0xffff, v8;
	v8 =	vld [tilespmem:s21+$0x70]  }
0x107: {  	v60 =	vor.u32 s12, v7;
	[tilespmem:v50+s26+$0x0] =	vst.idx.msk $0xffff, v49;
	v59 =	vld [tilespmem:s21+$0xF0]  }
0x108: {  	v62 =	vor.u32 s13, v7;
	[tilespmem:v55+s26+$0x0] =	vst.idx.msk $0xffff, v54;
	v61 =	vld [tilespmem:s21+$0x170]  }
0x109: {  	[tilespmem:v53+s26+$0x0] =	vst.idx.msk $0xffff, v52  }
0x10a: {  	s24 =	sadd.s32 s4, s19;
	[tilespmem:v57+s26+$0x0] =	vst.idx.msk $0xffff, v56  }
0x10b: {  	s5 =	sshll.u32 s24, $0xA;
	[tilespmem:v58+s26+$0x0] =	vst.idx.msk $0xffff, v8  }
0x10c: {  	s5 =	sand.u32 $0x1FFFFC00, s5;
	[tilespmem:v60+s26+$0x0] =	vst.idx.msk $0xffff, v59  }
0x10d: {  	s5 =	sadd.s32 s6, s5;
	[tilespmem:v62+s26+$0x0] =	vst.idx.msk $0xffff, v61  }
0x10e: {  	[hbm4b:s5+s3] =	stream.linear.scatter [tilespmem:s26], [sflag:$0x4], $0x2000, $0x38;
	[tilespmem:$0x8000] =	vst v63  }
0x10f: {  	_ =	swait.ge [sflag:s28], $0x2000  }
0x110: {  	[sflag:s28] =	ssyncset.done $0x0  }
0x111: {  	[sflag:s28] =	ssyncadd.s32 $0xFFFFE000  }
.LBB2_6:
0x112: {  	s5 =	sadd.s32 $0x2, s19  }
0x113: {  	p2 =	sge.u32 s5, s8  }
0x114: {  	s5 =	sadd.s32 @!p2 s4, s5  }
0x115: {  	s5 =	sshll.u32 @!p2 s5, $0x7  }
0x116: {  	s10 =	simm.s32 @!p2 $0x0;
	s9 =	sadd.s32 @!p2 s2, s5;
	s5 =	sand.u32 @!p2 $0x1FFFFF80, s5  }
0x117: {  	[tilespmem:s10], [sflag:$0x1] =	stream.linear.gather @!p2 [hbm4b:s9+s10], $0x400, $0x38;
	[tilespmem:$0x8000] =	vst v63  }
0x118: {  	s5 =	sadd.s32 @!p2 s2, s5  }
0x119: {  	s11 =	simm.s32 @!p2 $0x400;
	s9 =	sadd.s32 @!p2 $0xF4280, s5  }
0x11a: {  	[tilespmem:s11], [sflag:$0x1] =	stream.linear.gather @!p2 [hbm4b:s9+s10], $0x400, $0x38;
	[tilespmem:$0x8000] =	vst v63  }
0x11b: {  	s9 =	sadd.s32 @!p2 $0x1E8500, s5;
	s11 =	simm.s32 @!p2 $0x800  }
0x11c: {  	[tilespmem:s11], [sflag:$0x1] =	stream.linear.gather @!p2 [hbm4b:s9+s10], $0x400, $0x38;
	[tilespmem:$0x8000] =	vst v63  }
0x11d: {  	s9 =	sadd.s32 @!p2 $0x2DC780, s5;
	s11 =	simm.s32 @!p2 $0xC00  }
0x11e: {  	[tilespmem:s11], [sflag:$0x1] =	stream.linear.gather @!p2 [hbm4b:s9+s10], $0x400, $0x38;
	[tilespmem:$0x8000] =	vst v63  }
0x11f: {  	s9 =	sadd.s32 @!p2 $0x3D0A00, s5;
	s11 =	simm.s32 @!p2 $0x1000  }
0x120: {  	[tilespmem:s11], [sflag:$0x1] =	stream.linear.gather @!p2 [hbm4b:s9+s10], $0x400, $0x38;
	[tilespmem:$0x8000] =	vst v63  }
0x121: {  	s9 =	sadd.s32 @!p2 $0x4C4C80, s5;
	s11 =	simm.s32 @!p2 $0x1400  }
0x122: {  	[tilespmem:s11], [sflag:$0x1] =	stream.linear.gather @!p2 [hbm4b:s9+s10], $0x400, $0x38;
	[tilespmem:$0x8000] =	vst v63  }
.Ltmp6:
0x123: {  	_ = 	snop;
	(pc) =	sbr.rel @p1 .LBB2_10-.Ltmp6, $4  }
0x124: {  	s9 =	sadd.s32 @!p2 $0x5B8F00, s5;
	s11 =	simm.s32 @!p2 $0x1800  }
0x125: {  	[tilespmem:s11], [sflag:$0x1] =	stream.linear.gather @!p2 [hbm4b:s9+s10], $0x400, $0x38;
	[tilespmem:$0x8000] =	vst v63  }
0x126: {  	s5 =	sadd.s32 @!p2 $0x6AD180, s5;
	s9 =	simm.s32 @!p2 $0x1C00  }
0x127: {  	[tilespmem:s9], [sflag:$0x1] =	stream.linear.gather @!p2 [hbm4b:s5+s10], $0x400, $0x38;
	[tilespmem:$0x8000] =	vst v63  }
0x128: {  	_ =	swait.ge [sflag:s29], $0x2000  }
0x129: {  	[sflag:s29] =	ssyncset.done $0x0  }
0x12a: {  	s5 =	simm.s32 $0x23F0;
	s21 =	simm.s32 $0x7;
	[sflag:s29] =	ssyncadd.s32 $0xFFFFE000  }
0x12b: {  	s11 =	simm.s32 $0x1;
	v9 =	vor.u32 s21, v0;
	v8 =	vld [tilespmem:s5+$0xFFFFFF90]  }
0x12c: {  	s19 =	simm.s32 $0x2;
	v11 =	vor.u32 s11, v0;
	v10 =	vld [tilespmem:s5+$0xFFFFFC90]  }
0x12d: {  	s10 =	simm.s32 $0x3;
	v13 =	vor.u32 s19, v0;
	v12 =	vld [tilespmem:s5+$0xFFFFFD10]  }
0x12e: {  	s9 =	simm.s32 $0x4;
	v15 =	vor.u32 s10, v0;
	v14 =	vld [tilespmem:s5+$0xFFFFFD90]  }
0x12f: {  	s12 =	simm.s32 $0x5;
	v17 =	vor.u32 s9, v0;
	v16 =	vld [tilespmem:s5+$0xFFFFFE10]  }
0x130: {  	s20 =	simm.s32 $0x6;
	v19 =	vor.u32 s12, v0;
	v18 =	vld [tilespmem:s5+$0xFFFFFE90];
	[tilespmem:v9+s30+$0x0] =	vst.idx.msk $0xffff, v8  }
0x131: {  	s13 =	simm.s32 $0x0;
	[tilespmem:v11+s30+$0x0] =	vst.idx.msk $0xffff, v10;
	v10 =	vld [tilespmem:s5+$0xFFFFFF10];
	v11 =	vor.u32 s20, v0  }
0x132: {  	[tilespmem:v13+s30+$0x0] =	vst.idx.msk $0xffff, v12;
	v12 =	vld [tilespmem:s5+$0xFFFFFC10];
	v13 =	vor.u32 s13, v0  }
0x133: {  	v9 =	vor.u32 s21, v1;
	[tilespmem:v15+s30+$0x0] =	vst.idx.msk $0xffff, v14;
	v8 =	vld [tilespmem:s5+$0xFFFFFFA0]  }
0x134: {  	v15 =	vor.u32 s11, v1;
	[tilespmem:v17+s30+$0x0] =	vst.idx.msk $0xffff, v16;
	v14 =	vld [tilespmem:s5+$0xFFFFFCA0]  }
0x135: {  	v17 =	vor.u32 s19, v1;
	[tilespmem:v19+s30+$0x0] =	vst.idx.msk $0xffff, v18;
	v16 =	vld [tilespmem:s5+$0xFFFFFD20]  }
0x136: {  	v19 =	vor.u32 s10, v1;
	v18 =	vld [tilespmem:s5+$0xFFFFFDA0];
	[tilespmem:v11+s30+$0x0] =	vst.idx.msk $0xffff, v10  }
0x137: {  	[tilespmem:v13+s30+$0x0] =	vst.idx.msk $0xffff, v12;
	v10 =	vld [tilespmem:s5+$0xFFFFFE20];
	v11 =	vor.u32 s9, v1  }
0x138: {  	v12 =	vld [tilespmem:s5+$0xFFFFFEA0];
	v13 =	vor.u32 s12, v1;
	[tilespmem:v9+s30+$0x0] =	vst.idx.msk $0xffff, v8  }
0x139: {  	[tilespmem:v15+s30+$0x0] =	vst.idx.msk $0xffff, v14;
	v14 =	vld [tilespmem:s5+$0xFFFFFF20];
	v15 =	vor.u32 s20, v1  }
0x13a: {  	v9 =	vor.u32 s21, v2;
	[tilespmem:v17+s30+$0x0] =	vst.idx.msk $0xffff, v16;
	v8 =	vld [tilespmem:s5+$0xFFFFFFB0]  }
0x13b: {  	v16 =	vld [tilespmem:s5+$0xFFFFFC20];
	v17 =	vor.u32 s13, v1;
	[tilespmem:v19+s30+$0x0] =	vst.idx.msk $0xffff, v18  }
0x13c: {  	v19 =	vor.u32 s11, v2;
	v18 =	vld [tilespmem:s5+$0xFFFFFCB0];
	[tilespmem:v11+s30+$0x0] =	vst.idx.msk $0xffff, v10  }
0x13d: {  	v10 =	vld [tilespmem:s5+$0xFFFFFD30];
	v11 =	vor.u32 s19, v2;
	[tilespmem:v13+s30+$0x0] =	vst.idx.msk $0xffff, v12  }
0x13e: {  	v12 =	vld [tilespmem:s5+$0xFFFFFDB0];
	v13 =	vor.u32 s10, v2;
	[tilespmem:v15+s30+$0x0] =	vst.idx.msk $0xffff, v14  }
0x13f: {  	v14 =	vld [tilespmem:s5+$0xFFFFFE30];
	v15 =	vor.u32 s9, v2;
	[tilespmem:v9+s30+$0x0] =	vst.idx.msk $0xffff, v8  }
0x140: {  	[tilespmem:v17+s30+$0x0] =	vst.idx.msk $0xffff, v16;
	v9 =	vor.u32 s21, v3;
	v8 =	vld [tilespmem:s5+$0xFFFFFFC0]  }
0x141: {  	v16 =	vld [tilespmem:s5+$0xFFFFFEB0];
	v17 =	vor.u32 s12, v2;
	[tilespmem:v19+s30+$0x0] =	vst.idx.msk $0xffff, v18  }
0x142: {  	v18 =	vld [tilespmem:s5+$0xFFFFFF30];
	v19 =	vor.u32 s20, v2;
	[tilespmem:v11+s30+$0x0] =	vst.idx.msk $0xffff, v10  }
0x143: {  	v10 =	vld [tilespmem:s5+$0xFFFFFC30];
	v11 =	vor.u32 s13, v2;
	[tilespmem:v13+s30+$0x0] =	vst.idx.msk $0xffff, v12  }
0x144: {  	v12 =	vld [tilespmem:s5+$0xFFFFFCC0];
	v13 =	vor.u32 s11, v3;
	[tilespmem:v15+s30+$0x0] =	vst.idx.msk $0xffff, v14  }
0x145: {  	v14 =	vld [tilespmem:s5+$0xFFFFFD40];
	v15 =	vor.u32 s19, v3;
	[tilespmem:v9+s30+$0x0] =	vst.idx.msk $0xffff, v8  }
0x146: {  	[tilespmem:v17+s30+$0x0] =	vst.idx.msk $0xffff, v16;
	v9 =	vor.u32 s21, v4;
	v8 =	vld [tilespmem:s5+$0xFFFFFFD0]  }
0x147: {  	v16 =	vld [tilespmem:s5+$0xFFFFFDC0];
	v17 =	vor.u32 s10, v3;
	[tilespmem:v19+s30+$0x0] =	vst.idx.msk $0xffff, v18  }
0x148: {  	v18 =	vld [tilespmem:s5+$0xFFFFFE40];
	v19 =	vor.u32 s9, v3;
	[tilespmem:v11+s30+$0x0] =	vst.idx.msk $0xffff, v10  }
0x149: {  	[tilespmem:v13+s30+$0x0] =	vst.idx.msk $0xffff, v12;
	v10 =	vld [tilespmem:s5+$0xFFFFFEC0];
	v11 =	vor.u32 s12, v3  }
0x14a: {  	v12 =	vld [tilespmem:s5+$0xFFFFFF40];
	v13 =	vor.u32 s20, v3;
	[tilespmem:v15+s30+$0x0] =	vst.idx.msk $0xffff, v14  }
0x14b: {  	v14 =	vld [tilespmem:s5+$0xFFFFFC40];
	v15 =	vor.u32 s13, v3;
	[tilespmem:v9+s30+$0x0] =	vst.idx.msk $0xffff, v8  }
0x14c: {  	[tilespmem:v17+s30+$0x0] =	vst.idx.msk $0xffff, v16;
	v9 =	vor.u32 s21, v5;
	v8 =	vld [tilespmem:s5+$0xFFFFFFE0]  }
0x14d: {  	v16 =	vld [tilespmem:s5+$0xFFFFFCD0];
	v17 =	vor.u32 s11, v4;
	[tilespmem:v19+s30+$0x0] =	vst.idx.msk $0xffff, v18  }
0x14e: {  	v18 =	vld [tilespmem:s5+$0xFFFFFD50];
	v19 =	vor.u32 s19, v4;
	[tilespmem:v11+s30+$0x0] =	vst.idx.msk $0xffff, v10  }
0x14f: {  	v10 =	vld [tilespmem:s5+$0xFFFFFDD0];
	v11 =	vor.u32 s10, v4;
	[tilespmem:v13+s30+$0x0] =	vst.idx.msk $0xffff, v12  }
0x150: {  	v12 =	vld [tilespmem:s5+$0xFFFFFE50];
	v13 =	vor.u32 s9, v4;
	[tilespmem:v15+s30+$0x0] =	vst.idx.msk $0xffff, v14  }
0x151: {  	v14 =	vld [tilespmem:s5+$0xFFFFFED0];
	v15 =	vor.u32 s12, v4;
	[tilespmem:v9+s30+$0x0] =	vst.idx.msk $0xffff, v8  }
0x152: {  	[tilespmem:v17+s30+$0x0] =	vst.idx.msk $0xffff, v16;
	v9 =	vor.u32 s21, v6;
	v8 =	vld [tilespmem:s5+$0xFFFFFFF0]  }
0x153: {  	v16 =	vld [tilespmem:s5+$0xFFFFFF50];
	v17 =	vor.u32 s20, v4;
	[tilespmem:v19+s30+$0x0] =	vst.idx.msk $0xffff, v18  }
0x154: {  	v18 =	vld [tilespmem:s5+$0xFFFFFC50];
	v19 =	vor.u32 s13, v4;
	[tilespmem:v11+s30+$0x0] =	vst.idx.msk $0xffff, v10  }
0x155: {  	v10 =	vld [tilespmem:s5+$0xFFFFFCE0];
	v11 =	vor.u32 s11, v5;
	[tilespmem:v13+s30+$0x0] =	vst.idx.msk $0xffff, v12  }
0x156: {  	v12 =	vld [tilespmem:s5+$0xFFFFFD60];
	v13 =	vor.u32 s19, v5;
	[tilespmem:v15+s30+$0x0] =	vst.idx.msk $0xffff, v14  }
0x157: {  	v14 =	vld [tilespmem:s5+$0xFFFFFDE0];
	v15 =	vor.u32 s10, v5;
	[tilespmem:v9+s30+$0x0] =	vst.idx.msk $0xffff, v8  }
0x158: {  	[tilespmem:v17+s30+$0x0] =	vst.idx.msk $0xffff, v16;
	v9 =	vor.u32 s21, v7;
	v8 =	vld [tilespmem:s5+$0x0]  }
0x159: {  	v16 =	vld [tilespmem:s5+$0xFFFFFE60];
	v17 =	vor.u32 s9, v5;
	[tilespmem:v19+s30+$0x0] =	vst.idx.msk $0xffff, v18  }
0x15a: {  	v18 =	vld [tilespmem:s5+$0xFFFFFEE0];
	v19 =	vor.u32 s12, v5;
	[tilespmem:v11+s30+$0x0] =	vst.idx.msk $0xffff, v10  }
0x15b: {  	v10 =	vld [tilespmem:s5+$0xFFFFFC60];
	v11 =	vor.u32 s13, v5;
	[tilespmem:v13+s30+$0x0] =	vst.idx.msk $0xffff, v12  }
0x15c: {  	v13 =	vor.u32 s11, v6;
	v12 =	vld [tilespmem:s5+$0xFFFFFCF0];
	[tilespmem:v15+s30+$0x0] =	vst.idx.msk $0xffff, v14  }
0x15d: {  	[tilespmem:v9+s30+$0x0] =	vst.idx.msk $0xffff, v8;
	v8 =	vld [tilespmem:s5+$0xFFFFFF60];
	v9 =	vor.u32 s20, v5  }
0x15e: {  	v14 =	vld [tilespmem:s5+$0xFFFFFD70];
	v15 =	vor.u32 s19, v6;
	[tilespmem:v17+s30+$0x0] =	vst.idx.msk $0xffff, v16  }
0x15f: {  	v17 =	vor.u32 s10, v6;
	v16 =	vld [tilespmem:s5+$0xFFFFFDF0];
	[tilespmem:v19+s30+$0x0] =	vst.idx.msk $0xffff, v18  }
0x160: {  	v18 =	vld [tilespmem:s5+$0xFFFFFE70];
	v19 =	vor.u32 s9, v6;
	[tilespmem:v11+s30+$0x0] =	vst.idx.msk $0xffff, v10  }
0x161: {  	v20 =	vor.u32 s13, v6;
	[tilespmem:v13+s30+$0x0] =	vst.idx.msk $0xffff, v12;
	v13 =	vld [tilespmem:s5+$0xFFFFFC70]  }
0x162: {  	[tilespmem:v9+s30+$0x0] =	vst.idx.msk $0xffff, v8;
	v8 =	vld [tilespmem:s5+$0xFFFFFEF0];
	v9 =	vor.u32 s12, v6  }
0x163: {  	v12 =	vor.u32 s20, v6;
	[tilespmem:v15+s30+$0x0] =	vst.idx.msk $0xffff, v14;
	v10 =	vld [tilespmem:s5+$0xFFFFFF70]  }
0x164: {  	v22 =	vor.u32 s11, v7;
	v21 =	vld [tilespmem:s5+$0xFFFFFD00];
	[tilespmem:v17+s30+$0x0] =	vst.idx.msk $0xffff, v16  }
0x165: {  	v24 =	vor.u32 s19, v7;
	v23 =	vld [tilespmem:s5+$0xFFFFFD80];
	[tilespmem:v19+s30+$0x0] =	vst.idx.msk $0xffff, v18  }
0x166: {  	v17 =	vor.u32 s10, v7;
	v15 =	vld [tilespmem:s5+$0xFFFFFE00];
	[tilespmem:v20+s30+$0x0] =	vst.idx.msk $0xffff, v13  }
0x167: {  	v16 =	vor.u32 s9, v7;
	v11 =	vld [tilespmem:s5+$0xFFFFFE80];
	[tilespmem:v9+s30+$0x0] =	vst.idx.msk $0xffff, v8  }
0x168: {  	v14 =	vor.u32 s12, v7;
	[tilespmem:v12+s30+$0x0] =	vst.idx.msk $0xffff, v10;
	v8 =	vld [tilespmem:s5+$0xFFFFFF00]  }
0x169: {  	s22 =	simm.s32 $0x10;
	[tilespmem:v22+s30+$0x0] =	vst.idx.msk $0xffff, v21;
	v12 =	vor.u32 s20, v7;
	v9 =	vld [tilespmem:s5+$0xFFFFFF80]  }
0x16a: {  	s19 =	simm.s32 $0x8;
	s21 =	simm.s32 $0xF;
	v13 =	vor.u32 s13, v7;
	[tilespmem:v24+s30+$0x0] =	vst.idx.msk $0xffff, v23;
	v10 =	vld [tilespmem:s5+$0xFFFFFC80];
	s20 =	simm.s32 $0x27F0  }
.LBB2_8:
0x16b: {  	p1 =	slt.u32 s22, $0x38;
	s5 =	sadd.s32 $0x1, s19;
	v18 =	vld [tilespmem:s20+$0xFFFFFF90];
	v19 =	vor.u32 s21, v0;
	[tilespmem:v17+s30+$0x0] =	vst.idx.msk $0xffff, v15;
	s23 =	smov.u32 s19  }
0x16c: {  	s19 =	smov.u32 s22;
	v15 =	vld [tilespmem:s20+$0xFFFFFC90];
	v17 =	vor.u32 s5, v0;
	s9 =	sadd.s32 $0x2, s23;
	[tilespmem:v16+s30+$0x0] =	vst.idx.msk $0xffff, v11  }
0x16d: {  	s10 =	sadd.s32 $0x3, s23;
	v11 =	vld [tilespmem:s20+$0xFFFFFD10];
	v16 =	vor.u32 s9, v0;
	[tilespmem:v14+s30+$0x0] =	vst.idx.msk $0xffff, v8  }
0x16e: {  	s11 =	sadd.s32 $0x4, s23;
	v14 =	vor.u32 s10, v0;
	v8 =	vld [tilespmem:s20+$0xFFFFFD90];
	[tilespmem:v12+s30+$0x0] =	vst.idx.msk $0xffff, v9  }
0x16f: {  	s12 =	sadd.s32 $0x5, s23;
	v12 =	vor.u32 s11, v0;
	v9 =	vld [tilespmem:s20+$0xFFFFFE10];
	[tilespmem:v13+s30+$0x0] =	vst.idx.msk $0xffff, v10  }
0x170: {  	v13 =	vor.u32 s12, v0;
	v10 =	vld [tilespmem:s20+$0xFFFFFE90];
	[tilespmem:v19+s30+$0x0] =	vst.idx.msk $0xffff, v18  }
0x171: {  	s13 =	sadd.s32 $0x6, s23;
	[tilespmem:v17+s30+$0x0] =	vst.idx.msk $0xffff, v15;
	v15 =	vld [tilespmem:s20+$0xFFFFFFA0];
	v17 =	vor.u32 s21, v1  }
0x172: {  	[tilespmem:v16+s30+$0x0] =	vst.idx.msk $0xffff, v11;
	v11 =	vld [tilespmem:s20+$0xFFFFFF10];
	v16 =	vor.u32 s13, v0  }
0x173: {  	v19 =	vor.u32 s23, v0;
	v18 =	vld [tilespmem:s20+$0xFFFFFC10];
	[tilespmem:v14+s30+$0x0] =	vst.idx.msk $0xffff, v8  }
0x174: {  	v14 =	vor.u32 s5, v1;
	v8 =	vld [tilespmem:s20+$0xFFFFFCA0];
	[tilespmem:v12+s30+$0x0] =	vst.idx.msk $0xffff, v9  }
0x175: {  	v12 =	vor.u32 s9, v1;
	v9 =	vld [tilespmem:s20+$0xFFFFFD20];
	[tilespmem:v13+s30+$0x0] =	vst.idx.msk $0xffff, v10  }
0x176: {  	v13 =	vor.u32 s10, v1;
	v10 =	vld [tilespmem:s20+$0xFFFFFDA0];
	[tilespmem:v17+s30+$0x0] =	vst.idx.msk $0xffff, v15  }
0x177: {  	v15 =	vor.u32 s21, v2;
	[tilespmem:v16+s30+$0x0] =	vst.idx.msk $0xffff, v11;
	v11 =	vld [tilespmem:s20+$0xFFFFFFB0]  }
0x178: {  	v17 =	vor.u32 s11, v1;
	[tilespmem:v19+s30+$0x0] =	vst.idx.msk $0xffff, v18;
	v16 =	vld [tilespmem:s20+$0xFFFFFE20]  }
0x179: {  	[tilespmem:v14+s30+$0x0] =	vst.idx.msk $0xffff, v8;
	v8 =	vld [tilespmem:s20+$0xFFFFFEA0];
	v14 =	vor.u32 s12, v1  }
0x17a: {  	[tilespmem:v12+s30+$0x0] =	vst.idx.msk $0xffff, v9;
	v9 =	vld [tilespmem:s20+$0xFFFFFF20];
	v12 =	vor.u32 s13, v1  }
0x17b: {  	v19 =	vor.u32 s23, v1;
	v18 =	vld [tilespmem:s20+$0xFFFFFC20];
	[tilespmem:v13+s30+$0x0] =	vst.idx.msk $0xffff, v10  }
0x17c: {  	v13 =	vor.u32 s5, v2;
	v10 =	vld [tilespmem:s20+$0xFFFFFCB0];
	[tilespmem:v15+s30+$0x0] =	vst.idx.msk $0xffff, v11  }
0x17d: {  	v15 =	vor.u32 s21, v3;
	[tilespmem:v17+s30+$0x0] =	vst.idx.msk $0xffff, v16;
	v11 =	vld [tilespmem:s20+$0xFFFFFFC0]  }
0x17e: {  	v17 =	vor.u32 s9, v2;
	v16 =	vld [tilespmem:s20+$0xFFFFFD30];
	[tilespmem:v14+s30+$0x0] =	vst.idx.msk $0xffff, v8  }
0x17f: {  	v14 =	vor.u32 s10, v2;
	v8 =	vld [tilespmem:s20+$0xFFFFFDB0];
	[tilespmem:v12+s30+$0x0] =	vst.idx.msk $0xffff, v9  }
0x180: {  	v12 =	vor.u32 s11, v2;
	[tilespmem:v19+s30+$0x0] =	vst.idx.msk $0xffff, v18;
	v9 =	vld [tilespmem:s20+$0xFFFFFE30]  }
0x181: {  	[tilespmem:v13+s30+$0x0] =	vst.idx.msk $0xffff, v10;
	v10 =	vld [tilespmem:s20+$0xFFFFFEB0];
	v13 =	vor.u32 s12, v2  }
0x182: {  	v19 =	vor.u32 s13, v2;
	v18 =	vld [tilespmem:s20+$0xFFFFFF30];
	[tilespmem:v15+s30+$0x0] =	vst.idx.msk $0xffff, v11  }
0x183: {  	v15 =	vor.u32 s21, v4;
	[tilespmem:v17+s30+$0x0] =	vst.idx.msk $0xffff, v16;
	v11 =	vld [tilespmem:s20+$0xFFFFFFD0]  }
0x184: {  	v17 =	vor.u32 s23, v2;
	v16 =	vld [tilespmem:s20+$0xFFFFFC30];
	[tilespmem:v14+s30+$0x0] =	vst.idx.msk $0xffff, v8  }
0x185: {  	v14 =	vor.u32 s5, v3;
	v8 =	vld [tilespmem:s20+$0xFFFFFCC0];
	[tilespmem:v12+s30+$0x0] =	vst.idx.msk $0xffff, v9  }
0x186: {  	v12 =	vor.u32 s9, v3;
	v9 =	vld [tilespmem:s20+$0xFFFFFD40];
	[tilespmem:v13+s30+$0x0] =	vst.idx.msk $0xffff, v10  }
0x187: {  	v13 =	vor.u32 s10, v3;
	v10 =	vld [tilespmem:s20+$0xFFFFFDC0];
	[tilespmem:v19+s30+$0x0] =	vst.idx.msk $0xffff, v18  }
0x188: {  	v19 =	vor.u32 s11, v3;
	v18 =	vld [tilespmem:s20+$0xFFFFFE40];
	[tilespmem:v15+s30+$0x0] =	vst.idx.msk $0xffff, v11  }
0x189: {  	v15 =	vor.u32 s21, v5;
	[tilespmem:v17+s30+$0x0] =	vst.idx.msk $0xffff, v16;
	v11 =	vld [tilespmem:s20+$0xFFFFFFE0]  }
0x18a: {  	[tilespmem:v14+s30+$0x0] =	vst.idx.msk $0xffff, v8;
	v8 =	vld [tilespmem:s20+$0xFFFFFEC0];
	v14 =	vor.u32 s12, v3  }
0x18b: {  	[tilespmem:v12+s30+$0x0] =	vst.idx.msk $0xffff, v9;
	v9 =	vld [tilespmem:s20+$0xFFFFFF40];
	v12 =	vor.u32 s13, v3  }
0x18c: {  	v17 =	vor.u32 s23, v3;
	v16 =	vld [tilespmem:s20+$0xFFFFFC40];
	[tilespmem:v13+s30+$0x0] =	vst.idx.msk $0xffff, v10  }
0x18d: {  	v13 =	vor.u32 s5, v4;
	v10 =	vld [tilespmem:s20+$0xFFFFFCD0];
	[tilespmem:v19+s30+$0x0] =	vst.idx.msk $0xffff, v18  }
0x18e: {  	v19 =	vor.u32 s9, v4;
	v18 =	vld [tilespmem:s20+$0xFFFFFD50];
	[tilespmem:v15+s30+$0x0] =	vst.idx.msk $0xffff, v11  }
0x18f: {  	v11 =	vor.u32 s21, v6;
	[tilespmem:v14+s30+$0x0] =	vst.idx.msk $0xffff, v8;
	v8 =	vld [tilespmem:s20+$0xFFFFFFF0]  }
0x190: {  	v15 =	vor.u32 s10, v4;
	v14 =	vld [tilespmem:s20+$0xFFFFFDD0];
	[tilespmem:v12+s30+$0x0] =	vst.idx.msk $0xffff, v9  }
0x191: {  	v12 =	vor.u32 s11, v4;
	[tilespmem:v17+s30+$0x0] =	vst.idx.msk $0xffff, v16;
	v9 =	vld [tilespmem:s20+$0xFFFFFE50]  }
0x192: {  	[tilespmem:v13+s30+$0x0] =	vst.idx.msk $0xffff, v10;
	v10 =	vld [tilespmem:s20+$0xFFFFFED0];
	v13 =	vor.u32 s12, v4  }
0x193: {  	v17 =	vor.u32 s13, v4;
	[tilespmem:v19+s30+$0x0] =	vst.idx.msk $0xffff, v18;
	v16 =	vld [tilespmem:s20+$0xFFFFFF50]  }
0x194: {  	v19 =	vor.u32 s23, v4;
	v18 =	vld [tilespmem:s20+$0xFFFFFC50];
	[tilespmem:v11+s30+$0x0] =	vst.idx.msk $0xffff, v8  }
0x195: {  	v11 =	vor.u32 s21, v7;
	[tilespmem:v15+s30+$0x0] =	vst.idx.msk $0xffff, v14;
	v8 =	vld [tilespmem:s20+$0x0]  }
0x196: {  	v15 =	vor.u32 s5, v5;
	v14 =	vld [tilespmem:s20+$0xFFFFFCE0];
	[tilespmem:v12+s30+$0x0] =	vst.idx.msk $0xffff, v9  }
0x197: {  	v12 =	vor.u32 s9, v5;
	v9 =	vld [tilespmem:s20+$0xFFFFFD60];
	[tilespmem:v13+s30+$0x0] =	vst.idx.msk $0xffff, v10  }
0x198: {  	v13 =	vor.u32 s10, v5;
	v10 =	vld [tilespmem:s20+$0xFFFFFDE0];
	[tilespmem:v17+s30+$0x0] =	vst.idx.msk $0xffff, v16  }
0x199: {  	v17 =	vor.u32 s11, v5;
	[tilespmem:v19+s30+$0x0] =	vst.idx.msk $0xffff, v18;
	v16 =	vld [tilespmem:s20+$0xFFFFFE60]  }
0x19a: {  	v19 =	vor.u32 s12, v5;
	v18 =	vld [tilespmem:s20+$0xFFFFFEE0];
	[tilespmem:v11+s30+$0x0] =	vst.idx.msk $0xffff, v8  }
0x19b: {  	v11 =	vor.u32 s13, v5;
	[tilespmem:v15+s30+$0x0] =	vst.idx.msk $0xffff, v14;
	v8 =	vld [tilespmem:s20+$0xFFFFFF60]  }
0x19c: {  	v15 =	vor.u32 s23, v5;
	v14 =	vld [tilespmem:s20+$0xFFFFFC60];
	[tilespmem:v12+s30+$0x0] =	vst.idx.msk $0xffff, v9  }
0x19d: {  	v12 =	vor.u32 s5, v6;
	v9 =	vld [tilespmem:s20+$0xFFFFFCF0];
	[tilespmem:v13+s30+$0x0] =	vst.idx.msk $0xffff, v10  }
0x19e: {  	v13 =	vor.u32 s9, v6;
	v10 =	vld [tilespmem:s20+$0xFFFFFD70];
	[tilespmem:v17+s30+$0x0] =	vst.idx.msk $0xffff, v16  }
0x19f: {  	v17 =	vor.u32 s10, v6;
	v16 =	vld [tilespmem:s20+$0xFFFFFDF0];
	[tilespmem:v19+s30+$0x0] =	vst.idx.msk $0xffff, v18  }
0x1a0: {  	v19 =	vor.u32 s11, v6;
	v18 =	vld [tilespmem:s20+$0xFFFFFE70];
	[tilespmem:v11+s30+$0x0] =	vst.idx.msk $0xffff, v8  }
0x1a1: {  	v11 =	vor.u32 s12, v6;
	[tilespmem:v15+s30+$0x0] =	vst.idx.msk $0xffff, v14;
	v8 =	vld [tilespmem:s20+$0xFFFFFEF0]  }
0x1a2: {  	[tilespmem:v12+s30+$0x0] =	vst.idx.msk $0xffff, v9;
	v9 =	vld [tilespmem:s20+$0xFFFFFF70];
	v12 =	vor.u32 s13, v6  }
0x1a3: {  	v20 =	vor.u32 s23, v6;
	v14 =	vld [tilespmem:s20+$0xFFFFFC70];
	[tilespmem:v13+s30+$0x0] =	vst.idx.msk $0xffff, v10  }
0x1a4: {  	v13 =	vor.u32 s5, v7;
	v10 =	vld [tilespmem:s20+$0xFFFFFD00];
	[tilespmem:v17+s30+$0x0] =	vst.idx.msk $0xffff, v16  }
0x1a5: {  	v22 =	vor.u32 s9, v7;
	v21 =	vld [tilespmem:s20+$0xFFFFFD80];
	[tilespmem:v19+s30+$0x0] =	vst.idx.msk $0xffff, v18  }
.Ltmp7:
0x1a6: {  	v17 =	vor.u32 s10, v7;
	v15 =	vld [tilespmem:s20+$0xFFFFFE00];
	[tilespmem:v11+s30+$0x0] =	vst.idx.msk $0xffff, v8;
	(pc) =	sbr.rel @p1 .LBB2_8-.Ltmp7, $4  }
0x1a7: {  	v16 =	vor.u32 s11, v7;
	v11 =	vld [tilespmem:s20+$0xFFFFFE80];
	[tilespmem:v12+s30+$0x0] =	vst.idx.msk $0xffff, v9  }
0x1a8: {  	[tilespmem:v20+s30+$0x0] =	vst.idx.msk $0xffff, v14;
	v8 =	vld [tilespmem:s20+$0xFFFFFF00];
	v14 =	vor.u32 s12, v7  }
0x1a9: {  	v12 =	vor.u32 s13, v7;
	[tilespmem:v13+s30+$0x0] =	vst.idx.msk $0xffff, v10;
	v9 =	vld [tilespmem:s20+$0xFFFFFF80]  }
0x1aa: {  	s22 =	sadd.s32 $0x8, s22;
	s21 =	sadd.s32 $0x7, s19;
	v13 =	vor.u32 s23, v7;
	v10 =	vld [tilespmem:s20+$0xFFFFFC80];
	[tilespmem:v22+s30+$0x0] =	vst.idx.msk $0xffff, v21;
	s20 =	sadd.s32 $0x400, s20  }
0x1ab: {  	_ =	sdelay $0x3  }
0x1ac: {  	v18 =	vld [tilespmem:s20+$0xFFFFFF90];
	v19 =	vor.u32 s21, v0;
	[tilespmem:v17+s30+$0x0] =	vst.idx.msk $0xffff, v15  }
0x1ad: {  	s5 =	sadd.s32 $0x1, s19;
	v55 =	vld [tilespmem:s20+$0xFFFFFC10];
	v56 =	vor.u32 s19, v0;
	[tilespmem:v16+s30+$0x0] =	vst.idx.msk $0xffff, v11  }
0x1ae: {  	v42 =	vld [tilespmem:s20+$0xFFFFFC90];
	s9 =	sadd.s32 $0x2, s19;
	v43 =	vor.u32 s5, v0;
	[tilespmem:v14+s30+$0x0] =	vst.idx.msk $0xffff, v8  }
0x1af: {  	v44 =	vld [tilespmem:s20+$0xFFFFFD10];
	s11 =	sadd.s32 $0x4, s19;
	v45 =	vor.u32 s9, v0;
	[tilespmem:v12+s30+$0x0] =	vst.idx.msk $0xffff, v9  }
0x1b0: {  	s10 =	sadd.s32 $0x3, s19;
	v47 =	vld [tilespmem:s20+$0xFFFFFE10];
	v48 =	vor.u32 s11, v0;
	[tilespmem:v13+s30+$0x0] =	vst.idx.msk $0xffff, v10  }
0x1b1: {  	s12 =	sadd.s32 $0x5, s19;
	v46 =	vor.u32 s10, v0;
	v8 =	vld [tilespmem:s20+$0xFFFFFD90];
	[tilespmem:v19+s30+$0x0] =	vst.idx.msk $0xffff, v18  }
0x1b2: {  	v49 =	vld [tilespmem:s20+$0xFFFFFE90];
	s13 =	sadd.s32 $0x6, s19;
	v50 =	vor.u32 s12, v0;
	[tilespmem:v56+s30+$0x0] =	vst.idx.msk $0xffff, v55  }
0x1b3: {  	v53 =	vld [tilespmem:s20+$0xFFFFFF10];
	v54 =	vor.u32 s13, v0;
	[tilespmem:v43+s30+$0x0] =	vst.idx.msk $0xffff, v42  }
0x1b4: {  	v52 =	vor.u32 s21, v1;
	v51 =	vld [tilespmem:s20+$0xFFFFFFA0];
	[tilespmem:v45+s30+$0x0] =	vst.idx.msk $0xffff, v44  }
0x1b5: {  	v26 =	vor.u32 s19, v1;
	[tilespmem:v48+s30+$0x0] =	vst.idx.msk $0xffff, v47;
	v18 =	vld [tilespmem:s20+$0xFFFFFC20]  }
0x1b6: {  	v57 =	vor.u32 s5, v1;
	[tilespmem:v46+s30+$0x0] =	vst.idx.msk $0xffff, v8;
	v8 =	vld [tilespmem:s20+$0xFFFFFCA0]  }
0x1b7: {  	v59 =	vor.u32 s9, v1;
	[tilespmem:v50+s30+$0x0] =	vst.idx.msk $0xffff, v49;
	v58 =	vld [tilespmem:s20+$0xFFFFFD20]  }
0x1b8: {  	v22 =	vor.u32 s11, v1;
	[tilespmem:v54+s30+$0x0] =	vst.idx.msk $0xffff, v53;
	v21 =	vld [tilespmem:s20+$0xFFFFFE20]  }
0x1b9: {  	v25 =	vor.u32 s13, v1;
	v24 =	vld [tilespmem:s20+$0xFFFFFF20];
	[tilespmem:v52+s30+$0x0] =	vst.idx.msk $0xffff, v51  }
0x1ba: {  	v61 =	vor.u32 s10, v1;
	v60 =	vld [tilespmem:s20+$0xFFFFFDA0];
	[tilespmem:v26+s30+$0x0] =	vst.idx.msk $0xffff, v18  }
0x1bb: {  	v63 =	vor.u32 s21, v2;
	v62 =	vld [tilespmem:s20+$0xFFFFFFB0];
	[tilespmem:v57+s30+$0x0] =	vst.idx.msk $0xffff, v8  }
0x1bc: {  	v23 =	vor.u32 s12, v1;
	v8 =	vld [tilespmem:s20+$0xFFFFFEA0];
	[tilespmem:v59+s30+$0x0] =	vst.idx.msk $0xffff, v58  }
0x1bd: {  	v41 =	vor.u32 s19, v2;
	[tilespmem:v22+s30+$0x0] =	vst.idx.msk $0xffff, v21;
	v40 =	vld [tilespmem:s20+$0xFFFFFC30]  }
0x1be: {  	v28 =	vor.u32 s5, v2;
	[tilespmem:v25+s30+$0x0] =	vst.idx.msk $0xffff, v24;
	v27 =	vld [tilespmem:s20+$0xFFFFFCB0]  }
0x1bf: {  	v31 =	vor.u32 s9, v2;
	[tilespmem:v61+s30+$0x0] =	vst.idx.msk $0xffff, v60;
	v30 =	vld [tilespmem:s20+$0xFFFFFD30]  }
0x1c0: {  	v34 =	vor.u32 s11, v2;
	v33 =	vld [tilespmem:s20+$0xFFFFFE30];
	[tilespmem:v63+s30+$0x0] =	vst.idx.msk $0xffff, v62  }
0x1c1: {  	v38 =	vor.u32 s13, v2;
	v37 =	vld [tilespmem:s20+$0xFFFFFF30];
	[tilespmem:v23+s30+$0x0] =	vst.idx.msk $0xffff, v8  }
0x1c2: {  	v29 =	vor.u32 s21, v3;
	[tilespmem:v41+s30+$0x0] =	vst.idx.msk $0xffff, v40;
	v11 =	vld [tilespmem:s20+$0xFFFFFFC0]  }
0x1c3: {  	v32 =	vor.u32 s10, v2;
	v8 =	vld [tilespmem:s20+$0xFFFFFDB0];
	[tilespmem:v28+s30+$0x0] =	vst.idx.msk $0xffff, v27  }
0x1c4: {  	v36 =	vor.u32 s12, v2;
	v35 =	vld [tilespmem:s20+$0xFFFFFEB0];
	[tilespmem:v31+s30+$0x0] =	vst.idx.msk $0xffff, v30  }
0x1c5: {  	v53 =	vor.u32 s19, v3;
	[tilespmem:v34+s30+$0x0] =	vst.idx.msk $0xffff, v33;
	v16 =	vld [tilespmem:s20+$0xFFFFFC40]  }
0x1c6: {  	v44 =	vor.u32 s9, v3;
	[tilespmem:v38+s30+$0x0] =	vst.idx.msk $0xffff, v37;
	v43 =	vld [tilespmem:s20+$0xFFFFFD40]  }
0x1c7: {  	v48 =	vor.u32 s11, v3;
	v47 =	vld [tilespmem:s20+$0xFFFFFE40];
	[tilespmem:v29+s30+$0x0] =	vst.idx.msk $0xffff, v11  }
0x1c8: {  	v39 =	vor.u32 s21, v4;
	[tilespmem:v32+s30+$0x0] =	vst.idx.msk $0xffff, v8;
	v11 =	vld [tilespmem:s20+$0xFFFFFFD0]  }
0x1c9: {  	v52 =	vor.u32 s13, v3;
	v51 =	vld [tilespmem:s20+$0xFFFFFF40];
	[tilespmem:v36+s30+$0x0] =	vst.idx.msk $0xffff, v35  }
0x1ca: {  	v42 =	vor.u32 s5, v3;
	v8 =	vld [tilespmem:s20+$0xFFFFFCC0];
	[tilespmem:v53+s30+$0x0] =	vst.idx.msk $0xffff, v16  }
0x1cb: {  	v46 =	vor.u32 s10, v3;
	v45 =	vld [tilespmem:s20+$0xFFFFFDC0];
	[tilespmem:v44+s30+$0x0] =	vst.idx.msk $0xffff, v43  }
0x1cc: {  	v25 =	vor.u32 s19, v4;
	[tilespmem:v48+s30+$0x0] =	vst.idx.msk $0xffff, v47;
	v24 =	vld [tilespmem:s20+$0xFFFFFC50]  }
0x1cd: {  	v57 =	vor.u32 s9, v4;
	v56 =	vld [tilespmem:s20+$0xFFFFFD50];
	[tilespmem:v39+s30+$0x0] =	vst.idx.msk $0xffff, v11  }
0x1ce: {  	v49 =	vor.u32 s21, v5;
	[tilespmem:v52+s30+$0x0] =	vst.idx.msk $0xffff, v51;
	v11 =	vld [tilespmem:s20+$0xFFFFFFE0]  }
0x1cf: {  	v50 =	vor.u32 s12, v3;
	[tilespmem:v42+s30+$0x0] =	vst.idx.msk $0xffff, v8;
	v8 =	vld [tilespmem:s20+$0xFFFFFEC0]  }
0x1d0: {  	v62 =	vor.u32 s11, v4;
	v61 =	vld [tilespmem:s20+$0xFFFFFE50];
	[tilespmem:v46+s30+$0x0] =	vst.idx.msk $0xffff, v45  }
0x1d1: {  	v23 =	vor.u32 s13, v4;
	v22 =	vld [tilespmem:s20+$0xFFFFFF50];
	[tilespmem:v25+s30+$0x0] =	vst.idx.msk $0xffff, v24  }
0x1d2: {  	v55 =	vor.u32 s5, v4;
	v54 =	vld [tilespmem:s20+$0xFFFFFCD0];
	[tilespmem:v57+s30+$0x0] =	vst.idx.msk $0xffff, v56  }
0x1d3: {  	v60 =	vor.u32 s10, v4;
	v59 =	vld [tilespmem:s20+$0xFFFFFDD0];
	[tilespmem:v49+s30+$0x0] =	vst.idx.msk $0xffff, v11  }
0x1d4: {  	v58 =	vor.u32 s21, v6;
	[tilespmem:v50+s30+$0x0] =	vst.idx.msk $0xffff, v8;
	v8 =	vld [tilespmem:s20+$0xFFFFFFF0]  }
0x1d5: {  	v39 =	vor.u32 s19, v5;
	[tilespmem:v62+s30+$0x0] =	vst.idx.msk $0xffff, v61;
	v38 =	vld [tilespmem:s20+$0xFFFFFC60]  }
0x1d6: {  	v30 =	vor.u32 s9, v5;
	[tilespmem:v23+s30+$0x0] =	vst.idx.msk $0xffff, v22;
	v29 =	vld [tilespmem:s20+$0xFFFFFD60]  }
0x1d7: {  	v34 =	vor.u32 s11, v5;
	v33 =	vld [tilespmem:s20+$0xFFFFFE60];
	[tilespmem:v55+s30+$0x0] =	vst.idx.msk $0xffff, v54  }
0x1d8: {  	v21 =	vor.u32 s12, v4;
	v63 =	vld [tilespmem:s20+$0xFFFFFED0];
	[tilespmem:v60+s30+$0x0] =	vst.idx.msk $0xffff, v59  }
0x1d9: {  	v28 =	vor.u32 s5, v5;
	v27 =	vld [tilespmem:s20+$0xFFFFFCE0];
	[tilespmem:v58+s30+$0x0] =	vst.idx.msk $0xffff, v8  }
0x1da: {  	v26 =	vor.u32 s21, v7;
	[tilespmem:v39+s30+$0x0] =	vst.idx.msk $0xffff, v38;
	v8 =	vld [tilespmem:s20+$0x0]  }
0x1db: {  	v32 =	vor.u32 s10, v5;
	v31 =	vld [tilespmem:s20+$0xFFFFFDE0];
	[tilespmem:v30+s30+$0x0] =	vst.idx.msk $0xffff, v29  }
0x1dc: {  	v51 =	vor.u32 s19, v6;
	[tilespmem:v34+s30+$0x0] =	vst.idx.msk $0xffff, v33;
	v14 =	vld [tilespmem:s20+$0xFFFFFC70]  }
0x1dd: {  	v43 =	vor.u32 s9, v6;
	v42 =	vld [tilespmem:s20+$0xFFFFFD70];
	[tilespmem:v21+s30+$0x0] =	vst.idx.msk $0xffff, v63  }
0x1de: {  	v36 =	vor.u32 s12, v5;
	v35 =	vld [tilespmem:s20+$0xFFFFFEE0];
	[tilespmem:v28+s30+$0x0] =	vst.idx.msk $0xffff, v27  }
0x1df: {  	v37 =	vor.u32 s13, v5;
	[tilespmem:v26+s30+$0x0] =	vst.idx.msk $0xffff, v8;
	v8 =	vld [tilespmem:s20+$0xFFFFFF60]  }
0x1e0: {  	v47 =	vor.u32 s11, v6;
	v46 =	vld [tilespmem:s20+$0xFFFFFE70];
	[tilespmem:v32+s30+$0x0] =	vst.idx.msk $0xffff, v31  }
0x1e1: {  	v41 =	vor.u32 s5, v6;
	v40 =	vld [tilespmem:s20+$0xFFFFFCF0];
	[tilespmem:v51+s30+$0x0] =	vst.idx.msk $0xffff, v14  }
0x1e2: {  	v45 =	vor.u32 s10, v6;
	v44 =	vld [tilespmem:s20+$0xFFFFFDF0];
	[tilespmem:v43+s30+$0x0] =	vst.idx.msk $0xffff, v42  }
0x1e3: {  	v63 =	vor.u32 s19, v7;
	v14 =	vld [tilespmem:s20+$0xFFFFFC80];
	[tilespmem:v36+s30+$0x0] =	vst.idx.msk $0xffff, v35  }
0x1e4: {  	v48 =	vor.u32 s12, v6;
	[tilespmem:v37+s30+$0x0] =	vst.idx.msk $0xffff, v8;
	v8 =	vld [tilespmem:s20+$0xFFFFFEF0]  }
0x1e5: {  	v50 =	vor.u32 s13, v6;
	[tilespmem:v47+s30+$0x0] =	vst.idx.msk $0xffff, v46;
	v49 =	vld [tilespmem:s20+$0xFFFFFF70]  }
0x1e6: {  	v55 =	vor.u32 s9, v7;
	v54 =	vld [tilespmem:s20+$0xFFFFFD80];
	[tilespmem:v41+s30+$0x0] =	vst.idx.msk $0xffff, v40  }
0x1e7: {  	v53 =	vor.u32 s5, v7;
	v52 =	vld [tilespmem:s20+$0xFFFFFD00];
	[tilespmem:v45+s30+$0x0] =	vst.idx.msk $0xffff, v44  }
0x1e8: {  	v57 =	vor.u32 s10, v7;
	v56 =	vld [tilespmem:s20+$0xFFFFFE00];
	[tilespmem:v63+s30+$0x0] =	vst.idx.msk $0xffff, v14  }
0x1e9: {  	v58 =	vor.u32 s11, v7;
	[tilespmem:v48+s30+$0x0] =	vst.idx.msk $0xffff, v8;
	v8 =	vld [tilespmem:s20+$0xFFFFFE80]  }
0x1ea: {  	v60 =	vor.u32 s12, v7;
	[tilespmem:v50+s30+$0x0] =	vst.idx.msk $0xffff, v49;
	v59 =	vld [tilespmem:s20+$0xFFFFFF00]  }
0x1eb: {  	v62 =	vor.u32 s13, v7;
	[tilespmem:v55+s30+$0x0] =	vst.idx.msk $0xffff, v54;
	v61 =	vld [tilespmem:s20+$0xFFFFFF80]  }
0x1ec: {  	[tilespmem:v53+s30+$0x0] =	vst.idx.msk $0xffff, v52  }
0x1ed: {  	s24 =	sadd.s32 s4, s18;
	[tilespmem:v57+s30+$0x0] =	vst.idx.msk $0xffff, v56  }
0x1ee: {  	s5 =	sshll.u32 s24, $0xA;
	[tilespmem:v58+s30+$0x0] =	vst.idx.msk $0xffff, v8  }
0x1ef: {  	s5 =	sand.u32 $0x1FFFFC00, s5;
	[tilespmem:v60+s30+$0x0] =	vst.idx.msk $0xffff, v59  }
.Ltmp8:
0x1f0: {  	s5 =	sadd.s32 s6, s5;
	[tilespmem:v62+s30+$0x0] =	vst.idx.msk $0xffff, v61;
	(pc) =	sbr.rel .LBB2_10-.Ltmp8, $4  }
0x1f1: {  	[hbm4b:s5+s3] =	stream.linear.scatter [tilespmem:s30], [sflag:$0x3], $0x2000, $0x38;
	[tilespmem:$0x8000] =	vst v63  }
0x1f2: {  	_ =	swait.ge [sflag:s31], $0x2000  }
0x1f3: {  	[sflag:s31] =	ssyncset.done $0x0  }
0x1f4: {  	[sflag:s31] =	ssyncadd.s32 $0xFFFFE000  }
.LBB2_12:
0x1f5: {  	_ =	sfence.sel $0x180000  }
0x1f6: {  	[bflag:$0x0] =	sbarrier.arrive $0xFFFF  }
0x1f7: {  	_ =	strace $0x90000047  }
0x1f8: {  	s0 =	stileid.u32;
	[bflag:$0x2] =	sbarrier.arrive $0xFFFF  }
0x1f9: {  	p0 =	sne.s32 s0, $0x0;
	s0 =	rddreg [dreg:$0x2]  }
0x1fa: {  	s0 =	sadd.s32 @!p0 $0x100000, s0  }
0x1fb: {  	[sflag:s0] =	ssyncadd.tile.s32 @!p0 $0x1;
	_ =	shalt  }
.Lfunc_end2:
_tile_overlayer_lowered:
.L_overlay_start_2:
0x1fc: {  	(tag) =	ssettag $0x2  }
0x1fd: {  	s0 =	rddreg [dreg:$0x0];
	s2 =	stileid.u32  }
0x1fe: {  	s1 =	rddreg [dreg:$0x1];
	p0 =	sne.s32 s2, $0x0  }
0x1ff: {  	s3 =	rddreg [dreg:$0x2];
	[bflag:$0x3] =	sbarrier.arrive $0xFFFF;
	s2 =	simm.s32 @!p0 $0x1C03  }
0x200: {  	[timem:s3], [sflag:s2] =	dma.local @!p0 [hbm:s0], s1  }
0x201: {  	s0 =	simm.s32 @!p0 $0x3  }
0x202: {  	_ =	swait.ge @!p0 [sflag:s0], s1  }
0x203: {  	s1 =	ssub.s32 @!p0 $0x0, s1;
	[sflag:s0] =	ssyncset.done @!p0 $0x0  }
0x204: {  	[sflag:s0] =	ssyncadd.s32 @!p0 s1  }
0x205: {  	[bflag:$0x3] =	sbarrier.arrive $0xFFFF  }
0x206: {  	_ =	shalt  }

// kernel: kernel.7.cloned.1.call-start
scs
__scs_entry_jumppad:
0x0: {  	(pc) =	sbr.rel $0x88, $3  }
0x1: {  	(tag) =	ssettag $0x0;
	lr =	simm.s32 $0x1  }
0x2: {  	[smem:$0x3F9F] =	sst lr;
	_ =	strace $0xD0000000  }
0x3: {  	_ = 	snop  }
0x4: {  	_ = 	snop  }
0x5: {  	_ = 	snop  }
0x6: {  	_ = 	snop  }
0x7: {  	_ = 	snop  }
__scs_overlays_trampoline_lowered:
0x8: {  	[smem:$0x3FAE] =	sst s0  }
0x9: {  	[smem:$0x3FAF] =	sst s1  }
0xa: {  	[smem:$0x3FB0] =	sst s2  }
0xb: {  	[smem:$0x3FB1] =	sst s3  }
0xc: {  	[smem:$0x3FB2] =	sst s4  }
0xd: {  	[smem:$0x3FB3] =	sst s5  }
0xe: {  	[smem:$0x3FB4] =	sst s6  }
0xf: {  	[smem:$0x3FB5] =	sst s7  }
0x10: {  	[smem:$0x3FB6] =	sst s8  }
0x11: {  	[smem:$0x3FB7] =	sst s9;
	s0 =	simm.s32 @!p0 $0x0  }
0x12: {  	s1 =	sld [smem:$0x3F9D];
	s0 =	simm.s32 @p0 $0x1  }
0x13: {  	[smem:$0x3FB8] =	sst s0;
	s0 =	simm.s32 @!p1 $0x0  }
0x14: {  	s2 =	sld [smem:$0x3F9C];
	s0 =	simm.s32 @p1 $0x1  }
0x15: {  	[smem:$0x3FB9] =	sst s0;
	s0 =	simm.s32 @!p2 $0x0  }
0x16: {  	s3 =	sld [smem:$0x3FDB];
	s0 =	simm.s32 @p2 $0x1  }
0x17: {  	s4 =	simm.s32 $0x1BF5;
	[smem:$0x3FBB] =	sst s0  }
0x18: {  	s0 =	sld [smem:$0x3F9E];
	_ =	swait.ge [sflag:s4], $0x0  }
0x19: {  	s7 =	sld [smem:$0x3F9F]  }
0x1a: {  	s8 =	sadd.s32 $0xFFFFE003, lr  }
0x1b: {  	s9 =	sadd.s32 $0xFFFFFEF7, lr;
	s5 =	simm.s32 $0xFFFFFFFF;
	p2 =	slt.u32 s8, $0xFFFFF086  }
0x1c: {  	p1 =	slt.u32 s9, $0xF7A;
	s5 =	simm.s32 @!p2 $0x0  }
0x1d: {  	s5 =	simm.s32 @p1 $0x1;
	p0 =	seq.s32 s7, s2  }
0x1e: {  	s7 =	smul.u32 @!p0 $0xF7A, s2;
	p2 =	seq.s32 @!p0 s5, $0x0  }
0x1f: {  	s9 =	smul.u32 $0xF7A, s1;
	s8 =	simm.s32 @!p0 $0x1BF5;
	p2 =	por !p2, p0  }
0x20: {  	[sflag:s8] =	ssyncset.s32 @!p0 $0xFFFFF086;
	s6 =	sadd.s32 @!p0 s3, s7;
	s7 =	simm.s32 @!p0 $0x108  }
0x21: {  	s3 =	sadd.s32 s3, s9;
	s6 =	sadd.s32 @!p0 $0x88, s6;
	s7 =	simm.s32 @p2 $0x1082  }
0x22: {  	[simem:s7], [sflag:s8] =	dma.local @!p0 [hbm:s6], $0xF7A  }
0x23: {  	s9 =	sor.u32 $0xD0000000, s2;
	s6 =	simm.s32 $0x108;
	_ =	swait.ge @!p0 [sflag:s8], $0x0  }
0x24: {  	s3 =	sadd.s32 $0x88, s3;
	s6 =	simm.s32 @!p1 $0x1082;
	[sflag:s4] =	ssyncset.s32 $0xFFFFF086  }
0x25: {  	[simem:s6], [sflag:s4] =	dma.local [hbm:s3], $0xF7A  }
0x26: {  	[smem:$0x3F9F] =	sst s1;
	(tag) =	ssettag s2;
	_ =	strace s9  }
0x27: {  	s1 =	sld [smem:$0x3FAF]  }
0x28: {  	s2 =	sld [smem:$0x3FB0]  }
0x29: {  	s4 =	sld [smem:$0x3FB2]  }
0x2a: {  	p0 =	seq.s32 s5, $0x0;
	s5 =	sld [smem:$0x3FB3]  }
0x2b: {  	s6 =	sld [smem:$0x3FB4]  }
0x2c: {  	s7 =	sld [smem:$0x3FB5]  }
0x2d: {  	s3 =	simm.s32 $0x108;
	s8 =	sld [smem:$0x3FB6]  }
0x2e: {  	s3 =	simm.s32 @!p0 $0x1082;
	s9 =	sld [smem:$0x3FB7]  }
0x2f: {  	lr =	sadd.s32 s0, s3;
	s0 =	sld [smem:$0x3FAE]  }
0x30: {  	s3 =	sld [smem:$0x3FB1]  }
0x31: {  	[smem:$0x3FBA] =	sst s10  }
0x32: {  	s10 =	sld [smem:$0x3FB8];
	_ =	sdelay $0x3  }
0x33: {  	p0 =	seq.s32 s10, $0x1;
	s10 =	sld [smem:$0x3FBA];
	_ =	sdelay $0x3  }
0x34: {  	[smem:$0x3FBA] =	sst s10  }
0x35: {  	s10 =	sld [smem:$0x3FB9];
	_ =	sdelay $0x3  }
0x36: {  	p1 =	seq.s32 s10, $0x1;
	s10 =	sld [smem:$0x3FBA];
	_ =	sdelay $0x3  }
0x37: {  	[smem:$0x3FBA] =	sst s10  }
0x38: {  	s10 =	sld [smem:$0x3FBB]  }
0x39: {  	_ = 	snop;
	(pc) =	sbr.ind lr, $3  }
0x3a: {  	_ = 	snop  }
0x3b: {  	_ = 	snop  }
0x3c: {  	p2 =	seq.s32 s10, $0x1;
	s10 =	sld [smem:$0x3FBA]  }
0x3d: {  	_ =	shalt  }
0x3e: {  	_ =	shalt  }
0x3f: {  	_ =	shalt  }
0x40: {  	_ =	shalt  }
0x41: {  	_ =	shalt  }
0x42: {  	_ =	shalt  }
0x43: {  	_ =	shalt  }
0x44: {  	_ =	shalt  }
0x45: {  	_ =	shalt  }
0x46: {  	_ =	shalt  }
0x47: {  	_ =	shalt  }
0x48: {  	_ =	shalt  }
0x49: {  	_ =	shalt  }
0x4a: {  	_ =	shalt  }
0x4b: {  	_ =	shalt  }
0x4c: {  	_ =	shalt  }
0x4d: {  	_ =	shalt  }
0x4e: {  	_ =	shalt  }
0x4f: {  	_ =	shalt  }
0x50: {  	_ =	shalt  }
0x51: {  	_ =	shalt  }
0x52: {  	_ =	shalt  }
0x53: {  	_ =	shalt  }
0x54: {  	_ =	shalt  }
0x55: {  	_ =	shalt  }
0x56: {  	_ =	shalt  }
0x57: {  	_ =	shalt  }
0x58: {  	_ =	shalt  }
0x59: {  	_ =	shalt  }
0x5a: {  	_ =	shalt  }
0x5b: {  	_ =	shalt  }
0x5c: {  	_ =	shalt  }
0x5d: {  	_ =	shalt  }
0x5e: {  	_ =	shalt  }
0x5f: {  	_ =	shalt  }
0x60: {  	_ =	shalt  }
0x61: {  	_ =	shalt  }
0x62: {  	_ =	shalt  }
0x63: {  	_ =	shalt  }
0x64: {  	_ =	shalt  }
0x65: {  	_ =	shalt  }
0x66: {  	_ =	shalt  }
0x67: {  	_ =	shalt  }
0x68: {  	_ =	shalt  }
0x69: {  	_ =	shalt  }
0x6a: {  	_ =	shalt  }
0x6b: {  	_ =	shalt  }
0x6c: {  	_ =	shalt  }
0x6d: {  	_ =	shalt  }
0x6e: {  	_ =	shalt  }
0x6f: {  	_ =	shalt  }
0x70: {  	_ =	shalt  }
0x71: {  	_ =	shalt  }
0x72: {  	_ =	shalt  }
0x73: {  	_ =	shalt  }
0x74: {  	_ =	shalt  }
0x75: {  	_ =	shalt  }
0x76: {  	_ =	shalt  }
0x77: {  	_ =	shalt  }
0x78: {  	_ =	shalt  }
0x79: {  	_ =	shalt  }
0x7a: {  	_ =	shalt  }
0x7b: {  	_ =	shalt  }
0x7c: {  	_ =	shalt  }
0x7d: {  	_ =	shalt  }
0x7e: {  	_ =	shalt  }
0x7f: {  	_ =	shalt  }
0x80: {  	_ =	shalt  }
0x81: {  	_ =	shalt  }
0x82: {  	_ =	shalt  }
0x83: {  	_ =	shalt  }
0x84: {  	_ =	shalt  }
0x85: {  	_ =	shalt  }
0x86: {  	_ =	shalt  }
0x87: {  	_ =	shalt  }
.Lfunc_end0:
.L_simem_size_0:
called_computation.2_lowered:
.L_overlay_start_0:
0x88: {  	s2 =	sld [smem:$0x3FD9]  }
0x89: {  	s3 =	sld [smem:$0x3FFE];
	_ =	sdelay $0x1  }
0x8a: {  	s1 =	srdreg.scid  }
0x8b: {  	s0 =	sand.u32 $0x1, s1  }
0x8c: {  	s17 =	sshll.u32 s0, $0xA;
	s2 =	sadd.s32 s3, s2  }
0x8d: {  	s2 =	sadd.s32 s2, s17  }
0x8e: {  	[smem:$0x3FC6] =	sst s2  }
0x8f: {  	_ = 	snop  }
0x90: {  	s2 =	sld [smem:$0x3FD0];
	(tm) =	ssettm $0x1  }
0x91: {  	s18 =	sld [smem:$0x3FFB];
	_ =	sdelay $0x3  }
0x92: {  	_ =	strace s18  }
0x93: {  	s3 =	sld [smem:$0x3FFC];
	_ =	sdelay $0x3  }
0x94: {  	_ =	strace s3  }
0x95: {  	s3 =	sld [smem:$0x3FFD];
	_ =	sdelay $0x3  }
0x96: {  	_ =	strace s3  }
0x97: {  	_ =	strace $0x8FFFFFFF  }
0x98: {  	s19 =	sld [smem:$0x3FDB];
	_ =	sdelay $0x1  }
0x99: {  	s4 =	simm.s32 $_scs_section_size  }
0x9a: {  	s5 =	simm.s32 $_size__tile_overlayer_lowered;
	s6 =	simm.s32 $_tile_overlayer_lowered  }
0x9b: {  	s22 =	simm.s32 $0x1BFF;
	s21 =	sshll.u32 s6, $0x1;
	s3 =	sadd.s32 s4, s19  }
0x9c: {  	s7 =	simm.s32 $0x0;
	s20 =	sshll.u32 s5, $0x1;
	s5 =	sadd.s32 s21, s3  }
0x9d: {  	[timem:s7], [sflag:s22] =	dma.local [hbm:s5], s20  }
0x9e: {  	_ =	swait.ge [sflag:s22], s20  }
0x9f: {  	s4 =	ssub.s32 $0x0, s20;
	[sflag:s22] =	ssyncset.done $0x0  }
0xa0: {  	[sflag:s22] =	ssyncadd.s32 s4;
	_ =	sdelay $0x1  }
0xa1: {  	s23 =	simm.s32 $0x1B8B  }
0xa2: {  	_ =	swait.ge [sflag:s23], $0x1  }
0xa3: {  	[sflag:s23] =	ssyncset.done $0x0  }
0xa4: {  	s25 =	simm.s32 $0x1B8E;
	s24 =	sld [smem:$0x3FFE];
	[sflag:s23] =	ssyncadd.s32 $0xFFFFFFFF  }
0xa5: {  	s26 =	simm.s32 $execute0_lowered;
	[smem:$0x3FD2] =	sst s25  }
0xa6: {  	s5 =	sshll.u32 s26, $0x1;
	_ =	strace $0x80000049;
	[dreg:$0x1] =	wrdreg $0xFFFFFFFF  }
0xa7: {  	s28 =	simm.s32 $_size_execute0_lowered;
	s3 =	sadd.s32 s3, s5;
	[dreg:$0x0] =	wrdreg $0x0  }
0xa8: {  	s5 =	sshll.u32 s28, $0x1;
	[dreg:$0x2] =	wrdreg s3  }
0xa9: {  	[dreg:$0x3] =	wrdreg s5  }
0xaa: {  	[dreg:$0x4] =	wrdreg $0xC0  }
0xab: {  	_ =	task [dreg:s7], $0x5FFFF  }
0xac: {  	[dreg:$0x1] =	wrdreg $0xFFFFFFFF  }
0xad: {  	[dreg:$0x0] =	wrdreg $0x60  }
0xae: {  	[dreg:$0x2] =	wrdreg s2  }
0xaf: {  	[dreg:$0x3] =	wrdreg s24  }
0xb0: {  	[dreg:$0x4] =	wrdreg $0x9  }
0xb1: {  	_ =	task.clear_ibuf [dreg:s7], $0x5FFFF;
	_ =	strace $0x90000049  }
0xb2: {  	s29 =	simm.s32 $0x9;
	_ =	strace $0x8000004B  }
0xb3: {  	_ =	swait.ge [sflag:s29], $0x1  }
0xb4: {  	[sflag:s29] =	ssyncadd.s32 $0xFFFFFFFF  }
0xb5: {  	_ =	strace $0x9000004B  }
0xb6: {  	_ =	sfence  }
0xb7: {  	s30 =	sld [smem:$0x0];
	_ =	sdelay $0x2  }
0xb8: {  	s31 =	sshll.u32 s1, $0xD;
	s1 =	sshrl.u32 s1, $0x2  }
0xb9: {  	s3 =	sand.u32 $0x4000, s31;
	s1 =	sadd.s32 s1, s30  }
0xba: {  	s0 =	sor.u32 s3, s0;
	s1 =	sshll.u32 s1, $0x11  }
0xbb: {  	s0 =	sor.u32 s1, s0  }
0xbc: {  	s0 =	sadd.s32 $0x8F2B, s0  }
0xbd: {  	[sflag:s0] =	ssyncadd.remote.s32 $0x1  }
0xbe: {  	_ =	sfence.sel $0xFFFF  }
0xbf: {  	[dreg:$0x0] =	wrdreg $0xFFFFFFFF;
	(pc) =	sbr.abs _section_cstart, $3  }
0xc0: {  	[dreg:$0x1] =	wrdreg $0xFFFFFFFF  }
0xc1: {  	_ =	task.clear_ibuf [dreg:s7], $0x2FFFF;
	_ =	strace $0x9FFFFFFF  }
0xc2: {  	(tm) =	ssettm $0x7FFFFFFF  }
0xc3: {  	_ =	shalt  }
tec
execute0_lowered:
.L_overlay_start_1:
0x0: {  	(tag) =	ssettag $0x1  }
0x1: {  	s5 =	rddreg [dreg:$0x0]  }
0x2: {  	s4 =	rddreg [dreg:$0x1]  }
0x3: {  	s0 =	rddreg [dreg:$0x2];
	s3 =	srdreg.scid  }
0x4: {  	s1 =	stileid.u32;
	s2 =	simm.s32 $0x0;
	s10 =	simm.s32 $0x6400  }
0x5: {  	s11 =	simm.s32 $0x6500;
	s12 =	simm.s32 $0x6480;
	s13 =	simm.s32 $0xA500  }
0x6: {  	s14 =	simm.s32 $0x1;
	s15 =	simm.s32 $0xE500;
	s16 =	simm.s32 $0x2  }
0x7: {  	s17 =	simm.s32 $0x12500;
	s3 =	sand.u32 $0x1, s3;
	s6 =	sshll.u32 s1, $0x1  }
0x8: {  	s18 =	simm.s32 $0x0;
	[smem:$0x7FF] =	sst s2;
	s6 =	sor.u32 s3, s6  }
0x9: {  	_ =	strace $0x8000004A;
	s7 =	ssub.s32 $0x2, s3;
	s3 =	sadd.s32 $0x1000, s4  }
0xa: {  	s4 =	sadd.s32 $0x7A2200, s4;
	s8 =	smul.u32 $0xC80, s6;
	s9 =	sshrl.u32 s7, $0x1  }
0xb: {  	s6 =	smul.u32 $0x320000, s6;
	s7 =	ssub.s32 s7, s9;
	s9 =	simm.s32 $0x80  }
0xc: {  	s5 =	sadd.s32 s5, s8;
	s7 =	smax.u32 s7, $0x1;
	s8 =	simm.s32 $0x3  }
.LBB2_1:
0xd: {  	[tilespmem:s2], [sflag:$0x3] =	stream.linear.gather [hbm4b:s5+s2], $0x6400, $0x38;
	[tilespmem:$0x16500] =	vst v63  }
0xe: {  	_ =	swait.ge [sflag:s8], $0x6400  }
0xf: {  	[sflag:s8] =	ssyncset.done $0x0  }
0x10: {  	[sflag:s8] =	ssyncadd.s32 $0xFFFF9C00  }
0x11: {  	v0 =	vld [tilespmem:$0x0]  }
0x12: {  	v1 =	vld [tilespmem:$0x10]  }
0x13: {  	v2 =	vld [tilespmem:$0x20]  }
0x14: {  	v3 =	vld [tilespmem:$0x30]  }
0x15: {  	v4 =	vld [tilespmem:$0x40]  }
0x16: {  	v5 =	vld [tilespmem:$0x50];
	v0 =	vshrl.u32 v0, $0x1  }
0x17: {  	v56 =	vld [tilespmem:$0x60];
	v55 =	vshrl.u32 v1, $0x1;
	[tilespmem:$0x6400] =	vst v0  }
0x18: {  	v58 =	vld [tilespmem:$0x70];
	v57 =	vshrl.u32 v2, $0x1;
	[tilespmem:$0x6410] =	vst v55  }
0x19: {  	v59 =	vshrl.u32 v3, $0x1;
	[tilespmem:$0x6420] =	vst v57  }
0x1a: {  	v60 =	vshrl.u32 v4, $0x1;
	[tilespmem:$0x6430] =	vst v59  }
0x1b: {  	v61 =	vshrl.u32 v5, $0x1;
	[tilespmem:$0x6440] =	vst v60  }
0x1c: {  	v62 =	vshrl.u32 v56, $0x1;
	[tilespmem:$0x6450] =	vst v61  }
0x1d: {  	v63 =	vshrl.u32 v58, $0x1;
	[tilespmem:$0x6460] =	vst v62  }
0x1e: {  	s19 =	simm.s32 $0x0;
	[tilespmem:$0x6470] =	vst v63  }
0x1f: {  	[tilespmem:s11], [sflag:$0x1] =	stream.indirect.gather [hbm4b:s3+s9], $0x80, s10, s9, $0xb8;
	[tilespmem:$0x16500] =	vst v63  }
.LBB2_2:
0x20: {  	s20 =	sshllo.u32 s19, $0x1  }
0x21: {  	s21 =	sshll.u32 s20, $0x7  }
0x22: {  	s22 =	sand.u32 $0x3FFFFF80, s21  }
0x23: {  	v0 =	vld [tilespmem:s22+$0x0];
	_ =	sdelay $0x4  }
0x24: {  	v0 =	vshrl.u32 v0, $0x1  }
0x25: {  	[tilespmem:$0x6480] =	vst v0  }
0x26: {  	v0 =	vld [tilespmem:s22+$0x10];
	_ =	sdelay $0x4  }
0x27: {  	v0 =	vshrl.u32 v0, $0x1  }
0x28: {  	[tilespmem:$0x6490] =	vst v0  }
0x29: {  	v0 =	vld [tilespmem:s22+$0x20];
	_ =	sdelay $0x4  }
0x2a: {  	v0 =	vshrl.u32 v0, $0x1  }
0x2b: {  	[tilespmem:$0x64A0] =	vst v0  }
0x2c: {  	v0 =	vld [tilespmem:s22+$0x30];
	_ =	sdelay $0x4  }
0x2d: {  	v0 =	vshrl.u32 v0, $0x1  }
0x2e: {  	[tilespmem:$0x64B0] =	vst v0  }
0x2f: {  	v0 =	vld [tilespmem:s22+$0x40];
	_ =	sdelay $0x4  }
0x30: {  	v0 =	vshrl.u32 v0, $0x1  }
0x31: {  	[tilespmem:$0x64C0] =	vst v0  }
0x32: {  	v0 =	vld [tilespmem:s22+$0x50];
	_ =	sdelay $0x4  }
0x33: {  	v0 =	vshrl.u32 v0, $0x1  }
0x34: {  	[tilespmem:$0x64D0] =	vst v0  }
0x35: {  	v0 =	vld [tilespmem:s22+$0x60];
	_ =	sdelay $0x4  }
0x36: {  	v0 =	vshrl.u32 v0, $0x1  }
0x37: {  	[tilespmem:$0x64E0] =	vst v0  }
0x38: {  	v0 =	vld [tilespmem:s22+$0x70];
	_ =	sdelay $0x4  }
0x39: {  	v0 =	vshrl.u32 v0, $0x1  }
0x3a: {  	[tilespmem:$0x64F0] =	vst v0  }
0x3b: {  	[tilespmem:s13], [sflag:$0x2] =	stream.indirect.gather [hbm4b:s3+s9], $0x80, s12, s9, $0xb8;
	[tilespmem:$0x16500] =	vst v63  }
0x3c: {  	_ =	swait.ge [sflag:s14], $0x4000  }
0x3d: {  	[sflag:s14] =	ssyncset.done $0x0  }
0x3e: {  	s23 =	simm.s32 $0x0;
	s22 =	sshll.u32 s19, $0x8;
	[sflag:s14] =	ssyncadd.s32 $0xFFFFC000  }
.LBB2_3:
0x3f: {  	s24 =	sshll.u32 s23, $0x4  }
0x40: {  	s25 =	sor.u32 s22, s24  }
0x41: {  	v0 =	vmov s25  }
0x42: {  	v0 =	vand.u32 $0xFFFFFFF0, v0  }
0x43: {  	v0 =	vbroadcast v0, $0x0;
	_ =	sdelay $0x1  }
0x44: {  	s31 =	sshll.u32 s23, $0xB  }
0x45: {  	v1 =	vld [tilespmem:s31+$0x6500]  }
0x46: {  	v2 =	vld [tilespmem:s31+$0x6540]  }
0x47: {  	v3 =	vld [tilespmem:s31+$0x6510]  }
0x48: {  	v0 =	vld.idx.msk [tilespmem:v0+s2+$0x0], $0xffff  }
0x49: {  	v4 =	vld [tilespmem:s31+$0x6550]  }
0x4a: {  	v5 =	vld [tilespmem:s31+$0x6520];
	s26 =	sor.u32 $0x1, s24  }
0x4b: {  	v6 =	vld [tilespmem:s31+$0x6560];
	s28 =	sor.u32 s22, s26  }
0x4c: {  	v7 =	vld [tilespmem:s31+$0x6530];
	v8 =	vmov s28  }
0x4d: {  	v9 =	vld [tilespmem:s31+$0x6570];
	v8 =	vand.u32 $0xFFFFFFF1, v8;
	v0 =	vand.u32 $0x1, v0  }
0x4e: {  	v40 =	vbroadcast v8, $0x0;
	vm0 =	veq.s32 v0, $0x0  }
0x4f: {  	v1 =	vsel vm0, v1, v2  }
0x50: {  	v41 =	vsel vm0, v3, v4;
	[tilespmem:s31+$0xE500] =	vst v1  }
0x51: {  	v42 =	vsel vm0, v5, v6;
	[tilespmem:s31+$0xE510] =	vst v41  }
0x52: {  	v43 =	vsel vm0, v7, v9;
	[tilespmem:s31+$0xE520] =	vst v42  }
0x53: {  	[tilespmem:s31+$0xE530] =	vst v43  }
0x54: {  	s29 =	sshll.u32 s26, $0x7;
	v0 =	vld.idx.msk [tilespmem:v40+s2+$0x0], $0xffff  }
0x55: {  	v1 =	vld [tilespmem:s29+$0x6500]  }
0x56: {  	v44 =	vld [tilespmem:s29+$0x6540]  }
0x57: {  	v45 =	vld [tilespmem:s29+$0x6510]  }
0x58: {  	v46 =	vld [tilespmem:s29+$0x6550]  }
0x59: {  	s30 =	sor.u32 $0x2, s24;
	v47 =	vld [tilespmem:s29+$0x6520]  }
0x5a: {  	s31 =	sor.u32 s22, s30;
	v48 =	vld [tilespmem:s29+$0x6560]  }
0x5b: {  	v49 =	vld [tilespmem:s29+$0x6530];
	v50 =	vmov s31  }
0x5c: {  	v51 =	vld [tilespmem:s29+$0x6570];
	v8 =	vand.u32 $0xFFFFFFF2, v50;
	v0 =	vand.u32 $0x1, v0  }
0x5d: {  	v52 =	vbroadcast v8, $0x0;
	vm13 =	veq.s32 v0, $0x0  }
0x5e: {  	v1 =	vsel vm13, v1, v44  }
0x5f: {  	v53 =	vsel vm13, v45, v46;
	[tilespmem:s29+$0xE500] =	vst v1  }
0x60: {  	v54 =	vsel vm13, v47, v48;
	[tilespmem:s29+$0xE510] =	vst v53  }
0x61: {  	v55 =	vsel vm13, v49, v51;
	[tilespmem:s29+$0xE520] =	vst v54  }
0x62: {  	[tilespmem:s29+$0xE530] =	vst v55  }
0x63: {  	s29 =	sshll.u32 s30, $0x7;
	v0 =	vld.idx.msk [tilespmem:v52+s2+$0x0], $0xffff  }
0x64: {  	v1 =	vld [tilespmem:s29+$0x6500]  }
0x65: {  	v56 =	vld [tilespmem:s29+$0x6540]  }
0x66: {  	v57 =	vld [tilespmem:s29+$0x6510]  }
0x67: {  	v58 =	vld [tilespmem:s29+$0x6550]  }
0x68: {  	s30 =	sor.u32 $0x3, s24;
	v59 =	vld [tilespmem:s29+$0x6520]  }
0x69: {  	v60 =	vld [tilespmem:s29+$0x6560];
	s31 =	sor.u32 s22, s30  }
0x6a: {  	v61 =	vld [tilespmem:s29+$0x6530];
	v62 =	vmov s31  }
0x6b: {  	v63 =	vld [tilespmem:s29+$0x6570];
	v8 =	vand.u32 $0xFFFFFFF3, v62;
	v0 =	vand.u32 $0x1, v0  }
0x6c: {  	v10 =	vbroadcast v8, $0x0;
	vm14 =	veq.s32 v0, $0x0  }
0x6d: {  	v1 =	vsel vm14, v1, v56  }
0x6e: {  	v11 =	vsel vm14, v57, v58;
	[tilespmem:s29+$0xE500] =	vst v1  }
0x6f: {  	v12 =	vsel vm14, v59, v60;
	[tilespmem:s29+$0xE510] =	vst v11  }
0x70: {  	v13 =	vsel vm14, v61, v63;
	[tilespmem:s29+$0xE520] =	vst v12  }
0x71: {  	[tilespmem:s29+$0xE530] =	vst v13  }
0x72: {  	s29 =	sshll.u32 s30, $0x7;
	v0 =	vld.idx.msk [tilespmem:v10+s2+$0x0], $0xffff  }
0x73: {  	v1 =	vld [tilespmem:s29+$0x6500]  }
0x74: {  	v14 =	vld [tilespmem:s29+$0x6540]  }
0x75: {  	v15 =	vld [tilespmem:s29+$0x6510]  }
0x76: {  	v16 =	vld [tilespmem:s29+$0x6550]  }
0x77: {  	s30 =	sor.u32 $0x4, s24;
	v17 =	vld [tilespmem:s29+$0x6520]  }
0x78: {  	v18 =	vld [tilespmem:s29+$0x6560];
	s31 =	sor.u32 s22, s30  }
0x79: {  	v19 =	vld [tilespmem:s29+$0x6530];
	v20 =	vmov s31  }
0x7a: {  	v21 =	vld [tilespmem:s29+$0x6570];
	v8 =	vand.u32 $0xFFFFFFF4, v20;
	v0 =	vand.u32 $0x1, v0  }
0x7b: {  	v22 =	vbroadcast v8, $0x0;
	vm15 =	veq.s32 v0, $0x0  }
0x7c: {  	v1 =	vsel vm15, v1, v14  }
0x7d: {  	v23 =	vsel vm15, v15, v16;
	[tilespmem:s29+$0xE500] =	vst v1  }
0x7e: {  	v24 =	vsel vm15, v17, v18;
	[tilespmem:s29+$0xE510] =	vst v23  }
0x7f: {  	v25 =	vsel vm15, v19, v21;
	[tilespmem:s29+$0xE520] =	vst v24  }
0x80: {  	[tilespmem:s29+$0xE530] =	vst v25  }
0x81: {  	s29 =	sshll.u32 s30, $0x7;
	v0 =	vld.idx.msk [tilespmem:v22+s2+$0x0], $0xffff  }
0x82: {  	v1 =	vld [tilespmem:s29+$0x6500]  }
0x83: {  	v26 =	vld [tilespmem:s29+$0x6540]  }
0x84: {  	v27 =	vld [tilespmem:s29+$0x6510]  }
0x85: {  	v28 =	vld [tilespmem:s29+$0x6550]  }
0x86: {  	s30 =	sor.u32 $0x5, s24;
	v29 =	vld [tilespmem:s29+$0x6520]  }
0x87: {  	v30 =	vld [tilespmem:s29+$0x6560];
	s31 =	sor.u32 s22, s30  }
0x88: {  	v31 =	vld [tilespmem:s29+$0x6530];
	v32 =	vmov s31  }
0x89: {  	v33 =	vld [tilespmem:s29+$0x6570];
	v8 =	vand.u32 $0xFFFFFFF5, v32;
	v0 =	vand.u32 $0x1, v0  }
0x8a: {  	v34 =	vbroadcast v8, $0x0;
	vm4 =	veq.s32 v0, $0x0  }
0x8b: {  	v1 =	vsel vm4, v1, v26  }
0x8c: {  	v35 =	vsel vm4, v27, v28;
	[tilespmem:s29+$0xE500] =	vst v1  }
0x8d: {  	v36 =	vsel vm4, v29, v30;
	[tilespmem:s29+$0xE510] =	vst v35  }
0x8e: {  	v37 =	vsel vm4, v31, v33;
	[tilespmem:s29+$0xE520] =	vst v36  }
0x8f: {  	[tilespmem:s29+$0xE530] =	vst v37  }
0x90: {  	s29 =	sshll.u32 s30, $0x7;
	v0 =	vld.idx.msk [tilespmem:v34+s2+$0x0], $0xffff  }
0x91: {  	v1 =	vld [tilespmem:s29+$0x6500]  }
0x92: {  	v38 =	vld [tilespmem:s29+$0x6540]  }
0x93: {  	v39 =	vld [tilespmem:s29+$0x6510]  }
0x94: {  	v40 =	vld [tilespmem:s29+$0x6550]  }
0x95: {  	s30 =	sor.u32 $0x6, s24;
	v41 =	vld [tilespmem:s29+$0x6520]  }
0x96: {  	v42 =	vld [tilespmem:s29+$0x6560];
	s31 =	sor.u32 s22, s30  }
0x97: {  	v43 =	vld [tilespmem:s29+$0x6530];
	v44 =	vmov s31  }
0x98: {  	v45 =	vld [tilespmem:s29+$0x6570];
	v8 =	vand.u32 $0xFFFFFFF6, v44;
	v0 =	vand.u32 $0x1, v0  }
0x99: {  	v46 =	vbroadcast v8, $0x0;
	vm5 =	veq.s32 v0, $0x0  }
0x9a: {  	v1 =	vsel vm5, v1, v38  }
0x9b: {  	v47 =	vsel vm5, v39, v40;
	[tilespmem:s29+$0xE500] =	vst v1  }
0x9c: {  	v48 =	vsel vm5, v41, v42;
	[tilespmem:s29+$0xE510] =	vst v47  }
0x9d: {  	v49 =	vsel vm5, v43, v45;
	[tilespmem:s29+$0xE520] =	vst v48  }
0x9e: {  	[tilespmem:s29+$0xE530] =	vst v49  }
0x9f: {  	s29 =	sshll.u32 s30, $0x7;
	v0 =	vld.idx.msk [tilespmem:v46+s2+$0x0], $0xffff  }
0xa0: {  	v1 =	vld [tilespmem:s29+$0x6500]  }
0xa1: {  	v50 =	vld [tilespmem:s29+$0x6540]  }
0xa2: {  	v51 =	vld [tilespmem:s29+$0x6510]  }
0xa3: {  	v52 =	vld [tilespmem:s29+$0x6550]  }
0xa4: {  	s30 =	sor.u32 $0x7, s24;
	v53 =	vld [tilespmem:s29+$0x6520]  }
0xa5: {  	v54 =	vld [tilespmem:s29+$0x6560];
	s31 =	sor.u32 s22, s30  }
0xa6: {  	v55 =	vld [tilespmem:s29+$0x6530];
	v56 =	vmov s31  }
0xa7: {  	v57 =	vld [tilespmem:s29+$0x6570];
	v8 =	vand.u32 $0xFFFFFFF7, v56;
	v0 =	vand.u32 $0x1, v0  }
0xa8: {  	v58 =	vbroadcast v8, $0x0;
	vm6 =	veq.s32 v0, $0x0  }
0xa9: {  	v1 =	vsel vm6, v1, v50  }
0xaa: {  	v59 =	vsel vm6, v51, v52;
	[tilespmem:s29+$0xE500] =	vst v1  }
0xab: {  	v60 =	vsel vm6, v53, v54;
	[tilespmem:s29+$0xE510] =	vst v59  }
0xac: {  	v61 =	vsel vm6, v55, v57;
	[tilespmem:s29+$0xE520] =	vst v60  }
0xad: {  	[tilespmem:s29+$0xE530] =	vst v61  }
0xae: {  	s29 =	sshll.u32 s30, $0x7;
	v0 =	vld.idx.msk [tilespmem:v58+s2+$0x0], $0xffff  }
0xaf: {  	v1 =	vld [tilespmem:s29+$0x6500]  }
0xb0: {  	v62 =	vld [tilespmem:s29+$0x6540]  }
0xb1: {  	v63 =	vld [tilespmem:s29+$0x6510]  }
0xb2: {  	v12 =	vld [tilespmem:s29+$0x6550]  }
0xb3: {  	s30 =	sor.u32 $0x8, s24;
	v13 =	vld [tilespmem:s29+$0x6520]  }
0xb4: {  	v14 =	vld [tilespmem:s29+$0x6560];
	s31 =	sor.u32 s22, s30  }
0xb5: {  	v15 =	vld [tilespmem:s29+$0x6530];
	v16 =	vmov s31  }
0xb6: {  	v17 =	vld [tilespmem:s29+$0x6570];
	v8 =	vand.u32 $0xFFFFFFF8, v16;
	v0 =	vand.u32 $0x1, v0  }
0xb7: {  	v18 =	vbroadcast v8, $0x0;
	vm7 =	veq.s32 v0, $0x0  }
0xb8: {  	v1 =	vsel vm7, v1, v62  }
0xb9: {  	v19 =	vsel vm7, v63, v12;
	[tilespmem:s29+$0xE500] =	vst v1  }
0xba: {  	v20 =	vsel vm7, v13, v14;
	[tilespmem:s29+$0xE510] =	vst v19  }
0xbb: {  	v21 =	vsel vm7, v15, v17;
	[tilespmem:s29+$0xE520] =	vst v20  }
0xbc: {  	[tilespmem:s29+$0xE530] =	vst v21  }
0xbd: {  	s29 =	sshll.u32 s30, $0x7;
	v0 =	vld.idx.msk [tilespmem:v18+s2+$0x0], $0xffff  }
0xbe: {  	v1 =	vld [tilespmem:s29+$0x6500]  }
0xbf: {  	v22 =	vld [tilespmem:s29+$0x6540]  }
0xc0: {  	v23 =	vld [tilespmem:s29+$0x6510]  }
0xc1: {  	v24 =	vld [tilespmem:s29+$0x6550]  }
0xc2: {  	s30 =	sor.u32 $0x9, s24;
	v25 =	vld [tilespmem:s29+$0x6520]  }
0xc3: {  	v26 =	vld [tilespmem:s29+$0x6560];
	s31 =	sor.u32 s22, s30  }
0xc4: {  	v27 =	vld [tilespmem:s29+$0x6530];
	v28 =	vmov s31  }
0xc5: {  	v29 =	vld [tilespmem:s29+$0x6570];
	v8 =	vand.u32 $0xFFFFFFF9, v28;
	v0 =	vand.u32 $0x1, v0  }
0xc6: {  	v30 =	vbroadcast v8, $0x0;
	vm8 =	veq.s32 v0, $0x0  }
0xc7: {  	v1 =	vsel vm8, v1, v22  }
0xc8: {  	v31 =	vsel vm8, v23, v24;
	[tilespmem:s29+$0xE500] =	vst v1  }
0xc9: {  	v32 =	vsel vm8, v25, v26;
	[tilespmem:s29+$0xE510] =	vst v31  }
0xca: {  	v33 =	vsel vm8, v27, v29;
	[tilespmem:s29+$0xE520] =	vst v32  }
0xcb: {  	[tilespmem:s29+$0xE530] =	vst v33  }
0xcc: {  	s29 =	sshll.u32 s30, $0x7;
	v0 =	vld.idx.msk [tilespmem:v30+s2+$0x0], $0xffff  }
0xcd: {  	v1 =	vld [tilespmem:s29+$0x6500]  }
0xce: {  	v34 =	vld [tilespmem:s29+$0x6540]  }
0xcf: {  	v35 =	vld [tilespmem:s29+$0x6510]  }
0xd0: {  	v36 =	vld [tilespmem:s29+$0x6550]  }
0xd1: {  	s30 =	sor.u32 $0xA, s24;
	v37 =	vld [tilespmem:s29+$0x6520]  }
0xd2: {  	v38 =	vld [tilespmem:s29+$0x6560];
	s31 =	sor.u32 s22, s30  }
0xd3: {  	v39 =	vld [tilespmem:s29+$0x6530];
	v40 =	vmov s31  }
0xd4: {  	v41 =	vld [tilespmem:s29+$0x6570];
	v8 =	vand.u32 $0xFFFFFFFA, v40;
	v0 =	vand.u32 $0x1, v0  }
0xd5: {  	v42 =	vbroadcast v8, $0x0;
	vm9 =	veq.s32 v0, $0x0  }
0xd6: {  	v1 =	vsel vm9, v1, v34  }
0xd7: {  	v43 =	vsel vm9, v35, v36;
	[tilespmem:s29+$0xE500] =	vst v1  }
0xd8: {  	v44 =	vsel vm9, v37, v38;
	[tilespmem:s29+$0xE510] =	vst v43  }
0xd9: {  	v45 =	vsel vm9, v39, v41;
	[tilespmem:s29+$0xE520] =	vst v44  }
0xda: {  	[tilespmem:s29+$0xE530] =	vst v45  }
0xdb: {  	s29 =	sshll.u32 s30, $0x7;
	v0 =	vld.idx.msk [tilespmem:v42+s2+$0x0], $0xffff  }
0xdc: {  	v1 =	vld [tilespmem:s29+$0x6500]  }
0xdd: {  	v46 =	vld [tilespmem:s29+$0x6540]  }
0xde: {  	v47 =	vld [tilespmem:s29+$0x6510]  }
0xdf: {  	v48 =	vld [tilespmem:s29+$0x6550]  }
0xe0: {  	s30 =	sor.u32 $0xB, s24;
	v49 =	vld [tilespmem:s29+$0x6520]  }
0xe1: {  	v50 =	vld [tilespmem:s29+$0x6560];
	s31 =	sor.u32 s22, s30  }
0xe2: {  	v51 =	vld [tilespmem:s29+$0x6530];
	v52 =	vmov s31  }
0xe3: {  	v53 =	vld [tilespmem:s29+$0x6570];
	v8 =	vand.u32 $0xFFFFFFFB, v52;
	v0 =	vand.u32 $0x1, v0  }
0xe4: {  	v54 =	vbroadcast v8, $0x0;
	vm10 =	veq.s32 v0, $0x0  }
0xe5: {  	v1 =	vsel vm10, v1, v46  }
0xe6: {  	v55 =	vsel vm10, v47, v48;
	[tilespmem:s29+$0xE500] =	vst v1  }
0xe7: {  	v56 =	vsel vm10, v49, v50;
	[tilespmem:s29+$0xE510] =	vst v55  }
0xe8: {  	v57 =	vsel vm10, v51, v53;
	[tilespmem:s29+$0xE520] =	vst v56  }
0xe9: {  	[tilespmem:s29+$0xE530] =	vst v57  }
0xea: {  	s29 =	sshll.u32 s30, $0x7;
	v0 =	vld.idx.msk [tilespmem:v54+s2+$0x0], $0xffff  }
0xeb: {  	v1 =	vld [tilespmem:s29+$0x6500]  }
0xec: {  	v58 =	vld [tilespmem:s29+$0x6540]  }
0xed: {  	v59 =	vld [tilespmem:s29+$0x6510]  }
0xee: {  	v60 =	vld [tilespmem:s29+$0x6550]  }
0xef: {  	s30 =	sor.u32 $0xC, s24;
	v61 =	vld [tilespmem:s29+$0x6520]  }
0xf0: {  	v62 =	vld [tilespmem:s29+$0x6560];
	s31 =	sor.u32 s22, s30  }
0xf1: {  	v63 =	vld [tilespmem:s29+$0x6530];
	v12 =	vmov s31  }
0xf2: {  	v13 =	vld [tilespmem:s29+$0x6570];
	v8 =	vand.u32 $0xFFFFFFFC, v12;
	v0 =	vand.u32 $0x1, v0  }
0xf3: {  	v14 =	vbroadcast v8, $0x0;
	vm11 =	veq.s32 v0, $0x0  }
0xf4: {  	v1 =	vsel vm11, v1, v58  }
0xf5: {  	v15 =	vsel vm11, v59, v60;
	[tilespmem:s29+$0xE500] =	vst v1  }
0xf6: {  	v16 =	vsel vm11, v61, v62;
	[tilespmem:s29+$0xE510] =	vst v15  }
0xf7: {  	v17 =	vsel vm11, v63, v13;
	[tilespmem:s29+$0xE520] =	vst v16  }
0xf8: {  	[tilespmem:s29+$0xE530] =	vst v17  }
0xf9: {  	s26 =	sshll.u32 s30, $0x7;
	v0 =	vld.idx.msk [tilespmem:v14+s2+$0x0], $0xffff  }
0xfa: {  	v1 =	vld [tilespmem:s26+$0x6500]  }
0xfb: {  	v18 =	vld [tilespmem:s26+$0x6540]  }
0xfc: {  	v19 =	vld [tilespmem:s26+$0x6510]  }
0xfd: {  	v20 =	vld [tilespmem:s26+$0x6550]  }
0xfe: {  	s29 =	sor.u32 $0xD, s24;
	v21 =	vld [tilespmem:s26+$0x6520]  }
0xff: {  	v22 =	vld [tilespmem:s26+$0x6560];
	s30 =	sor.u32 s22, s29  }
0x100: {  	v24 =	vld [tilespmem:s26+$0x6530];
	v23 =	vmov s30  }
0x101: {  	v25 =	vld [tilespmem:s26+$0x6570];
	v7 =	vand.u32 $0xFFFFFFFD, v23;
	v0 =	vand.u32 $0x1, v0  }
0x102: {  	v26 =	vbroadcast v7, $0x0;
	vm12 =	veq.s32 v0, $0x0  }
0x103: {  	v1 =	vsel vm12, v1, v18  }
0x104: {  	v27 =	vsel vm12, v19, v20;
	[tilespmem:s26+$0xE500] =	vst v1  }
0x105: {  	v28 =	vsel vm12, v21, v22;
	[tilespmem:s26+$0xE510] =	vst v27  }
0x106: {  	v29 =	vsel vm12, v24, v25;
	[tilespmem:s26+$0xE520] =	vst v28  }
0x107: {  	[tilespmem:s26+$0xE530] =	vst v29  }
0x108: {  	s31 =	sshll.u32 s29, $0x7;
	v0 =	vld.idx.msk [tilespmem:v26+s2+$0x0], $0xffff  }
0x109: {  	v1 =	vld [tilespmem:s31+$0x6500]  }
0x10a: {  	v30 =	vld [tilespmem:s31+$0x6540]  }
0x10b: {  	v31 =	vld [tilespmem:s31+$0x6510]  }
0x10c: {  	v32 =	vld [tilespmem:s31+$0x6550]  }
0x10d: {  	s24 =	sor.u32 $0xE, s24;
	v33 =	vld [tilespmem:s31+$0x6520]  }
0x10e: {  	s28 =	sor.u32 s22, s24;
	v34 =	vld [tilespmem:s31+$0x6560]  }
0x10f: {  	v36 =	vmov s28;
	v35 =	vld [tilespmem:s31+$0x6530]  }
0x110: {  	v8 =	vand.u32 $0xFFFFFFFE, v36;
	v37 =	vld [tilespmem:s31+$0x6570];
	v0 =	vand.u32 $0x1, v0  }
0x111: {  	v38 =	vbroadcast v8, $0x0;
	vm13 =	veq.s32 v0, $0x0  }
0x112: {  	v1 =	vsel vm13, v1, v30  }
0x113: {  	v39 =	vsel vm13, v31, v32;
	[tilespmem:s31+$0xE500] =	vst v1  }
0x114: {  	v40 =	vsel vm13, v33, v34;
	[tilespmem:s31+$0xE510] =	vst v39  }
0x115: {  	v41 =	vsel vm13, v35, v37;
	[tilespmem:s31+$0xE520] =	vst v40  }
0x116: {  	[tilespmem:s31+$0xE530] =	vst v41  }
0x117: {  	s24 =	sshll.u32 s24, $0x7;
	v0 =	vld.idx.msk [tilespmem:v38+s2+$0x0], $0xffff  }
0x118: {  	v1 =	vld [tilespmem:s24+$0x6500]  }
0x119: {  	v42 =	vld [tilespmem:s24+$0x6540]  }
0x11a: {  	v43 =	vld [tilespmem:s24+$0x6510]  }
0x11b: {  	v44 =	vld [tilespmem:s24+$0x6550]  }
0x11c: {  	v45 =	vld [tilespmem:s24+$0x6520]  }
0x11d: {  	v46 =	vld [tilespmem:s24+$0x6560]  }
0x11e: {  	v47 =	vld [tilespmem:s24+$0x6530]  }
0x11f: {  	s29 =	sshllo.u32 s23, $0x4;
	v48 =	vld [tilespmem:s24+$0x6570];
	v0 =	vand.u32 $0x1, v0  }
0x120: {  	s30 =	sor.u32 s22, s29;
	vm14 =	veq.s32 v0, $0x0  }
0x121: {  	v49 =	vmov s30;
	v0 =	vsel vm14, v1, v42  }
0x122: {  	v50 =	vsel vm14, v43, v44;
	[tilespmem:s24+$0xE500] =	vst v0  }
0x123: {  	v51 =	vsel vm14, v45, v46;
	[tilespmem:s24+$0xE510] =	vst v50  }
0x124: {  	v52 =	vsel vm14, v47, v48;
	[tilespmem:s24+$0xE520] =	vst v51  }
0x125: {  	[tilespmem:s24+$0xE530] =	vst v52  }
0x126: {  	s31 =	sshll.u32 s29, $0x7;
	v0 =	vld.idx.msk [tilespmem:v49+s2+$0x0], $0xffff  }
0x127: {  	v53 =	vld [tilespmem:s31+$0x6500]  }
0x128: {  	v54 =	vld [tilespmem:s31+$0x6540]  }
0x129: {  	v55 =	vld [tilespmem:s31+$0x6510]  }
0x12a: {  	v56 =	vld [tilespmem:s31+$0x6550]  }
0x12b: {  	v57 =	vld [tilespmem:s31+$0x6520]  }
0x12c: {  	v58 =	vld [tilespmem:s31+$0x6560]  }
0x12d: {  	v59 =	vld [tilespmem:s31+$0x6530]  }
0x12e: {  	v60 =	vld [tilespmem:s31+$0x6570];
	v0 =	vand.u32 $0x1, v0  }
0x12f: {  	p0 =	sne.s32 s23, $0x7;
	vm15 =	veq.s32 v0, $0x0  }
.Ltmp0:
0x130: {  	v0 =	vsel vm15, v53, v54;
	(pc) =	sbr.rel @p0 .LBB2_3-.Ltmp0, $4  }
0x131: {  	v61 =	vsel vm15, v55, v56;
	[tilespmem:s31+$0xE500] =	vst v0  }
0x132: {  	v62 =	vsel vm15, v57, v58;
	[tilespmem:s31+$0xE510] =	vst v61  }
0x133: {  	v63 =	vsel vm15, v59, v60;
	[tilespmem:s31+$0xE520] =	vst v62  }
0x134: {  	s23 =	sadd.s32 $0x1, s23;
	[tilespmem:s31+$0xE530] =	vst v63  }
0x135: {  	s22 =	sshll.u32 s19, $0xF  }
0x136: {  	s22 =	sadd.s32 s6, s22  }
0x137: {  	s22 =	sshrl.u32 s22, $0x3  }
0x138: {  	s22 =	sadd.s32 s4, s22  }
0x139: {  	[hbm4b:s22+s2] =	stream.linear.scatter [tilespmem:s15], [sflag:$0x3], $0x4000, $0x38;
	[tilespmem:$0x16500] =	vst v63  }
0x13a: {  	p0 =	seq.s32 s19, $0x63;
	_ =	swait.ge [sflag:s8], $0x4000  }
0x13b: {  	s22 =	sshll.u32 @!p0 s19, $0x8;
	[sflag:s8] =	ssyncset.done $0x0  }
0x13c: {  	s22 =	sand.u32 @!p0 $0x3FFFFF00, s22;
	[sflag:s8] =	ssyncadd.s32 $0xFFFFC000  }
0x13d: {  	v0 =	vld @!p0 [tilespmem:s22+$0x100];
	_ =	sdelay $0x4  }
0x13e: {  	v0 =	vshrl.u32 @!p0 v0, $0x1  }
0x13f: {  	[tilespmem:$0x6400] =	vst @!p0 v0  }
0x140: {  	v0 =	vld @!p0 [tilespmem:s22+$0x110];
	_ =	sdelay $0x4  }
0x141: {  	v0 =	vshrl.u32 @!p0 v0, $0x1  }
0x142: {  	[tilespmem:$0x6410] =	vst @!p0 v0  }
0x143: {  	v0 =	vld @!p0 [tilespmem:s22+$0x120];
	_ =	sdelay $0x4  }
0x144: {  	v0 =	vshrl.u32 @!p0 v0, $0x1  }
0x145: {  	[tilespmem:$0x6420] =	vst @!p0 v0  }
0x146: {  	v0 =	vld @!p0 [tilespmem:s22+$0x130];
	_ =	sdelay $0x4  }
0x147: {  	v0 =	vshrl.u32 @!p0 v0, $0x1  }
0x148: {  	[tilespmem:$0x6430] =	vst @!p0 v0  }
0x149: {  	v0 =	vld @!p0 [tilespmem:s22+$0x140];
	_ =	sdelay $0x4  }
0x14a: {  	v0 =	vshrl.u32 @!p0 v0, $0x1  }
0x14b: {  	[tilespmem:$0x6440] =	vst @!p0 v0  }
0x14c: {  	v0 =	vld @!p0 [tilespmem:s22+$0x150];
	_ =	sdelay $0x4  }
0x14d: {  	v0 =	vshrl.u32 @!p0 v0, $0x1  }
0x14e: {  	[tilespmem:$0x6450] =	vst @!p0 v0  }
0x14f: {  	v0 =	vld @!p0 [tilespmem:s22+$0x160];
	_ =	sdelay $0x4  }
0x150: {  	v0 =	vshrl.u32 @!p0 v0, $0x1  }
0x151: {  	[tilespmem:$0x6460] =	vst @!p0 v0  }
0x152: {  	v0 =	vld @!p0 [tilespmem:s22+$0x170];
	_ =	sdelay $0x4  }
0x153: {  	v0 =	vshrl.u32 @!p0 v0, $0x1  }
0x154: {  	s23 =	simm.s32 @!p0 $0x6400;
	s24 =	simm.s32 @!p0 $0x6500;
	s22 =	simm.s32 @!p0 $0x80;
	[tilespmem:$0x6470] =	vst @!p0 v0  }
0x155: {  	[tilespmem:s24], [sflag:$0x1] =	stream.indirect.gather @!p0 [hbm4b:s3+s22], $0x80, s23, s22, $0xb8;
	[tilespmem:$0x16500] =	vst v63  }
0x156: {  	_ =	swait.ge [sflag:s16], $0x4000  }
0x157: {  	[sflag:s16] =	ssyncset.done $0x0  }
0x158: {  	s22 =	simm.s32 $0x0;
	[sflag:s16] =	ssyncadd.s32 $0xFFFFC000  }
.LBB2_5:
0x159: {  	s23 =	sshll.u32 s22, $0x4  }
0x15a: {  	s24 =	sor.u32 s21, s23  }
0x15b: {  	v0 =	vmov s24  }
0x15c: {  	v0 =	vand.u32 $0xFFFFFFF0, v0  }
0x15d: {  	v0 =	vbroadcast v0, $0x0;
	_ =	sdelay $0x1  }
0x15e: {  	s31 =	sshll.u32 s22, $0xB  }
0x15f: {  	v1 =	vld [tilespmem:s31+$0xA500]  }
0x160: {  	v2 =	vld [tilespmem:s31+$0xA540]  }
0x161: {  	v3 =	vld [tilespmem:s31+$0xA510]  }
0x162: {  	v0 =	vld.idx.msk [tilespmem:v0+s2+$0x0], $0xffff  }
0x163: {  	v4 =	vld [tilespmem:s31+$0xA550]  }
0x164: {  	v5 =	vld [tilespmem:s31+$0xA520];
	s25 =	sor.u32 $0x1, s23  }
0x165: {  	v6 =	vld [tilespmem:s31+$0xA560];
	s26 =	sor.u32 s21, s25  }
0x166: {  	v7 =	vld [tilespmem:s31+$0xA530];
	v8 =	vmov s26  }
0x167: {  	v9 =	vld [tilespmem:s31+$0xA570];
	v8 =	vand.u32 $0xFFFFFFF1, v8;
	v0 =	vand.u32 $0x1, v0  }
0x168: {  	v40 =	vbroadcast v8, $0x0;
	vm0 =	veq.s32 v0, $0x0  }
0x169: {  	v1 =	vsel vm0, v1, v2  }
0x16a: {  	v41 =	vsel vm0, v3, v4;
	[tilespmem:s31+$0x12500] =	vst v1  }
0x16b: {  	v42 =	vsel vm0, v5, v6;
	[tilespmem:s31+$0x12510] =	vst v41  }
0x16c: {  	v43 =	vsel vm0, v7, v9;
	[tilespmem:s31+$0x12520] =	vst v42  }
0x16d: {  	[tilespmem:s31+$0x12530] =	vst v43  }
0x16e: {  	s25 =	sshll.u32 s25, $0x7;
	v0 =	vld.idx.msk [tilespmem:v40+s2+$0x0], $0xffff  }
0x16f: {  	v1 =	vld [tilespmem:s25+$0xA500]  }
0x170: {  	v44 =	vld [tilespmem:s25+$0xA540]  }
0x171: {  	v45 =	vld [tilespmem:s25+$0xA510]  }
0x172: {  	v46 =	vld [tilespmem:s25+$0xA550]  }
0x173: {  	s28 =	sor.u32 $0x2, s23;
	v47 =	vld [tilespmem:s25+$0xA520]  }
0x174: {  	s29 =	sor.u32 s21, s28;
	v48 =	vld [tilespmem:s25+$0xA560]  }
0x175: {  	v50 =	vmov s29;
	v49 =	vld [tilespmem:s25+$0xA530]  }
0x176: {  	v8 =	vand.u32 $0xFFFFFFF2, v50;
	v51 =	vld [tilespmem:s25+$0xA570];
	v0 =	vand.u32 $0x1, v0  }
0x177: {  	v52 =	vbroadcast v8, $0x0;
	vm13 =	veq.s32 v0, $0x0  }
0x178: {  	v1 =	vsel vm13, v1, v44  }
0x179: {  	v53 =	vsel vm13, v45, v46;
	[tilespmem:s25+$0x12500] =	vst v1  }
0x17a: {  	v54 =	vsel vm13, v47, v48;
	[tilespmem:s25+$0x12510] =	vst v53  }
0x17b: {  	v55 =	vsel vm13, v49, v51;
	[tilespmem:s25+$0x12520] =	vst v54  }
0x17c: {  	[tilespmem:s25+$0x12530] =	vst v55  }
0x17d: {  	s30 =	sshll.u32 s28, $0x7;
	v0 =	vld.idx.msk [tilespmem:v52+s2+$0x0], $0xffff  }
0x17e: {  	v1 =	vld [tilespmem:s30+$0xA500]  }
0x17f: {  	v56 =	vld [tilespmem:s30+$0xA540]  }
0x180: {  	v57 =	vld [tilespmem:s30+$0xA510]  }
0x181: {  	v58 =	vld [tilespmem:s30+$0xA550]  }
0x182: {  	s31 =	sor.u32 $0x3, s23;
	v59 =	vld [tilespmem:s30+$0xA520]  }
0x183: {  	s28 =	sor.u32 s21, s31;
	v60 =	vld [tilespmem:s30+$0xA560]  }
0x184: {  	v62 =	vmov s28;
	v61 =	vld [tilespmem:s30+$0xA530]  }
0x185: {  	v8 =	vand.u32 $0xFFFFFFF3, v62;
	v63 =	vld [tilespmem:s30+$0xA570];
	v0 =	vand.u32 $0x1, v0  }
0x186: {  	v10 =	vbroadcast v8, $0x0;
	vm14 =	veq.s32 v0, $0x0  }
0x187: {  	v1 =	vsel vm14, v1, v56  }
0x188: {  	v11 =	vsel vm14, v57, v58;
	[tilespmem:s30+$0x12500] =	vst v1  }
0x189: {  	v12 =	vsel vm14, v59, v60;
	[tilespmem:s30+$0x12510] =	vst v11  }
0x18a: {  	v13 =	vsel vm14, v61, v63;
	[tilespmem:s30+$0x12520] =	vst v12  }
0x18b: {  	[tilespmem:s30+$0x12530] =	vst v13  }
0x18c: {  	s29 =	sshll.u32 s31, $0x7;
	v0 =	vld.idx.msk [tilespmem:v10+s2+$0x0], $0xffff  }
0x18d: {  	v1 =	vld [tilespmem:s29+$0xA500]  }
0x18e: {  	v14 =	vld [tilespmem:s29+$0xA540]  }
0x18f: {  	v15 =	vld [tilespmem:s29+$0xA510]  }
0x190: {  	v16 =	vld [tilespmem:s29+$0xA550]  }
0x191: {  	s30 =	sor.u32 $0x4, s23;
	v17 =	vld [tilespmem:s29+$0xA520]  }
0x192: {  	v18 =	vld [tilespmem:s29+$0xA560];
	s31 =	sor.u32 s21, s30  }
0x193: {  	v19 =	vld [tilespmem:s29+$0xA530];
	v20 =	vmov s31  }
0x194: {  	v21 =	vld [tilespmem:s29+$0xA570];
	v8 =	vand.u32 $0xFFFFFFF4, v20;
	v0 =	vand.u32 $0x1, v0  }
0x195: {  	v22 =	vbroadcast v8, $0x0;
	vm15 =	veq.s32 v0, $0x0  }
0x196: {  	v1 =	vsel vm15, v1, v14  }
0x197: {  	v23 =	vsel vm15, v15, v16;
	[tilespmem:s29+$0x12500] =	vst v1  }
0x198: {  	v24 =	vsel vm15, v17, v18;
	[tilespmem:s29+$0x12510] =	vst v23  }
0x199: {  	v25 =	vsel vm15, v19, v21;
	[tilespmem:s29+$0x12520] =	vst v24  }
0x19a: {  	[tilespmem:s29+$0x12530] =	vst v25  }
0x19b: {  	s25 =	sshll.u32 s30, $0x7;
	v0 =	vld.idx.msk [tilespmem:v22+s2+$0x0], $0xffff  }
0x19c: {  	v1 =	vld [tilespmem:s25+$0xA500]  }
0x19d: {  	v26 =	vld [tilespmem:s25+$0xA540]  }
0x19e: {  	v27 =	vld [tilespmem:s25+$0xA510]  }
0x19f: {  	v28 =	vld [tilespmem:s25+$0xA550]  }
0x1a0: {  	s28 =	sor.u32 $0x5, s23;
	v29 =	vld [tilespmem:s25+$0xA520]  }
0x1a1: {  	s29 =	sor.u32 s21, s28;
	v30 =	vld [tilespmem:s25+$0xA560]  }
0x1a2: {  	v31 =	vld [tilespmem:s25+$0xA530];
	v32 =	vmov s29  }
0x1a3: {  	v33 =	vld [tilespmem:s25+$0xA570];
	v8 =	vand.u32 $0xFFFFFFF5, v32;
	v0 =	vand.u32 $0x1, v0  }
0x1a4: {  	v34 =	vbroadcast v8, $0x0;
	vm4 =	veq.s32 v0, $0x0  }
0x1a5: {  	v1 =	vsel vm4, v1, v26  }
0x1a6: {  	v35 =	vsel vm4, v27, v28;
	[tilespmem:s25+$0x12500] =	vst v1  }
0x1a7: {  	v36 =	vsel vm4, v29, v30;
	[tilespmem:s25+$0x12510] =	vst v35  }
0x1a8: {  	v37 =	vsel vm4, v31, v33;
	[tilespmem:s25+$0x12520] =	vst v36  }
0x1a9: {  	[tilespmem:s25+$0x12530] =	vst v37  }
0x1aa: {  	s30 =	sshll.u32 s28, $0x7;
	v0 =	vld.idx.msk [tilespmem:v34+s2+$0x0], $0xffff  }
0x1ab: {  	v1 =	vld [tilespmem:s30+$0xA500]  }
0x1ac: {  	v38 =	vld [tilespmem:s30+$0xA540]  }
0x1ad: {  	v39 =	vld [tilespmem:s30+$0xA510]  }
0x1ae: {  	v40 =	vld [tilespmem:s30+$0xA550]  }
0x1af: {  	s31 =	sor.u32 $0x6, s23;
	v41 =	vld [tilespmem:s30+$0xA520]  }
0x1b0: {  	s28 =	sor.u32 s21, s31;
	v42 =	vld [tilespmem:s30+$0xA560]  }
0x1b1: {  	v44 =	vmov s28;
	v43 =	vld [tilespmem:s30+$0xA530]  }
0x1b2: {  	v8 =	vand.u32 $0xFFFFFFF6, v44;
	v45 =	vld [tilespmem:s30+$0xA570];
	v0 =	vand.u32 $0x1, v0  }
0x1b3: {  	v46 =	vbroadcast v8, $0x0;
	vm5 =	veq.s32 v0, $0x0  }
0x1b4: {  	v1 =	vsel vm5, v1, v38  }
0x1b5: {  	v47 =	vsel vm5, v39, v40;
	[tilespmem:s30+$0x12500] =	vst v1  }
0x1b6: {  	v48 =	vsel vm5, v41, v42;
	[tilespmem:s30+$0x12510] =	vst v47  }
0x1b7: {  	v49 =	vsel vm5, v43, v45;
	[tilespmem:s30+$0x12520] =	vst v48  }
0x1b8: {  	[tilespmem:s30+$0x12530] =	vst v49  }
0x1b9: {  	s29 =	sshll.u32 s31, $0x7;
	v0 =	vld.idx.msk [tilespmem:v46+s2+$0x0], $0xffff  }
0x1ba: {  	v1 =	vld [tilespmem:s29+$0xA500]  }
0x1bb: {  	v50 =	vld [tilespmem:s29+$0xA540]  }
0x1bc: {  	v51 =	vld [tilespmem:s29+$0xA510]  }
0x1bd: {  	v52 =	vld [tilespmem:s29+$0xA550]  }
0x1be: {  	s30 =	sor.u32 $0x7, s23;
	v53 =	vld [tilespmem:s29+$0xA520]  }
0x1bf: {  	v54 =	vld [tilespmem:s29+$0xA560];
	s31 =	sor.u32 s21, s30  }
0x1c0: {  	v55 =	vld [tilespmem:s29+$0xA530];
	v56 =	vmov s31  }
0x1c1: {  	v57 =	vld [tilespmem:s29+$0xA570];
	v8 =	vand.u32 $0xFFFFFFF7, v56;
	v0 =	vand.u32 $0x1, v0  }
0x1c2: {  	v58 =	vbroadcast v8, $0x0;
	vm6 =	veq.s32 v0, $0x0  }
0x1c3: {  	v1 =	vsel vm6, v1, v50  }
0x1c4: {  	v59 =	vsel vm6, v51, v52;
	[tilespmem:s29+$0x12500] =	vst v1  }
0x1c5: {  	v60 =	vsel vm6, v53, v54;
	[tilespmem:s29+$0x12510] =	vst v59  }
0x1c6: {  	v61 =	vsel vm6, v55, v57;
	[tilespmem:s29+$0x12520] =	vst v60  }
0x1c7: {  	[tilespmem:s29+$0x12530] =	vst v61  }
0x1c8: {  	s25 =	sshll.u32 s30, $0x7;
	v0 =	vld.idx.msk [tilespmem:v58+s2+$0x0], $0xffff  }
0x1c9: {  	v1 =	vld [tilespmem:s25+$0xA500]  }
0x1ca: {  	v62 =	vld [tilespmem:s25+$0xA540]  }
0x1cb: {  	v63 =	vld [tilespmem:s25+$0xA510]  }
0x1cc: {  	v12 =	vld [tilespmem:s25+$0xA550]  }
0x1cd: {  	s28 =	sor.u32 $0x8, s23;
	v13 =	vld [tilespmem:s25+$0xA520]  }
0x1ce: {  	s29 =	sor.u32 s21, s28;
	v14 =	vld [tilespmem:s25+$0xA560]  }
0x1cf: {  	v15 =	vld [tilespmem:s25+$0xA530];
	v16 =	vmov s29  }
0x1d0: {  	v17 =	vld [tilespmem:s25+$0xA570];
	v8 =	vand.u32 $0xFFFFFFF8, v16;
	v0 =	vand.u32 $0x1, v0  }
0x1d1: {  	v18 =	vbroadcast v8, $0x0;
	vm7 =	veq.s32 v0, $0x0  }
0x1d2: {  	v1 =	vsel vm7, v1, v62  }
0x1d3: {  	v19 =	vsel vm7, v63, v12;
	[tilespmem:s25+$0x12500] =	vst v1  }
0x1d4: {  	v20 =	vsel vm7, v13, v14;
	[tilespmem:s25+$0x12510] =	vst v19  }
0x1d5: {  	v21 =	vsel vm7, v15, v17;
	[tilespmem:s25+$0x12520] =	vst v20  }
0x1d6: {  	[tilespmem:s25+$0x12530] =	vst v21  }
0x1d7: {  	s30 =	sshll.u32 s28, $0x7;
	v0 =	vld.idx.msk [tilespmem:v18+s2+$0x0], $0xffff  }
0x1d8: {  	v1 =	vld [tilespmem:s30+$0xA500]  }
0x1d9: {  	v22 =	vld [tilespmem:s30+$0xA540]  }
0x1da: {  	v23 =	vld [tilespmem:s30+$0xA510]  }
0x1db: {  	v24 =	vld [tilespmem:s30+$0xA550]  }
0x1dc: {  	s31 =	sor.u32 $0x9, s23;
	v25 =	vld [tilespmem:s30+$0xA520]  }
0x1dd: {  	s28 =	sor.u32 s21, s31;
	v26 =	vld [tilespmem:s30+$0xA560]  }
0x1de: {  	v28 =	vmov s28;
	v27 =	vld [tilespmem:s30+$0xA530]  }
0x1df: {  	v8 =	vand.u32 $0xFFFFFFF9, v28;
	v29 =	vld [tilespmem:s30+$0xA570];
	v0 =	vand.u32 $0x1, v0  }
0x1e0: {  	v30 =	vbroadcast v8, $0x0;
	vm8 =	veq.s32 v0, $0x0  }
0x1e1: {  	v1 =	vsel vm8, v1, v22  }
0x1e2: {  	v31 =	vsel vm8, v23, v24;
	[tilespmem:s30+$0x12500] =	vst v1  }
0x1e3: {  	v32 =	vsel vm8, v25, v26;
	[tilespmem:s30+$0x12510] =	vst v31  }
0x1e4: {  	v33 =	vsel vm8, v27, v29;
	[tilespmem:s30+$0x12520] =	vst v32  }
0x1e5: {  	[tilespmem:s30+$0x12530] =	vst v33  }
0x1e6: {  	s29 =	sshll.u32 s31, $0x7;
	v0 =	vld.idx.msk [tilespmem:v30+s2+$0x0], $0xffff  }
0x1e7: {  	v1 =	vld [tilespmem:s29+$0xA500]  }
0x1e8: {  	v34 =	vld [tilespmem:s29+$0xA540]  }
0x1e9: {  	v35 =	vld [tilespmem:s29+$0xA510]  }
0x1ea: {  	v36 =	vld [tilespmem:s29+$0xA550]  }
0x1eb: {  	s30 =	sor.u32 $0xA, s23;
	v37 =	vld [tilespmem:s29+$0xA520]  }
0x1ec: {  	v38 =	vld [tilespmem:s29+$0xA560];
	s31 =	sor.u32 s21, s30  }
0x1ed: {  	v39 =	vld [tilespmem:s29+$0xA530];
	v40 =	vmov s31  }
0x1ee: {  	v41 =	vld [tilespmem:s29+$0xA570];
	v8 =	vand.u32 $0xFFFFFFFA, v40;
	v0 =	vand.u32 $0x1, v0  }
0x1ef: {  	v42 =	vbroadcast v8, $0x0;
	vm9 =	veq.s32 v0, $0x0  }
0x1f0: {  	v1 =	vsel vm9, v1, v34  }
0x1f1: {  	v43 =	vsel vm9, v35, v36;
	[tilespmem:s29+$0x12500] =	vst v1  }
0x1f2: {  	v44 =	vsel vm9, v37, v38;
	[tilespmem:s29+$0x12510] =	vst v43  }
0x1f3: {  	v45 =	vsel vm9, v39, v41;
	[tilespmem:s29+$0x12520] =	vst v44  }
0x1f4: {  	[tilespmem:s29+$0x12530] =	vst v45  }
0x1f5: {  	s25 =	sshll.u32 s30, $0x7;
	v0 =	vld.idx.msk [tilespmem:v42+s2+$0x0], $0xffff  }
0x1f6: {  	v1 =	vld [tilespmem:s25+$0xA500]  }
0x1f7: {  	v46 =	vld [tilespmem:s25+$0xA540]  }
0x1f8: {  	v47 =	vld [tilespmem:s25+$0xA510]  }
0x1f9: {  	v48 =	vld [tilespmem:s25+$0xA550]  }
0x1fa: {  	s28 =	sor.u32 $0xB, s23;
	v49 =	vld [tilespmem:s25+$0xA520]  }
0x1fb: {  	s29 =	sor.u32 s21, s28;
	v50 =	vld [tilespmem:s25+$0xA560]  }
0x1fc: {  	v51 =	vld [tilespmem:s25+$0xA530];
	v52 =	vmov s29  }
0x1fd: {  	v53 =	vld [tilespmem:s25+$0xA570];
	v8 =	vand.u32 $0xFFFFFFFB, v52;
	v0 =	vand.u32 $0x1, v0  }
0x1fe: {  	v54 =	vbroadcast v8, $0x0;
	vm10 =	veq.s32 v0, $0x0  }
0x1ff: {  	v1 =	vsel vm10, v1, v46  }
0x200: {  	v55 =	vsel vm10, v47, v48;
	[tilespmem:s25+$0x12500] =	vst v1  }
0x201: {  	v56 =	vsel vm10, v49, v50;
	[tilespmem:s25+$0x12510] =	vst v55  }
0x202: {  	v57 =	vsel vm10, v51, v53;
	[tilespmem:s25+$0x12520] =	vst v56  }
0x203: {  	[tilespmem:s25+$0x12530] =	vst v57  }
0x204: {  	s30 =	sshll.u32 s28, $0x7;
	v0 =	vld.idx.msk [tilespmem:v54+s2+$0x0], $0xffff  }
0x205: {  	v1 =	vld [tilespmem:s30+$0xA500]  }
0x206: {  	v58 =	vld [tilespmem:s30+$0xA540]  }
0x207: {  	v59 =	vld [tilespmem:s30+$0xA510]  }
0x208: {  	v60 =	vld [tilespmem:s30+$0xA550]  }
0x209: {  	s31 =	sor.u32 $0xC, s23;
	v61 =	vld [tilespmem:s30+$0xA520]  }
0x20a: {  	s28 =	sor.u32 s21, s31;
	v62 =	vld [tilespmem:s30+$0xA560]  }
0x20b: {  	v12 =	vmov s28;
	v63 =	vld [tilespmem:s30+$0xA530]  }
0x20c: {  	v8 =	vand.u32 $0xFFFFFFFC, v12;
	v13 =	vld [tilespmem:s30+$0xA570];
	v0 =	vand.u32 $0x1, v0  }
0x20d: {  	v14 =	vbroadcast v8, $0x0;
	vm11 =	veq.s32 v0, $0x0  }
0x20e: {  	v1 =	vsel vm11, v1, v58  }
0x20f: {  	v15 =	vsel vm11, v59, v60;
	[tilespmem:s30+$0x12500] =	vst v1  }
0x210: {  	v16 =	vsel vm11, v61, v62;
	[tilespmem:s30+$0x12510] =	vst v15  }
0x211: {  	v17 =	vsel vm11, v63, v13;
	[tilespmem:s30+$0x12520] =	vst v16  }
0x212: {  	[tilespmem:s30+$0x12530] =	vst v17  }
0x213: {  	s29 =	sshll.u32 s31, $0x7;
	v0 =	vld.idx.msk [tilespmem:v14+s2+$0x0], $0xffff  }
0x214: {  	v1 =	vld [tilespmem:s29+$0xA500]  }
0x215: {  	v18 =	vld [tilespmem:s29+$0xA540]  }
0x216: {  	v19 =	vld [tilespmem:s29+$0xA510]  }
0x217: {  	v20 =	vld [tilespmem:s29+$0xA550]  }
0x218: {  	s30 =	sor.u32 $0xD, s23;
	v21 =	vld [tilespmem:s29+$0xA520]  }
0x219: {  	v22 =	vld [tilespmem:s29+$0xA560];
	s31 =	sor.u32 s21, s30  }
0x21a: {  	v24 =	vld [tilespmem:s29+$0xA530];
	v23 =	vmov s31  }
0x21b: {  	v25 =	vld [tilespmem:s29+$0xA570];
	v7 =	vand.u32 $0xFFFFFFFD, v23;
	v0 =	vand.u32 $0x1, v0  }
0x21c: {  	v26 =	vbroadcast v7, $0x0;
	vm12 =	veq.s32 v0, $0x0  }
0x21d: {  	v1 =	vsel vm12, v1, v18  }
0x21e: {  	v27 =	vsel vm12, v19, v20;
	[tilespmem:s29+$0x12500] =	vst v1  }
0x21f: {  	v28 =	vsel vm12, v21, v22;
	[tilespmem:s29+$0x12510] =	vst v27  }
0x220: {  	v29 =	vsel vm12, v24, v25;
	[tilespmem:s29+$0x12520] =	vst v28  }
0x221: {  	[tilespmem:s29+$0x12530] =	vst v29  }
0x222: {  	s26 =	sshll.u32 s30, $0x7;
	v0 =	vld.idx.msk [tilespmem:v26+s2+$0x0], $0xffff  }
0x223: {  	v1 =	vld [tilespmem:s26+$0xA500]  }
0x224: {  	v30 =	vld [tilespmem:s26+$0xA540]  }
0x225: {  	v31 =	vld [tilespmem:s26+$0xA510]  }
0x226: {  	v32 =	vld [tilespmem:s26+$0xA550]  }
0x227: {  	s23 =	sor.u32 $0xE, s23;
	v33 =	vld [tilespmem:s26+$0xA520]  }
0x228: {  	s28 =	sor.u32 s21, s23;
	v34 =	vld [tilespmem:s26+$0xA560]  }
0x229: {  	v36 =	vmov s28;
	v35 =	vld [tilespmem:s26+$0xA530]  }
0x22a: {  	v8 =	vand.u32 $0xFFFFFFFE, v36;
	v37 =	vld [tilespmem:s26+$0xA570];
	v0 =	vand.u32 $0x1, v0  }
0x22b: {  	v38 =	vbroadcast v8, $0x0;
	vm13 =	veq.s32 v0, $0x0  }
0x22c: {  	v1 =	vsel vm13, v1, v30  }
0x22d: {  	v39 =	vsel vm13, v31, v32;
	[tilespmem:s26+$0x12500] =	vst v1  }
0x22e: {  	v40 =	vsel vm13, v33, v34;
	[tilespmem:s26+$0x12510] =	vst v39  }
0x22f: {  	v41 =	vsel vm13, v35, v37;
	[tilespmem:s26+$0x12520] =	vst v40  }
0x230: {  	[tilespmem:s26+$0x12530] =	vst v41  }
0x231: {  	s23 =	sshll.u32 s23, $0x7;
	v0 =	vld.idx.msk [tilespmem:v38+s2+$0x0], $0xffff  }
0x232: {  	v1 =	vld [tilespmem:s23+$0xA500]  }
0x233: {  	v42 =	vld [tilespmem:s23+$0xA540]  }
0x234: {  	v43 =	vld [tilespmem:s23+$0xA510]  }
0x235: {  	v44 =	vld [tilespmem:s23+$0xA550]  }
0x236: {  	v45 =	vld [tilespmem:s23+$0xA520]  }
0x237: {  	v46 =	vld [tilespmem:s23+$0xA560]  }
0x238: {  	v47 =	vld [tilespmem:s23+$0xA530]  }
0x239: {  	s29 =	sshllo.u32 s22, $0x4;
	v48 =	vld [tilespmem:s23+$0xA570];
	v0 =	vand.u32 $0x1, v0  }
0x23a: {  	s30 =	sor.u32 s21, s29;
	vm14 =	veq.s32 v0, $0x0  }
0x23b: {  	v49 =	vmov s30;
	v0 =	vsel vm14, v1, v42  }
0x23c: {  	v50 =	vsel vm14, v43, v44;
	[tilespmem:s23+$0x12500] =	vst v0  }
0x23d: {  	v51 =	vsel vm14, v45, v46;
	[tilespmem:s23+$0x12510] =	vst v50  }
0x23e: {  	v52 =	vsel vm14, v47, v48;
	[tilespmem:s23+$0x12520] =	vst v51  }
0x23f: {  	[tilespmem:s23+$0x12530] =	vst v52  }
0x240: {  	s31 =	sshll.u32 s29, $0x7;
	v0 =	vld.idx.msk [tilespmem:v49+s2+$0x0], $0xffff  }
0x241: {  	v53 =	vld [tilespmem:s31+$0xA500]  }
0x242: {  	v54 =	vld [tilespmem:s31+$0xA540]  }
0x243: {  	v55 =	vld [tilespmem:s31+$0xA510]  }
0x244: {  	v56 =	vld [tilespmem:s31+$0xA550]  }
0x245: {  	v57 =	vld [tilespmem:s31+$0xA520]  }
0x246: {  	v58 =	vld [tilespmem:s31+$0xA560]  }
0x247: {  	v59 =	vld [tilespmem:s31+$0xA530]  }
0x248: {  	v60 =	vld [tilespmem:s31+$0xA570];
	v0 =	vand.u32 $0x1, v0  }
0x249: {  	p0 =	sne.s32 s22, $0x7;
	vm15 =	veq.s32 v0, $0x0  }
.Ltmp1:
0x24a: {  	v0 =	vsel vm15, v53, v54;
	(pc) =	sbr.rel @p0 .LBB2_5-.Ltmp1, $4  }
0x24b: {  	v61 =	vsel vm15, v55, v56;
	[tilespmem:s31+$0x12500] =	vst v0  }
0x24c: {  	v62 =	vsel vm15, v57, v58;
	[tilespmem:s31+$0x12510] =	vst v61  }
0x24d: {  	v63 =	vsel vm15, v59, v60;
	[tilespmem:s31+$0x12520] =	vst v62  }
0x24e: {  	s22 =	sadd.s32 $0x1, s22;
	[tilespmem:s31+$0x12530] =	vst v63  }
0x24f: {  	s20 =	sshll.u32 s20, $0xE  }
0x250: {  	s19 =	sadd.s32 $0x1, s19;
	s20 =	sadd.s32 s6, s20  }
0x251: {  	p0 =	sne.s32 s19, $0x64;
	s20 =	sshrl.u32 s20, $0x3  }
.Ltmp2:
0x252: {  	s20 =	sadd.s32 s4, s20;
	(pc) =	sbr.rel @p0 .LBB2_2-.Ltmp2, $4  }
0x253: {  	[hbm4b:s20+s2] =	stream.linear.scatter [tilespmem:s17], [sflag:$0x3], $0x4000, $0x38;
	[tilespmem:$0x16500] =	vst v63  }
0x254: {  	_ =	swait.ge [sflag:s8], $0x4000  }
0x255: {  	[sflag:s8] =	ssyncset.done $0x0  }
0x256: {  	[sflag:s8] =	ssyncadd.s32 $0xFFFFC000  }
0x257: {  	s18 =	sadd.s32 $0x1, s18  }
0x258: {  	p0 =	sne.s32 s18, s7  }
.Ltmp3:
0x259: {  	_ = 	snop;
	(pc) =	sbr.rel @p0 .LBB2_1-.Ltmp3, $1  }
0x25a: {  	_ =	sdelay $0x3  }
0x25b: {  	_ =	sfence.sel $0x180000  }
0x25c: {  	[bflag:$0x0] =	sbarrier.arrive $0xFFFF  }
0x25d: {  	p0 =	sne.s32 s1, $0x0;
	_ =	strace $0x9000004A  }
0x25e: {  	s0 =	sadd.s32 @!p0 $0x100000, s0;
	[bflag:$0x2] =	sbarrier.arrive $0xFFFF  }
0x25f: {  	[sflag:s0] =	ssyncadd.tile.s32 @!p0 $0x1;
	_ =	shalt  }
.Lfunc_end2:
_tile_overlayer_lowered:
.L_overlay_start_2:
0x260: {  	(tag) =	ssettag $0x2  }
0x261: {  	s0 =	rddreg [dreg:$0x0];
	s2 =	stileid.u32  }
0x262: {  	s1 =	rddreg [dreg:$0x1];
	p0 =	sne.s32 s2, $0x0  }
0x263: {  	s3 =	rddreg [dreg:$0x2];
	[bflag:$0x3] =	sbarrier.arrive $0xFFFF;
	s2 =	simm.s32 @!p0 $0x1C03  }
0x264: {  	[timem:s3], [sflag:s2] =	dma.local @!p0 [hbm:s0], s1  }
0x265: {  	s0 =	simm.s32 @!p0 $0x3  }
0x266: {  	_ =	swait.ge @!p0 [sflag:s0], s1  }
0x267: {  	s1 =	ssub.s32 @!p0 $0x0, s1;
	[sflag:s0] =	ssyncset.done @!p0 $0x0  }
0x268: {  	[sflag:s0] =	ssyncadd.s32 @!p0 s1  }
0x269: {  	[bflag:$0x3] =	sbarrier.arrive $0xFFFF  }
0x26a: {  	_ =	shalt  }

// kernel: sparse-core-data-format-call.cloned.1.call-start
scs
called_computation_lowered:
.L_overlay_start_0:
0x0: {  	s2 =	sld [smem:$0x3FD9]  }
0x1: {  	s3 =	sld [smem:$0x3FFE];
	_ =	sdelay $0x1  }
0x2: {  	s1 =	srdreg.scid  }
0x3: {  	s0 =	sand.u32 $0x1, s1  }
0x4: {  	s18 =	sshll.u32 s0, $0xA;
	s2 =	sadd.s32 s3, s2  }
0x5: {  	s2 =	sadd.s32 s2, s18  }
0x6: {  	[smem:$0x3FC6] =	sst s2  }
0x7: {  	_ = 	snop  }
0x8: {  	s2 =	sld [smem:$0x3FD0];
	(tm) =	ssettm $0x1  }
0x9: {  	s19 =	sld [smem:$0x3FFB];
	_ =	sdelay $0x3  }
0xa: {  	_ =	strace s19  }
0xb: {  	s3 =	sld [smem:$0x3FFC];
	_ =	sdelay $0x3  }
0xc: {  	_ =	strace s3  }
0xd: {  	s3 =	sld [smem:$0x3FFD];
	_ =	sdelay $0x3  }
0xe: {  	_ =	strace s3  }
0xf: {  	_ =	strace $0x8FFFFFFF  }
0x10: {  	s20 =	sld [smem:$0x3FDB];
	_ =	sdelay $0x1  }
0x11: {  	s4 =	simm.s32 $_scs_section_size  }
0x12: {  	s5 =	simm.s32 $_size__tile_overlayer_lowered;
	s6 =	simm.s32 $_tile_overlayer_lowered  }
0x13: {  	s23 =	simm.s32 $0x1BFF;
	s22 =	sshll.u32 s6, $0x1;
	s3 =	sadd.s32 s4, s20  }
0x14: {  	s7 =	simm.s32 $0x0;
	s21 =	sshll.u32 s5, $0x1;
	s5 =	sadd.s32 s22, s3  }
0x15: {  	[timem:s7], [sflag:s23] =	dma.local [hbm:s5], s21  }
0x16: {  	_ =	swait.ge [sflag:s23], s21  }
0x17: {  	s4 =	ssub.s32 $0x0, s21;
	[sflag:s23] =	ssyncset.done $0x0  }
0x18: {  	[sflag:s23] =	ssyncadd.s32 s4;
	_ =	sdelay $0x1  }
0x19: {  	s24 =	simm.s32 $0x1B8B  }
0x1a: {  	_ =	swait.ge [sflag:s24], $0x1  }
0x1b: {  	[sflag:s24] =	ssyncset.done $0x0  }
0x1c: {  	s26 =	simm.s32 $0x1B8E;
	s25 =	sld [smem:$0x3FFE];
	[sflag:s24] =	ssyncadd.s32 $0xFFFFFFFF  }
0x1d: {  	s27 =	simm.s32 $execute0_lowered;
	[smem:$0x3FD2] =	sst s26  }
0x1e: {  	s5 =	sshll.u32 s27, $0x1;
	_ =	strace $0x8000004C;
	[dreg:$0x1] =	wrdreg $0xFFFFFFFF  }
0x1f: {  	s28 =	simm.s32 $_size_execute0_lowered;
	s3 =	sadd.s32 s3, s5;
	[dreg:$0x0] =	wrdreg $0x0  }
0x20: {  	s5 =	sshll.u32 s28, $0x1;
	[dreg:$0x2] =	wrdreg s3  }
0x21: {  	[dreg:$0x3] =	wrdreg s5  }
0x22: {  	[dreg:$0x4] =	wrdreg $0xC0  }
0x23: {  	_ =	task [dreg:s7], $0x5FFFF  }
0x24: {  	[dreg:$0x1] =	wrdreg $0xFFFFFFFF  }
0x25: {  	[dreg:$0x0] =	wrdreg $0x60  }
0x26: {  	[dreg:$0x2] =	wrdreg s25  }
0x27: {  	[dreg:$0x3] =	wrdreg s2  }
0x28: {  	[dreg:$0x4] =	wrdreg $0x9  }
0x29: {  	_ =	task.clear_ibuf [dreg:s7], $0x5FFFF;
	_ =	strace $0x9000004C  }
0x2a: {  	s29 =	simm.s32 $0x9;
	_ =	strace $0x8000004E  }
0x2b: {  	_ =	swait.ge [sflag:s29], $0x1  }
0x2c: {  	[sflag:s29] =	ssyncadd.s32 $0xFFFFFFFF  }
0x2d: {  	_ =	strace $0x9000004E  }
0x2e: {  	_ =	sfence  }
0x2f: {  	s30 =	sld [smem:$0x0];
	_ =	sdelay $0x2  }
0x30: {  	s31 =	sshll.u32 s1, $0xD;
	s1 =	sshrl.u32 s1, $0x2  }
0x31: {  	s3 =	sand.u32 $0x4000, s31;
	s1 =	sadd.s32 s1, s30  }
0x32: {  	s0 =	sor.u32 s3, s0;
	s1 =	sshll.u32 s1, $0x11  }
0x33: {  	s0 =	sor.u32 s1, s0  }
0x34: {  	s0 =	sadd.s32 $0x8F2B, s0  }
0x35: {  	[sflag:s0] =	ssyncadd.remote.s32 $0x1  }
0x36: {  	_ =	sfence.sel $0xFFFF  }
0x37: {  	[dreg:$0x0] =	wrdreg $0xFFFFFFFF;
	(pc) =	sbr.abs _section_cstart, $3  }
0x38: {  	[dreg:$0x1] =	wrdreg $0xFFFFFFFF  }
0x39: {  	_ =	task.clear_ibuf [dreg:s7], $0x2FFFF;
	_ =	strace $0x9FFFFFFF  }
0x3a: {  	(tm) =	ssettm $0x7FFFFFFF  }
0x3b: {  	_ =	shalt  }
tec
execute0_lowered:
.L_overlay_start_1:
0x0: {  	(tag) =	ssettag $0x1  }
0x1: {  	s0 =	srdreg.scid  }
0x2: {  	s1 =	sshll.u32 s0, $0x4  }
0x3: {  	s0 =	stileid.u32;
	s1 =	sand.u32 $0x10, s1  }
0x4: {  	s1 =	sor.u32 s0, s1  }
0x5: {  	s6 =	rddreg [dreg:$0x0];
	s4 =	simm.s32 $0x1;
	s2 =	sshll.u32 s1, $0x7  }
0x6: {  	s7 =	simm.s32 $0x2;
	s12 =	simm.s32 $0x0;
	s1 =	ssub.s32 $0x1000, s2  }
0x7: {  	s8 =	simm.s32 $0x8000;
	s13 =	simm.s32 $0x0;
	s3 =	sand.u32 $0xF80, s1  }
0x8: {  	s9 =	simm.s32 $0x0;
	s5 =	sshrl.u32 s1, $0xC;
	p0 =	sne.s32 s3, $0x0  }
.Ltmp0:
0x9: {  	s1 =	rddreg [dreg:$0x2];
	s4 =	simm.s32 @!p0 $0x0;
	(pc) =	sbr.rel .LBB1_1-.Ltmp0, $4  }
0xa: {  	s11 =	simm.s32 $0x0;
	s3 =	rddreg [dreg:$0x1];
	s5 =	sadd.s32 s4, s5  }
0xb: {  	_ =	strace $0x8000004D;
	s4 =	simm.s32 $0x1;
	s5 =	smul.u32 $0xC8, s5  }
0xc: {  	s6 =	sadd.s32 $0x7A2200, s6;
	s10 =	smov.u32 s2;
	[sflag:s4] =	ssyncpa.u1 $0x0  }
0xd: {  	p0 =	por $0x0, $0x0;
	[sflag:s7] =	ssyncpa.u1 $0x0;
	s7 =	sor.u32 $0x1, s5  }
.LBB1_4:
0xe: {  	s16 =	sshll.u32 s13, $0x3;
	s17 =	sand.u32 $0x78, s13  }
0xf: {  	s30 =	sand.u32 $0x7E00, s13;
	s12 =	sshll.u32 s12, $0xF;
	s16 =	sand.u32 $0xC00, s16  }
0x10: {  	[tilespmem:s15+$0x810 ss:$0x81] =	vst.msk $0xffff, v2;
	s31 =	sand.u32 $0x7, s13;
	s16 =	sor.u32 s17, s16;
	s17 =	sadd.s32 s3, s30  }
0x11: {  	[tilespmem:s15+$0x1020 ss:$0x81] =	vst.msk $0xffff, v0;
	s13 =	sshll.u32 s31, $0x12;
	s12 =	sadd.s32 s12, s17;
	s16 =	sshrl.u32 s16, $0x3  }
0x12: {  	[tilespmem:s15+$0x0 ss:$0x81] =	vst.msk $0xffff, v1;
	s13 =	sor.u32 $0x400, s13;
	s12 =	sadd.s32 s16, s12  }
0x13: {  	[hbm4b:s12+s13] =	stream.strided.scatter [tilespmem:s14], [sflag:$0x2], $0x2000, s8, s13, $0x20;
	[tilespmem:$0x8080] =	vst v63  }
.LBB1_5:
0x14: {  	s14 =	sadd.s32 $0x1, s9  }
0x15: {  	s12 =	sadd.s32 $0x1000, s10;
	s16 =	smov.u32 s10;
	p2 =	sgt.s32 s14, $0xC7  }
0x16: {  	s16 =	smov.u32 @p2 s12  }
0x17: {  	s14 =	simm.s32 @p2 $0x0;
	p2 =	sgt.s32 s16, $0xFFF  }
0x18: {  	s16 =	smov.u32 @p2 s2;
	p2 =	sne.s32 s11, s7  }
.Ltmp1:
0x19: {  	p1 =	slt.u32 s11, $0x2;
	(pc) =	sbr.rel @!p2 .LBB1_6-.Ltmp1, $4  }
0x1a: {  	s15 =	simm.s32 @!p1 $0x2  }
0x1b: {  	s13 =	smov.u32 s10;
	p0 =	por !p0, !p0;
	_ =	swait.ge @!p1 [sflag:s15], $0x2000  }
0x1c: {  	s12 =	smov.u32 s9;
	[sflag:s15] =	ssyncset.done @!p1 $0x0;
	s9 =	smov.u32 s14  }
0x1d: {  	s11 =	sadd.s32 $0x1, s11;
	[sflag:s15] =	ssyncadd.s32 @!p1 $0xFFFFE000;
	s10 =	smov.u32 s16  }
.LBB1_1:
0x1e: {  	p1 =	sge.u32 s11, s5  }
0x1f: {  	s14 =	sand.u32 @!p1 $0x1FFFFFF, s9  }
0x20: {  	s15 =	smulhi.u32 @!p1 $0x147AE15, s14;
	_ =	sdelay $0x1  }
0x21: {  	s15 =	smul.u32 @!p1 $0xC8, s15  }
0x22: {  	s16 =	sxor.u32 @!p1 $0xFFFFFFFF, s11;
	s17 =	smul.u32 @!p1 $0xC80, s10  }
0x23: {  	s31 =	sadd.s32 $0xFFFFFFFF, s11;
	s16 =	sshll.u32 @!p1 s16, $0xD;
	s14 =	ssub.s32 @!p1 s14, s15  }
0x24: {  	s15 =	sand.u32 @!p1 $0x2000, s16;
	s16 =	sadd.s32 @!p1 s6, s17;
	s14 =	sshll.u32 @!p1 s14, $0x4  }
0x25: {  	s17 =	simm.s32 @!p1 $0x6400;
	s14 =	sadd.s32 @!p1 s14, s16;
	s16 =	simm.s32 @!p1 $0x40  }
0x26: {  	[tilespmem:s15], [sflag:$0x1] =	stream.strided.gather @!p1 [hbm4b:s14+s16], $0x2000, s17, s16, $0x38;
	[tilespmem:$0x8080] =	vst v63  }
0x27: {  	p1 =	sge.u32 s31, s5  }
.Ltmp2:
0x28: {  	_ = 	snop;
	(pc) =	sbr.rel @p1 .LBB1_5-.Ltmp2, $1  }
0x29: {  	_ =	sdelay $0x3  }
0x2a: {  	s14 =	simm.s32 $0x1  }
0x2b: {  	_ =	swait.ge [sflag:s4], $0x2000;
	s14 =	simm.s32 @!p0 $0x0  }
0x2c: {  	[sflag:s4] =	ssyncset.done $0x0;
	s15 =	sshll.u32 s14, $0xD  }
0x2d: {  	[sflag:s4] =	ssyncadd.s32 $0xFFFFE000;
	s18 =	sor.u32 $0x20, s15  }
0x2e: {  	s14 =	smul.u32 $0x8100, s14;
	v3 =	vld [tilespmem:s18+$0x10]  }
0x2f: {  	s30 =	sand.u32 $0x1, s11;
	v2 =	vld [tilespmem:s18+$0xFFFFFFF0]  }
0x30: {  	s15 =	smul.u32 $0x8100, s30;
	s14 =	sshrl.u32 s14, $0x2;
	v0 =	vld [tilespmem:s18+$0x0]  }
0x31: {  	v1 =	vld [tilespmem:s18+$0xFFFFFFE0];
	s16 =	sor.u32 $0x4000, s14  }
0x32: {  	s31 =	sshrl.u32 s15, $0x2;
	s15 =	sadd.s32 $0x0, s16  }
0x33: {  	s17 =	simm.s32 $0x4;
	s18 =	sadd.s32 $0x40, s18;
	s14 =	sor.u32 $0x4000, s31;
	[tilespmem:s15+$0x1830 ss:$0x81] =	vst.msk $0xffff, v3  }
.LBB1_3:
0x34: {  	v3 =	vld [tilespmem:s18+$0x10];
	p1 =	sne.s32 s17, $0x1FC;
	[tilespmem:s15+$0x810 ss:$0x81] =	vst.msk $0xffff, v2;
	s19 =	smov.u32 s17;
	s17 =	sadd.s32 $0x4, s17  }
.Ltmp3:
0x35: {  	v2 =	vld [tilespmem:s18+$0xFFFFFFF0];
	[tilespmem:s15+$0x1020 ss:$0x81] =	vst.msk $0xffff, v0;
	(pc) =	sbr.rel @p1 .LBB1_3-.Ltmp3, $4  }
0x36: {  	v0 =	vld [tilespmem:s18+$0x0];
	[tilespmem:s15+$0x0 ss:$0x81] =	vst.msk $0xffff, v1  }
0x37: {  	s15 =	sshra.s32 s19, $0x2;
	v1 =	vld [tilespmem:s18+$0xFFFFFFE0]  }
0x38: {  	s15 =	sadd.s32 s15, s16  }
0x39: {  	s18 =	sadd.s32 $0x40, s18;
	[tilespmem:s15+$0x1830 ss:$0x81] =	vst.msk $0xffff, v3  }
.Ltmp4:
0x3a: {  	_ = 	snop;
	(pc) =	sbr.rel .LBB1_4-.Ltmp4, $1  }
0x3b: {  	_ =	sdelay $0x3  }
.LBB1_6:
0x3c: {  	_ =	sfence.sel $0x180000  }
0x3d: {  	s2 =	simm.s32 $0x1;
	[bflag:$0x0] =	sbarrier.arrive $0xFFFF  }
0x3e: {  	s31 =	simm.s32 $0x2;
	[sflag:s2] =	ssyncpa.u1 $0x1  }
0x3f: {  	[sflag:s31] =	ssyncpa.u1 $0x1  }
0x40: {  	p0 =	sne.s32 s0, $0x0;
	_ =	strace $0x9000004D  }
0x41: {  	s0 =	sadd.s32 @!p0 $0x100000, s1;
	[bflag:$0x2] =	sbarrier.arrive $0xFFFF  }
0x42: {  	[sflag:s0] =	ssyncadd.tile.s32 @!p0 $0x1;
	_ =	shalt  }
.Lfunc_end1:
_tile_overlayer_lowered:
.L_overlay_start_2:
0x43: {  	(tag) =	ssettag $0x2  }
0x44: {  	s0 =	rddreg [dreg:$0x0];
	s2 =	stileid.u32  }
0x45: {  	s1 =	rddreg [dreg:$0x1];
	p0 =	sne.s32 s2, $0x0  }
0x46: {  	s3 =	rddreg [dreg:$0x2];
	[bflag:$0x3] =	sbarrier.arrive $0xFFFF;
	s2 =	simm.s32 @!p0 $0x1C01  }
0x47: {  	[timem:s3], [sflag:s2] =	dma.local @!p0 [hbm:s0], s1  }
0x48: {  	s0 =	simm.s32 @!p0 $0x1  }
0x49: {  	_ =	swait.ge @!p0 [sflag:s0], s1  }
0x4a: {  	s1 =	ssub.s32 @!p0 $0x0, s1;
	[sflag:s0] =	ssyncset.done @!p0 $0x0  }
0x4b: {  	[sflag:s0] =	ssyncadd.s32 @!p0 s1  }
0x4c: {  	[bflag:$0x3] =	sbarrier.arrive $0xFFFF  }
0x4d: {  	_ =	shalt  }

</sc_bundles>
